<compile_context>
chip_gen: v7x
topology: tpu7x:2x2x1
jax: 0.10.2.dev20260603
libtpu: 0.0.44.dev20260713+nightly
codegen_flags: <defaults>
</compile_context>

<pallas_src>
import functools

import jax
import jax.numpy as jnp
import numpy as np
from jax import lax
from jax.experimental import pallas as pl
from jax.experimental.pallas import tpu as pltpu
from jax.experimental.pallas import tpu_sc as plsc

N = 10000
E = 320000
D_IN = 128
H1 = 64
H2 = 32
LAT = 128
NCLS = 2
NG = 16

NCORE = 2
NSUB = 16
LANES = 16
NW = NCORE * NSUB
EW = E // NW
CHUNK = 80
NCH = EW // CHUNK
RPT = N // NSUB
def _nbuf(feat):
    return 5 if feat >= 64 else 25


def _sc_mesh():
    return plsc.VectorSubcoreMesh(core_axis_name="c", subcore_axis_name="s")


_SC_PARAMS = dict(compiler_params=pltpu.CompilerParams(
    needs_layout_passes=False, use_tc_tiling_on_sc=False))



def _deg_body(dst_hbm, zeros_hbm, out_hbm, idx_v, deg_v):
    cid = lax.axis_index("c")
    sid = lax.axis_index("s")
    wid = sid * NCORE + cid
    pltpu.sync_copy(zeros_hbm, deg_v)
    pltpu.sync_copy(dst_hbm.at[wid], idx_v)
    ones = jnp.ones((LANES,), jnp.float32)

    def body(k, carry):
        for j in range(CHUNK // LANES):
            idx = idx_v[k, pl.ds(j * LANES, LANES)]
            plsc.addupdate_scatter(deg_v, [idx], ones)
        return carry

    lax.fori_loop(0, NCH, body, 0)
    pltpu.sync_copy(deg_v, out_hbm.at[wid])


@functools.lru_cache(maxsize=None)
def _make_deg():
    return pl.kernel(
        _deg_body,
        out_type=jax.ShapeDtypeStruct((NW, N), jnp.float32),
        mesh=_sc_mesh(),
        scratch_types=[
            pltpu.VMEM((NCH, CHUNK), jnp.int32),
            pltpu.VMEM((N,), jnp.float32),
        ],
        **_SC_PARAMS,
    )



def _prop_body(feat, table_hbm, src_hbm, dst_hbm, zeros_hbm, out_hbm,
               src_v, dst_v, *rest):
    nbuf = _nbuf(feat)
    bufs = rest[:nbuf]
    acc = rest[nbuf]
    sems = rest[nbuf + 1:]
    cid = lax.axis_index("c")
    sid = lax.axis_index("s")
    wid = sid * NCORE + cid
    @pl.when(cid == 0)
    def _():
        pltpu.sync_copy(table_hbm.at[pl.ds(sid * RPT, RPT)],
                        acc.at[pl.ds(sid * RPT, RPT)])

    @pl.when(cid == 1)
    def _():
        pltpu.sync_copy(zeros_hbm, acc.at[pl.ds(sid * RPT, RPT)])

    pltpu.sync_copy(src_hbm.at[wid], src_v)
    pltpu.sync_copy(dst_hbm.at[wid], dst_v)
    plsc.subcore_barrier()

    for p in range(nbuf - 1):
        pltpu.async_copy(table_hbm.at[src_v.at[p]], bufs[p], sems[p])

    def outer(g, carry):
        for b in range(nbuf):
            k = g * nbuf + b
            pltpu.make_async_copy(table_hbm.at[src_v.at[k]],
                                  bufs[b], sems[b]).wait()
            nk = k + nbuf - 1
            slot = (b + nbuf - 1) % nbuf

            @pl.when(nk < NCH)
            def _():
                pltpu.async_copy(table_hbm.at[src_v.at[nk]],
                                 bufs[slot], sems[slot])

            pltpu.sync_copy(bufs[b], acc.at[dst_v.at[k]], add=True)
        return carry

    lax.fori_loop(0, NCH // nbuf, outer, 0)
    plsc.subcore_barrier()
    pltpu.sync_copy(acc.at[pl.ds(sid * RPT, RPT)],
                    out_hbm.at[cid, pl.ds(sid * RPT, RPT)])


@functools.lru_cache(maxsize=None)
def _make_prop(feat):
    return pl.kernel(
        functools.partial(_prop_body, feat),
        out_type=jax.ShapeDtypeStruct((NCORE, N, feat), jnp.float32),
        mesh=_sc_mesh(),
        scratch_types=[
            pltpu.VMEM((NCH, CHUNK), jnp.int32),
            pltpu.VMEM((NCH, CHUNK), jnp.int32),
        ] + [pltpu.VMEM((CHUNK, feat), jnp.float32)
             for _ in range(_nbuf(feat))]
          + [pltpu.VMEM_SHARED((N, feat), jnp.float32)]
          + [pltpu.SemaphoreType.DMA for _ in range(_nbuf(feat))],
        **_SC_PARAMS,
    )



def _tca_body(degp_ref, x_ref, w1_ref, hp_ref, dinv_ref):
    deg = lax.dot_general(degp_ref[...], jnp.ones((NW, 1), jnp.float32),
                          (((0,), (0,)), ((), ())),
                          preferred_element_type=jnp.float32) + 1.0
    dinv = lax.rsqrt(deg)
    xw = jnp.dot(x_ref[...], w1_ref[...], preferred_element_type=jnp.float32)
    hp_ref[...] = xw * dinv
    dinv_ref[...] = dinv


@functools.lru_cache(maxsize=None)
def _make_tca():
    return pl.pallas_call(
        _tca_body,
        out_shape=(
            jax.ShapeDtypeStruct((N, H1), jnp.float32),
            jax.ShapeDtypeStruct((N, 1), jnp.float32),
        ),
    )


def _bn_relu(y, g, b):
    m = jnp.mean(y, axis=0, keepdims=True)
    v = jnp.mean((y - m) ** 2, axis=0, keepdims=True)
    return jnp.maximum((y - m) * lax.rsqrt(v + 1e-5) * g + b, 0.0)


def _tcb_body(s1_ref, dinv_ref, b1_ref, g1_ref, be1_ref, w2_ref,
              hp2_ref):
    dinv = dinv_ref[...]
    acc = s1_ref[0] + s1_ref[1]
    out1 = dinv * acc + b1_ref[...]
    h = _bn_relu(out1, g1_ref[...], be1_ref[...])
    xw2 = jnp.dot(h, w2_ref[...], preferred_element_type=jnp.float32)
    hp2_ref[...] = xw2 * dinv


@functools.lru_cache(maxsize=None)
def _make_tcb():
    return pl.pallas_call(
        _tcb_body,
        out_shape=jax.ShapeDtypeStruct((N, H2), jnp.float32),
    )


def _tcc_body(s2_ref, dinv_ref, b2_ref, g2_ref, be2_ref, batch_ref,
              eps_ref, wmu_ref, bmu_ref, wlv_ref, blv_ref, wd1_ref, bd1_ref,
              wd2_ref, bd2_ref, wd3_ref, bd3_ref, wc1_ref, bc1_ref, wc2_ref,
              bc2_ref, cls_ref, recon_ref, mu_ref, lv_ref, z_ref):
    dinv = dinv_ref[...]
    acc = s2_ref[0] + s2_ref[1]
    out2 = dinv * acc + b2_ref[...]
    h = _bn_relu(out2, g2_ref[...], be2_ref[...])

    gid = lax.broadcasted_iota(jnp.int32, (1, NG), 1)
    P = (batch_ref[...] == gid).astype(jnp.float32)
    dims = (((0,), (0,)), ((), ()))
    sums = lax.dot_general(P, h, dims, preferred_element_type=jnp.float32)
    cnt = lax.dot_general(P, jnp.ones((N, 1), jnp.float32), dims,
                          preferred_element_type=jnp.float32)
    hg = sums / jnp.maximum(cnt, 1.0)

    mu = jnp.dot(hg, wmu_ref[...], preferred_element_type=jnp.float32) + bmu_ref[...]
    lv = jnp.dot(hg, wlv_ref[...], preferred_element_type=jnp.float32) + blv_ref[...]
    std = jnp.exp(0.5 * lv)
    z = mu + eps_ref[...] * std
    d = jnp.maximum(jnp.dot(z, wd1_ref[...], preferred_element_type=jnp.float32) + bd1_ref[...], 0.0)
    d = jnp.maximum(jnp.dot(d, wd2_ref[...], preferred_element_type=jnp.float32) + bd2_ref[...], 0.0)
    recon = jnp.dot(d, wd3_ref[...], preferred_element_type=jnp.float32) + bd3_ref[...]
    c = jnp.maximum(jnp.dot(z, wc1_ref[...], preferred_element_type=jnp.float32) + bc1_ref[...], 0.0)
    cls = jnp.dot(c, wc2_ref[...], preferred_element_type=jnp.float32) + bc2_ref[...]

    cls_ref[...] = cls
    recon_ref[...] = recon
    mu_ref[...] = mu
    lv_ref[...] = lv
    z_ref[...] = z


@functools.lru_cache(maxsize=None)
def _make_tcc():
    return pl.pallas_call(
        _tcc_body,
        out_shape=(
            jax.ShapeDtypeStruct((NG, NCLS), jnp.float32),
            jax.ShapeDtypeStruct((NG, D_IN), jnp.float32),
            jax.ShapeDtypeStruct((NG, LAT), jnp.float32),
            jax.ShapeDtypeStruct((NG, LAT), jnp.float32),
            jax.ShapeDtypeStruct((NG, LAT), jnp.float32),
        ),
    )





def _shape_edges(row):
    return row.reshape(NW, NCH, CHUNK)


def kernel(x, edge_index, batch, W1, b1, g1, be1, W2, b2, g2, be2, Wmu, bmu,
           Wlv, blv, Wd1, bd1, Wd2, bd2, Wd3, bd3, Wc1, bc1, Wc2, bc2):
    f32 = jnp.float32
    src = _shape_edges(edge_index[0])
    dst = _shape_edges(edge_index[1])

    deg_parts = _make_deg()(dst, jnp.zeros((N,), f32))
    hp1, dinv = _make_tca()(deg_parts, x, W1)

    s1 = _make_prop(H1)(hp1, src, dst, jnp.zeros((RPT, H1), f32))
    hp2 = _make_tcb()(s1, dinv, b1.reshape(1, H1),
                      g1.reshape(1, H1), be1.reshape(1, H1), W2)

    s2 = _make_prop(H2)(hp2, src, dst, jnp.zeros((RPT, H2), f32))

    cls, recon, mu, lv, z = _make_tcc()(
        s2, dinv, b2.reshape(1, H2), g2.reshape(1, H2),
        be2.reshape(1, H2), batch.reshape(N, 1),
        jax.random.normal(jax.random.key(42), (NG, LAT), f32),
        Wmu, bmu.reshape(1, LAT), Wlv, blv.reshape(1, LAT),
        Wd1, bd1.reshape(1, H2), Wd2, bd2.reshape(1, H2),
        Wd3, bd3.reshape(1, D_IN), Wc1, bc1.reshape(1, LAT // 2),
        Wc2, bc2.reshape(1, NCLS))
    return (cls, recon, mu, lv, z)

# --- scband reference (transcript-rebuilt; emitter-appended) ---
"""Pipeline reference for scband-graph-vae-63299228008753 (READ-ONLY COPY).

The authoritative reference and input builder live on the scoring server;
editing this copy changes nothing except your own understanding.
"""

import jax, jax.numpy as jnp
import numpy as np

N = 10000
E = 320000
D_IN = 128
H1 = 64
H2 = 32
LAT = 128
NCLS = 2
NG = 16


def _init(key, shape, fan_in):
    return jax.random.normal(key, shape, jnp.float32) * (1.0 / np.sqrt(fan_in))


def setup_inputs(seed: int = 0):
    key = jax.random.key(seed)
    ks = jax.random.split(key, 16)
    inp = {}
    inp['x'] = jax.random.normal(ks[0], (N, D_IN), jnp.float32)
    inp['edge_index'] = jax.random.randint(ks[1], (2, E), 0, N, jnp.int32)
    inp['batch'] = jnp.sort(jax.random.randint(ks[2], (N,), 0, NG, jnp.int32))
    inp['W1'] = _init(ks[3], (D_IN, H1), D_IN); inp['b1'] = jnp.zeros((H1,), jnp.float32)
    inp['g1'] = jnp.ones((H1,), jnp.float32); inp['be1'] = jnp.zeros((H1,), jnp.float32)
    inp['W2'] = _init(ks[4], (H1, H2), H1); inp['b2'] = jnp.zeros((H2,), jnp.float32)
    inp['g2'] = jnp.ones((H2,), jnp.float32); inp['be2'] = jnp.zeros((H2,), jnp.float32)
    inp['Wmu'] = _init(ks[5], (H2, LAT), H2); inp['bmu'] = jnp.zeros((LAT,), jnp.float32)
    inp['Wlv'] = _init(ks[6], (H2, LAT), H2); inp['blv'] = jnp.zeros((LAT,), jnp.float32)
    inp['Wd1'] = _init(ks[7], (LAT, H2), LAT); inp['bd1'] = jnp.zeros((H2,), jnp.float32)
    inp['Wd2'] = _init(ks[8], (H2, H2), H2); inp['bd2'] = jnp.zeros((H2,), jnp.float32)
    inp['Wd3'] = _init(ks[9], (H2, D_IN), H2); inp['bd3'] = jnp.zeros((D_IN,), jnp.float32)
    inp['Wc1'] = _init(ks[10], (LAT, LAT // 2), LAT); inp['bc1'] = jnp.zeros((LAT // 2,), jnp.float32)
    inp['Wc2'] = _init(ks[11], (LAT // 2, NCLS), LAT // 2); inp['bc2'] = jnp.zeros((NCLS,), jnp.float32)
    return inp


def _gcn(x, src, dst, norm, W, b):
    # GCNConv: out = sum_{j->i} norm_ij * (x_j @ W) + b, with self-loops already in src/dst
    h = x @ W
    msg = h[src] * norm[:, None]
    out = jnp.zeros((N, W.shape[1]), h.dtype).at[dst].add(msg)
    return out + b


def _bn(x, g, b):
    # BatchNorm1d forward with batch statistics (training-mode stats), dropout omitted (eval)
    m = x.mean(0)
    v = x.var(0)
    return (x - m) / jnp.sqrt(v + 1e-5) * g + b


def _pool(x, batch):
    s = jax.ops.segment_sum(x, batch, num_segments=NG)
    c = jax.ops.segment_sum(jnp.ones((x.shape[0],), x.dtype), batch, num_segments=NG)
    return s / jnp.maximum(c, 1.0)[:, None]


def reference(x, edge_index, batch, W1, b1, g1, be1, W2, b2, g2, be2, Wmu, bmu, Wlv, blv, Wd1, bd1, Wd2, bd2, Wd3, bd3, Wc1, bc1, Wc2, bc2):
    src0, dst0 = edge_index[0], edge_index[1]
    loop = jnp.arange(N, dtype=src0.dtype)
    src = jnp.concatenate([src0, loop])
    dst = jnp.concatenate([dst0, loop])
    deg = jnp.zeros((N,), jnp.float32).at[dst].add(1.0)
    dinv = deg ** -0.5
    norm = dinv[src] * dinv[dst]
    h = jax.nn.relu(_bn(_gcn(x, src, dst, norm, W1, b1), g1, be1))
    h = jax.nn.relu(_bn(_gcn(h, src, dst, norm, W2, b2), g2, be2))
    hg = _pool(h, batch)
    mu = hg @ Wmu + bmu
    logvar = hg @ Wlv + blv
    std = jnp.exp(0.5 * logvar)
    eps = jax.random.normal(jax.random.key(42), std.shape, std.dtype)
    z = mu + eps * std
    d = jax.nn.relu(z @ Wd1 + bd1)
    d = jax.nn.relu(d @ Wd2 + bd2)
    recon = d @ Wd3 + bd3
    c = jax.nn.relu(z @ Wc1 + bc1)
    cls = c @ Wc2 + bc2
    return (cls, recon, mu, logvar, z)

if __name__ == "__main__":
    import jax
    _d = setup_inputs()
    print(jax.jit(kernel)(*tuple(_d.values())))

</pallas_src>

<mosaic_0001>
#map = affine_map<(d0, d1) -> (0, 0, 0)>
#map1 = affine_map<(d0, d1) -> (0)>
#map2 = affine_map<(d0, d1) -> (0, 0)>
module attributes {stable_mosaic.version = 14 : i64} {
  func.func @_deg_body(%arg0: i32, %arg1: i32, %arg2: memref<32x125x80xi32, #tpu.memory_space<hbm>>, %arg3: memref<10000xf32, #tpu.memory_space<hbm>>, %arg4: memref<32x10000xf32, #tpu.memory_space<hbm>>, %arg5: memref<125x80xi32, #tpu.memory_space<vmem>>, %arg6: memref<10000xf32, #tpu.memory_space<vmem>>) attributes {dimension_semantics = [#tpu.dimension_semantics<core_parallel>, #tpu.dimension_semantics<subcore_parallel>], iteration_bounds = array<i64: 2, 16>, scalar_prefetch = 0 : i64, scratch_operands = 2 : i64, tpu.core_type = #tpu.core_type<sc_vector_subcore>, window_params = [{transform_indices = #map}, {transform_indices = #map1}, {transform_indices = #map2}]} {
    %mul3A = arith.constant 2 : i32
    %mul3A_0 = arith.muli %arg1, %mul3A : i32
    %add3A = arith.addi %mul3A_0, %arg0 : i32
    "tpu.region"() ({
      %run_scoped3A = tpu.sem_alloc : memref<!tpu.dma_semaphore, #tpu.memory_space<semaphore_mem>>
      tpu.enqueue_dma source(%arg3 : memref<10000xf32, #tpu.memory_space<hbm>>) target(%arg6 : memref<10000xf32, #tpu.memory_space<vmem>>) target_semaphore(%run_scoped3A : memref<!tpu.dma_semaphore, #tpu.memory_space<semaphore_mem>>)
      tpu.wait_dma2 semaphore(%run_scoped3A : memref<!tpu.dma_semaphore, #tpu.memory_space<semaphore_mem>>) src(%arg3 : memref<10000xf32, #tpu.memory_space<hbm>>) dst(%arg6 : memref<10000xf32, #tpu.memory_space<vmem>>)
      tpu.yield
    }) : () -> ()
    "tpu.region"() ({
      %run_scoped3A = tpu.sem_alloc : memref<!tpu.dma_semaphore, #tpu.memory_space<semaphore_mem>>
      %dma_start3A = arith.constant 0 : i32
      %dma_start3A_7 = arith.constant 0 : i32
      %dma_start3A_8 = tpu.memref_slice %arg2[%add3A, %dma_start3A, %dma_start3A_7] : memref<32x125x80xi32, #tpu.memory_space<hbm>> -> memref<1x125x80xi32, #tpu.memory_space<hbm>>
      %dma_start3A_9 = tpu.memref_squeeze %dma_start3A_8 : memref<1x125x80xi32, #tpu.memory_space<hbm>> -> memref<125x80xi32, #tpu.memory_space<hbm>>
      %dma_start3A_10 = arith.constant 0 : i32
      %dma_start3A_11 = arith.constant 0 : i32
      %dma_start3A_12 = tpu.memref_slice %arg2[%add3A, %dma_start3A_10, %dma_start3A_11] : memref<32x125x80xi32, #tpu.memory_space<hbm>> -> memref<1x125x80xi32, #tpu.memory_space<hbm>>
      %dma_start3A_13 = tpu.memref_squeeze %dma_start3A_12 : memref<1x125x80xi32, #tpu.memory_space<hbm>> -> memref<125x80xi32, #tpu.memory_space<hbm>>
      tpu.enqueue_dma source(%dma_start3A_13 : memref<125x80xi32, #tpu.memory_space<hbm>>) target(%arg5 : memref<125x80xi32, #tpu.memory_space<vmem>>) target_semaphore(%run_scoped3A : memref<!tpu.dma_semaphore, #tpu.memory_space<semaphore_mem>>)
      %dma_wait3A = arith.constant 0 : i32
      %dma_wait3A_14 = arith.constant 0 : i32
      %dma_wait3A_15 = tpu.memref_slice %arg2[%add3A, %dma_wait3A, %dma_wait3A_14] : memref<32x125x80xi32, #tpu.memory_space<hbm>> -> memref<1x125x80xi32, #tpu.memory_space<hbm>>
      %dma_wait3A_16 = tpu.memref_squeeze %dma_wait3A_15 : memref<1x125x80xi32, #tpu.memory_space<hbm>> -> memref<125x80xi32, #tpu.memory_space<hbm>>
      %dma_wait3A_17 = arith.constant 0 : i32
      %dma_wait3A_18 = arith.constant 0 : i32
      %dma_wait3A_19 = tpu.memref_slice %arg2[%add3A, %dma_wait3A_17, %dma_wait3A_18] : memref<32x125x80xi32, #tpu.memory_space<hbm>> -> memref<1x125x80xi32, #tpu.memory_space<hbm>>
      %dma_wait3A_20 = tpu.memref_squeeze %dma_wait3A_19 : memref<1x125x80xi32, #tpu.memory_space<hbm>> -> memref<125x80xi32, #tpu.memory_space<hbm>>
      tpu.wait_dma2 semaphore(%run_scoped3A : memref<!tpu.dma_semaphore, #tpu.memory_space<semaphore_mem>>) src(%dma_wait3A_20 : memref<125x80xi32, #tpu.memory_space<hbm>>) dst(%arg5 : memref<125x80xi32, #tpu.memory_space<vmem>>)
      tpu.yield
    }) : () -> ()
    %broadcast_in_dim3A = arith.constant 1.000000e+00 : f32
    %broadcast_in_dim3A_1 = vector.broadcast %broadcast_in_dim3A : f32 to vector<16xf32>
    %scan3A = arith.constant 0 : i32
    %scan3A_2 = arith.constant 0 : i32
    %scan3A_3 = arith.constant 125 : i32
    %scan3A_4 = arith.addi %scan3A_2, %scan3A_3 : i32
    %scan3A_5 = arith.constant 1 : i32
    scf.for %scan3A_7 = %scan3A_2 to %scan3A_4 step %scan3A_5  : i32 {
      %get3A = arith.index_cast %scan3A_7 : i32 to index
      %get3A_8 = arith.constant 0 : index
      %get3A_9 = tpu.vector_load %arg5[%get3A, %get3A_8] {strides = array<i32>} : memref<125x80xi32, #tpu.memory_space<vmem>>, vector<16xi32>,
      tpu.vector_store_idx %arg6[%get3A_9], %broadcast_in_dim3A_1 {add = true} : memref<10000xf32, #tpu.memory_space<vmem>>[vector<16xi32>], vector<16xf32>,
      %get3A_10 = arith.index_cast %scan3A_7 : i32 to index
      %get3A_11 = arith.constant 16 : index
      %get3A_12 = tpu.vector_load %arg5[%get3A_10, %get3A_11] {strides = array<i32>} : memref<125x80xi32, #tpu.memory_space<vmem>>, vector<16xi32>,
      tpu.vector_store_idx %arg6[%get3A_12], %broadcast_in_dim3A_1 {add = true} : memref<10000xf32, #tpu.memory_space<vmem>>[vector<16xi32>], vector<16xf32>,
      %get3A_13 = arith.index_cast %scan3A_7 : i32 to index
      %get3A_14 = arith.constant 32 : index
      %get3A_15 = tpu.vector_load %arg5[%get3A_13, %get3A_14] {strides = array<i32>} : memref<125x80xi32, #tpu.memory_space<vmem>>, vector<16xi32>,
      tpu.vector_store_idx %arg6[%get3A_15], %broadcast_in_dim3A_1 {add = true} : memref<10000xf32, #tpu.memory_space<vmem>>[vector<16xi32>], vector<16xf32>,
      %get3A_16 = arith.index_cast %scan3A_7 : i32 to index
      %get3A_17 = arith.constant 48 : index
      %get3A_18 = tpu.vector_load %arg5[%get3A_16, %get3A_17] {strides = array<i32>} : memref<125x80xi32, #tpu.memory_space<vmem>>, vector<16xi32>,
      tpu.vector_store_idx %arg6[%get3A_18], %broadcast_in_dim3A_1 {add = true} : memref<10000xf32, #tpu.memory_space<vmem>>[vector<16xi32>], vector<16xf32>,
      %get3A_19 = arith.index_cast %scan3A_7 : i32 to index
      %get3A_20 = arith.constant 64 : index
      %get3A_21 = tpu.vector_load %arg5[%get3A_19, %get3A_20] {strides = array<i32>} : memref<125x80xi32, #tpu.memory_space<vmem>>, vector<16xi32>,
      tpu.vector_store_idx %arg6[%get3A_21], %broadcast_in_dim3A_1 {add = true} : memref<10000xf32, #tpu.memory_space<vmem>>[vector<16xi32>], vector<16xf32>,
    }
    %scan3A_6 = arith.constant 125 : i32
    "tpu.region"() ({
      %run_scoped3A = tpu.sem_alloc : memref<!tpu.dma_semaphore, #tpu.memory_space<semaphore_mem>>
      %dma_start3A = arith.constant 0 : i32
      %dma_start3A_7 = tpu.memref_slice %arg4[%add3A, %dma_start3A] : memref<32x10000xf32, #tpu.memory_space<hbm>> -> memref<1x10000xf32, #tpu.memory_space<hbm>>
      %dma_start3A_8 = tpu.memref_squeeze %dma_start3A_7 : memref<1x10000xf32, #tpu.memory_space<hbm>> -> memref<10000xf32, #tpu.memory_space<hbm>>
      %dma_start3A_9 = arith.constant 0 : i32
      %dma_start3A_10 = tpu.memref_slice %arg4[%add3A, %dma_start3A_9] : memref<32x10000xf32, #tpu.memory_space<hbm>> -> memref<1x10000xf32, #tpu.memory_space<hbm>>
      %dma_start3A_11 = tpu.memref_squeeze %dma_start3A_10 : memref<1x10000xf32, #tpu.memory_space<hbm>> -> memref<10000xf32, #tpu.memory_space<hbm>>
      tpu.enqueue_dma source(%arg6 : memref<10000xf32, #tpu.memory_space<vmem>>) target(%dma_start3A_11 : memref<10000xf32, #tpu.memory_space<hbm>>) target_semaphore(%run_scoped3A : memref<!tpu.dma_semaphore, #tpu.memory_space<semaphore_mem>>)
      %dma_wait3A = arith.constant 0 : i32
      %dma_wait3A_12 = tpu.memref_slice %arg4[%add3A, %dma_wait3A] : memref<32x10000xf32, #tpu.memory_space<hbm>> -> memref<1x10000xf32, #tpu.memory_space<hbm>>
      %dma_wait3A_13 = tpu.memref_squeeze %dma_wait3A_12 : memref<1x10000xf32, #tpu.memory_space<hbm>> -> memref<10000xf32, #tpu.memory_space<hbm>>
      %dma_wait3A_14 = arith.constant 0 : i32
      %dma_wait3A_15 = tpu.memref_slice %arg4[%add3A, %dma_wait3A_14] : memref<32x10000xf32, #tpu.memory_space<hbm>> -> memref<1x10000xf32, #tpu.memory_space<hbm>>
      %dma_wait3A_16 = tpu.memref_squeeze %dma_wait3A_15 : memref<1x10000xf32, #tpu.memory_space<hbm>> -> memref<10000xf32, #tpu.memory_space<hbm>>
      tpu.wait_dma2 semaphore(%run_scoped3A : memref<!tpu.dma_semaphore, #tpu.memory_space<semaphore_mem>>) src(%arg6 : memref<10000xf32, #tpu.memory_space<vmem>>) dst(%dma_wait3A_16 : memref<10000xf32, #tpu.memory_space<hbm>>)
      tpu.yield
    }) : () -> ()
    return
  }
}

#map = affine_map<(d0, d1) -> (0, 0)>
#map1 = affine_map<(d0, d1) -> (0, 0, 0)>
module attributes {stable_mosaic.version = 14 : i64} {
  func.func @_prop_body(%arg0: i32, %arg1: i32, %arg2: memref<10000x64xf32, #tpu.memory_space<hbm>>, %arg3: memref<32x125x80xi32, #tpu.memory_space<hbm>>, %arg4: memref<32x125x80xi32, #tpu.memory_space<hbm>>, %arg5: memref<625x64xf32, #tpu.memory_space<hbm>>, %arg6: memref<2x10000x64xf32, #tpu.memory_space<hbm>>, %arg7: memref<125x80xi32, #tpu.memory_space<vmem>>, %arg8: memref<125x80xi32, #tpu.memory_space<vmem>>, %arg9: memref<80x64xf32, #tpu.memory_space<vmem>>, %arg10: memref<80x64xf32, #tpu.memory_space<vmem>>, %arg11: memref<80x64xf32, #tpu.memory_space<vmem>>, %arg12: memref<80x64xf32, #tpu.memory_space<vmem>>, %arg13: memref<80x64xf32, #tpu.memory_space<vmem>>, %arg14: memref<10000x64xf32, #tpu.memory_space<vmem_shared>>, %arg15: memref<!tpu.dma_semaphore, #tpu.memory_space<semaphore_mem>>, %arg16: memref<!tpu.dma_semaphore, #tpu.memory_space<semaphore_mem>>, %arg17: memref<!tpu.dma_semaphore, #tpu.memory_space<semaphore_mem>>, %arg18: memref<!tpu.dma_semaphore, #tpu.memory_space<semaphore_mem>>, %arg19: memref<!tpu.dma_semaphore, #tpu.memory_space<semaphore_mem>>) attributes {dimension_semantics = [#tpu.dimension_semantics<core_parallel>, #tpu.dimension_semantics<subcore_parallel>], iteration_bounds = array<i64: 2, 16>, scalar_prefetch = 0 : i64, scratch_operands = 13 : i64, tpu.core_type = #tpu.core_type<sc_vector_subcore>, window_params = [{transform_indices = #map}, {transform_indices = #map1}, {transform_indices = #map1}, {transform_indices = #map}, {transform_indices = #map1}]} {
    %mul3A = arith.constant 2 : i32
    %mul3A_0 = arith.muli %arg1, %mul3A : i32
    %add3A = arith.addi %mul3A_0, %arg0 : i32
    %eq3A = arith.constant 0 : i32
    %eq3A_1 = arith.cmpi eq, %arg0, %eq3A : i32
    %convert_element_type3A = arith.extui %eq3A_1 : i1 to i32
    %cond3A = arith.constant 0 : i32
    %cond3A_2 = arith.cmpi ne, %convert_element_type3A, %cond3A : i32
    scf.if %cond3A_2 {
      %mul3A_45 = arith.constant 625 : i32
      %mul3A_46 = arith.muli %arg1, %mul3A_45 : i32
      %mul3A_47 = arith.constant 625 : i32
      %mul3A_48 = arith.muli %arg1, %mul3A_47 : i32
      "tpu.region"() ({
        %run_scoped3A = tpu.sem_alloc : memref<!tpu.dma_semaphore, #tpu.memory_space<semaphore_mem>>
        %dma_start3A_49 = arith.constant 0 : i32
        %dma_start3A_50 = tpu.memref_slice %arg14[%mul3A_48, %dma_start3A_49] : memref<10000x64xf32, #tpu.memory_space<vmem_shared>> -> memref<625x64xf32, #tpu.memory_space<vmem_shared>>
        %dma_start3A_51 = arith.constant 0 : i32
        %dma_start3A_52 = tpu.memref_slice %arg2[%mul3A_46, %dma_start3A_51] : memref<10000x64xf32, #tpu.memory_space<hbm>> -> memref<625x64xf32, #tpu.memory_space<hbm>>
        tpu.enqueue_dma source(%dma_start3A_52 : memref<625x64xf32, #tpu.memory_space<hbm>>) target(%dma_start3A_50 : memref<625x64xf32, #tpu.memory_space<vmem_shared>>) target_semaphore(%run_scoped3A : memref<!tpu.dma_semaphore, #tpu.memory_space<semaphore_mem>>)
        %dma_wait3A = arith.constant 0 : i32
        %dma_wait3A_53 = tpu.memref_slice %arg14[%mul3A_48, %dma_wait3A] : memref<10000x64xf32, #tpu.memory_space<vmem_shared>> -> memref<625x64xf32, #tpu.memory_space<vmem_shared>>
        %dma_wait3A_54 = arith.constant 0 : i32
        %dma_wait3A_55 = tpu.memref_slice %arg2[%mul3A_46, %dma_wait3A_54] : memref<10000x64xf32, #tpu.memory_space<hbm>> -> memref<625x64xf32, #tpu.memory_space<hbm>>
        tpu.wait_dma2 semaphore(%run_scoped3A : memref<!tpu.dma_semaphore, #tpu.memory_space<semaphore_mem>>) src(%dma_wait3A_55 : memref<625x64xf32, #tpu.memory_space<hbm>>) dst(%dma_wait3A_53 : memref<625x64xf32, #tpu.memory_space<vmem_shared>>)
        tpu.yield
      }) : () -> ()
    } else {
    }
    %eq3A_3 = arith.constant 1 : i32
    %eq3A_4 = arith.cmpi eq, %arg0, %eq3A_3 : i32
    %convert_element_type3A_5 = arith.extui %eq3A_4 : i1 to i32
    %cond3A_6 = arith.constant 0 : i32
    %cond3A_7 = arith.cmpi ne, %convert_element_type3A_5, %cond3A_6 : i32
    scf.if %cond3A_7 {
      %mul3A_45 = arith.constant 625 : i32
      %mul3A_46 = arith.muli %arg1, %mul3A_45 : i32
      "tpu.region"() ({
        %run_scoped3A = tpu.sem_alloc : memref<!tpu.dma_semaphore, #tpu.memory_space<semaphore_mem>>
        %dma_start3A_47 = arith.constant 0 : i32
        %dma_start3A_48 = tpu.memref_slice %arg14[%mul3A_46, %dma_start3A_47] : memref<10000x64xf32, #tpu.memory_space<vmem_shared>> -> memref<625x64xf32, #tpu.memory_space<vmem_shared>>
        tpu.enqueue_dma source(%arg5 : memref<625x64xf32, #tpu.memory_space<hbm>>) target(%dma_start3A_48 : memref<625x64xf32, #tpu.memory_space<vmem_shared>>) target_semaphore(%run_scoped3A : memref<!tpu.dma_semaphore, #tpu.memory_space<semaphore_mem>>)
        %dma_wait3A = arith.constant 0 : i32
        %dma_wait3A_49 = tpu.memref_slice %arg14[%mul3A_46, %dma_wait3A] : memref<10000x64xf32, #tpu.memory_space<vmem_shared>> -> memref<625x64xf32, #tpu.memory_space<vmem_shared>>
        tpu.wait_dma2 semaphore(%run_scoped3A : memref<!tpu.dma_semaphore, #tpu.memory_space<semaphore_mem>>) src(%arg5 : memref<625x64xf32, #tpu.memory_space<hbm>>) dst(%dma_wait3A_49 : memref<625x64xf32, #tpu.memory_space<vmem_shared>>)
        tpu.yield
      }) : () -> ()
    } else {
    }
    "tpu.region"() ({
      %run_scoped3A = tpu.sem_alloc : memref<!tpu.dma_semaphore, #tpu.memory_space<semaphore_mem>>
      %dma_start3A_45 = arith.constant 0 : i32
      %dma_start3A_46 = arith.constant 0 : i32
      %dma_start3A_47 = tpu.memref_slice %arg3[%add3A, %dma_start3A_45, %dma_start3A_46] : memref<32x125x80xi32, #tpu.memory_space<hbm>> -> memref<1x125x80xi32, #tpu.memory_space<hbm>>
      %dma_start3A_48 = tpu.memref_squeeze %dma_start3A_47 : memref<1x125x80xi32, #tpu.memory_space<hbm>> -> memref<125x80xi32, #tpu.memory_space<hbm>>
      %dma_start3A_49 = arith.constant 0 : i32
      %dma_start3A_50 = arith.constant 0 : i32
      %dma_start3A_51 = tpu.memref_slice %arg3[%add3A, %dma_start3A_49, %dma_start3A_50] : memref<32x125x80xi32, #tpu.memory_space<hbm>> -> memref<1x125x80xi32, #tpu.memory_space<hbm>>
      %dma_start3A_52 = tpu.memref_squeeze %dma_start3A_51 : memref<1x125x80xi32, #tpu.memory_space<hbm>> -> memref<125x80xi32, #tpu.memory_space<hbm>>
      tpu.enqueue_dma source(%dma_start3A_52 : memref<125x80xi32, #tpu.memory_space<hbm>>) target(%arg7 : memref<125x80xi32, #tpu.memory_space<vmem>>) target_semaphore(%run_scoped3A : memref<!tpu.dma_semaphore, #tpu.memory_space<semaphore_mem>>)
      %dma_wait3A = arith.constant 0 : i32
      %dma_wait3A_53 = arith.constant 0 : i32
      %dma_wait3A_54 = tpu.memref_slice %arg3[%add3A, %dma_wait3A, %dma_wait3A_53] : memref<32x125x80xi32, #tpu.memory_space<hbm>> -> memref<1x125x80xi32, #tpu.memory_space<hbm>>
      %dma_wait3A_55 = tpu.memref_squeeze %dma_wait3A_54 : memref<1x125x80xi32, #tpu.memory_space<hbm>> -> memref<125x80xi32, #tpu.memory_space<hbm>>
      %dma_wait3A_56 = arith.constant 0 : i32
      %dma_wait3A_57 = arith.constant 0 : i32
      %dma_wait3A_58 = tpu.memref_slice %arg3[%add3A, %dma_wait3A_56, %dma_wait3A_57] : memref<32x125x80xi32, #tpu.memory_space<hbm>> -> memref<1x125x80xi32, #tpu.memory_space<hbm>>
      %dma_wait3A_59 = tpu.memref_squeeze %dma_wait3A_58 : memref<1x125x80xi32, #tpu.memory_space<hbm>> -> memref<125x80xi32, #tpu.memory_space<hbm>>
      tpu.wait_dma2 semaphore(%run_scoped3A : memref<!tpu.dma_semaphore, #tpu.memory_space<semaphore_mem>>) src(%dma_wait3A_59 : memref<125x80xi32, #tpu.memory_space<hbm>>) dst(%arg7 : memref<125x80xi32, #tpu.memory_space<vmem>>)
      tpu.yield
    }) : () -> ()
    "tpu.region"() ({
      %run_scoped3A = tpu.sem_alloc : memref<!tpu.dma_semaphore, #tpu.memory_space<semaphore_mem>>
      %dma_start3A_45 = arith.constant 0 : i32
      %dma_start3A_46 = arith.constant 0 : i32
      %dma_start3A_47 = tpu.memref_slice %arg4[%add3A, %dma_start3A_45, %dma_start3A_46] : memref<32x125x80xi32, #tpu.memory_space<hbm>> -> memref<1x125x80xi32, #tpu.memory_space<hbm>>
      %dma_start3A_48 = tpu.memref_squeeze %dma_start3A_47 : memref<1x125x80xi32, #tpu.memory_space<hbm>> -> memref<125x80xi32, #tpu.memory_space<hbm>>
      %dma_start3A_49 = arith.constant 0 : i32
      %dma_start3A_50 = arith.constant 0 : i32
      %dma_start3A_51 = tpu.memref_slice %arg4[%add3A, %dma_start3A_49, %dma_start3A_50] : memref<32x125x80xi32, #tpu.memory_space<hbm>> -> memref<1x125x80xi32, #tpu.memory_space<hbm>>
      %dma_start3A_52 = tpu.memref_squeeze %dma_start3A_51 : memref<1x125x80xi32, #tpu.memory_space<hbm>> -> memref<125x80xi32, #tpu.memory_space<hbm>>
      tpu.enqueue_dma source(%dma_start3A_52 : memref<125x80xi32, #tpu.memory_space<hbm>>) target(%arg8 : memref<125x80xi32, #tpu.memory_space<vmem>>) target_semaphore(%run_scoped3A : memref<!tpu.dma_semaphore, #tpu.memory_space<semaphore_mem>>)
      %dma_wait3A = arith.constant 0 : i32
      %dma_wait3A_53 = arith.constant 0 : i32
      %dma_wait3A_54 = tpu.memref_slice %arg4[%add3A, %dma_wait3A, %dma_wait3A_53] : memref<32x125x80xi32, #tpu.memory_space<hbm>> -> memref<1x125x80xi32, #tpu.memory_space<hbm>>
      %dma_wait3A_55 = tpu.memref_squeeze %dma_wait3A_54 : memref<1x125x80xi32, #tpu.memory_space<hbm>> -> memref<125x80xi32, #tpu.memory_space<hbm>>
      %dma_wait3A_56 = arith.constant 0 : i32
      %dma_wait3A_57 = arith.constant 0 : i32
      %dma_wait3A_58 = tpu.memref_slice %arg4[%add3A, %dma_wait3A_56, %dma_wait3A_57] : memref<32x125x80xi32, #tpu.memory_space<hbm>> -> memref<1x125x80xi32, #tpu.memory_space<hbm>>
      %dma_wait3A_59 = tpu.memref_squeeze %dma_wait3A_58 : memref<1x125x80xi32, #tpu.memory_space<hbm>> -> memref<125x80xi32, #tpu.memory_space<hbm>>
      tpu.wait_dma2 semaphore(%run_scoped3A : memref<!tpu.dma_semaphore, #tpu.memory_space<semaphore_mem>>) src(%dma_wait3A_59 : memref<125x80xi32, #tpu.memory_space<hbm>>) dst(%arg8 : memref<125x80xi32, #tpu.memory_space<vmem>>)
      tpu.yield
    }) : () -> ()
    %barrier3A = arith.constant 0 : index
    tpu.barrier barrier_id(%barrier3A)
    %dma_start3A = arith.constant 0 : i32
    %dma_start3A_8 = arith.constant 0 : i32
    %dma_start3A_9 = tpu.memref_slice %arg7[%dma_start3A, %dma_start3A_8] : memref<125x80xi32, #tpu.memory_space<vmem>> -> memref<1x80xi32, #tpu.memory_space<vmem>>
    %dma_start3A_10 = tpu.memref_squeeze %dma_start3A_9 : memref<1x80xi32, #tpu.memory_space<vmem>> -> memref<80xi32, #tpu.memory_space<vmem>>
    %dma_start3A_11 = arith.constant 0 : i32
    %dma_start3A_12 = arith.constant 0 : i32
    %dma_start3A_13 = tpu.memref_slice %arg2[%dma_start3A_11, %dma_start3A_12] : memref<10000x64xf32, #tpu.memory_space<hbm>> -> memref<10000x64xf32, #tpu.memory_space<hbm>>
    tpu.enqueue_indirect_dma source(%dma_start3A_13 : memref<10000x64xf32, #tpu.memory_space<hbm>>) target(%arg9 : memref<80x64xf32, #tpu.memory_space<vmem>>) offsets(%dma_start3A_10 : memref<80xi32, #tpu.memory_space<vmem>>) semaphore(%arg15 : memref<!tpu.dma_semaphore, #tpu.memory_space<semaphore_mem>>)
    %dma_start3A_14 = arith.constant 1 : i32
    %dma_start3A_15 = arith.constant 0 : i32
    %dma_start3A_16 = tpu.memref_slice %arg7[%dma_start3A_14, %dma_start3A_15] : memref<125x80xi32, #tpu.memory_space<vmem>> -> memref<1x80xi32, #tpu.memory_space<vmem>>
    %dma_start3A_17 = tpu.memref_squeeze %dma_start3A_16 : memref<1x80xi32, #tpu.memory_space<vmem>> -> memref<80xi32, #tpu.memory_space<vmem>>
    %dma_start3A_18 = arith.constant 0 : i32
    %dma_start3A_19 = arith.constant 0 : i32
    %dma_start3A_20 = tpu.memref_slice %arg2[%dma_start3A_18, %dma_start3A_19] : memref<10000x64xf32, #tpu.memory_space<hbm>> -> memref<10000x64xf32, #tpu.memory_space<hbm>>
    tpu.enqueue_indirect_dma source(%dma_start3A_20 : memref<10000x64xf32, #tpu.memory_space<hbm>>) target(%arg10 : memref<80x64xf32, #tpu.memory_space<vmem>>) offsets(%dma_start3A_17 : memref<80xi32, #tpu.memory_space<vmem>>) semaphore(%arg16 : memref<!tpu.dma_semaphore, #tpu.memory_space<semaphore_mem>>)
    %dma_start3A_21 = arith.constant 2 : i32
    %dma_start3A_22 = arith.constant 0 : i32
    %dma_start3A_23 = tpu.memref_slice %arg7[%dma_start3A_21, %dma_start3A_22] : memref<125x80xi32, #tpu.memory_space<vmem>> -> memref<1x80xi32, #tpu.memory_space<vmem>>
    %dma_start3A_24 = tpu.memref_squeeze %dma_start3A_23 : memref<1x80xi32, #tpu.memory_space<vmem>> -> memref<80xi32, #tpu.memory_space<vmem>>
    %dma_start3A_25 = arith.constant 0 : i32
    %dma_start3A_26 = arith.constant 0 : i32
    %dma_start3A_27 = tpu.memref_slice %arg2[%dma_start3A_25, %dma_start3A_26] : memref<10000x64xf32, #tpu.memory_space<hbm>> -> memref<10000x64xf32, #tpu.memory_space<hbm>>
    tpu.enqueue_indirect_dma source(%dma_start3A_27 : memref<10000x64xf32, #tpu.memory_space<hbm>>) target(%arg11 : memref<80x64xf32, #tpu.memory_space<vmem>>) offsets(%dma_start3A_24 : memref<80xi32, #tpu.memory_space<vmem>>) semaphore(%arg17 : memref<!tpu.dma_semaphore, #tpu.memory_space<semaphore_mem>>)
    %dma_start3A_28 = arith.constant 3 : i32
    %dma_start3A_29 = arith.constant 0 : i32
    %dma_start3A_30 = tpu.memref_slice %arg7[%dma_start3A_28, %dma_start3A_29] : memref<125x80xi32, #tpu.memory_space<vmem>> -> memref<1x80xi32, #tpu.memory_space<vmem>>
    %dma_start3A_31 = tpu.memref_squeeze %dma_start3A_30 : memref<1x80xi32, #tpu.memory_space<vmem>> -> memref<80xi32, #tpu.memory_space<vmem>>
    %dma_start3A_32 = arith.constant 0 : i32
    %dma_start3A_33 = arith.constant 0 : i32
    %dma_start3A_34 = tpu.memref_slice %arg2[%dma_start3A_32, %dma_start3A_33] : memref<10000x64xf32, #tpu.memory_space<hbm>> -> memref<10000x64xf32, #tpu.memory_space<hbm>>
    tpu.enqueue_indirect_dma source(%dma_start3A_34 : memref<10000x64xf32, #tpu.memory_space<hbm>>) target(%arg12 : memref<80x64xf32, #tpu.memory_space<vmem>>) offsets(%dma_start3A_31 : memref<80xi32, #tpu.memory_space<vmem>>) semaphore(%arg18 : memref<!tpu.dma_semaphore, #tpu.memory_space<semaphore_mem>>)
    %scan3A = arith.constant 0 : i32
    %scan3A_35 = arith.constant 0 : i32
    %scan3A_36 = arith.constant 25 : i32
    %scan3A_37 = arith.addi %scan3A_35, %scan3A_36 : i32
    %scan3A_38 = arith.constant 1 : i32
    scf.for %scan3A_45 = %scan3A_35 to %scan3A_37 step %scan3A_38  : i32 {
      %mul3A_46 = arith.constant 5 : i32
      %mul3A_47 = arith.muli %scan3A_45, %mul3A_46 : i32
      %add3A_48 = arith.constant 0 : i32
      %add3A_49 = arith.addi %mul3A_47, %add3A_48 : i32
      %dma_wait3A = arith.constant 0 : i32
      %dma_wait3A_50 = tpu.memref_slice %arg7[%add3A_49, %dma_wait3A] : memref<125x80xi32, #tpu.memory_space<vmem>> -> memref<1x80xi32, #tpu.memory_space<vmem>>
      %dma_wait3A_51 = tpu.memref_squeeze %dma_wait3A_50 : memref<1x80xi32, #tpu.memory_space<vmem>> -> memref<80xi32, #tpu.memory_space<vmem>>
      %dma_wait3A_52 = arith.constant 0 : i32
      %dma_wait3A_53 = arith.constant 0 : i32
      %dma_wait3A_54 = tpu.memref_slice %arg2[%dma_wait3A_52, %dma_wait3A_53] : memref<10000x64xf32, #tpu.memory_space<hbm>> -> memref<10000x64xf32, #tpu.memory_space<hbm>>
      tpu.wait_indirect_dma semaphore(%arg15 : memref<!tpu.dma_semaphore, #tpu.memory_space<semaphore_mem>>) src(%dma_wait3A_54 : memref<10000x64xf32, #tpu.memory_space<hbm>>) dst(%arg9 : memref<80x64xf32, #tpu.memory_space<vmem>>)
      %add3A_55 = arith.constant 5 : i32
      %add3A_56 = arith.addi %add3A_49, %add3A_55 : i32
      %sub3A = arith.constant 1 : i32
      %sub3A_57 = arith.subi %add3A_56, %sub3A : i32
      %lt3A = arith.constant 125 : i32
      %lt3A_58 = arith.cmpi slt, %sub3A_57, %lt3A : i32
      %convert_element_type3A_59 = arith.extui %lt3A_58 : i1 to i32
      %cond3A_60 = arith.constant 0 : i32
      %cond3A_61 = arith.cmpi ne, %convert_element_type3A_59, %cond3A_60 : i32
      scf.if %cond3A_61 {
        %dma_start3A_138 = arith.constant 0 : i32
        %dma_start3A_139 = tpu.memref_slice %arg7[%sub3A_57, %dma_start3A_138] : memref<125x80xi32, #tpu.memory_space<vmem>> -> memref<1x80xi32, #tpu.memory_space<vmem>>
        %dma_start3A_140 = tpu.memref_squeeze %dma_start3A_139 : memref<1x80xi32, #tpu.memory_space<vmem>> -> memref<80xi32, #tpu.memory_space<vmem>>
        %dma_start3A_141 = arith.constant 0 : i32
        %dma_start3A_142 = arith.constant 0 : i32
        %dma_start3A_143 = tpu.memref_slice %arg2[%dma_start3A_141, %dma_start3A_142] : memref<10000x64xf32, #tpu.memory_space<hbm>> -> memref<10000x64xf32, #tpu.memory_space<hbm>>
        tpu.enqueue_indirect_dma source(%dma_start3A_143 : memref<10000x64xf32, #tpu.memory_space<hbm>>) target(%arg13 : memref<80x64xf32, #tpu.memory_space<vmem>>) offsets(%dma_start3A_140 : memref<80xi32, #tpu.memory_space<vmem>>) semaphore(%arg19 : memref<!tpu.dma_semaphore, #tpu.memory_space<semaphore_mem>>)
      } else {
      }
      "tpu.region"() ({
        %run_scoped3A = tpu.sem_alloc : memref<!tpu.dma_semaphore, #tpu.memory_space<semaphore_mem>>
        %dma_start3A_138 = arith.constant 0 : i32
        %dma_start3A_139 = tpu.memref_slice %arg8[%add3A_49, %dma_start3A_138] : memref<125x80xi32, #tpu.memory_space<vmem>> -> memref<1x80xi32, #tpu.memory_space<vmem>>
        %dma_start3A_140 = tpu.memref_squeeze %dma_start3A_139 : memref<1x80xi32, #tpu.memory_space<vmem>> -> memref<80xi32, #tpu.memory_space<vmem>>
        %dma_start3A_141 = arith.constant 0 : i32
        %dma_start3A_142 = arith.constant 0 : i32
        %dma_start3A_143 = tpu.memref_slice %arg14[%dma_start3A_141, %dma_start3A_142] : memref<10000x64xf32, #tpu.memory_space<vmem_shared>> -> memref<10000x64xf32, #tpu.memory_space<vmem_shared>>
        tpu.enqueue_indirect_dma source(%arg9 : memref<80x64xf32, #tpu.memory_space<vmem>>) target(%dma_start3A_143 : memref<10000x64xf32, #tpu.memory_space<vmem_shared>>) offsets(%dma_start3A_140 : memref<80xi32, #tpu.memory_space<vmem>>) semaphore(%run_scoped3A : memref<!tpu.dma_semaphore, #tpu.memory_space<semaphore_mem>>) {add = true}
        %dma_wait3A_144 = arith.constant 0 : i32
        %dma_wait3A_145 = tpu.memref_slice %arg8[%add3A_49, %dma_wait3A_144] : memref<125x80xi32, #tpu.memory_space<vmem>> -> memref<1x80xi32, #tpu.memory_space<vmem>>
        %dma_wait3A_146 = tpu.memref_squeeze %dma_wait3A_145 : memref<1x80xi32, #tpu.memory_space<vmem>> -> memref<80xi32, #tpu.memory_space<vmem>>
        %dma_wait3A_147 = arith.constant 0 : i32
        %dma_wait3A_148 = arith.constant 0 : i32
        %dma_wait3A_149 = tpu.memref_slice %arg14[%dma_wait3A_147, %dma_wait3A_148] : memref<10000x64xf32, #tpu.memory_space<vmem_shared>> -> memref<10000x64xf32, #tpu.memory_space<vmem_shared>>
        tpu.wait_indirect_dma semaphore(%run_scoped3A : memref<!tpu.dma_semaphore, #tpu.memory_space<semaphore_mem>>) src(%arg9 : memref<80x64xf32, #tpu.memory_space<vmem>>) dst(%dma_wait3A_149 : memref<10000x64xf32, #tpu.memory_space<vmem_shared>>)
        tpu.yield
      }) : () -> ()
      %mul3A_62 = arith.constant 5 : i32
      %mul3A_63 = arith.muli %scan3A_45, %mul3A_62 : i32
      %add3A_64 = arith.constant 1 : i32
      %add3A_65 = arith.addi %mul3A_63, %add3A_64 : i32
      %dma_wait3A_66 = arith.constant 0 : i32
      %dma_wait3A_67 = tpu.memref_slice %arg7[%add3A_65, %dma_wait3A_66] : memref<125x80xi32, #tpu.memory_space<vmem>> -> memref<1x80xi32, #tpu.memory_space<vmem>>
      %dma_wait3A_68 = tpu.memref_squeeze %dma_wait3A_67 : memref<1x80xi32, #tpu.memory_space<vmem>> -> memref<80xi32, #tpu.memory_space<vmem>>
      %dma_wait3A_69 = arith.constant 0 : i32
      %dma_wait3A_70 = arith.constant 0 : i32
      %dma_wait3A_71 = tpu.memref_slice %arg2[%dma_wait3A_69, %dma_wait3A_70] : memref<10000x64xf32, #tpu.memory_space<hbm>> -> memref<10000x64xf32, #tpu.memory_space<hbm>>
      tpu.wait_indirect_dma semaphore(%arg16 : memref<!tpu.dma_semaphore, #tpu.memory_space<semaphore_mem>>) src(%dma_wait3A_71 : memref<10000x64xf32, #tpu.memory_space<hbm>>) dst(%arg10 : memref<80x64xf32, #tpu.memory_space<vmem>>)
      %add3A_72 = arith.constant 5 : i32
      %add3A_73 = arith.addi %add3A_65, %add3A_72 : i32
      %sub3A_74 = arith.constant 1 : i32
      %sub3A_75 = arith.subi %add3A_73, %sub3A_74 : i32
      %lt3A_76 = arith.constant 125 : i32
      %lt3A_77 = arith.cmpi slt, %sub3A_75, %lt3A_76 : i32
      %convert_element_type3A_78 = arith.extui %lt3A_77 : i1 to i32
      %cond3A_79 = arith.constant 0 : i32
      %cond3A_80 = arith.cmpi ne, %convert_element_type3A_78, %cond3A_79 : i32
      scf.if %cond3A_80 {
        %dma_start3A_138 = arith.constant 0 : i32
        %dma_start3A_139 = tpu.memref_slice %arg7[%sub3A_75, %dma_start3A_138] : memref<125x80xi32, #tpu.memory_space<vmem>> -> memref<1x80xi32, #tpu.memory_space<vmem>>
        %dma_start3A_140 = tpu.memref_squeeze %dma_start3A_139 : memref<1x80xi32, #tpu.memory_space<vmem>> -> memref<80xi32, #tpu.memory_space<vmem>>
        %dma_start3A_141 = arith.constant 0 : i32
        %dma_start3A_142 = arith.constant 0 : i32
        %dma_start3A_143 = tpu.memref_slice %arg2[%dma_start3A_141, %dma_start3A_142] : memref<10000x64xf32, #tpu.memory_space<hbm>> -> memref<10000x64xf32, #tpu.memory_space<hbm>>
        tpu.enqueue_indirect_dma source(%dma_start3A_143 : memref<10000x64xf32, #tpu.memory_space<hbm>>) target(%arg9 : memref<80x64xf32, #tpu.memory_space<vmem>>) offsets(%dma_start3A_140 : memref<80xi32, #tpu.memory_space<vmem>>) semaphore(%arg15 : memref<!tpu.dma_semaphore, #tpu.memory_space<semaphore_mem>>)
      } else {
      }
      "tpu.region"() ({
        %run_scoped3A = tpu.sem_alloc : memref<!tpu.dma_semaphore, #tpu.memory_space<semaphore_mem>>
        %dma_start3A_138 = arith.constant 0 : i32
        %dma_start3A_139 = tpu.memref_slice %arg8[%add3A_65, %dma_start3A_138] : memref<125x80xi32, #tpu.memory_space<vmem>> -> memref<1x80xi32, #tpu.memory_space<vmem>>
        %dma_start3A_140 = tpu.memref_squeeze %dma_start3A_139 : memref<1x80xi32, #tpu.memory_space<vmem>> -> memref<80xi32, #tpu.memory_space<vmem>>
        %dma_start3A_141 = arith.constant 0 : i32
        %dma_start3A_142 = arith.constant 0 : i32
        %dma_start3A_143 = tpu.memref_slice %arg14[%dma_start3A_141, %dma_start3A_142] : memref<10000x64xf32, #tpu.memory_space<vmem_shared>> -> memref<10000x64xf32, #tpu.memory_space<vmem_shared>>
        tpu.enqueue_indirect_dma source(%arg10 : memref<80x64xf32, #tpu.memory_space<vmem>>) target(%dma_start3A_143 : memref<10000x64xf32, #tpu.memory_space<vmem_shared>>) offsets(%dma_start3A_140 : memref<80xi32, #tpu.memory_space<vmem>>) semaphore(%run_scoped3A : memref<!tpu.dma_semaphore, #tpu.memory_space<semaphore_mem>>) {add = true}
        %dma_wait3A_144 = arith.constant 0 : i32
        %dma_wait3A_145 = tpu.memref_slice %arg8[%add3A_65, %dma_wait3A_144] : memref<125x80xi32, #tpu.memory_space<vmem>> -> memref<1x80xi32, #tpu.memory_space<vmem>>
        %dma_wait3A_146 = tpu.memref_squeeze %dma_wait3A_145 : memref<1x80xi32, #tpu.memory_space<vmem>> -> memref<80xi32, #tpu.memory_space<vmem>>
        %dma_wait3A_147 = arith.constant 0 : i32
        %dma_wait3A_148 = arith.constant 0 : i32
        %dma_wait3A_149 = tpu.memref_slice %arg14[%dma_wait3A_147, %dma_wait3A_148] : memref<10000x64xf32, #tpu.memory_space<vmem_shared>> -> memref<10000x64xf32, #tpu.memory_space<vmem_shared>>
        tpu.wait_indirect_dma semaphore(%run_scoped3A : memref<!tpu.dma_semaphore, #tpu.memory_space<semaphore_mem>>) src(%arg10 : memref<80x64xf32, #tpu.memory_space<vmem>>) dst(%dma_wait3A_149 : memref<10000x64xf32, #tpu.memory_space<vmem_shared>>)
        tpu.yield
      }) : () -> ()
      %mul3A_81 = arith.constant 5 : i32
      %mul3A_82 = arith.muli %scan3A_45, %mul3A_81 : i32
      %add3A_83 = arith.constant 2 : i32
      %add3A_84 = arith.addi %mul3A_82, %add3A_83 : i32
      %dma_wait3A_85 = arith.constant 0 : i32
      %dma_wait3A_86 = tpu.memref_slice %arg7[%add3A_84, %dma_wait3A_85] : memref<125x80xi32, #tpu.memory_space<vmem>> -> memref<1x80xi32, #tpu.memory_space<vmem>>
      %dma_wait3A_87 = tpu.memref_squeeze %dma_wait3A_86 : memref<1x80xi32, #tpu.memory_space<vmem>> -> memref<80xi32, #tpu.memory_space<vmem>>
      %dma_wait3A_88 = arith.constant 0 : i32
      %dma_wait3A_89 = arith.constant 0 : i32
      %dma_wait3A_90 = tpu.memref_slice %arg2[%dma_wait3A_88, %dma_wait3A_89] : memref<10000x64xf32, #tpu.memory_space<hbm>> -> memref<10000x64xf32, #tpu.memory_space<hbm>>
      tpu.wait_indirect_dma semaphore(%arg17 : memref<!tpu.dma_semaphore, #tpu.memory_space<semaphore_mem>>) src(%dma_wait3A_90 : memref<10000x64xf32, #tpu.memory_space<hbm>>) dst(%arg11 : memref<80x64xf32, #tpu.memory_space<vmem>>)
      %add3A_91 = arith.constant 5 : i32
      %add3A_92 = arith.addi %add3A_84, %add3A_91 : i32
      %sub3A_93 = arith.constant 1 : i32
      %sub3A_94 = arith.subi %add3A_92, %sub3A_93 : i32
      %lt3A_95 = arith.constant 125 : i32
      %lt3A_96 = arith.cmpi slt, %sub3A_94, %lt3A_95 : i32
      %convert_element_type3A_97 = arith.extui %lt3A_96 : i1 to i32
      %cond3A_98 = arith.constant 0 : i32
      %cond3A_99 = arith.cmpi ne, %convert_element_type3A_97, %cond3A_98 : i32
      scf.if %cond3A_99 {
        %dma_start3A_138 = arith.constant 0 : i32
        %dma_start3A_139 = tpu.memref_slice %arg7[%sub3A_94, %dma_start3A_138] : memref<125x80xi32, #tpu.memory_space<vmem>> -> memref<1x80xi32, #tpu.memory_space<vmem>>
        %dma_start3A_140 = tpu.memref_squeeze %dma_start3A_139 : memref<1x80xi32, #tpu.memory_space<vmem>> -> memref<80xi32, #tpu.memory_space<vmem>>
        %dma_start3A_141 = arith.constant 0 : i32
        %dma_start3A_142 = arith.constant 0 : i32
        %dma_start3A_143 = tpu.memref_slice %arg2[%dma_start3A_141, %dma_start3A_142] : memref<10000x64xf32, #tpu.memory_space<hbm>> -> memref<10000x64xf32, #tpu.memory_space<hbm>>
        tpu.enqueue_indirect_dma source(%dma_start3A_143 : memref<10000x64xf32, #tpu.memory_space<hbm>>) target(%arg10 : memref<80x64xf32, #tpu.memory_space<vmem>>) offsets(%dma_start3A_140 : memref<80xi32, #tpu.memory_space<vmem>>) semaphore(%arg16 : memref<!tpu.dma_semaphore, #tpu.memory_space<semaphore_mem>>)
      } else {
      }
      "tpu.region"() ({
        %run_scoped3A = tpu.sem_alloc : memref<!tpu.dma_semaphore, #tpu.memory_space<semaphore_mem>>
        %dma_start3A_138 = arith.constant 0 : i32
        %dma_start3A_139 = tpu.memref_slice %arg8[%add3A_84, %dma_start3A_138] : memref<125x80xi32, #tpu.memory_space<vmem>> -> memref<1x80xi32, #tpu.memory_space<vmem>>
        %dma_start3A_140 = tpu.memref_squeeze %dma_start3A_139 : memref<1x80xi32, #tpu.memory_space<vmem>> -> memref<80xi32, #tpu.memory_space<vmem>>
        %dma_start3A_141 = arith.constant 0 : i32
        %dma_start3A_142 = arith.constant 0 : i32
        %dma_start3A_143 = tpu.memref_slice %arg14[%dma_start3A_141, %dma_start3A_142] : memref<10000x64xf32, #tpu.memory_space<vmem_shared>> -> memref<10000x64xf32, #tpu.memory_space<vmem_shared>>
        tpu.enqueue_indirect_dma source(%arg11 : memref<80x64xf32, #tpu.memory_space<vmem>>) target(%dma_start3A_143 : memref<10000x64xf32, #tpu.memory_space<vmem_shared>>) offsets(%dma_start3A_140 : memref<80xi32, #tpu.memory_space<vmem>>) semaphore(%run_scoped3A : memref<!tpu.dma_semaphore, #tpu.memory_space<semaphore_mem>>) {add = true}
        %dma_wait3A_144 = arith.constant 0 : i32
        %dma_wait3A_145 = tpu.memref_slice %arg8[%add3A_84, %dma_wait3A_144] : memref<125x80xi32, #tpu.memory_space<vmem>> -> memref<1x80xi32, #tpu.memory_space<vmem>>
        %dma_wait3A_146 = tpu.memref_squeeze %dma_wait3A_145 : memref<1x80xi32, #tpu.memory_space<vmem>> -> memref<80xi32, #tpu.memory_space<vmem>>
        %dma_wait3A_147 = arith.constant 0 : i32
        %dma_wait3A_148 = arith.constant 0 : i32
        %dma_wait3A_149 = tpu.memref_slice %arg14[%dma_wait3A_147, %dma_wait3A_148] : memref<10000x64xf32, #tpu.memory_space<vmem_shared>> -> memref<10000x64xf32, #tpu.memory_space<vmem_shared>>
        tpu.wait_indirect_dma semaphore(%run_scoped3A : memref<!tpu.dma_semaphore, #tpu.memory_space<semaphore_mem>>) src(%arg11 : memref<80x64xf32, #tpu.memory_space<vmem>>) dst(%dma_wait3A_149 : memref<10000x64xf32, #tpu.memory_space<vmem_shared>>)
        tpu.yield
      }) : () -> ()
      %mul3A_100 = arith.constant 5 : i32
      %mul3A_101 = arith.muli %scan3A_45, %mul3A_100 : i32
      %add3A_102 = arith.constant 3 : i32
      %add3A_103 = arith.addi %mul3A_101, %add3A_102 : i32
      %dma_wait3A_104 = arith.constant 0 : i32
      %dma_wait3A_105 = tpu.memref_slice %arg7[%add3A_103, %dma_wait3A_104] : memref<125x80xi32, #tpu.memory_space<vmem>> -> memref<1x80xi32, #tpu.memory_space<vmem>>
      %dma_wait3A_106 = tpu.memref_squeeze %dma_wait3A_105 : memref<1x80xi32, #tpu.memory_space<vmem>> -> memref<80xi32, #tpu.memory_space<vmem>>
      %dma_wait3A_107 = arith.constant 0 : i32
      %dma_wait3A_108 = arith.constant 0 : i32
      %dma_wait3A_109 = tpu.memref_slice %arg2[%dma_wait3A_107, %dma_wait3A_108] : memref<10000x64xf32, #tpu.memory_space<hbm>> -> memref<10000x64xf32, #tpu.memory_space<hbm>>
      tpu.wait_indirect_dma semaphore(%arg18 : memref<!tpu.dma_semaphore, #tpu.memory_space<semaphore_mem>>) src(%dma_wait3A_109 : memref<10000x64xf32, #tpu.memory_space<hbm>>) dst(%arg12 : memref<80x64xf32, #tpu.memory_space<vmem>>)
      %add3A_110 = arith.constant 5 : i32
      %add3A_111 = arith.addi %add3A_103, %add3A_110 : i32
      %sub3A_112 = arith.constant 1 : i32
      %sub3A_113 = arith.subi %add3A_111, %sub3A_112 : i32
      %lt3A_114 = arith.constant 125 : i32
      %lt3A_115 = arith.cmpi slt, %sub3A_113, %lt3A_114 : i32
      %convert_element_type3A_116 = arith.extui %lt3A_115 : i1 to i32
      %cond3A_117 = arith.constant 0 : i32
      %cond3A_118 = arith.cmpi ne, %convert_element_type3A_116, %cond3A_117 : i32
      scf.if %cond3A_118 {
        %dma_start3A_138 = arith.constant 0 : i32
        %dma_start3A_139 = tpu.memref_slice %arg7[%sub3A_113, %dma_start3A_138] : memref<125x80xi32, #tpu.memory_space<vmem>> -> memref<1x80xi32, #tpu.memory_space<vmem>>
        %dma_start3A_140 = tpu.memref_squeeze %dma_start3A_139 : memref<1x80xi32, #tpu.memory_space<vmem>> -> memref<80xi32, #tpu.memory_space<vmem>>
        %dma_start3A_141 = arith.constant 0 : i32
        %dma_start3A_142 = arith.constant 0 : i32
        %dma_start3A_143 = tpu.memref_slice %arg2[%dma_start3A_141, %dma_start3A_142] : memref<10000x64xf32, #tpu.memory_space<hbm>> -> memref<10000x64xf32, #tpu.memory_space<hbm>>
        tpu.enqueue_indirect_dma source(%dma_start3A_143 : memref<10000x64xf32, #tpu.memory_space<hbm>>) target(%arg11 : memref<80x64xf32, #tpu.memory_space<vmem>>) offsets(%dma_start3A_140 : memref<80xi32, #tpu.memory_space<vmem>>) semaphore(%arg17 : memref<!tpu.dma_semaphore, #tpu.memory_space<semaphore_mem>>)
      } else {
      }
      "tpu.region"() ({
        %run_scoped3A = tpu.sem_alloc : memref<!tpu.dma_semaphore, #tpu.memory_space<semaphore_mem>>
        %dma_start3A_138 = arith.constant 0 : i32
        %dma_start3A_139 = tpu.memref_slice %arg8[%add3A_103, %dma_start3A_138] : memref<125x80xi32, #tpu.memory_space<vmem>> -> memref<1x80xi32, #tpu.memory_space<vmem>>
        %dma_start3A_140 = tpu.memref_squeeze %dma_start3A_139 : memref<1x80xi32, #tpu.memory_space<vmem>> -> memref<80xi32, #tpu.memory_space<vmem>>
        %dma_start3A_141 = arith.constant 0 : i32
        %dma_start3A_142 = arith.constant 0 : i32
        %dma_start3A_143 = tpu.memref_slice %arg14[%dma_start3A_141, %dma_start3A_142] : memref<10000x64xf32, #tpu.memory_space<vmem_shared>> -> memref<10000x64xf32, #tpu.memory_space<vmem_shared>>
        tpu.enqueue_indirect_dma source(%arg12 : memref<80x64xf32, #tpu.memory_space<vmem>>) target(%dma_start3A_143 : memref<10000x64xf32, #tpu.memory_space<vmem_shared>>) offsets(%dma_start3A_140 : memref<80xi32, #tpu.memory_space<vmem>>) semaphore(%run_scoped3A : memref<!tpu.dma_semaphore, #tpu.memory_space<semaphore_mem>>) {add = true}
        %dma_wait3A_144 = arith.constant 0 : i32
        %dma_wait3A_145 = tpu.memref_slice %arg8[%add3A_103, %dma_wait3A_144] : memref<125x80xi32, #tpu.memory_space<vmem>> -> memref<1x80xi32, #tpu.memory_space<vmem>>
        %dma_wait3A_146 = tpu.memref_squeeze %dma_wait3A_145 : memref<1x80xi32, #tpu.memory_space<vmem>> -> memref<80xi32, #tpu.memory_space<vmem>>
        %dma_wait3A_147 = arith.constant 0 : i32
        %dma_wait3A_148 = arith.constant 0 : i32
        %dma_wait3A_149 = tpu.memref_slice %arg14[%dma_wait3A_147, %dma_wait3A_148] : memref<10000x64xf32, #tpu.memory_space<vmem_shared>> -> memref<10000x64xf32, #tpu.memory_space<vmem_shared>>
        tpu.wait_indirect_dma semaphore(%run_scoped3A : memref<!tpu.dma_semaphore, #tpu.memory_space<semaphore_mem>>) src(%arg12 : memref<80x64xf32, #tpu.memory_space<vmem>>) dst(%dma_wait3A_149 : memref<10000x64xf32, #tpu.memory_space<vmem_shared>>)
        tpu.yield
      }) : () -> ()
      %mul3A_119 = arith.constant 5 : i32
      %mul3A_120 = arith.muli %scan3A_45, %mul3A_119 : i32
      %add3A_121 = arith.constant 4 : i32
      %add3A_122 = arith.addi %mul3A_120, %add3A_121 : i32
      %dma_wait3A_123 = arith.constant 0 : i32
      %dma_wait3A_124 = tpu.memref_slice %arg7[%add3A_122, %dma_wait3A_123] : memref<125x80xi32, #tpu.memory_space<vmem>> -> memref<1x80xi32, #tpu.memory_space<vmem>>
      %dma_wait3A_125 = tpu.memref_squeeze %dma_wait3A_124 : memref<1x80xi32, #tpu.memory_space<vmem>> -> memref<80xi32, #tpu.memory_space<vmem>>
      %dma_wait3A_126 = arith.constant 0 : i32
      %dma_wait3A_127 = arith.constant 0 : i32
      %dma_wait3A_128 = tpu.memref_slice %arg2[%dma_wait3A_126, %dma_wait3A_127] : memref<10000x64xf32, #tpu.memory_space<hbm>> -> memref<10000x64xf32, #tpu.memory_space<hbm>>
      tpu.wait_indirect_dma semaphore(%arg19 : memref<!tpu.dma_semaphore, #tpu.memory_space<semaphore_mem>>) src(%dma_wait3A_128 : memref<10000x64xf32, #tpu.memory_space<hbm>>) dst(%arg13 : memref<80x64xf32, #tpu.memory_space<vmem>>)
      %add3A_129 = arith.constant 5 : i32
      %add3A_130 = arith.addi %add3A_122, %add3A_129 : i32
      %sub3A_131 = arith.constant 1 : i32
      %sub3A_132 = arith.subi %add3A_130, %sub3A_131 : i32
      %lt3A_133 = arith.constant 125 : i32
      %lt3A_134 = arith.cmpi slt, %sub3A_132, %lt3A_133 : i32
      %convert_element_type3A_135 = arith.extui %lt3A_134 : i1 to i32
      %cond3A_136 = arith.constant 0 : i32
      %cond3A_137 = arith.cmpi ne, %convert_element_type3A_135, %cond3A_136 : i32
      scf.if %cond3A_137 {
        %dma_start3A_138 = arith.constant 0 : i32
        %dma_start3A_139 = tpu.memref_slice %arg7[%sub3A_132, %dma_start3A_138] : memref<125x80xi32, #tpu.memory_space<vmem>> -> memref<1x80xi32, #tpu.memory_space<vmem>>
        %dma_start3A_140 = tpu.memref_squeeze %dma_start3A_139 : memref<1x80xi32, #tpu.memory_space<vmem>> -> memref<80xi32, #tpu.memory_space<vmem>>
        %dma_start3A_141 = arith.constant 0 : i32
        %dma_start3A_142 = arith.constant 0 : i32
        %dma_start3A_143 = tpu.memref_slice %arg2[%dma_start3A_141, %dma_start3A_142] : memref<10000x64xf32, #tpu.memory_space<hbm>> -> memref<10000x64xf32, #tpu.memory_space<hbm>>
        tpu.enqueue_indirect_dma source(%dma_start3A_143 : memref<10000x64xf32, #tpu.memory_space<hbm>>) target(%arg12 : memref<80x64xf32, #tpu.memory_space<vmem>>) offsets(%dma_start3A_140 : memref<80xi32, #tpu.memory_space<vmem>>) semaphore(%arg18 : memref<!tpu.dma_semaphore, #tpu.memory_space<semaphore_mem>>)
      } else {
      }
      "tpu.region"() ({
        %run_scoped3A = tpu.sem_alloc : memref<!tpu.dma_semaphore, #tpu.memory_space<semaphore_mem>>
        %dma_start3A_138 = arith.constant 0 : i32
        %dma_start3A_139 = tpu.memref_slice %arg8[%add3A_122, %dma_start3A_138] : memref<125x80xi32, #tpu.memory_space<vmem>> -> memref<1x80xi32, #tpu.memory_space<vmem>>
        %dma_start3A_140 = tpu.memref_squeeze %dma_start3A_139 : memref<1x80xi32, #tpu.memory_space<vmem>> -> memref<80xi32, #tpu.memory_space<vmem>>
        %dma_start3A_141 = arith.constant 0 : i32
        %dma_start3A_142 = arith.constant 0 : i32
        %dma_start3A_143 = tpu.memref_slice %arg14[%dma_start3A_141, %dma_start3A_142] : memref<10000x64xf32, #tpu.memory_space<vmem_shared>> -> memref<10000x64xf32, #tpu.memory_space<vmem_shared>>
        tpu.enqueue_indirect_dma source(%arg13 : memref<80x64xf32, #tpu.memory_space<vmem>>) target(%dma_start3A_143 : memref<10000x64xf32, #tpu.memory_space<vmem_shared>>) offsets(%dma_start3A_140 : memref<80xi32, #tpu.memory_space<vmem>>) semaphore(%run_scoped3A : memref<!tpu.dma_semaphore, #tpu.memory_space<semaphore_mem>>) {add = true}
        %dma_wait3A_144 = arith.constant 0 : i32
        %dma_wait3A_145 = tpu.memref_slice %arg8[%add3A_122, %dma_wait3A_144] : memref<125x80xi32, #tpu.memory_space<vmem>> -> memref<1x80xi32, #tpu.memory_space<vmem>>
        %dma_wait3A_146 = tpu.memref_squeeze %dma_wait3A_145 : memref<1x80xi32, #tpu.memory_space<vmem>> -> memref<80xi32, #tpu.memory_space<vmem>>
        %dma_wait3A_147 = arith.constant 0 : i32
        %dma_wait3A_148 = arith.constant 0 : i32
        %dma_wait3A_149 = tpu.memref_slice %arg14[%dma_wait3A_147, %dma_wait3A_148] : memref<10000x64xf32, #tpu.memory_space<vmem_shared>> -> memref<10000x64xf32, #tpu.memory_space<vmem_shared>>
        tpu.wait_indirect_dma semaphore(%run_scoped3A : memref<!tpu.dma_semaphore, #tpu.memory_space<semaphore_mem>>) src(%arg13 : memref<80x64xf32, #tpu.memory_space<vmem>>) dst(%dma_wait3A_149 : memref<10000x64xf32, #tpu.memory_space<vmem_shared>>)
        tpu.yield
      }) : () -> ()
    }
    %scan3A_39 = arith.constant 25 : i32
    %barrier3A_40 = arith.constant 0 : index
    tpu.barrier barrier_id(%barrier3A_40)
    %mul3A_41 = arith.constant 625 : i32
    %mul3A_42 = arith.muli %arg1, %mul3A_41 : i32
    %mul3A_43 = arith.constant 625 : i32
    %mul3A_44 = arith.muli %arg1, %mul3A_43 : i32
    "tpu.region"() ({
      %run_scoped3A = tpu.sem_alloc : memref<!tpu.dma_semaphore, #tpu.memory_space<semaphore_mem>>
      %dma_start3A_45 = arith.constant 0 : i32
      %dma_start3A_46 = tpu.memref_slice %arg6[%arg0, %mul3A_44, %dma_start3A_45] : memref<2x10000x64xf32, #tpu.memory_space<hbm>> -> memref<1x625x64xf32, #tpu.memory_space<hbm>>
      %dma_start3A_47 = tpu.memref_squeeze %dma_start3A_46 : memref<1x625x64xf32, #tpu.memory_space<hbm>> -> memref<625x64xf32, #tpu.memory_space<hbm>>
      %dma_start3A_48 = arith.constant 0 : i32
      %dma_start3A_49 = tpu.memref_slice %arg14[%mul3A_42, %dma_start3A_48] : memref<10000x64xf32, #tpu.memory_space<vmem_shared>> -> memref<625x64xf32, #tpu.memory_space<vmem_shared>>
      tpu.enqueue_dma source(%dma_start3A_49 : memref<625x64xf32, #tpu.memory_space<vmem_shared>>) target(%dma_start3A_47 : memref<625x64xf32, #tpu.memory_space<hbm>>) target_semaphore(%run_scoped3A : memref<!tpu.dma_semaphore, #tpu.memory_space<semaphore_mem>>)
      %dma_wait3A = arith.constant 0 : i32
      %dma_wait3A_50 = tpu.memref_slice %arg6[%arg0, %mul3A_44, %dma_wait3A] : memref<2x10000x64xf32, #tpu.memory_space<hbm>> -> memref<1x625x64xf32, #tpu.memory_space<hbm>>
      %dma_wait3A_51 = tpu.memref_squeeze %dma_wait3A_50 : memref<1x625x64xf32, #tpu.memory_space<hbm>> -> memref<625x64xf32, #tpu.memory_space<hbm>>
      %dma_wait3A_52 = arith.constant 0 : i32
      %dma_wait3A_53 = tpu.memref_slice %arg14[%mul3A_42, %dma_wait3A_52] : memref<10000x64xf32, #tpu.memory_space<vmem_shared>> -> memref<625x64xf32, #tpu.memory_space<vmem_shared>>
      tpu.wait_dma2 semaphore(%run_scoped3A : memref<!tpu.dma_semaphore, #tpu.memory_space<semaphore_mem>>) src(%dma_wait3A_53 : memref<625x64xf32, #tpu.memory_space<vmem_shared>>) dst(%dma_wait3A_51 : memref<625x64xf32, #tpu.memory_space<hbm>>)
      tpu.yield
    }) : () -> ()
    return
  }
}

#map = affine_map<(d0, d1) -> (0, 0)>
#map1 = affine_map<(d0, d1) -> (0, 0, 0)>
module attributes {stable_mosaic.version = 14 : i64} {
  func.func @_prop_body(%arg0: i32, %arg1: i32, %arg2: memref<10000x32xf32, #tpu.memory_space<hbm>>, %arg3: memref<32x125x80xi32, #tpu.memory_space<hbm>>, %arg4: memref<32x125x80xi32, #tpu.memory_space<hbm>>, %arg5: memref<625x32xf32, #tpu.memory_space<hbm>>, %arg6: memref<2x10000x32xf32, #tpu.memory_space<hbm>>, %arg7: memref<125x80xi32, #tpu.memory_space<vmem>>, %arg8: memref<125x80xi32, #tpu.memory_space<vmem>>, %arg9: memref<80x32xf32, #tpu.memory_space<vmem>>, %arg10: memref<80x32xf32, #tpu.memory_space<vmem>>, %arg11: memref<80x32xf32, #tpu.memory_space<vmem>>, %arg12: memref<80x32xf32, #tpu.memory_space<vmem>>, %arg13: memref<80x32xf32, #tpu.memory_space<vmem>>, %arg14: memref<80x32xf32, #tpu.memory_space<vmem>>, %arg15: memref<80x32xf32, #tpu.memory_space<vmem>>, %arg16: memref<80x32xf32, #tpu.memory_space<vmem>>, %arg17: memref<80x32xf32, #tpu.memory_space<vmem>>, %arg18: memref<80x32xf32, #tpu.memory_space<vmem>>, %arg19: memref<80x32xf32, #tpu.memory_space<vmem>>, %arg20: memref<80x32xf32, #tpu.memory_space<vmem>>, %arg21: memref<80x32xf32, #tpu.memory_space<vmem>>, %arg22: memref<80x32xf32, #tpu.memory_space<vmem>>, %arg23: memref<80x32xf32, #tpu.memory_space<vmem>>, %arg24: memref<80x32xf32, #tpu.memory_space<vmem>>, %arg25: memref<80x32xf32, #tpu.memory_space<vmem>>, %arg26: memref<80x32xf32, #tpu.memory_space<vmem>>, %arg27: memref<80x32xf32, #tpu.memory_space<vmem>>, %arg28: memref<80x32xf32, #tpu.memory_space<vmem>>, %arg29: memref<80x32xf32, #tpu.memory_space<vmem>>, %arg30: memref<80x32xf32, #tpu.memory_space<vmem>>, %arg31: memref<80x32xf32, #tpu.memory_space<vmem>>, %arg32: memref<80x32xf32, #tpu.memory_space<vmem>>, %arg33: memref<80x32xf32, #tpu.memory_space<vmem>>, %arg34: memref<10000x32xf32, #tpu.memory_space<vmem_shared>>, %arg35: memref<!tpu.dma_semaphore, #tpu.memory_space<semaphore_mem>>, %arg36: memref<!tpu.dma_semaphore, #tpu.memory_space<semaphore_mem>>, %arg37: memref<!tpu.dma_semaphore, #tpu.memory_space<semaphore_mem>>, %arg38: memref<!tpu.dma_semaphore, #tpu.memory_space<semaphore_mem>>, %arg39: memref<!tpu.dma_semaphore, #tpu.memory_space<semaphore_mem>>, %arg40: memref<!tpu.dma_semaphore, #tpu.memory_space<semaphore_mem>>, %arg41: memref<!tpu.dma_semaphore, #tpu.memory_space<semaphore_mem>>, %arg42: memref<!tpu.dma_semaphore, #tpu.memory_space<semaphore_mem>>, %arg43: memref<!tpu.dma_semaphore, #tpu.memory_space<semaphore_mem>>, %arg44: memref<!tpu.dma_semaphore, #tpu.memory_space<semaphore_mem>>, %arg45: memref<!tpu.dma_semaphore, #tpu.memory_space<semaphore_mem>>, %arg46: memref<!tpu.dma_semaphore, #tpu.memory_space<semaphore_mem>>, %arg47: memref<!tpu.dma_semaphore, #tpu.memory_space<semaphore_mem>>, %arg48: memref<!tpu.dma_semaphore, #tpu.memory_space<semaphore_mem>>, %arg49: memref<!tpu.dma_semaphore, #tpu.memory_space<semaphore_mem>>, %arg50: memref<!tpu.dma_semaphore, #tpu.memory_space<semaphore_mem>>, %arg51: memref<!tpu.dma_semaphore, #tpu.memory_space<semaphore_mem>>, %arg52: memref<!tpu.dma_semaphore, #tpu.memory_space<semaphore_mem>>, %arg53: memref<!tpu.dma_semaphore, #tpu.memory_space<semaphore_mem>>, %arg54: memref<!tpu.dma_semaphore, #tpu.memory_space<semaphore_mem>>, %arg55: memref<!tpu.dma_semaphore, #tpu.memory_space<semaphore_mem>>, %arg56: memref<!tpu.dma_semaphore, #tpu.memory_space<semaphore_mem>>, %arg57: memref<!tpu.dma_semaphore, #tpu.memory_space<semaphore_mem>>, %arg58: memref<!tpu.dma_semaphore, #tpu.memory_space<semaphore_mem>>, %arg59: memref<!tpu.dma_semaphore, #tpu.memory_space<semaphore_mem>>) attributes {dimension_semantics = [#tpu.dimension_semantics<core_parallel>, #tpu.dimension_semantics<subcore_parallel>], iteration_bounds = array<i64: 2, 16>, scalar_prefetch = 0 : i64, scratch_operands = 53 : i64, tpu.core_type = #tpu.core_type<sc_vector_subcore>, window_params = [{transform_indices = #map}, {transform_indices = #map1}, {transform_indices = #map1}, {transform_indices = #map}, {transform_indices = #map1}]} {
    %mul3A = arith.constant 2 : i32
    %mul3A_0 = arith.muli %arg1, %mul3A : i32
    %add3A = arith.addi %mul3A_0, %arg0 : i32
    %eq3A = arith.constant 0 : i32
    %eq3A_1 = arith.cmpi eq, %arg0, %eq3A : i32
    %convert_element_type3A = arith.extui %eq3A_1 : i1 to i32
    %cond3A = arith.constant 0 : i32
    %cond3A_2 = arith.cmpi ne, %convert_element_type3A, %cond3A : i32
    scf.if %cond3A_2 {
      %mul3A_185 = arith.constant 625 : i32
      %mul3A_186 = arith.muli %arg1, %mul3A_185 : i32
      %mul3A_187 = arith.constant 625 : i32
      %mul3A_188 = arith.muli %arg1, %mul3A_187 : i32
      "tpu.region"() ({
        %run_scoped3A = tpu.sem_alloc : memref<!tpu.dma_semaphore, #tpu.memory_space<semaphore_mem>>
        %dma_start3A_189 = arith.constant 0 : i32
        %dma_start3A_190 = tpu.memref_slice %arg34[%mul3A_188, %dma_start3A_189] : memref<10000x32xf32, #tpu.memory_space<vmem_shared>> -> memref<625x32xf32, #tpu.memory_space<vmem_shared>>
        %dma_start3A_191 = arith.constant 0 : i32
        %dma_start3A_192 = tpu.memref_slice %arg2[%mul3A_186, %dma_start3A_191] : memref<10000x32xf32, #tpu.memory_space<hbm>> -> memref<625x32xf32, #tpu.memory_space<hbm>>
        tpu.enqueue_dma source(%dma_start3A_192 : memref<625x32xf32, #tpu.memory_space<hbm>>) target(%dma_start3A_190 : memref<625x32xf32, #tpu.memory_space<vmem_shared>>) target_semaphore(%run_scoped3A : memref<!tpu.dma_semaphore, #tpu.memory_space<semaphore_mem>>)
        %dma_wait3A = arith.constant 0 : i32
        %dma_wait3A_193 = tpu.memref_slice %arg34[%mul3A_188, %dma_wait3A] : memref<10000x32xf32, #tpu.memory_space<vmem_shared>> -> memref<625x32xf32, #tpu.memory_space<vmem_shared>>
        %dma_wait3A_194 = arith.constant 0 : i32
        %dma_wait3A_195 = tpu.memref_slice %arg2[%mul3A_186, %dma_wait3A_194] : memref<10000x32xf32, #tpu.memory_space<hbm>> -> memref<625x32xf32, #tpu.memory_space<hbm>>
        tpu.wait_dma2 semaphore(%run_scoped3A : memref<!tpu.dma_semaphore, #tpu.memory_space<semaphore_mem>>) src(%dma_wait3A_195 : memref<625x32xf32, #tpu.memory_space<hbm>>) dst(%dma_wait3A_193 : memref<625x32xf32, #tpu.memory_space<vmem_shared>>)
        tpu.yield
      }) : () -> ()
    } else {
    }
    %eq3A_3 = arith.constant 1 : i32
    %eq3A_4 = arith.cmpi eq, %arg0, %eq3A_3 : i32
    %convert_element_type3A_5 = arith.extui %eq3A_4 : i1 to i32
    %cond3A_6 = arith.constant 0 : i32
    %cond3A_7 = arith.cmpi ne, %convert_element_type3A_5, %cond3A_6 : i32
    scf.if %cond3A_7 {
      %mul3A_185 = arith.constant 625 : i32
      %mul3A_186 = arith.muli %arg1, %mul3A_185 : i32
      "tpu.region"() ({
        %run_scoped3A = tpu.sem_alloc : memref<!tpu.dma_semaphore, #tpu.memory_space<semaphore_mem>>
        %dma_start3A_187 = arith.constant 0 : i32
        %dma_start3A_188 = tpu.memref_slice %arg34[%mul3A_186, %dma_start3A_187] : memref<10000x32xf32, #tpu.memory_space<vmem_shared>> -> memref<625x32xf32, #tpu.memory_space<vmem_shared>>
        tpu.enqueue_dma source(%arg5 : memref<625x32xf32, #tpu.memory_space<hbm>>) target(%dma_start3A_188 : memref<625x32xf32, #tpu.memory_space<vmem_shared>>) target_semaphore(%run_scoped3A : memref<!tpu.dma_semaphore, #tpu.memory_space<semaphore_mem>>)
        %dma_wait3A = arith.constant 0 : i32
        %dma_wait3A_189 = tpu.memref_slice %arg34[%mul3A_186, %dma_wait3A] : memref<10000x32xf32, #tpu.memory_space<vmem_shared>> -> memref<625x32xf32, #tpu.memory_space<vmem_shared>>
        tpu.wait_dma2 semaphore(%run_scoped3A : memref<!tpu.dma_semaphore, #tpu.memory_space<semaphore_mem>>) src(%arg5 : memref<625x32xf32, #tpu.memory_space<hbm>>) dst(%dma_wait3A_189 : memref<625x32xf32, #tpu.memory_space<vmem_shared>>)
        tpu.yield
      }) : () -> ()
    } else {
    }
    "tpu.region"() ({
      %run_scoped3A = tpu.sem_alloc : memref<!tpu.dma_semaphore, #tpu.memory_space<semaphore_mem>>
      %dma_start3A_185 = arith.constant 0 : i32
      %dma_start3A_186 = arith.constant 0 : i32
      %dma_start3A_187 = tpu.memref_slice %arg3[%add3A, %dma_start3A_185, %dma_start3A_186] : memref<32x125x80xi32, #tpu.memory_space<hbm>> -> memref<1x125x80xi32, #tpu.memory_space<hbm>>
      %dma_start3A_188 = tpu.memref_squeeze %dma_start3A_187 : memref<1x125x80xi32, #tpu.memory_space<hbm>> -> memref<125x80xi32, #tpu.memory_space<hbm>>
      %dma_start3A_189 = arith.constant 0 : i32
      %dma_start3A_190 = arith.constant 0 : i32
      %dma_start3A_191 = tpu.memref_slice %arg3[%add3A, %dma_start3A_189, %dma_start3A_190] : memref<32x125x80xi32, #tpu.memory_space<hbm>> -> memref<1x125x80xi32, #tpu.memory_space<hbm>>
      %dma_start3A_192 = tpu.memref_squeeze %dma_start3A_191 : memref<1x125x80xi32, #tpu.memory_space<hbm>> -> memref<125x80xi32, #tpu.memory_space<hbm>>
      tpu.enqueue_dma source(%dma_start3A_192 : memref<125x80xi32, #tpu.memory_space<hbm>>) target(%arg7 : memref<125x80xi32, #tpu.memory_space<vmem>>) target_semaphore(%run_scoped3A : memref<!tpu.dma_semaphore, #tpu.memory_space<semaphore_mem>>)
      %dma_wait3A = arith.constant 0 : i32
      %dma_wait3A_193 = arith.constant 0 : i32
      %dma_wait3A_194 = tpu.memref_slice %arg3[%add3A, %dma_wait3A, %dma_wait3A_193] : memref<32x125x80xi32, #tpu.memory_space<hbm>> -> memref<1x125x80xi32, #tpu.memory_space<hbm>>
      %dma_wait3A_195 = tpu.memref_squeeze %dma_wait3A_194 : memref<1x125x80xi32, #tpu.memory_space<hbm>> -> memref<125x80xi32, #tpu.memory_space<hbm>>
      %dma_wait3A_196 = arith.constant 0 : i32
      %dma_wait3A_197 = arith.constant 0 : i32
      %dma_wait3A_198 = tpu.memref_slice %arg3[%add3A, %dma_wait3A_196, %dma_wait3A_197] : memref<32x125x80xi32, #tpu.memory_space<hbm>> -> memref<1x125x80xi32, #tpu.memory_space<hbm>>
      %dma_wait3A_199 = tpu.memref_squeeze %dma_wait3A_198 : memref<1x125x80xi32, #tpu.memory_space<hbm>> -> memref<125x80xi32, #tpu.memory_space<hbm>>
      tpu.wait_dma2 semaphore(%run_scoped3A : memref<!tpu.dma_semaphore, #tpu.memory_space<semaphore_mem>>) src(%dma_wait3A_199 : memref<125x80xi32, #tpu.memory_space<hbm>>) dst(%arg7 : memref<125x80xi32, #tpu.memory_space<vmem>>)
      tpu.yield
    }) : () -> ()
    "tpu.region"() ({
      %run_scoped3A = tpu.sem_alloc : memref<!tpu.dma_semaphore, #tpu.memory_space<semaphore_mem>>
      %dma_start3A_185 = arith.constant 0 : i32
      %dma_start3A_186 = arith.constant 0 : i32
      %dma_start3A_187 = tpu.memref_slice %arg4[%add3A, %dma_start3A_185, %dma_start3A_186] : memref<32x125x80xi32, #tpu.memory_space<hbm>> -> memref<1x125x80xi32, #tpu.memory_space<hbm>>
      %dma_start3A_188 = tpu.memref_squeeze %dma_start3A_187 : memref<1x125x80xi32, #tpu.memory_space<hbm>> -> memref<125x80xi32, #tpu.memory_space<hbm>>
      %dma_start3A_189 = arith.constant 0 : i32
      %dma_start3A_190 = arith.constant 0 : i32
      %dma_start3A_191 = tpu.memref_slice %arg4[%add3A, %dma_start3A_189, %dma_start3A_190] : memref<32x125x80xi32, #tpu.memory_space<hbm>> -> memref<1x125x80xi32, #tpu.memory_space<hbm>>
      %dma_start3A_192 = tpu.memref_squeeze %dma_start3A_191 : memref<1x125x80xi32, #tpu.memory_space<hbm>> -> memref<125x80xi32, #tpu.memory_space<hbm>>
      tpu.enqueue_dma source(%dma_start3A_192 : memref<125x80xi32, #tpu.memory_space<hbm>>) target(%arg8 : memref<125x80xi32, #tpu.memory_space<vmem>>) target_semaphore(%run_scoped3A : memref<!tpu.dma_semaphore, #tpu.memory_space<semaphore_mem>>)
      %dma_wait3A = arith.constant 0 : i32
      %dma_wait3A_193 = arith.constant 0 : i32
      %dma_wait3A_194 = tpu.memref_slice %arg4[%add3A, %dma_wait3A, %dma_wait3A_193] : memref<32x125x80xi32, #tpu.memory_space<hbm>> -> memref<1x125x80xi32, #tpu.memory_space<hbm>>
      %dma_wait3A_195 = tpu.memref_squeeze %dma_wait3A_194 : memref<1x125x80xi32, #tpu.memory_space<hbm>> -> memref<125x80xi32, #tpu.memory_space<hbm>>
      %dma_wait3A_196 = arith.constant 0 : i32
      %dma_wait3A_197 = arith.constant 0 : i32
      %dma_wait3A_198 = tpu.memref_slice %arg4[%add3A, %dma_wait3A_196, %dma_wait3A_197] : memref<32x125x80xi32, #tpu.memory_space<hbm>> -> memref<1x125x80xi32, #tpu.memory_space<hbm>>
      %dma_wait3A_199 = tpu.memref_squeeze %dma_wait3A_198 : memref<1x125x80xi32, #tpu.memory_space<hbm>> -> memref<125x80xi32, #tpu.memory_space<hbm>>
      tpu.wait_dma2 semaphore(%run_scoped3A : memref<!tpu.dma_semaphore, #tpu.memory_space<semaphore_mem>>) src(%dma_wait3A_199 : memref<125x80xi32, #tpu.memory_space<hbm>>) dst(%arg8 : memref<125x80xi32, #tpu.memory_space<vmem>>)
      tpu.yield
    }) : () -> ()
    %barrier3A = arith.constant 0 : index
    tpu.barrier barrier_id(%barrier3A)
    %dma_start3A = arith.constant 0 : i32
    %dma_start3A_8 = arith.constant 0 : i32
    %dma_start3A_9 = tpu.memref_slice %arg7[%dma_start3A, %dma_start3A_8] : memref<125x80xi32, #tpu.memory_space<vmem>> -> memref<1x80xi32, #tpu.memory_space<vmem>>
    %dma_start3A_10 = tpu.memref_squeeze %dma_start3A_9 : memref<1x80xi32, #tpu.memory_space<vmem>> -> memref<80xi32, #tpu.memory_space<vmem>>
    %dma_start3A_11 = arith.constant 0 : i32
    %dma_start3A_12 = arith.constant 0 : i32
    %dma_start3A_13 = tpu.memref_slice %arg2[%dma_start3A_11, %dma_start3A_12] : memref<10000x32xf32, #tpu.memory_space<hbm>> -> memref<10000x32xf32, #tpu.memory_space<hbm>>
    tpu.enqueue_indirect_dma source(%dma_start3A_13 : memref<10000x32xf32, #tpu.memory_space<hbm>>) target(%arg9 : memref<80x32xf32, #tpu.memory_space<vmem>>) offsets(%dma_start3A_10 : memref<80xi32, #tpu.memory_space<vmem>>) semaphore(%arg35 : memref<!tpu.dma_semaphore, #tpu.memory_space<semaphore_mem>>)
    %dma_start3A_14 = arith.constant 1 : i32
    %dma_start3A_15 = arith.constant 0 : i32
    %dma_start3A_16 = tpu.memref_slice %arg7[%dma_start3A_14, %dma_start3A_15] : memref<125x80xi32, #tpu.memory_space<vmem>> -> memref<1x80xi32, #tpu.memory_space<vmem>>
    %dma_start3A_17 = tpu.memref_squeeze %dma_start3A_16 : memref<1x80xi32, #tpu.memory_space<vmem>> -> memref<80xi32, #tpu.memory_space<vmem>>
    %dma_start3A_18 = arith.constant 0 : i32
    %dma_start3A_19 = arith.constant 0 : i32
    %dma_start3A_20 = tpu.memref_slice %arg2[%dma_start3A_18, %dma_start3A_19] : memref<10000x32xf32, #tpu.memory_space<hbm>> -> memref<10000x32xf32, #tpu.memory_space<hbm>>
    tpu.enqueue_indirect_dma source(%dma_start3A_20 : memref<10000x32xf32, #tpu.memory_space<hbm>>) target(%arg10 : memref<80x32xf32, #tpu.memory_space<vmem>>) offsets(%dma_start3A_17 : memref<80xi32, #tpu.memory_space<vmem>>) semaphore(%arg36 : memref<!tpu.dma_semaphore, #tpu.memory_space<semaphore_mem>>)
    %dma_start3A_21 = arith.constant 2 : i32
    %dma_start3A_22 = arith.constant 0 : i32
    %dma_start3A_23 = tpu.memref_slice %arg7[%dma_start3A_21, %dma_start3A_22] : memref<125x80xi32, #tpu.memory_space<vmem>> -> memref<1x80xi32, #tpu.memory_space<vmem>>
    %dma_start3A_24 = tpu.memref_squeeze %dma_start3A_23 : memref<1x80xi32, #tpu.memory_space<vmem>> -> memref<80xi32, #tpu.memory_space<vmem>>
    %dma_start3A_25 = arith.constant 0 : i32
    %dma_start3A_26 = arith.constant 0 : i32
    %dma_start3A_27 = tpu.memref_slice %arg2[%dma_start3A_25, %dma_start3A_26] : memref<10000x32xf32, #tpu.memory_space<hbm>> -> memref<10000x32xf32, #tpu.memory_space<hbm>>
    tpu.enqueue_indirect_dma source(%dma_start3A_27 : memref<10000x32xf32, #tpu.memory_space<hbm>>) target(%arg11 : memref<80x32xf32, #tpu.memory_space<vmem>>) offsets(%dma_start3A_24 : memref<80xi32, #tpu.memory_space<vmem>>) semaphore(%arg37 : memref<!tpu.dma_semaphore, #tpu.memory_space<semaphore_mem>>)
    %dma_start3A_28 = arith.constant 3 : i32
    %dma_start3A_29 = arith.constant 0 : i32
    %dma_start3A_30 = tpu.memref_slice %arg7[%dma_start3A_28, %dma_start3A_29] : memref<125x80xi32, #tpu.memory_space<vmem>> -> memref<1x80xi32, #tpu.memory_space<vmem>>
    %dma_start3A_31 = tpu.memref_squeeze %dma_start3A_30 : memref<1x80xi32, #tpu.memory_space<vmem>> -> memref<80xi32, #tpu.memory_space<vmem>>
    %dma_start3A_32 = arith.constant 0 : i32
    %dma_start3A_33 = arith.constant 0 : i32
    %dma_start3A_34 = tpu.memref_slice %arg2[%dma_start3A_32, %dma_start3A_33] : memref<10000x32xf32, #tpu.memory_space<hbm>> -> memref<10000x32xf32, #tpu.memory_space<hbm>>
    tpu.enqueue_indirect_dma source(%dma_start3A_34 : memref<10000x32xf32, #tpu.memory_space<hbm>>) target(%arg12 : memref<80x32xf32, #tpu.memory_space<vmem>>) offsets(%dma_start3A_31 : memref<80xi32, #tpu.memory_space<vmem>>) semaphore(%arg38 : memref<!tpu.dma_semaphore, #tpu.memory_space<semaphore_mem>>)
    %dma_start3A_35 = arith.constant 4 : i32
    %dma_start3A_36 = arith.constant 0 : i32
    %dma_start3A_37 = tpu.memref_slice %arg7[%dma_start3A_35, %dma_start3A_36] : memref<125x80xi32, #tpu.memory_space<vmem>> -> memref<1x80xi32, #tpu.memory_space<vmem>>
    %dma_start3A_38 = tpu.memref_squeeze %dma_start3A_37 : memref<1x80xi32, #tpu.memory_space<vmem>> -> memref<80xi32, #tpu.memory_space<vmem>>
    %dma_start3A_39 = arith.constant 0 : i32
    %dma_start3A_40 = arith.constant 0 : i32
    %dma_start3A_41 = tpu.memref_slice %arg2[%dma_start3A_39, %dma_start3A_40] : memref<10000x32xf32, #tpu.memory_space<hbm>> -> memref<10000x32xf32, #tpu.memory_space<hbm>>
    tpu.enqueue_indirect_dma source(%dma_start3A_41 : memref<10000x32xf32, #tpu.memory_space<hbm>>) target(%arg13 : memref<80x32xf32, #tpu.memory_space<vmem>>) offsets(%dma_start3A_38 : memref<80xi32, #tpu.memory_space<vmem>>) semaphore(%arg39 : memref<!tpu.dma_semaphore, #tpu.memory_space<semaphore_mem>>)
    %dma_start3A_42 = arith.constant 5 : i32
    %dma_start3A_43 = arith.constant 0 : i32
    %dma_start3A_44 = tpu.memref_slice %arg7[%dma_start3A_42, %dma_start3A_43] : memref<125x80xi32, #tpu.memory_space<vmem>> -> memref<1x80xi32, #tpu.memory_space<vmem>>
    %dma_start3A_45 = tpu.memref_squeeze %dma_start3A_44 : memref<1x80xi32, #tpu.memory_space<vmem>> -> memref<80xi32, #tpu.memory_space<vmem>>
    %dma_start3A_46 = arith.constant 0 : i32
    %dma_start3A_47 = arith.constant 0 : i32
    %dma_start3A_48 = tpu.memref_slice %arg2[%dma_start3A_46, %dma_start3A_47] : memref<10000x32xf32, #tpu.memory_space<hbm>> -> memref<10000x32xf32, #tpu.memory_space<hbm>>
    tpu.enqueue_indirect_dma source(%dma_start3A_48 : memref<10000x32xf32, #tpu.memory_space<hbm>>) target(%arg14 : memref<80x32xf32, #tpu.memory_space<vmem>>) offsets(%dma_start3A_45 : memref<80xi32, #tpu.memory_space<vmem>>) semaphore(%arg40 : memref<!tpu.dma_semaphore, #tpu.memory_space<semaphore_mem>>)
    %dma_start3A_49 = arith.constant 6 : i32
    %dma_start3A_50 = arith.constant 0 : i32
    %dma_start3A_51 = tpu.memref_slice %arg7[%dma_start3A_49, %dma_start3A_50] : memref<125x80xi32, #tpu.memory_space<vmem>> -> memref<1x80xi32, #tpu.memory_space<vmem>>
    %dma_start3A_52 = tpu.memref_squeeze %dma_start3A_51 : memref<1x80xi32, #tpu.memory_space<vmem>> -> memref<80xi32, #tpu.memory_space<vmem>>
    %dma_start3A_53 = arith.constant 0 : i32
    %dma_start3A_54 = arith.constant 0 : i32
    %dma_start3A_55 = tpu.memref_slice %arg2[%dma_start3A_53, %dma_start3A_54] : memref<10000x32xf32, #tpu.memory_space<hbm>> -> memref<10000x32xf32, #tpu.memory_space<hbm>>
    tpu.enqueue_indirect_dma source(%dma_start3A_55 : memref<10000x32xf32, #tpu.memory_space<hbm>>) target(%arg15 : memref<80x32xf32, #tpu.memory_space<vmem>>) offsets(%dma_start3A_52 : memref<80xi32, #tpu.memory_space<vmem>>) semaphore(%arg41 : memref<!tpu.dma_semaphore, #tpu.memory_space<semaphore_mem>>)
    %dma_start3A_56 = arith.constant 7 : i32
    %dma_start3A_57 = arith.constant 0 : i32
    %dma_start3A_58 = tpu.memref_slice %arg7[%dma_start3A_56, %dma_start3A_57] : memref<125x80xi32, #tpu.memory_space<vmem>> -> memref<1x80xi32, #tpu.memory_space<vmem>>
    %dma_start3A_59 = tpu.memref_squeeze %dma_start3A_58 : memref<1x80xi32, #tpu.memory_space<vmem>> -> memref<80xi32, #tpu.memory_space<vmem>>
    %dma_start3A_60 = arith.constant 0 : i32
    %dma_start3A_61 = arith.constant 0 : i32
    %dma_start3A_62 = tpu.memref_slice %arg2[%dma_start3A_60, %dma_start3A_61] : memref<10000x32xf32, #tpu.memory_space<hbm>> -> memref<10000x32xf32, #tpu.memory_space<hbm>>
    tpu.enqueue_indirect_dma source(%dma_start3A_62 : memref<10000x32xf32, #tpu.memory_space<hbm>>) target(%arg16 : memref<80x32xf32, #tpu.memory_space<vmem>>) offsets(%dma_start3A_59 : memref<80xi32, #tpu.memory_space<vmem>>) semaphore(%arg42 : memref<!tpu.dma_semaphore, #tpu.memory_space<semaphore_mem>>)
    %dma_start3A_63 = arith.constant 8 : i32
    %dma_start3A_64 = arith.constant 0 : i32
    %dma_start3A_65 = tpu.memref_slice %arg7[%dma_start3A_63, %dma_start3A_64] : memref<125x80xi32, #tpu.memory_space<vmem>> -> memref<1x80xi32, #tpu.memory_space<vmem>>
    %dma_start3A_66 = tpu.memref_squeeze %dma_start3A_65 : memref<1x80xi32, #tpu.memory_space<vmem>> -> memref<80xi32, #tpu.memory_space<vmem>>
    %dma_start3A_67 = arith.constant 0 : i32
    %dma_start3A_68 = arith.constant 0 : i32
    %dma_start3A_69 = tpu.memref_slice %arg2[%dma_start3A_67, %dma_start3A_68] : memref<10000x32xf32, #tpu.memory_space<hbm>> -> memref<10000x32xf32, #tpu.memory_space<hbm>>
    tpu.enqueue_indirect_dma source(%dma_start3A_69 : memref<10000x32xf32, #tpu.memory_space<hbm>>) target(%arg17 : memref<80x32xf32, #tpu.memory_space<vmem>>) offsets(%dma_start3A_66 : memref<80xi32, #tpu.memory_space<vmem>>) semaphore(%arg43 : memref<!tpu.dma_semaphore, #tpu.memory_space<semaphore_mem>>)
    %dma_start3A_70 = arith.constant 9 : i32
    %dma_start3A_71 = arith.constant 0 : i32
    %dma_start3A_72 = tpu.memref_slice %arg7[%dma_start3A_70, %dma_start3A_71] : memref<125x80xi32, #tpu.memory_space<vmem>> -> memref<1x80xi32, #tpu.memory_space<vmem>>
    %dma_start3A_73 = tpu.memref_squeeze %dma_start3A_72 : memref<1x80xi32, #tpu.memory_space<vmem>> -> memref<80xi32, #tpu.memory_space<vmem>>
    %dma_start3A_74 = arith.constant 0 : i32
    %dma_start3A_75 = arith.constant 0 : i32
    %dma_start3A_76 = tpu.memref_slice %arg2[%dma_start3A_74, %dma_start3A_75] : memref<10000x32xf32, #tpu.memory_space<hbm>> -> memref<10000x32xf32, #tpu.memory_space<hbm>>
    tpu.enqueue_indirect_dma source(%dma_start3A_76 : memref<10000x32xf32, #tpu.memory_space<hbm>>) target(%arg18 : memref<80x32xf32, #tpu.memory_space<vmem>>) offsets(%dma_start3A_73 : memref<80xi32, #tpu.memory_space<vmem>>) semaphore(%arg44 : memref<!tpu.dma_semaphore, #tpu.memory_space<semaphore_mem>>)
    %dma_start3A_77 = arith.constant 10 : i32
    %dma_start3A_78 = arith.constant 0 : i32
    %dma_start3A_79 = tpu.memref_slice %arg7[%dma_start3A_77, %dma_start3A_78] : memref<125x80xi32, #tpu.memory_space<vmem>> -> memref<1x80xi32, #tpu.memory_space<vmem>>
    %dma_start3A_80 = tpu.memref_squeeze %dma_start3A_79 : memref<1x80xi32, #tpu.memory_space<vmem>> -> memref<80xi32, #tpu.memory_space<vmem>>
    %dma_start3A_81 = arith.constant 0 : i32
    %dma_start3A_82 = arith.constant 0 : i32
    %dma_start3A_83 = tpu.memref_slice %arg2[%dma_start3A_81, %dma_start3A_82] : memref<10000x32xf32, #tpu.memory_space<hbm>> -> memref<10000x32xf32, #tpu.memory_space<hbm>>
    tpu.enqueue_indirect_dma source(%dma_start3A_83 : memref<10000x32xf32, #tpu.memory_space<hbm>>) target(%arg19 : memref<80x32xf32, #tpu.memory_space<vmem>>) offsets(%dma_start3A_80 : memref<80xi32, #tpu.memory_space<vmem>>) semaphore(%arg45 : memref<!tpu.dma_semaphore, #tpu.memory_space<semaphore_mem>>)
    %dma_start3A_84 = arith.constant 11 : i32
    %dma_start3A_85 = arith.constant 0 : i32
    %dma_start3A_86 = tpu.memref_slice %arg7[%dma_start3A_84, %dma_start3A_85] : memref<125x80xi32, #tpu.memory_space<vmem>> -> memref<1x80xi32, #tpu.memory_space<vmem>>
    %dma_start3A_87 = tpu.memref_squeeze %dma_start3A_86 : memref<1x80xi32, #tpu.memory_space<vmem>> -> memref<80xi32, #tpu.memory_space<vmem>>
    %dma_start3A_88 = arith.constant 0 : i32
    %dma_start3A_89 = arith.constant 0 : i32
    %dma_start3A_90 = tpu.memref_slice %arg2[%dma_start3A_88, %dma_start3A_89] : memref<10000x32xf32, #tpu.memory_space<hbm>> -> memref<10000x32xf32, #tpu.memory_space<hbm>>
    tpu.enqueue_indirect_dma source(%dma_start3A_90 : memref<10000x32xf32, #tpu.memory_space<hbm>>) target(%arg20 : memref<80x32xf32, #tpu.memory_space<vmem>>) offsets(%dma_start3A_87 : memref<80xi32, #tpu.memory_space<vmem>>) semaphore(%arg46 : memref<!tpu.dma_semaphore, #tpu.memory_space<semaphore_mem>>)
    %dma_start3A_91 = arith.constant 12 : i32
    %dma_start3A_92 = arith.constant 0 : i32
    %dma_start3A_93 = tpu.memref_slice %arg7[%dma_start3A_91, %dma_start3A_92] : memref<125x80xi32, #tpu.memory_space<vmem>> -> memref<1x80xi32, #tpu.memory_space<vmem>>
    %dma_start3A_94 = tpu.memref_squeeze %dma_start3A_93 : memref<1x80xi32, #tpu.memory_space<vmem>> -> memref<80xi32, #tpu.memory_space<vmem>>
    %dma_start3A_95 = arith.constant 0 : i32
    %dma_start3A_96 = arith.constant 0 : i32
    %dma_start3A_97 = tpu.memref_slice %arg2[%dma_start3A_95, %dma_start3A_96] : memref<10000x32xf32, #tpu.memory_space<hbm>> -> memref<10000x32xf32, #tpu.memory_space<hbm>>
    tpu.enqueue_indirect_dma source(%dma_start3A_97 : memref<10000x32xf32, #tpu.memory_space<hbm>>) target(%arg21 : memref<80x32xf32, #tpu.memory_space<vmem>>) offsets(%dma_start3A_94 : memref<80xi32, #tpu.memory_space<vmem>>) semaphore(%arg47 : memref<!tpu.dma_semaphore, #tpu.memory_space<semaphore_mem>>)
    %dma_start3A_98 = arith.constant 13 : i32
    %dma_start3A_99 = arith.constant 0 : i32
    %dma_start3A_100 = tpu.memref_slice %arg7[%dma_start3A_98, %dma_start3A_99] : memref<125x80xi32, #tpu.memory_space<vmem>> -> memref<1x80xi32, #tpu.memory_space<vmem>>
    %dma_start3A_101 = tpu.memref_squeeze %dma_start3A_100 : memref<1x80xi32, #tpu.memory_space<vmem>> -> memref<80xi32, #tpu.memory_space<vmem>>
    %dma_start3A_102 = arith.constant 0 : i32
    %dma_start3A_103 = arith.constant 0 : i32
    %dma_start3A_104 = tpu.memref_slice %arg2[%dma_start3A_102, %dma_start3A_103] : memref<10000x32xf32, #tpu.memory_space<hbm>> -> memref<10000x32xf32, #tpu.memory_space<hbm>>
    tpu.enqueue_indirect_dma source(%dma_start3A_104 : memref<10000x32xf32, #tpu.memory_space<hbm>>) target(%arg22 : memref<80x32xf32, #tpu.memory_space<vmem>>) offsets(%dma_start3A_101 : memref<80xi32, #tpu.memory_space<vmem>>) semaphore(%arg48 : memref<!tpu.dma_semaphore, #tpu.memory_space<semaphore_mem>>)
    %dma_start3A_105 = arith.constant 14 : i32
    %dma_start3A_106 = arith.constant 0 : i32
    %dma_start3A_107 = tpu.memref_slice %arg7[%dma_start3A_105, %dma_start3A_106] : memref<125x80xi32, #tpu.memory_space<vmem>> -> memref<1x80xi32, #tpu.memory_space<vmem>>
    %dma_start3A_108 = tpu.memref_squeeze %dma_start3A_107 : memref<1x80xi32, #tpu.memory_space<vmem>> -> memref<80xi32, #tpu.memory_space<vmem>>
    %dma_start3A_109 = arith.constant 0 : i32
    %dma_start3A_110 = arith.constant 0 : i32
    %dma_start3A_111 = tpu.memref_slice %arg2[%dma_start3A_109, %dma_start3A_110] : memref<10000x32xf32, #tpu.memory_space<hbm>> -> memref<10000x32xf32, #tpu.memory_space<hbm>>
    tpu.enqueue_indirect_dma source(%dma_start3A_111 : memref<10000x32xf32, #tpu.memory_space<hbm>>) target(%arg23 : memref<80x32xf32, #tpu.memory_space<vmem>>) offsets(%dma_start3A_108 : memref<80xi32, #tpu.memory_space<vmem>>) semaphore(%arg49 : memref<!tpu.dma_semaphore, #tpu.memory_space<semaphore_mem>>)
    %dma_start3A_112 = arith.constant 15 : i32
    %dma_start3A_113 = arith.constant 0 : i32
    %dma_start3A_114 = tpu.memref_slice %arg7[%dma_start3A_112, %dma_start3A_113] : memref<125x80xi32, #tpu.memory_space<vmem>> -> memref<1x80xi32, #tpu.memory_space<vmem>>
    %dma_start3A_115 = tpu.memref_squeeze %dma_start3A_114 : memref<1x80xi32, #tpu.memory_space<vmem>> -> memref<80xi32, #tpu.memory_space<vmem>>
    %dma_start3A_116 = arith.constant 0 : i32
    %dma_start3A_117 = arith.constant 0 : i32
    %dma_start3A_118 = tpu.memref_slice %arg2[%dma_start3A_116, %dma_start3A_117] : memref<10000x32xf32, #tpu.memory_space<hbm>> -> memref<10000x32xf32, #tpu.memory_space<hbm>>
    tpu.enqueue_indirect_dma source(%dma_start3A_118 : memref<10000x32xf32, #tpu.memory_space<hbm>>) target(%arg24 : memref<80x32xf32, #tpu.memory_space<vmem>>) offsets(%dma_start3A_115 : memref<80xi32, #tpu.memory_space<vmem>>) semaphore(%arg50 : memref<!tpu.dma_semaphore, #tpu.memory_space<semaphore_mem>>)
    %dma_start3A_119 = arith.constant 16 : i32
    %dma_start3A_120 = arith.constant 0 : i32
    %dma_start3A_121 = tpu.memref_slice %arg7[%dma_start3A_119, %dma_start3A_120] : memref<125x80xi32, #tpu.memory_space<vmem>> -> memref<1x80xi32, #tpu.memory_space<vmem>>
    %dma_start3A_122 = tpu.memref_squeeze %dma_start3A_121 : memref<1x80xi32, #tpu.memory_space<vmem>> -> memref<80xi32, #tpu.memory_space<vmem>>
    %dma_start3A_123 = arith.constant 0 : i32
    %dma_start3A_124 = arith.constant 0 : i32
    %dma_start3A_125 = tpu.memref_slice %arg2[%dma_start3A_123, %dma_start3A_124] : memref<10000x32xf32, #tpu.memory_space<hbm>> -> memref<10000x32xf32, #tpu.memory_space<hbm>>
    tpu.enqueue_indirect_dma source(%dma_start3A_125 : memref<10000x32xf32, #tpu.memory_space<hbm>>) target(%arg25 : memref<80x32xf32, #tpu.memory_space<vmem>>) offsets(%dma_start3A_122 : memref<80xi32, #tpu.memory_space<vmem>>) semaphore(%arg51 : memref<!tpu.dma_semaphore, #tpu.memory_space<semaphore_mem>>)
    %dma_start3A_126 = arith.constant 17 : i32
    %dma_start3A_127 = arith.constant 0 : i32
    %dma_start3A_128 = tpu.memref_slice %arg7[%dma_start3A_126, %dma_start3A_127] : memref<125x80xi32, #tpu.memory_space<vmem>> -> memref<1x80xi32, #tpu.memory_space<vmem>>
    %dma_start3A_129 = tpu.memref_squeeze %dma_start3A_128 : memref<1x80xi32, #tpu.memory_space<vmem>> -> memref<80xi32, #tpu.memory_space<vmem>>
    %dma_start3A_130 = arith.constant 0 : i32
    %dma_start3A_131 = arith.constant 0 : i32
    %dma_start3A_132 = tpu.memref_slice %arg2[%dma_start3A_130, %dma_start3A_131] : memref<10000x32xf32, #tpu.memory_space<hbm>> -> memref<10000x32xf32, #tpu.memory_space<hbm>>
    tpu.enqueue_indirect_dma source(%dma_start3A_132 : memref<10000x32xf32, #tpu.memory_space<hbm>>) target(%arg26 : memref<80x32xf32, #tpu.memory_space<vmem>>) offsets(%dma_start3A_129 : memref<80xi32, #tpu.memory_space<vmem>>) semaphore(%arg52 : memref<!tpu.dma_semaphore, #tpu.memory_space<semaphore_mem>>)
    %dma_start3A_133 = arith.constant 18 : i32
    %dma_start3A_134 = arith.constant 0 : i32
    %dma_start3A_135 = tpu.memref_slice %arg7[%dma_start3A_133, %dma_start3A_134] : memref<125x80xi32, #tpu.memory_space<vmem>> -> memref<1x80xi32, #tpu.memory_space<vmem>>
    %dma_start3A_136 = tpu.memref_squeeze %dma_start3A_135 : memref<1x80xi32, #tpu.memory_space<vmem>> -> memref<80xi32, #tpu.memory_space<vmem>>
    %dma_start3A_137 = arith.constant 0 : i32
    %dma_start3A_138 = arith.constant 0 : i32
    %dma_start3A_139 = tpu.memref_slice %arg2[%dma_start3A_137, %dma_start3A_138] : memref<10000x32xf32, #tpu.memory_space<hbm>> -> memref<10000x32xf32, #tpu.memory_space<hbm>>
    tpu.enqueue_indirect_dma source(%dma_start3A_139 : memref<10000x32xf32, #tpu.memory_space<hbm>>) target(%arg27 : memref<80x32xf32, #tpu.memory_space<vmem>>) offsets(%dma_start3A_136 : memref<80xi32, #tpu.memory_space<vmem>>) semaphore(%arg53 : memref<!tpu.dma_semaphore, #tpu.memory_space<semaphore_mem>>)
    %dma_start3A_140 = arith.constant 19 : i32
    %dma_start3A_141 = arith.constant 0 : i32
    %dma_start3A_142 = tpu.memref_slice %arg7[%dma_start3A_140, %dma_start3A_141] : memref<125x80xi32, #tpu.memory_space<vmem>> -> memref<1x80xi32, #tpu.memory_space<vmem>>
    %dma_start3A_143 = tpu.memref_squeeze %dma_start3A_142 : memref<1x80xi32, #tpu.memory_space<vmem>> -> memref<80xi32, #tpu.memory_space<vmem>>
    %dma_start3A_144 = arith.constant 0 : i32
    %dma_start3A_145 = arith.constant 0 : i32
    %dma_start3A_146 = tpu.memref_slice %arg2[%dma_start3A_144, %dma_start3A_145] : memref<10000x32xf32, #tpu.memory_space<hbm>> -> memref<10000x32xf32, #tpu.memory_space<hbm>>
    tpu.enqueue_indirect_dma source(%dma_start3A_146 : memref<10000x32xf32, #tpu.memory_space<hbm>>) target(%arg28 : memref<80x32xf32, #tpu.memory_space<vmem>>) offsets(%dma_start3A_143 : memref<80xi32, #tpu.memory_space<vmem>>) semaphore(%arg54 : memref<!tpu.dma_semaphore, #tpu.memory_space<semaphore_mem>>)
    %dma_start3A_147 = arith.constant 20 : i32
    %dma_start3A_148 = arith.constant 0 : i32
    %dma_start3A_149 = tpu.memref_slice %arg7[%dma_start3A_147, %dma_start3A_148] : memref<125x80xi32, #tpu.memory_space<vmem>> -> memref<1x80xi32, #tpu.memory_space<vmem>>
    %dma_start3A_150 = tpu.memref_squeeze %dma_start3A_149 : memref<1x80xi32, #tpu.memory_space<vmem>> -> memref<80xi32, #tpu.memory_space<vmem>>
    %dma_start3A_151 = arith.constant 0 : i32
    %dma_start3A_152 = arith.constant 0 : i32
    %dma_start3A_153 = tpu.memref_slice %arg2[%dma_start3A_151, %dma_start3A_152] : memref<10000x32xf32, #tpu.memory_space<hbm>> -> memref<10000x32xf32, #tpu.memory_space<hbm>>
    tpu.enqueue_indirect_dma source(%dma_start3A_153 : memref<10000x32xf32, #tpu.memory_space<hbm>>) target(%arg29 : memref<80x32xf32, #tpu.memory_space<vmem>>) offsets(%dma_start3A_150 : memref<80xi32, #tpu.memory_space<vmem>>) semaphore(%arg55 : memref<!tpu.dma_semaphore, #tpu.memory_space<semaphore_mem>>)
    %dma_start3A_154 = arith.constant 21 : i32
    %dma_start3A_155 = arith.constant 0 : i32
    %dma_start3A_156 = tpu.memref_slice %arg7[%dma_start3A_154, %dma_start3A_155] : memref<125x80xi32, #tpu.memory_space<vmem>> -> memref<1x80xi32, #tpu.memory_space<vmem>>
    %dma_start3A_157 = tpu.memref_squeeze %dma_start3A_156 : memref<1x80xi32, #tpu.memory_space<vmem>> -> memref<80xi32, #tpu.memory_space<vmem>>
    %dma_start3A_158 = arith.constant 0 : i32
    %dma_start3A_159 = arith.constant 0 : i32
    %dma_start3A_160 = tpu.memref_slice %arg2[%dma_start3A_158, %dma_start3A_159] : memref<10000x32xf32, #tpu.memory_space<hbm>> -> memref<10000x32xf32, #tpu.memory_space<hbm>>
    tpu.enqueue_indirect_dma source(%dma_start3A_160 : memref<10000x32xf32, #tpu.memory_space<hbm>>) target(%arg30 : memref<80x32xf32, #tpu.memory_space<vmem>>) offsets(%dma_start3A_157 : memref<80xi32, #tpu.memory_space<vmem>>) semaphore(%arg56 : memref<!tpu.dma_semaphore, #tpu.memory_space<semaphore_mem>>)
    %dma_start3A_161 = arith.constant 22 : i32
    %dma_start3A_162 = arith.constant 0 : i32
    %dma_start3A_163 = tpu.memref_slice %arg7[%dma_start3A_161, %dma_start3A_162] : memref<125x80xi32, #tpu.memory_space<vmem>> -> memref<1x80xi32, #tpu.memory_space<vmem>>
    %dma_start3A_164 = tpu.memref_squeeze %dma_start3A_163 : memref<1x80xi32, #tpu.memory_space<vmem>> -> memref<80xi32, #tpu.memory_space<vmem>>
    %dma_start3A_165 = arith.constant 0 : i32
    %dma_start3A_166 = arith.constant 0 : i32
    %dma_start3A_167 = tpu.memref_slice %arg2[%dma_start3A_165, %dma_start3A_166] : memref<10000x32xf32, #tpu.memory_space<hbm>> -> memref<10000x32xf32, #tpu.memory_space<hbm>>
    tpu.enqueue_indirect_dma source(%dma_start3A_167 : memref<10000x32xf32, #tpu.memory_space<hbm>>) target(%arg31 : memref<80x32xf32, #tpu.memory_space<vmem>>) offsets(%dma_start3A_164 : memref<80xi32, #tpu.memory_space<vmem>>) semaphore(%arg57 : memref<!tpu.dma_semaphore, #tpu.memory_space<semaphore_mem>>)
    %dma_start3A_168 = arith.constant 23 : i32
    %dma_start3A_169 = arith.constant 0 : i32
    %dma_start3A_170 = tpu.memref_slice %arg7[%dma_start3A_168, %dma_start3A_169] : memref<125x80xi32, #tpu.memory_space<vmem>> -> memref<1x80xi32, #tpu.memory_space<vmem>>
    %dma_start3A_171 = tpu.memref_squeeze %dma_start3A_170 : memref<1x80xi32, #tpu.memory_space<vmem>> -> memref<80xi32, #tpu.memory_space<vmem>>
    %dma_start3A_172 = arith.constant 0 : i32
    %dma_start3A_173 = arith.constant 0 : i32
    %dma_start3A_174 = tpu.memref_slice %arg2[%dma_start3A_172, %dma_start3A_173] : memref<10000x32xf32, #tpu.memory_space<hbm>> -> memref<10000x32xf32, #tpu.memory_space<hbm>>
    tpu.enqueue_indirect_dma source(%dma_start3A_174 : memref<10000x32xf32, #tpu.memory_space<hbm>>) target(%arg32 : memref<80x32xf32, #tpu.memory_space<vmem>>) offsets(%dma_start3A_171 : memref<80xi32, #tpu.memory_space<vmem>>) semaphore(%arg58 : memref<!tpu.dma_semaphore, #tpu.memory_space<semaphore_mem>>)
    %scan3A = arith.constant 0 : i32
    %scan3A_175 = arith.constant 0 : i32
    %scan3A_176 = arith.constant 5 : i32
    %scan3A_177 = arith.addi %scan3A_175, %scan3A_176 : i32
    %scan3A_178 = arith.constant 1 : i32
    scf.for %scan3A_185 = %scan3A_175 to %scan3A_177 step %scan3A_178  : i32 {
      %mul3A_186 = arith.constant 25 : i32
      %mul3A_187 = arith.muli %scan3A_185, %mul3A_186 : i32
      %add3A_188 = arith.constant 0 : i32
      %add3A_189 = arith.addi %mul3A_187, %add3A_188 : i32
      %dma_wait3A = arith.constant 0 : i32
      %dma_wait3A_190 = tpu.memref_slice %arg7[%add3A_189, %dma_wait3A] : memref<125x80xi32, #tpu.memory_space<vmem>> -> memref<1x80xi32, #tpu.memory_space<vmem>>
      %dma_wait3A_191 = tpu.memref_squeeze %dma_wait3A_190 : memref<1x80xi32, #tpu.memory_space<vmem>> -> memref<80xi32, #tpu.memory_space<vmem>>
      %dma_wait3A_192 = arith.constant 0 : i32
      %dma_wait3A_193 = arith.constant 0 : i32
      %dma_wait3A_194 = tpu.memref_slice %arg2[%dma_wait3A_192, %dma_wait3A_193] : memref<10000x32xf32, #tpu.memory_space<hbm>> -> memref<10000x32xf32, #tpu.memory_space<hbm>>
      tpu.wait_indirect_dma semaphore(%arg35 : memref<!tpu.dma_semaphore, #tpu.memory_space<semaphore_mem>>) src(%dma_wait3A_194 : memref<10000x32xf32, #tpu.memory_space<hbm>>) dst(%arg9 : memref<80x32xf32, #tpu.memory_space<vmem>>)
      %add3A_195 = arith.constant 25 : i32
      %add3A_196 = arith.addi %add3A_189, %add3A_195 : i32
      %sub3A = arith.constant 1 : i32
      %sub3A_197 = arith.subi %add3A_196, %sub3A : i32
      %lt3A = arith.constant 125 : i32
      %lt3A_198 = arith.cmpi slt, %sub3A_197, %lt3A : i32
      %convert_element_type3A_199 = arith.extui %lt3A_198 : i1 to i32
      %cond3A_200 = arith.constant 0 : i32
      %cond3A_201 = arith.cmpi ne, %convert_element_type3A_199, %cond3A_200 : i32
      scf.if %cond3A_201 {
        %dma_start3A_658 = arith.constant 0 : i32
        %dma_start3A_659 = tpu.memref_slice %arg7[%sub3A_197, %dma_start3A_658] : memref<125x80xi32, #tpu.memory_space<vmem>> -> memref<1x80xi32, #tpu.memory_space<vmem>>
        %dma_start3A_660 = tpu.memref_squeeze %dma_start3A_659 : memref<1x80xi32, #tpu.memory_space<vmem>> -> memref<80xi32, #tpu.memory_space<vmem>>
        %dma_start3A_661 = arith.constant 0 : i32
        %dma_start3A_662 = arith.constant 0 : i32
        %dma_start3A_663 = tpu.memref_slice %arg2[%dma_start3A_661, %dma_start3A_662] : memref<10000x32xf32, #tpu.memory_space<hbm>> -> memref<10000x32xf32, #tpu.memory_space<hbm>>
        tpu.enqueue_indirect_dma source(%dma_start3A_663 : memref<10000x32xf32, #tpu.memory_space<hbm>>) target(%arg33 : memref<80x32xf32, #tpu.memory_space<vmem>>) offsets(%dma_start3A_660 : memref<80xi32, #tpu.memory_space<vmem>>) semaphore(%arg59 : memref<!tpu.dma_semaphore, #tpu.memory_space<semaphore_mem>>)
      } else {
      }
      "tpu.region"() ({
        %run_scoped3A = tpu.sem_alloc : memref<!tpu.dma_semaphore, #tpu.memory_space<semaphore_mem>>
        %dma_start3A_658 = arith.constant 0 : i32
        %dma_start3A_659 = tpu.memref_slice %arg8[%add3A_189, %dma_start3A_658] : memref<125x80xi32, #tpu.memory_space<vmem>> -> memref<1x80xi32, #tpu.memory_space<vmem>>
        %dma_start3A_660 = tpu.memref_squeeze %dma_start3A_659 : memref<1x80xi32, #tpu.memory_space<vmem>> -> memref<80xi32, #tpu.memory_space<vmem>>
        %dma_start3A_661 = arith.constant 0 : i32
        %dma_start3A_662 = arith.constant 0 : i32
        %dma_start3A_663 = tpu.memref_slice %arg34[%dma_start3A_661, %dma_start3A_662] : memref<10000x32xf32, #tpu.memory_space<vmem_shared>> -> memref<10000x32xf32, #tpu.memory_space<vmem_shared>>
        tpu.enqueue_indirect_dma source(%arg9 : memref<80x32xf32, #tpu.memory_space<vmem>>) target(%dma_start3A_663 : memref<10000x32xf32, #tpu.memory_space<vmem_shared>>) offsets(%dma_start3A_660 : memref<80xi32, #tpu.memory_space<vmem>>) semaphore(%run_scoped3A : memref<!tpu.dma_semaphore, #tpu.memory_space<semaphore_mem>>) {add = true}
        %dma_wait3A_664 = arith.constant 0 : i32
        %dma_wait3A_665 = tpu.memref_slice %arg8[%add3A_189, %dma_wait3A_664] : memref<125x80xi32, #tpu.memory_space<vmem>> -> memref<1x80xi32, #tpu.memory_space<vmem>>
        %dma_wait3A_666 = tpu.memref_squeeze %dma_wait3A_665 : memref<1x80xi32, #tpu.memory_space<vmem>> -> memref<80xi32, #tpu.memory_space<vmem>>
        %dma_wait3A_667 = arith.constant 0 : i32
        %dma_wait3A_668 = arith.constant 0 : i32
        %dma_wait3A_669 = tpu.memref_slice %arg34[%dma_wait3A_667, %dma_wait3A_668] : memref<10000x32xf32, #tpu.memory_space<vmem_shared>> -> memref<10000x32xf32, #tpu.memory_space<vmem_shared>>
        tpu.wait_indirect_dma semaphore(%run_scoped3A : memref<!tpu.dma_semaphore, #tpu.memory_space<semaphore_mem>>) src(%arg9 : memref<80x32xf32, #tpu.memory_space<vmem>>) dst(%dma_wait3A_669 : memref<10000x32xf32, #tpu.memory_space<vmem_shared>>)
        tpu.yield
      }) : () -> ()
      %mul3A_202 = arith.constant 25 : i32
      %mul3A_203 = arith.muli %scan3A_185, %mul3A_202 : i32
      %add3A_204 = arith.constant 1 : i32
      %add3A_205 = arith.addi %mul3A_203, %add3A_204 : i32
      %dma_wait3A_206 = arith.constant 0 : i32
      %dma_wait3A_207 = tpu.memref_slice %arg7[%add3A_205, %dma_wait3A_206] : memref<125x80xi32, #tpu.memory_space<vmem>> -> memref<1x80xi32, #tpu.memory_space<vmem>>
      %dma_wait3A_208 = tpu.memref_squeeze %dma_wait3A_207 : memref<1x80xi32, #tpu.memory_space<vmem>> -> memref<80xi32, #tpu.memory_space<vmem>>
      %dma_wait3A_209 = arith.constant 0 : i32
      %dma_wait3A_210 = arith.constant 0 : i32
      %dma_wait3A_211 = tpu.memref_slice %arg2[%dma_wait3A_209, %dma_wait3A_210] : memref<10000x32xf32, #tpu.memory_space<hbm>> -> memref<10000x32xf32, #tpu.memory_space<hbm>>
      tpu.wait_indirect_dma semaphore(%arg36 : memref<!tpu.dma_semaphore, #tpu.memory_space<semaphore_mem>>) src(%dma_wait3A_211 : memref<10000x32xf32, #tpu.memory_space<hbm>>) dst(%arg10 : memref<80x32xf32, #tpu.memory_space<vmem>>)
      %add3A_212 = arith.constant 25 : i32
      %add3A_213 = arith.addi %add3A_205, %add3A_212 : i32
      %sub3A_214 = arith.constant 1 : i32
      %sub3A_215 = arith.subi %add3A_213, %sub3A_214 : i32
      %lt3A_216 = arith.constant 125 : i32
      %lt3A_217 = arith.cmpi slt, %sub3A_215, %lt3A_216 : i32
      %convert_element_type3A_218 = arith.extui %lt3A_217 : i1 to i32
      %cond3A_219 = arith.constant 0 : i32
      %cond3A_220 = arith.cmpi ne, %convert_element_type3A_218, %cond3A_219 : i32
      scf.if %cond3A_220 {
        %dma_start3A_658 = arith.constant 0 : i32
        %dma_start3A_659 = tpu.memref_slice %arg7[%sub3A_215, %dma_start3A_658] : memref<125x80xi32, #tpu.memory_space<vmem>> -> memref<1x80xi32, #tpu.memory_space<vmem>>
        %dma_start3A_660 = tpu.memref_squeeze %dma_start3A_659 : memref<1x80xi32, #tpu.memory_space<vmem>> -> memref<80xi32, #tpu.memory_space<vmem>>
        %dma_start3A_661 = arith.constant 0 : i32
        %dma_start3A_662 = arith.constant 0 : i32
        %dma_start3A_663 = tpu.memref_slice %arg2[%dma_start3A_661, %dma_start3A_662] : memref<10000x32xf32, #tpu.memory_space<hbm>> -> memref<10000x32xf32, #tpu.memory_space<hbm>>
        tpu.enqueue_indirect_dma source(%dma_start3A_663 : memref<10000x32xf32, #tpu.memory_space<hbm>>) target(%arg9 : memref<80x32xf32, #tpu.memory_space<vmem>>) offsets(%dma_start3A_660 : memref<80xi32, #tpu.memory_space<vmem>>) semaphore(%arg35 : memref<!tpu.dma_semaphore, #tpu.memory_space<semaphore_mem>>)
      } else {
      }
      "tpu.region"() ({
        %run_scoped3A = tpu.sem_alloc : memref<!tpu.dma_semaphore, #tpu.memory_space<semaphore_mem>>
        %dma_start3A_658 = arith.constant 0 : i32
        %dma_start3A_659 = tpu.memref_slice %arg8[%add3A_205, %dma_start3A_658] : memref<125x80xi32, #tpu.memory_space<vmem>> -> memref<1x80xi32, #tpu.memory_space<vmem>>
        %dma_start3A_660 = tpu.memref_squeeze %dma_start3A_659 : memref<1x80xi32, #tpu.memory_space<vmem>> -> memref<80xi32, #tpu.memory_space<vmem>>
        %dma_start3A_661 = arith.constant 0 : i32
        %dma_start3A_662 = arith.constant 0 : i32
        %dma_start3A_663 = tpu.memref_slice %arg34[%dma_start3A_661, %dma_start3A_662] : memref<10000x32xf32, #tpu.memory_space<vmem_shared>> -> memref<10000x32xf32, #tpu.memory_space<vmem_shared>>
        tpu.enqueue_indirect_dma source(%arg10 : memref<80x32xf32, #tpu.memory_space<vmem>>) target(%dma_start3A_663 : memref<10000x32xf32, #tpu.memory_space<vmem_shared>>) offsets(%dma_start3A_660 : memref<80xi32, #tpu.memory_space<vmem>>) semaphore(%run_scoped3A : memref<!tpu.dma_semaphore, #tpu.memory_space<semaphore_mem>>) {add = true}
        %dma_wait3A_664 = arith.constant 0 : i32
        %dma_wait3A_665 = tpu.memref_slice %arg8[%add3A_205, %dma_wait3A_664] : memref<125x80xi32, #tpu.memory_space<vmem>> -> memref<1x80xi32, #tpu.memory_space<vmem>>
        %dma_wait3A_666 = tpu.memref_squeeze %dma_wait3A_665 : memref<1x80xi32, #tpu.memory_space<vmem>> -> memref<80xi32, #tpu.memory_space<vmem>>
        %dma_wait3A_667 = arith.constant 0 : i32
        %dma_wait3A_668 = arith.constant 0 : i32
        %dma_wait3A_669 = tpu.memref_slice %arg34[%dma_wait3A_667, %dma_wait3A_668] : memref<10000x32xf32, #tpu.memory_space<vmem_shared>> -> memref<10000x32xf32, #tpu.memory_space<vmem_shared>>
        tpu.wait_indirect_dma semaphore(%run_scoped3A : memref<!tpu.dma_semaphore, #tpu.memory_space<semaphore_mem>>) src(%arg10 : memref<80x32xf32, #tpu.memory_space<vmem>>) dst(%dma_wait3A_669 : memref<10000x32xf32, #tpu.memory_space<vmem_shared>>)
        tpu.yield
      }) : () -> ()
      %mul3A_221 = arith.constant 25 : i32
      %mul3A_222 = arith.muli %scan3A_185, %mul3A_221 : i32
      %add3A_223 = arith.constant 2 : i32
      %add3A_224 = arith.addi %mul3A_222, %add3A_223 : i32
      %dma_wait3A_225 = arith.constant 0 : i32
      %dma_wait3A_226 = tpu.memref_slice %arg7[%add3A_224, %dma_wait3A_225] : memref<125x80xi32, #tpu.memory_space<vmem>> -> memref<1x80xi32, #tpu.memory_space<vmem>>
      %dma_wait3A_227 = tpu.memref_squeeze %dma_wait3A_226 : memref<1x80xi32, #tpu.memory_space<vmem>> -> memref<80xi32, #tpu.memory_space<vmem>>
      %dma_wait3A_228 = arith.constant 0 : i32
      %dma_wait3A_229 = arith.constant 0 : i32
      %dma_wait3A_230 = tpu.memref_slice %arg2[%dma_wait3A_228, %dma_wait3A_229] : memref<10000x32xf32, #tpu.memory_space<hbm>> -> memref<10000x32xf32, #tpu.memory_space<hbm>>
      tpu.wait_indirect_dma semaphore(%arg37 : memref<!tpu.dma_semaphore, #tpu.memory_space<semaphore_mem>>) src(%dma_wait3A_230 : memref<10000x32xf32, #tpu.memory_space<hbm>>) dst(%arg11 : memref<80x32xf32, #tpu.memory_space<vmem>>)
      %add3A_231 = arith.constant 25 : i32
      %add3A_232 = arith.addi %add3A_224, %add3A_231 : i32
      %sub3A_233 = arith.constant 1 : i32
      %sub3A_234 = arith.subi %add3A_232, %sub3A_233 : i32
      %lt3A_235 = arith.constant 125 : i32
      %lt3A_236 = arith.cmpi slt, %sub3A_234, %lt3A_235 : i32
      %convert_element_type3A_237 = arith.extui %lt3A_236 : i1 to i32
      %cond3A_238 = arith.constant 0 : i32
      %cond3A_239 = arith.cmpi ne, %convert_element_type3A_237, %cond3A_238 : i32
      scf.if %cond3A_239 {
        %dma_start3A_658 = arith.constant 0 : i32
        %dma_start3A_659 = tpu.memref_slice %arg7[%sub3A_234, %dma_start3A_658] : memref<125x80xi32, #tpu.memory_space<vmem>> -> memref<1x80xi32, #tpu.memory_space<vmem>>
        %dma_start3A_660 = tpu.memref_squeeze %dma_start3A_659 : memref<1x80xi32, #tpu.memory_space<vmem>> -> memref<80xi32, #tpu.memory_space<vmem>>
        %dma_start3A_661 = arith.constant 0 : i32
        %dma_start3A_662 = arith.constant 0 : i32
        %dma_start3A_663 = tpu.memref_slice %arg2[%dma_start3A_661, %dma_start3A_662] : memref<10000x32xf32, #tpu.memory_space<hbm>> -> memref<10000x32xf32, #tpu.memory_space<hbm>>
        tpu.enqueue_indirect_dma source(%dma_start3A_663 : memref<10000x32xf32, #tpu.memory_space<hbm>>) target(%arg10 : memref<80x32xf32, #tpu.memory_space<vmem>>) offsets(%dma_start3A_660 : memref<80xi32, #tpu.memory_space<vmem>>) semaphore(%arg36 : memref<!tpu.dma_semaphore, #tpu.memory_space<semaphore_mem>>)
      } else {
      }
      "tpu.region"() ({
        %run_scoped3A = tpu.sem_alloc : memref<!tpu.dma_semaphore, #tpu.memory_space<semaphore_mem>>
        %dma_start3A_658 = arith.constant 0 : i32
        %dma_start3A_659 = tpu.memref_slice %arg8[%add3A_224, %dma_start3A_658] : memref<125x80xi32, #tpu.memory_space<vmem>> -> memref<1x80xi32, #tpu.memory_space<vmem>>
        %dma_start3A_660 = tpu.memref_squeeze %dma_start3A_659 : memref<1x80xi32, #tpu.memory_space<vmem>> -> memref<80xi32, #tpu.memory_space<vmem>>
        %dma_start3A_661 = arith.constant 0 : i32
        %dma_start3A_662 = arith.constant 0 : i32
        %dma_start3A_663 = tpu.memref_slice %arg34[%dma_start3A_661, %dma_start3A_662] : memref<10000x32xf32, #tpu.memory_space<vmem_shared>> -> memref<10000x32xf32, #tpu.memory_space<vmem_shared>>
        tpu.enqueue_indirect_dma source(%arg11 : memref<80x32xf32, #tpu.memory_space<vmem>>) target(%dma_start3A_663 : memref<10000x32xf32, #tpu.memory_space<vmem_shared>>) offsets(%dma_start3A_660 : memref<80xi32, #tpu.memory_space<vmem>>) semaphore(%run_scoped3A : memref<!tpu.dma_semaphore, #tpu.memory_space<semaphore_mem>>) {add = true}
        %dma_wait3A_664 = arith.constant 0 : i32
        %dma_wait3A_665 = tpu.memref_slice %arg8[%add3A_224, %dma_wait3A_664] : memref<125x80xi32, #tpu.memory_space<vmem>> -> memref<1x80xi32, #tpu.memory_space<vmem>>
        %dma_wait3A_666 = tpu.memref_squeeze %dma_wait3A_665 : memref<1x80xi32, #tpu.memory_space<vmem>> -> memref<80xi32, #tpu.memory_space<vmem>>
        %dma_wait3A_667 = arith.constant 0 : i32
        %dma_wait3A_668 = arith.constant 0 : i32
        %dma_wait3A_669 = tpu.memref_slice %arg34[%dma_wait3A_667, %dma_wait3A_668] : memref<10000x32xf32, #tpu.memory_space<vmem_shared>> -> memref<10000x32xf32, #tpu.memory_space<vmem_shared>>
        tpu.wait_indirect_dma semaphore(%run_scoped3A : memref<!tpu.dma_semaphore, #tpu.memory_space<semaphore_mem>>) src(%arg11 : memref<80x32xf32, #tpu.memory_space<vmem>>) dst(%dma_wait3A_669 : memref<10000x32xf32, #tpu.memory_space<vmem_shared>>)
        tpu.yield
      }) : () -> ()
      %mul3A_240 = arith.constant 25 : i32
      %mul3A_241 = arith.muli %scan3A_185, %mul3A_240 : i32
      %add3A_242 = arith.constant 3 : i32
      %add3A_243 = arith.addi %mul3A_241, %add3A_242 : i32
      %dma_wait3A_244 = arith.constant 0 : i32
      %dma_wait3A_245 = tpu.memref_slice %arg7[%add3A_243, %dma_wait3A_244] : memref<125x80xi32, #tpu.memory_space<vmem>> -> memref<1x80xi32, #tpu.memory_space<vmem>>
      %dma_wait3A_246 = tpu.memref_squeeze %dma_wait3A_245 : memref<1x80xi32, #tpu.memory_space<vmem>> -> memref<80xi32, #tpu.memory_space<vmem>>
      %dma_wait3A_247 = arith.constant 0 : i32
      %dma_wait3A_248 = arith.constant 0 : i32
      %dma_wait3A_249 = tpu.memref_slice %arg2[%dma_wait3A_247, %dma_wait3A_248] : memref<10000x32xf32, #tpu.memory_space<hbm>> -> memref<10000x32xf32, #tpu.memory_space<hbm>>
      tpu.wait_indirect_dma semaphore(%arg38 : memref<!tpu.dma_semaphore, #tpu.memory_space<semaphore_mem>>) src(%dma_wait3A_249 : memref<10000x32xf32, #tpu.memory_space<hbm>>) dst(%arg12 : memref<80x32xf32, #tpu.memory_space<vmem>>)
      %add3A_250 = arith.constant 25 : i32
      %add3A_251 = arith.addi %add3A_243, %add3A_250 : i32
      %sub3A_252 = arith.constant 1 : i32
      %sub3A_253 = arith.subi %add3A_251, %sub3A_252 : i32
      %lt3A_254 = arith.constant 125 : i32
      %lt3A_255 = arith.cmpi slt, %sub3A_253, %lt3A_254 : i32
      %convert_element_type3A_256 = arith.extui %lt3A_255 : i1 to i32
      %cond3A_257 = arith.constant 0 : i32
      %cond3A_258 = arith.cmpi ne, %convert_element_type3A_256, %cond3A_257 : i32
      scf.if %cond3A_258 {
        %dma_start3A_658 = arith.constant 0 : i32
        %dma_start3A_659 = tpu.memref_slice %arg7[%sub3A_253, %dma_start3A_658] : memref<125x80xi32, #tpu.memory_space<vmem>> -> memref<1x80xi32, #tpu.memory_space<vmem>>
        %dma_start3A_660 = tpu.memref_squeeze %dma_start3A_659 : memref<1x80xi32, #tpu.memory_space<vmem>> -> memref<80xi32, #tpu.memory_space<vmem>>
        %dma_start3A_661 = arith.constant 0 : i32
        %dma_start3A_662 = arith.constant 0 : i32
        %dma_start3A_663 = tpu.memref_slice %arg2[%dma_start3A_661, %dma_start3A_662] : memref<10000x32xf32, #tpu.memory_space<hbm>> -> memref<10000x32xf32, #tpu.memory_space<hbm>>
        tpu.enqueue_indirect_dma source(%dma_start3A_663 : memref<10000x32xf32, #tpu.memory_space<hbm>>) target(%arg11 : memref<80x32xf32, #tpu.memory_space<vmem>>) offsets(%dma_start3A_660 : memref<80xi32, #tpu.memory_space<vmem>>) semaphore(%arg37 : memref<!tpu.dma_semaphore, #tpu.memory_space<semaphore_mem>>)
      } else {
      }
      "tpu.region"() ({
        %run_scoped3A = tpu.sem_alloc : memref<!tpu.dma_semaphore, #tpu.memory_space<semaphore_mem>>
        %dma_start3A_658 = arith.constant 0 : i32
        %dma_start3A_659 = tpu.memref_slice %arg8[%add3A_243, %dma_start3A_658] : memref<125x80xi32, #tpu.memory_space<vmem>> -> memref<1x80xi32, #tpu.memory_space<vmem>>
        %dma_start3A_660 = tpu.memref_squeeze %dma_start3A_659 : memref<1x80xi32, #tpu.memory_space<vmem>> -> memref<80xi32, #tpu.memory_space<vmem>>
        %dma_start3A_661 = arith.constant 0 : i32
        %dma_start3A_662 = arith.constant 0 : i32
        %dma_start3A_663 = tpu.memref_slice %arg34[%dma_start3A_661, %dma_start3A_662] : memref<10000x32xf32, #tpu.memory_space<vmem_shared>> -> memref<10000x32xf32, #tpu.memory_space<vmem_shared>>
        tpu.enqueue_indirect_dma source(%arg12 : memref<80x32xf32, #tpu.memory_space<vmem>>) target(%dma_start3A_663 : memref<10000x32xf32, #tpu.memory_space<vmem_shared>>) offsets(%dma_start3A_660 : memref<80xi32, #tpu.memory_space<vmem>>) semaphore(%run_scoped3A : memref<!tpu.dma_semaphore, #tpu.memory_space<semaphore_mem>>) {add = true}
        %dma_wait3A_664 = arith.constant 0 : i32
        %dma_wait3A_665 = tpu.memref_slice %arg8[%add3A_243, %dma_wait3A_664] : memref<125x80xi32, #tpu.memory_space<vmem>> -> memref<1x80xi32, #tpu.memory_space<vmem>>
        %dma_wait3A_666 = tpu.memref_squeeze %dma_wait3A_665 : memref<1x80xi32, #tpu.memory_space<vmem>> -> memref<80xi32, #tpu.memory_space<vmem>>
        %dma_wait3A_667 = arith.constant 0 : i32
        %dma_wait3A_668 = arith.constant 0 : i32
        %dma_wait3A_669 = tpu.memref_slice %arg34[%dma_wait3A_667, %dma_wait3A_668] : memref<10000x32xf32, #tpu.memory_space<vmem_shared>> -> memref<10000x32xf32, #tpu.memory_space<vmem_shared>>
        tpu.wait_indirect_dma semaphore(%run_scoped3A : memref<!tpu.dma_semaphore, #tpu.memory_space<semaphore_mem>>) src(%arg12 : memref<80x32xf32, #tpu.memory_space<vmem>>) dst(%dma_wait3A_669 : memref<10000x32xf32, #tpu.memory_space<vmem_shared>>)
        tpu.yield
      }) : () -> ()
      %mul3A_259 = arith.constant 25 : i32
      %mul3A_260 = arith.muli %scan3A_185, %mul3A_259 : i32
      %add3A_261 = arith.constant 4 : i32
      %add3A_262 = arith.addi %mul3A_260, %add3A_261 : i32
      %dma_wait3A_263 = arith.constant 0 : i32
      %dma_wait3A_264 = tpu.memref_slice %arg7[%add3A_262, %dma_wait3A_263] : memref<125x80xi32, #tpu.memory_space<vmem>> -> memref<1x80xi32, #tpu.memory_space<vmem>>
      %dma_wait3A_265 = tpu.memref_squeeze %dma_wait3A_264 : memref<1x80xi32, #tpu.memory_space<vmem>> -> memref<80xi32, #tpu.memory_space<vmem>>
      %dma_wait3A_266 = arith.constant 0 : i32
      %dma_wait3A_267 = arith.constant 0 : i32
      %dma_wait3A_268 = tpu.memref_slice %arg2[%dma_wait3A_266, %dma_wait3A_267] : memref<10000x32xf32, #tpu.memory_space<hbm>> -> memref<10000x32xf32, #tpu.memory_space<hbm>>
      tpu.wait_indirect_dma semaphore(%arg39 : memref<!tpu.dma_semaphore, #tpu.memory_space<semaphore_mem>>) src(%dma_wait3A_268 : memref<10000x32xf32, #tpu.memory_space<hbm>>) dst(%arg13 : memref<80x32xf32, #tpu.memory_space<vmem>>)
      %add3A_269 = arith.constant 25 : i32
      %add3A_270 = arith.addi %add3A_262, %add3A_269 : i32
      %sub3A_271 = arith.constant 1 : i32
      %sub3A_272 = arith.subi %add3A_270, %sub3A_271 : i32
      %lt3A_273 = arith.constant 125 : i32
      %lt3A_274 = arith.cmpi slt, %sub3A_272, %lt3A_273 : i32
      %convert_element_type3A_275 = arith.extui %lt3A_274 : i1 to i32
      %cond3A_276 = arith.constant 0 : i32
      %cond3A_277 = arith.cmpi ne, %convert_element_type3A_275, %cond3A_276 : i32
      scf.if %cond3A_277 {
        %dma_start3A_658 = arith.constant 0 : i32
        %dma_start3A_659 = tpu.memref_slice %arg7[%sub3A_272, %dma_start3A_658] : memref<125x80xi32, #tpu.memory_space<vmem>> -> memref<1x80xi32, #tpu.memory_space<vmem>>
        %dma_start3A_660 = tpu.memref_squeeze %dma_start3A_659 : memref<1x80xi32, #tpu.memory_space<vmem>> -> memref<80xi32, #tpu.memory_space<vmem>>
        %dma_start3A_661 = arith.constant 0 : i32
        %dma_start3A_662 = arith.constant 0 : i32
        %dma_start3A_663 = tpu.memref_slice %arg2[%dma_start3A_661, %dma_start3A_662] : memref<10000x32xf32, #tpu.memory_space<hbm>> -> memref<10000x32xf32, #tpu.memory_space<hbm>>
        tpu.enqueue_indirect_dma source(%dma_start3A_663 : memref<10000x32xf32, #tpu.memory_space<hbm>>) target(%arg12 : memref<80x32xf32, #tpu.memory_space<vmem>>) offsets(%dma_start3A_660 : memref<80xi32, #tpu.memory_space<vmem>>) semaphore(%arg38 : memref<!tpu.dma_semaphore, #tpu.memory_space<semaphore_mem>>)
      } else {
      }
      "tpu.region"() ({
        %run_scoped3A = tpu.sem_alloc : memref<!tpu.dma_semaphore, #tpu.memory_space<semaphore_mem>>
        %dma_start3A_658 = arith.constant 0 : i32
        %dma_start3A_659 = tpu.memref_slice %arg8[%add3A_262, %dma_start3A_658] : memref<125x80xi32, #tpu.memory_space<vmem>> -> memref<1x80xi32, #tpu.memory_space<vmem>>
        %dma_start3A_660 = tpu.memref_squeeze %dma_start3A_659 : memref<1x80xi32, #tpu.memory_space<vmem>> -> memref<80xi32, #tpu.memory_space<vmem>>
        %dma_start3A_661 = arith.constant 0 : i32
        %dma_start3A_662 = arith.constant 0 : i32
        %dma_start3A_663 = tpu.memref_slice %arg34[%dma_start3A_661, %dma_start3A_662] : memref<10000x32xf32, #tpu.memory_space<vmem_shared>> -> memref<10000x32xf32, #tpu.memory_space<vmem_shared>>
        tpu.enqueue_indirect_dma source(%arg13 : memref<80x32xf32, #tpu.memory_space<vmem>>) target(%dma_start3A_663 : memref<10000x32xf32, #tpu.memory_space<vmem_shared>>) offsets(%dma_start3A_660 : memref<80xi32, #tpu.memory_space<vmem>>) semaphore(%run_scoped3A : memref<!tpu.dma_semaphore, #tpu.memory_space<semaphore_mem>>) {add = true}
        %dma_wait3A_664 = arith.constant 0 : i32
        %dma_wait3A_665 = tpu.memref_slice %arg8[%add3A_262, %dma_wait3A_664] : memref<125x80xi32, #tpu.memory_space<vmem>> -> memref<1x80xi32, #tpu.memory_space<vmem>>
        %dma_wait3A_666 = tpu.memref_squeeze %dma_wait3A_665 : memref<1x80xi32, #tpu.memory_space<vmem>> -> memref<80xi32, #tpu.memory_space<vmem>>
        %dma_wait3A_667 = arith.constant 0 : i32
        %dma_wait3A_668 = arith.constant 0 : i32
        %dma_wait3A_669 = tpu.memref_slice %arg34[%dma_wait3A_667, %dma_wait3A_668] : memref<10000x32xf32, #tpu.memory_space<vmem_shared>> -> memref<10000x32xf32, #tpu.memory_space<vmem_shared>>
        tpu.wait_indirect_dma semaphore(%run_scoped3A : memref<!tpu.dma_semaphore, #tpu.memory_space<semaphore_mem>>) src(%arg13 : memref<80x32xf32, #tpu.memory_space<vmem>>) dst(%dma_wait3A_669 : memref<10000x32xf32, #tpu.memory_space<vmem_shared>>)
        tpu.yield
      }) : () -> ()
      %mul3A_278 = arith.constant 25 : i32
      %mul3A_279 = arith.muli %scan3A_185, %mul3A_278 : i32
      %add3A_280 = arith.constant 5 : i32
      %add3A_281 = arith.addi %mul3A_279, %add3A_280 : i32
      %dma_wait3A_282 = arith.constant 0 : i32
      %dma_wait3A_283 = tpu.memref_slice %arg7[%add3A_281, %dma_wait3A_282] : memref<125x80xi32, #tpu.memory_space<vmem>> -> memref<1x80xi32, #tpu.memory_space<vmem>>
      %dma_wait3A_284 = tpu.memref_squeeze %dma_wait3A_283 : memref<1x80xi32, #tpu.memory_space<vmem>> -> memref<80xi32, #tpu.memory_space<vmem>>
      %dma_wait3A_285 = arith.constant 0 : i32
      %dma_wait3A_286 = arith.constant 0 : i32
      %dma_wait3A_287 = tpu.memref_slice %arg2[%dma_wait3A_285, %dma_wait3A_286] : memref<10000x32xf32, #tpu.memory_space<hbm>> -> memref<10000x32xf32, #tpu.memory_space<hbm>>
      tpu.wait_indirect_dma semaphore(%arg40 : memref<!tpu.dma_semaphore, #tpu.memory_space<semaphore_mem>>) src(%dma_wait3A_287 : memref<10000x32xf32, #tpu.memory_space<hbm>>) dst(%arg14 : memref<80x32xf32, #tpu.memory_space<vmem>>)
      %add3A_288 = arith.constant 25 : i32
      %add3A_289 = arith.addi %add3A_281, %add3A_288 : i32
      %sub3A_290 = arith.constant 1 : i32
      %sub3A_291 = arith.subi %add3A_289, %sub3A_290 : i32
      %lt3A_292 = arith.constant 125 : i32
      %lt3A_293 = arith.cmpi slt, %sub3A_291, %lt3A_292 : i32
      %convert_element_type3A_294 = arith.extui %lt3A_293 : i1 to i32
      %cond3A_295 = arith.constant 0 : i32
      %cond3A_296 = arith.cmpi ne, %convert_element_type3A_294, %cond3A_295 : i32
      scf.if %cond3A_296 {
        %dma_start3A_658 = arith.constant 0 : i32
        %dma_start3A_659 = tpu.memref_slice %arg7[%sub3A_291, %dma_start3A_658] : memref<125x80xi32, #tpu.memory_space<vmem>> -> memref<1x80xi32, #tpu.memory_space<vmem>>
        %dma_start3A_660 = tpu.memref_squeeze %dma_start3A_659 : memref<1x80xi32, #tpu.memory_space<vmem>> -> memref<80xi32, #tpu.memory_space<vmem>>
        %dma_start3A_661 = arith.constant 0 : i32
        %dma_start3A_662 = arith.constant 0 : i32
        %dma_start3A_663 = tpu.memref_slice %arg2[%dma_start3A_661, %dma_start3A_662] : memref<10000x32xf32, #tpu.memory_space<hbm>> -> memref<10000x32xf32, #tpu.memory_space<hbm>>
        tpu.enqueue_indirect_dma source(%dma_start3A_663 : memref<10000x32xf32, #tpu.memory_space<hbm>>) target(%arg13 : memref<80x32xf32, #tpu.memory_space<vmem>>) offsets(%dma_start3A_660 : memref<80xi32, #tpu.memory_space<vmem>>) semaphore(%arg39 : memref<!tpu.dma_semaphore, #tpu.memory_space<semaphore_mem>>)
      } else {
      }
      "tpu.region"() ({
        %run_scoped3A = tpu.sem_alloc : memref<!tpu.dma_semaphore, #tpu.memory_space<semaphore_mem>>
        %dma_start3A_658 = arith.constant 0 : i32
        %dma_start3A_659 = tpu.memref_slice %arg8[%add3A_281, %dma_start3A_658] : memref<125x80xi32, #tpu.memory_space<vmem>> -> memref<1x80xi32, #tpu.memory_space<vmem>>
        %dma_start3A_660 = tpu.memref_squeeze %dma_start3A_659 : memref<1x80xi32, #tpu.memory_space<vmem>> -> memref<80xi32, #tpu.memory_space<vmem>>
        %dma_start3A_661 = arith.constant 0 : i32
        %dma_start3A_662 = arith.constant 0 : i32
        %dma_start3A_663 = tpu.memref_slice %arg34[%dma_start3A_661, %dma_start3A_662] : memref<10000x32xf32, #tpu.memory_space<vmem_shared>> -> memref<10000x32xf32, #tpu.memory_space<vmem_shared>>
        tpu.enqueue_indirect_dma source(%arg14 : memref<80x32xf32, #tpu.memory_space<vmem>>) target(%dma_start3A_663 : memref<10000x32xf32, #tpu.memory_space<vmem_shared>>) offsets(%dma_start3A_660 : memref<80xi32, #tpu.memory_space<vmem>>) semaphore(%run_scoped3A : memref<!tpu.dma_semaphore, #tpu.memory_space<semaphore_mem>>) {add = true}
        %dma_wait3A_664 = arith.constant 0 : i32
        %dma_wait3A_665 = tpu.memref_slice %arg8[%add3A_281, %dma_wait3A_664] : memref<125x80xi32, #tpu.memory_space<vmem>> -> memref<1x80xi32, #tpu.memory_space<vmem>>
        %dma_wait3A_666 = tpu.memref_squeeze %dma_wait3A_665 : memref<1x80xi32, #tpu.memory_space<vmem>> -> memref<80xi32, #tpu.memory_space<vmem>>
        %dma_wait3A_667 = arith.constant 0 : i32
        %dma_wait3A_668 = arith.constant 0 : i32
        %dma_wait3A_669 = tpu.memref_slice %arg34[%dma_wait3A_667, %dma_wait3A_668] : memref<10000x32xf32, #tpu.memory_space<vmem_shared>> -> memref<10000x32xf32, #tpu.memory_space<vmem_shared>>
        tpu.wait_indirect_dma semaphore(%run_scoped3A : memref<!tpu.dma_semaphore, #tpu.memory_space<semaphore_mem>>) src(%arg14 : memref<80x32xf32, #tpu.memory_space<vmem>>) dst(%dma_wait3A_669 : memref<10000x32xf32, #tpu.memory_space<vmem_shared>>)
        tpu.yield
      }) : () -> ()
      %mul3A_297 = arith.constant 25 : i32
      %mul3A_298 = arith.muli %scan3A_185, %mul3A_297 : i32
      %add3A_299 = arith.constant 6 : i32
      %add3A_300 = arith.addi %mul3A_298, %add3A_299 : i32
      %dma_wait3A_301 = arith.constant 0 : i32
      %dma_wait3A_302 = tpu.memref_slice %arg7[%add3A_300, %dma_wait3A_301] : memref<125x80xi32, #tpu.memory_space<vmem>> -> memref<1x80xi32, #tpu.memory_space<vmem>>
      %dma_wait3A_303 = tpu.memref_squeeze %dma_wait3A_302 : memref<1x80xi32, #tpu.memory_space<vmem>> -> memref<80xi32, #tpu.memory_space<vmem>>
      %dma_wait3A_304 = arith.constant 0 : i32
      %dma_wait3A_305 = arith.constant 0 : i32
      %dma_wait3A_306 = tpu.memref_slice %arg2[%dma_wait3A_304, %dma_wait3A_305] : memref<10000x32xf32, #tpu.memory_space<hbm>> -> memref<10000x32xf32, #tpu.memory_space<hbm>>
      tpu.wait_indirect_dma semaphore(%arg41 : memref<!tpu.dma_semaphore, #tpu.memory_space<semaphore_mem>>) src(%dma_wait3A_306 : memref<10000x32xf32, #tpu.memory_space<hbm>>) dst(%arg15 : memref<80x32xf32, #tpu.memory_space<vmem>>)
      %add3A_307 = arith.constant 25 : i32
      %add3A_308 = arith.addi %add3A_300, %add3A_307 : i32
      %sub3A_309 = arith.constant 1 : i32
      %sub3A_310 = arith.subi %add3A_308, %sub3A_309 : i32
      %lt3A_311 = arith.constant 125 : i32
      %lt3A_312 = arith.cmpi slt, %sub3A_310, %lt3A_311 : i32
      %convert_element_type3A_313 = arith.extui %lt3A_312 : i1 to i32
      %cond3A_314 = arith.constant 0 : i32
      %cond3A_315 = arith.cmpi ne, %convert_element_type3A_313, %cond3A_314 : i32
      scf.if %cond3A_315 {
        %dma_start3A_658 = arith.constant 0 : i32
        %dma_start3A_659 = tpu.memref_slice %arg7[%sub3A_310, %dma_start3A_658] : memref<125x80xi32, #tpu.memory_space<vmem>> -> memref<1x80xi32, #tpu.memory_space<vmem>>
        %dma_start3A_660 = tpu.memref_squeeze %dma_start3A_659 : memref<1x80xi32, #tpu.memory_space<vmem>> -> memref<80xi32, #tpu.memory_space<vmem>>
        %dma_start3A_661 = arith.constant 0 : i32
        %dma_start3A_662 = arith.constant 0 : i32
        %dma_start3A_663 = tpu.memref_slice %arg2[%dma_start3A_661, %dma_start3A_662] : memref<10000x32xf32, #tpu.memory_space<hbm>> -> memref<10000x32xf32, #tpu.memory_space<hbm>>
        tpu.enqueue_indirect_dma source(%dma_start3A_663 : memref<10000x32xf32, #tpu.memory_space<hbm>>) target(%arg14 : memref<80x32xf32, #tpu.memory_space<vmem>>) offsets(%dma_start3A_660 : memref<80xi32, #tpu.memory_space<vmem>>) semaphore(%arg40 : memref<!tpu.dma_semaphore, #tpu.memory_space<semaphore_mem>>)
      } else {
      }
      "tpu.region"() ({
        %run_scoped3A = tpu.sem_alloc : memref<!tpu.dma_semaphore, #tpu.memory_space<semaphore_mem>>
        %dma_start3A_658 = arith.constant 0 : i32
        %dma_start3A_659 = tpu.memref_slice %arg8[%add3A_300, %dma_start3A_658] : memref<125x80xi32, #tpu.memory_space<vmem>> -> memref<1x80xi32, #tpu.memory_space<vmem>>
        %dma_start3A_660 = tpu.memref_squeeze %dma_start3A_659 : memref<1x80xi32, #tpu.memory_space<vmem>> -> memref<80xi32, #tpu.memory_space<vmem>>
        %dma_start3A_661 = arith.constant 0 : i32
        %dma_start3A_662 = arith.constant 0 : i32
        %dma_start3A_663 = tpu.memref_slice %arg34[%dma_start3A_661, %dma_start3A_662] : memref<10000x32xf32, #tpu.memory_space<vmem_shared>> -> memref<10000x32xf32, #tpu.memory_space<vmem_shared>>
        tpu.enqueue_indirect_dma source(%arg15 : memref<80x32xf32, #tpu.memory_space<vmem>>) target(%dma_start3A_663 : memref<10000x32xf32, #tpu.memory_space<vmem_shared>>) offsets(%dma_start3A_660 : memref<80xi32, #tpu.memory_space<vmem>>) semaphore(%run_scoped3A : memref<!tpu.dma_semaphore, #tpu.memory_space<semaphore_mem>>) {add = true}
        %dma_wait3A_664 = arith.constant 0 : i32
        %dma_wait3A_665 = tpu.memref_slice %arg8[%add3A_300, %dma_wait3A_664] : memref<125x80xi32, #tpu.memory_space<vmem>> -> memref<1x80xi32, #tpu.memory_space<vmem>>
        %dma_wait3A_666 = tpu.memref_squeeze %dma_wait3A_665 : memref<1x80xi32, #tpu.memory_space<vmem>> -> memref<80xi32, #tpu.memory_space<vmem>>
        %dma_wait3A_667 = arith.constant 0 : i32
        %dma_wait3A_668 = arith.constant 0 : i32
        %dma_wait3A_669 = tpu.memref_slice %arg34[%dma_wait3A_667, %dma_wait3A_668] : memref<10000x32xf32, #tpu.memory_space<vmem_shared>> -> memref<10000x32xf32, #tpu.memory_space<vmem_shared>>
        tpu.wait_indirect_dma semaphore(%run_scoped3A : memref<!tpu.dma_semaphore, #tpu.memory_space<semaphore_mem>>) src(%arg15 : memref<80x32xf32, #tpu.memory_space<vmem>>) dst(%dma_wait3A_669 : memref<10000x32xf32, #tpu.memory_space<vmem_shared>>)
        tpu.yield
      }) : () -> ()
      %mul3A_316 = arith.constant 25 : i32
      %mul3A_317 = arith.muli %scan3A_185, %mul3A_316 : i32
      %add3A_318 = arith.constant 7 : i32
      %add3A_319 = arith.addi %mul3A_317, %add3A_318 : i32
      %dma_wait3A_320 = arith.constant 0 : i32
      %dma_wait3A_321 = tpu.memref_slice %arg7[%add3A_319, %dma_wait3A_320] : memref<125x80xi32, #tpu.memory_space<vmem>> -> memref<1x80xi32, #tpu.memory_space<vmem>>
      %dma_wait3A_322 = tpu.memref_squeeze %dma_wait3A_321 : memref<1x80xi32, #tpu.memory_space<vmem>> -> memref<80xi32, #tpu.memory_space<vmem>>
      %dma_wait3A_323 = arith.constant 0 : i32
      %dma_wait3A_324 = arith.constant 0 : i32
      %dma_wait3A_325 = tpu.memref_slice %arg2[%dma_wait3A_323, %dma_wait3A_324] : memref<10000x32xf32, #tpu.memory_space<hbm>> -> memref<10000x32xf32, #tpu.memory_space<hbm>>
      tpu.wait_indirect_dma semaphore(%arg42 : memref<!tpu.dma_semaphore, #tpu.memory_space<semaphore_mem>>) src(%dma_wait3A_325 : memref<10000x32xf32, #tpu.memory_space<hbm>>) dst(%arg16 : memref<80x32xf32, #tpu.memory_space<vmem>>)
      %add3A_326 = arith.constant 25 : i32
      %add3A_327 = arith.addi %add3A_319, %add3A_326 : i32
      %sub3A_328 = arith.constant 1 : i32
      %sub3A_329 = arith.subi %add3A_327, %sub3A_328 : i32
      %lt3A_330 = arith.constant 125 : i32
      %lt3A_331 = arith.cmpi slt, %sub3A_329, %lt3A_330 : i32
      %convert_element_type3A_332 = arith.extui %lt3A_331 : i1 to i32
      %cond3A_333 = arith.constant 0 : i32
      %cond3A_334 = arith.cmpi ne, %convert_element_type3A_332, %cond3A_333 : i32
      scf.if %cond3A_334 {
        %dma_start3A_658 = arith.constant 0 : i32
        %dma_start3A_659 = tpu.memref_slice %arg7[%sub3A_329, %dma_start3A_658] : memref<125x80xi32, #tpu.memory_space<vmem>> -> memref<1x80xi32, #tpu.memory_space<vmem>>
        %dma_start3A_660 = tpu.memref_squeeze %dma_start3A_659 : memref<1x80xi32, #tpu.memory_space<vmem>> -> memref<80xi32, #tpu.memory_space<vmem>>
        %dma_start3A_661 = arith.constant 0 : i32
        %dma_start3A_662 = arith.constant 0 : i32
        %dma_start3A_663 = tpu.memref_slice %arg2[%dma_start3A_661, %dma_start3A_662] : memref<10000x32xf32, #tpu.memory_space<hbm>> -> memref<10000x32xf32, #tpu.memory_space<hbm>>
        tpu.enqueue_indirect_dma source(%dma_start3A_663 : memref<10000x32xf32, #tpu.memory_space<hbm>>) target(%arg15 : memref<80x32xf32, #tpu.memory_space<vmem>>) offsets(%dma_start3A_660 : memref<80xi32, #tpu.memory_space<vmem>>) semaphore(%arg41 : memref<!tpu.dma_semaphore, #tpu.memory_space<semaphore_mem>>)
      } else {
      }
      "tpu.region"() ({
        %run_scoped3A = tpu.sem_alloc : memref<!tpu.dma_semaphore, #tpu.memory_space<semaphore_mem>>
        %dma_start3A_658 = arith.constant 0 : i32
        %dma_start3A_659 = tpu.memref_slice %arg8[%add3A_319, %dma_start3A_658] : memref<125x80xi32, #tpu.memory_space<vmem>> -> memref<1x80xi32, #tpu.memory_space<vmem>>
        %dma_start3A_660 = tpu.memref_squeeze %dma_start3A_659 : memref<1x80xi32, #tpu.memory_space<vmem>> -> memref<80xi32, #tpu.memory_space<vmem>>
        %dma_start3A_661 = arith.constant 0 : i32
        %dma_start3A_662 = arith.constant 0 : i32
        %dma_start3A_663 = tpu.memref_slice %arg34[%dma_start3A_661, %dma_start3A_662] : memref<10000x32xf32, #tpu.memory_space<vmem_shared>> -> memref<10000x32xf32, #tpu.memory_space<vmem_shared>>
        tpu.enqueue_indirect_dma source(%arg16 : memref<80x32xf32, #tpu.memory_space<vmem>>) target(%dma_start3A_663 : memref<10000x32xf32, #tpu.memory_space<vmem_shared>>) offsets(%dma_start3A_660 : memref<80xi32, #tpu.memory_space<vmem>>) semaphore(%run_scoped3A : memref<!tpu.dma_semaphore, #tpu.memory_space<semaphore_mem>>) {add = true}
        %dma_wait3A_664 = arith.constant 0 : i32
        %dma_wait3A_665 = tpu.memref_slice %arg8[%add3A_319, %dma_wait3A_664] : memref<125x80xi32, #tpu.memory_space<vmem>> -> memref<1x80xi32, #tpu.memory_space<vmem>>
        %dma_wait3A_666 = tpu.memref_squeeze %dma_wait3A_665 : memref<1x80xi32, #tpu.memory_space<vmem>> -> memref<80xi32, #tpu.memory_space<vmem>>
        %dma_wait3A_667 = arith.constant 0 : i32
        %dma_wait3A_668 = arith.constant 0 : i32
        %dma_wait3A_669 = tpu.memref_slice %arg34[%dma_wait3A_667, %dma_wait3A_668] : memref<10000x32xf32, #tpu.memory_space<vmem_shared>> -> memref<10000x32xf32, #tpu.memory_space<vmem_shared>>
        tpu.wait_indirect_dma semaphore(%run_scoped3A : memref<!tpu.dma_semaphore, #tpu.memory_space<semaphore_mem>>) src(%arg16 : memref<80x32xf32, #tpu.memory_space<vmem>>) dst(%dma_wait3A_669 : memref<10000x32xf32, #tpu.memory_space<vmem_shared>>)
        tpu.yield
      }) : () -> ()
      %mul3A_335 = arith.constant 25 : i32
      %mul3A_336 = arith.muli %scan3A_185, %mul3A_335 : i32
      %add3A_337 = arith.constant 8 : i32
      %add3A_338 = arith.addi %mul3A_336, %add3A_337 : i32
      %dma_wait3A_339 = arith.constant 0 : i32
      %dma_wait3A_340 = tpu.memref_slice %arg7[%add3A_338, %dma_wait3A_339] : memref<125x80xi32, #tpu.memory_space<vmem>> -> memref<1x80xi32, #tpu.memory_space<vmem>>
      %dma_wait3A_341 = tpu.memref_squeeze %dma_wait3A_340 : memref<1x80xi32, #tpu.memory_space<vmem>> -> memref<80xi32, #tpu.memory_space<vmem>>
      %dma_wait3A_342 = arith.constant 0 : i32
      %dma_wait3A_343 = arith.constant 0 : i32
      %dma_wait3A_344 = tpu.memref_slice %arg2[%dma_wait3A_342, %dma_wait3A_343] : memref<10000x32xf32, #tpu.memory_space<hbm>> -> memref<10000x32xf32, #tpu.memory_space<hbm>>
      tpu.wait_indirect_dma semaphore(%arg43 : memref<!tpu.dma_semaphore, #tpu.memory_space<semaphore_mem>>) src(%dma_wait3A_344 : memref<10000x32xf32, #tpu.memory_space<hbm>>) dst(%arg17 : memref<80x32xf32, #tpu.memory_space<vmem>>)
      %add3A_345 = arith.constant 25 : i32
      %add3A_346 = arith.addi %add3A_338, %add3A_345 : i32
      %sub3A_347 = arith.constant 1 : i32
      %sub3A_348 = arith.subi %add3A_346, %sub3A_347 : i32
      %lt3A_349 = arith.constant 125 : i32
      %lt3A_350 = arith.cmpi slt, %sub3A_348, %lt3A_349 : i32
      %convert_element_type3A_351 = arith.extui %lt3A_350 : i1 to i32
      %cond3A_352 = arith.constant 0 : i32
      %cond3A_353 = arith.cmpi ne, %convert_element_type3A_351, %cond3A_352 : i32
      scf.if %cond3A_353 {
        %dma_start3A_658 = arith.constant 0 : i32
        %dma_start3A_659 = tpu.memref_slice %arg7[%sub3A_348, %dma_start3A_658] : memref<125x80xi32, #tpu.memory_space<vmem>> -> memref<1x80xi32, #tpu.memory_space<vmem>>
        %dma_start3A_660 = tpu.memref_squeeze %dma_start3A_659 : memref<1x80xi32, #tpu.memory_space<vmem>> -> memref<80xi32, #tpu.memory_space<vmem>>
        %dma_start3A_661 = arith.constant 0 : i32
        %dma_start3A_662 = arith.constant 0 : i32
        %dma_start3A_663 = tpu.memref_slice %arg2[%dma_start3A_661, %dma_start3A_662] : memref<10000x32xf32, #tpu.memory_space<hbm>> -> memref<10000x32xf32, #tpu.memory_space<hbm>>
        tpu.enqueue_indirect_dma source(%dma_start3A_663 : memref<10000x32xf32, #tpu.memory_space<hbm>>) target(%arg16 : memref<80x32xf32, #tpu.memory_space<vmem>>) offsets(%dma_start3A_660 : memref<80xi32, #tpu.memory_space<vmem>>) semaphore(%arg42 : memref<!tpu.dma_semaphore, #tpu.memory_space<semaphore_mem>>)
      } else {
      }
      "tpu.region"() ({
        %run_scoped3A = tpu.sem_alloc : memref<!tpu.dma_semaphore, #tpu.memory_space<semaphore_mem>>
        %dma_start3A_658 = arith.constant 0 : i32
        %dma_start3A_659 = tpu.memref_slice %arg8[%add3A_338, %dma_start3A_658] : memref<125x80xi32, #tpu.memory_space<vmem>> -> memref<1x80xi32, #tpu.memory_space<vmem>>
        %dma_start3A_660 = tpu.memref_squeeze %dma_start3A_659 : memref<1x80xi32, #tpu.memory_space<vmem>> -> memref<80xi32, #tpu.memory_space<vmem>>
        %dma_start3A_661 = arith.constant 0 : i32
        %dma_start3A_662 = arith.constant 0 : i32
        %dma_start3A_663 = tpu.memref_slice %arg34[%dma_start3A_661, %dma_start3A_662] : memref<10000x32xf32, #tpu.memory_space<vmem_shared>> -> memref<10000x32xf32, #tpu.memory_space<vmem_shared>>
        tpu.enqueue_indirect_dma source(%arg17 : memref<80x32xf32, #tpu.memory_space<vmem>>) target(%dma_start3A_663 : memref<10000x32xf32, #tpu.memory_space<vmem_shared>>) offsets(%dma_start3A_660 : memref<80xi32, #tpu.memory_space<vmem>>) semaphore(%run_scoped3A : memref<!tpu.dma_semaphore, #tpu.memory_space<semaphore_mem>>) {add = true}
        %dma_wait3A_664 = arith.constant 0 : i32
        %dma_wait3A_665 = tpu.memref_slice %arg8[%add3A_338, %dma_wait3A_664] : memref<125x80xi32, #tpu.memory_space<vmem>> -> memref<1x80xi32, #tpu.memory_space<vmem>>
        %dma_wait3A_666 = tpu.memref_squeeze %dma_wait3A_665 : memref<1x80xi32, #tpu.memory_space<vmem>> -> memref<80xi32, #tpu.memory_space<vmem>>
        %dma_wait3A_667 = arith.constant 0 : i32
        %dma_wait3A_668 = arith.constant 0 : i32
        %dma_wait3A_669 = tpu.memref_slice %arg34[%dma_wait3A_667, %dma_wait3A_668] : memref<10000x32xf32, #tpu.memory_space<vmem_shared>> -> memref<10000x32xf32, #tpu.memory_space<vmem_shared>>
        tpu.wait_indirect_dma semaphore(%run_scoped3A : memref<!tpu.dma_semaphore, #tpu.memory_space<semaphore_mem>>) src(%arg17 : memref<80x32xf32, #tpu.memory_space<vmem>>) dst(%dma_wait3A_669 : memref<10000x32xf32, #tpu.memory_space<vmem_shared>>)
        tpu.yield
      }) : () -> ()
      %mul3A_354 = arith.constant 25 : i32
      %mul3A_355 = arith.muli %scan3A_185, %mul3A_354 : i32
      %add3A_356 = arith.constant 9 : i32
      %add3A_357 = arith.addi %mul3A_355, %add3A_356 : i32
      %dma_wait3A_358 = arith.constant 0 : i32
      %dma_wait3A_359 = tpu.memref_slice %arg7[%add3A_357, %dma_wait3A_358] : memref<125x80xi32, #tpu.memory_space<vmem>> -> memref<1x80xi32, #tpu.memory_space<vmem>>
      %dma_wait3A_360 = tpu.memref_squeeze %dma_wait3A_359 : memref<1x80xi32, #tpu.memory_space<vmem>> -> memref<80xi32, #tpu.memory_space<vmem>>
      %dma_wait3A_361 = arith.constant 0 : i32
      %dma_wait3A_362 = arith.constant 0 : i32
      %dma_wait3A_363 = tpu.memref_slice %arg2[%dma_wait3A_361, %dma_wait3A_362] : memref<10000x32xf32, #tpu.memory_space<hbm>> -> memref<10000x32xf32, #tpu.memory_space<hbm>>
      tpu.wait_indirect_dma semaphore(%arg44 : memref<!tpu.dma_semaphore, #tpu.memory_space<semaphore_mem>>) src(%dma_wait3A_363 : memref<10000x32xf32, #tpu.memory_space<hbm>>) dst(%arg18 : memref<80x32xf32, #tpu.memory_space<vmem>>)
      %add3A_364 = arith.constant 25 : i32
      %add3A_365 = arith.addi %add3A_357, %add3A_364 : i32
      %sub3A_366 = arith.constant 1 : i32
      %sub3A_367 = arith.subi %add3A_365, %sub3A_366 : i32
      %lt3A_368 = arith.constant 125 : i32
      %lt3A_369 = arith.cmpi slt, %sub3A_367, %lt3A_368 : i32
      %convert_element_type3A_370 = arith.extui %lt3A_369 : i1 to i32
      %cond3A_371 = arith.constant 0 : i32
      %cond3A_372 = arith.cmpi ne, %convert_element_type3A_370, %cond3A_371 : i32
      scf.if %cond3A_372 {
        %dma_start3A_658 = arith.constant 0 : i32
        %dma_start3A_659 = tpu.memref_slice %arg7[%sub3A_367, %dma_start3A_658] : memref<125x80xi32, #tpu.memory_space<vmem>> -> memref<1x80xi32, #tpu.memory_space<vmem>>
        %dma_start3A_660 = tpu.memref_squeeze %dma_start3A_659 : memref<1x80xi32, #tpu.memory_space<vmem>> -> memref<80xi32, #tpu.memory_space<vmem>>
        %dma_start3A_661 = arith.constant 0 : i32
        %dma_start3A_662 = arith.constant 0 : i32
        %dma_start3A_663 = tpu.memref_slice %arg2[%dma_start3A_661, %dma_start3A_662] : memref<10000x32xf32, #tpu.memory_space<hbm>> -> memref<10000x32xf32, #tpu.memory_space<hbm>>
        tpu.enqueue_indirect_dma source(%dma_start3A_663 : memref<10000x32xf32, #tpu.memory_space<hbm>>) target(%arg17 : memref<80x32xf32, #tpu.memory_space<vmem>>) offsets(%dma_start3A_660 : memref<80xi32, #tpu.memory_space<vmem>>) semaphore(%arg43 : memref<!tpu.dma_semaphore, #tpu.memory_space<semaphore_mem>>)
      } else {
      }
      "tpu.region"() ({
        %run_scoped3A = tpu.sem_alloc : memref<!tpu.dma_semaphore, #tpu.memory_space<semaphore_mem>>
        %dma_start3A_658 = arith.constant 0 : i32
        %dma_start3A_659 = tpu.memref_slice %arg8[%add3A_357, %dma_start3A_658] : memref<125x80xi32, #tpu.memory_space<vmem>> -> memref<1x80xi32, #tpu.memory_space<vmem>>
        %dma_start3A_660 = tpu.memref_squeeze %dma_start3A_659 : memref<1x80xi32, #tpu.memory_space<vmem>> -> memref<80xi32, #tpu.memory_space<vmem>>
        %dma_start3A_661 = arith.constant 0 : i32
        %dma_start3A_662 = arith.constant 0 : i32
        %dma_start3A_663 = tpu.memref_slice %arg34[%dma_start3A_661, %dma_start3A_662] : memref<10000x32xf32, #tpu.memory_space<vmem_shared>> -> memref<10000x32xf32, #tpu.memory_space<vmem_shared>>
        tpu.enqueue_indirect_dma source(%arg18 : memref<80x32xf32, #tpu.memory_space<vmem>>) target(%dma_start3A_663 : memref<10000x32xf32, #tpu.memory_space<vmem_shared>>) offsets(%dma_start3A_660 : memref<80xi32, #tpu.memory_space<vmem>>) semaphore(%run_scoped3A : memref<!tpu.dma_semaphore, #tpu.memory_space<semaphore_mem>>) {add = true}
        %dma_wait3A_664 = arith.constant 0 : i32
        %dma_wait3A_665 = tpu.memref_slice %arg8[%add3A_357, %dma_wait3A_664] : memref<125x80xi32, #tpu.memory_space<vmem>> -> memref<1x80xi32, #tpu.memory_space<vmem>>
        %dma_wait3A_666 = tpu.memref_squeeze %dma_wait3A_665 : memref<1x80xi32, #tpu.memory_space<vmem>> -> memref<80xi32, #tpu.memory_space<vmem>>
        %dma_wait3A_667 = arith.constant 0 : i32
        %dma_wait3A_668 = arith.constant 0 : i32
        %dma_wait3A_669 = tpu.memref_slice %arg34[%dma_wait3A_667, %dma_wait3A_668] : memref<10000x32xf32, #tpu.memory_space<vmem_shared>> -> memref<10000x32xf32, #tpu.memory_space<vmem_shared>>
        tpu.wait_indirect_dma semaphore(%run_scoped3A : memref<!tpu.dma_semaphore, #tpu.memory_space<semaphore_mem>>) src(%arg18 : memref<80x32xf32, #tpu.memory_space<vmem>>) dst(%dma_wait3A_669 : memref<10000x32xf32, #tpu.memory_space<vmem_shared>>)
        tpu.yield
      }) : () -> ()
      %mul3A_373 = arith.constant 25 : i32
      %mul3A_374 = arith.muli %scan3A_185, %mul3A_373 : i32
      %add3A_375 = arith.constant 10 : i32
      %add3A_376 = arith.addi %mul3A_374, %add3A_375 : i32
      %dma_wait3A_377 = arith.constant 0 : i32
      %dma_wait3A_378 = tpu.memref_slice %arg7[%add3A_376, %dma_wait3A_377] : memref<125x80xi32, #tpu.memory_space<vmem>> -> memref<1x80xi32, #tpu.memory_space<vmem>>
      %dma_wait3A_379 = tpu.memref_squeeze %dma_wait3A_378 : memref<1x80xi32, #tpu.memory_space<vmem>> -> memref<80xi32, #tpu.memory_space<vmem>>
      %dma_wait3A_380 = arith.constant 0 : i32
      %dma_wait3A_381 = arith.constant 0 : i32
      %dma_wait3A_382 = tpu.memref_slice %arg2[%dma_wait3A_380, %dma_wait3A_381] : memref<10000x32xf32, #tpu.memory_space<hbm>> -> memref<10000x32xf32, #tpu.memory_space<hbm>>
      tpu.wait_indirect_dma semaphore(%arg45 : memref<!tpu.dma_semaphore, #tpu.memory_space<semaphore_mem>>) src(%dma_wait3A_382 : memref<10000x32xf32, #tpu.memory_space<hbm>>) dst(%arg19 : memref<80x32xf32, #tpu.memory_space<vmem>>)
      %add3A_383 = arith.constant 25 : i32
      %add3A_384 = arith.addi %add3A_376, %add3A_383 : i32
      %sub3A_385 = arith.constant 1 : i32
      %sub3A_386 = arith.subi %add3A_384, %sub3A_385 : i32
      %lt3A_387 = arith.constant 125 : i32
      %lt3A_388 = arith.cmpi slt, %sub3A_386, %lt3A_387 : i32
      %convert_element_type3A_389 = arith.extui %lt3A_388 : i1 to i32
      %cond3A_390 = arith.constant 0 : i32
      %cond3A_391 = arith.cmpi ne, %convert_element_type3A_389, %cond3A_390 : i32
      scf.if %cond3A_391 {
        %dma_start3A_658 = arith.constant 0 : i32
        %dma_start3A_659 = tpu.memref_slice %arg7[%sub3A_386, %dma_start3A_658] : memref<125x80xi32, #tpu.memory_space<vmem>> -> memref<1x80xi32, #tpu.memory_space<vmem>>
        %dma_start3A_660 = tpu.memref_squeeze %dma_start3A_659 : memref<1x80xi32, #tpu.memory_space<vmem>> -> memref<80xi32, #tpu.memory_space<vmem>>
        %dma_start3A_661 = arith.constant 0 : i32
        %dma_start3A_662 = arith.constant 0 : i32
        %dma_start3A_663 = tpu.memref_slice %arg2[%dma_start3A_661, %dma_start3A_662] : memref<10000x32xf32, #tpu.memory_space<hbm>> -> memref<10000x32xf32, #tpu.memory_space<hbm>>
        tpu.enqueue_indirect_dma source(%dma_start3A_663 : memref<10000x32xf32, #tpu.memory_space<hbm>>) target(%arg18 : memref<80x32xf32, #tpu.memory_space<vmem>>) offsets(%dma_start3A_660 : memref<80xi32, #tpu.memory_space<vmem>>) semaphore(%arg44 : memref<!tpu.dma_semaphore, #tpu.memory_space<semaphore_mem>>)
      } else {
      }
      "tpu.region"() ({
        %run_scoped3A = tpu.sem_alloc : memref<!tpu.dma_semaphore, #tpu.memory_space<semaphore_mem>>
        %dma_start3A_658 = arith.constant 0 : i32
        %dma_start3A_659 = tpu.memref_slice %arg8[%add3A_376, %dma_start3A_658] : memref<125x80xi32, #tpu.memory_space<vmem>> -> memref<1x80xi32, #tpu.memory_space<vmem>>
        %dma_start3A_660 = tpu.memref_squeeze %dma_start3A_659 : memref<1x80xi32, #tpu.memory_space<vmem>> -> memref<80xi32, #tpu.memory_space<vmem>>
        %dma_start3A_661 = arith.constant 0 : i32
        %dma_start3A_662 = arith.constant 0 : i32
        %dma_start3A_663 = tpu.memref_slice %arg34[%dma_start3A_661, %dma_start3A_662] : memref<10000x32xf32, #tpu.memory_space<vmem_shared>> -> memref<10000x32xf32, #tpu.memory_space<vmem_shared>>
        tpu.enqueue_indirect_dma source(%arg19 : memref<80x32xf32, #tpu.memory_space<vmem>>) target(%dma_start3A_663 : memref<10000x32xf32, #tpu.memory_space<vmem_shared>>) offsets(%dma_start3A_660 : memref<80xi32, #tpu.memory_space<vmem>>) semaphore(%run_scoped3A : memref<!tpu.dma_semaphore, #tpu.memory_space<semaphore_mem>>) {add = true}
        %dma_wait3A_664 = arith.constant 0 : i32
        %dma_wait3A_665 = tpu.memref_slice %arg8[%add3A_376, %dma_wait3A_664] : memref<125x80xi32, #tpu.memory_space<vmem>> -> memref<1x80xi32, #tpu.memory_space<vmem>>
        %dma_wait3A_666 = tpu.memref_squeeze %dma_wait3A_665 : memref<1x80xi32, #tpu.memory_space<vmem>> -> memref<80xi32, #tpu.memory_space<vmem>>
        %dma_wait3A_667 = arith.constant 0 : i32
        %dma_wait3A_668 = arith.constant 0 : i32
        %dma_wait3A_669 = tpu.memref_slice %arg34[%dma_wait3A_667, %dma_wait3A_668] : memref<10000x32xf32, #tpu.memory_space<vmem_shared>> -> memref<10000x32xf32, #tpu.memory_space<vmem_shared>>
        tpu.wait_indirect_dma semaphore(%run_scoped3A : memref<!tpu.dma_semaphore, #tpu.memory_space<semaphore_mem>>) src(%arg19 : memref<80x32xf32, #tpu.memory_space<vmem>>) dst(%dma_wait3A_669 : memref<10000x32xf32, #tpu.memory_space<vmem_shared>>)
        tpu.yield
      }) : () -> ()
      %mul3A_392 = arith.constant 25 : i32
      %mul3A_393 = arith.muli %scan3A_185, %mul3A_392 : i32
      %add3A_394 = arith.constant 11 : i32
      %add3A_395 = arith.addi %mul3A_393, %add3A_394 : i32
      %dma_wait3A_396 = arith.constant 0 : i32
      %dma_wait3A_397 = tpu.memref_slice %arg7[%add3A_395, %dma_wait3A_396] : memref<125x80xi32, #tpu.memory_space<vmem>> -> memref<1x80xi32, #tpu.memory_space<vmem>>
      %dma_wait3A_398 = tpu.memref_squeeze %dma_wait3A_397 : memref<1x80xi32, #tpu.memory_space<vmem>> -> memref<80xi32, #tpu.memory_space<vmem>>
      %dma_wait3A_399 = arith.constant 0 : i32
      %dma_wait3A_400 = arith.constant 0 : i32
      %dma_wait3A_401 = tpu.memref_slice %arg2[%dma_wait3A_399, %dma_wait3A_400] : memref<10000x32xf32, #tpu.memory_space<hbm>> -> memref<10000x32xf32, #tpu.memory_space<hbm>>
      tpu.wait_indirect_dma semaphore(%arg46 : memref<!tpu.dma_semaphore, #tpu.memory_space<semaphore_mem>>) src(%dma_wait3A_401 : memref<10000x32xf32, #tpu.memory_space<hbm>>) dst(%arg20 : memref<80x32xf32, #tpu.memory_space<vmem>>)
      %add3A_402 = arith.constant 25 : i32
      %add3A_403 = arith.addi %add3A_395, %add3A_402 : i32
      %sub3A_404 = arith.constant 1 : i32
      %sub3A_405 = arith.subi %add3A_403, %sub3A_404 : i32
      %lt3A_406 = arith.constant 125 : i32
      %lt3A_407 = arith.cmpi slt, %sub3A_405, %lt3A_406 : i32
      %convert_element_type3A_408 = arith.extui %lt3A_407 : i1 to i32
      %cond3A_409 = arith.constant 0 : i32
      %cond3A_410 = arith.cmpi ne, %convert_element_type3A_408, %cond3A_409 : i32
      scf.if %cond3A_410 {
        %dma_start3A_658 = arith.constant 0 : i32
        %dma_start3A_659 = tpu.memref_slice %arg7[%sub3A_405, %dma_start3A_658] : memref<125x80xi32, #tpu.memory_space<vmem>> -> memref<1x80xi32, #tpu.memory_space<vmem>>
        %dma_start3A_660 = tpu.memref_squeeze %dma_start3A_659 : memref<1x80xi32, #tpu.memory_space<vmem>> -> memref<80xi32, #tpu.memory_space<vmem>>
        %dma_start3A_661 = arith.constant 0 : i32
        %dma_start3A_662 = arith.constant 0 : i32
        %dma_start3A_663 = tpu.memref_slice %arg2[%dma_start3A_661, %dma_start3A_662] : memref<10000x32xf32, #tpu.memory_space<hbm>> -> memref<10000x32xf32, #tpu.memory_space<hbm>>
        tpu.enqueue_indirect_dma source(%dma_start3A_663 : memref<10000x32xf32, #tpu.memory_space<hbm>>) target(%arg19 : memref<80x32xf32, #tpu.memory_space<vmem>>) offsets(%dma_start3A_660 : memref<80xi32, #tpu.memory_space<vmem>>) semaphore(%arg45 : memref<!tpu.dma_semaphore, #tpu.memory_space<semaphore_mem>>)
      } else {
      }
      "tpu.region"() ({
        %run_scoped3A = tpu.sem_alloc : memref<!tpu.dma_semaphore, #tpu.memory_space<semaphore_mem>>
        %dma_start3A_658 = arith.constant 0 : i32
        %dma_start3A_659 = tpu.memref_slice %arg8[%add3A_395, %dma_start3A_658] : memref<125x80xi32, #tpu.memory_space<vmem>> -> memref<1x80xi32, #tpu.memory_space<vmem>>
        %dma_start3A_660 = tpu.memref_squeeze %dma_start3A_659 : memref<1x80xi32, #tpu.memory_space<vmem>> -> memref<80xi32, #tpu.memory_space<vmem>>
        %dma_start3A_661 = arith.constant 0 : i32
        %dma_start3A_662 = arith.constant 0 : i32
        %dma_start3A_663 = tpu.memref_slice %arg34[%dma_start3A_661, %dma_start3A_662] : memref<10000x32xf32, #tpu.memory_space<vmem_shared>> -> memref<10000x32xf32, #tpu.memory_space<vmem_shared>>
        tpu.enqueue_indirect_dma source(%arg20 : memref<80x32xf32, #tpu.memory_space<vmem>>) target(%dma_start3A_663 : memref<10000x32xf32, #tpu.memory_space<vmem_shared>>) offsets(%dma_start3A_660 : memref<80xi32, #tpu.memory_space<vmem>>) semaphore(%run_scoped3A : memref<!tpu.dma_semaphore, #tpu.memory_space<semaphore_mem>>) {add = true}
        %dma_wait3A_664 = arith.constant 0 : i32
        %dma_wait3A_665 = tpu.memref_slice %arg8[%add3A_395, %dma_wait3A_664] : memref<125x80xi32, #tpu.memory_space<vmem>> -> memref<1x80xi32, #tpu.memory_space<vmem>>
        %dma_wait3A_666 = tpu.memref_squeeze %dma_wait3A_665 : memref<1x80xi32, #tpu.memory_space<vmem>> -> memref<80xi32, #tpu.memory_space<vmem>>
        %dma_wait3A_667 = arith.constant 0 : i32
        %dma_wait3A_668 = arith.constant 0 : i32
        %dma_wait3A_669 = tpu.memref_slice %arg34[%dma_wait3A_667, %dma_wait3A_668] : memref<10000x32xf32, #tpu.memory_space<vmem_shared>> -> memref<10000x32xf32, #tpu.memory_space<vmem_shared>>
        tpu.wait_indirect_dma semaphore(%run_scoped3A : memref<!tpu.dma_semaphore, #tpu.memory_space<semaphore_mem>>) src(%arg20 : memref<80x32xf32, #tpu.memory_space<vmem>>) dst(%dma_wait3A_669 : memref<10000x32xf32, #tpu.memory_space<vmem_shared>>)
        tpu.yield
      }) : () -> ()
      %mul3A_411 = arith.constant 25 : i32
      %mul3A_412 = arith.muli %scan3A_185, %mul3A_411 : i32
      %add3A_413 = arith.constant 12 : i32
      %add3A_414 = arith.addi %mul3A_412, %add3A_413 : i32
      %dma_wait3A_415 = arith.constant 0 : i32
      %dma_wait3A_416 = tpu.memref_slice %arg7[%add3A_414, %dma_wait3A_415] : memref<125x80xi32, #tpu.memory_space<vmem>> -> memref<1x80xi32, #tpu.memory_space<vmem>>
      %dma_wait3A_417 = tpu.memref_squeeze %dma_wait3A_416 : memref<1x80xi32, #tpu.memory_space<vmem>> -> memref<80xi32, #tpu.memory_space<vmem>>
      %dma_wait3A_418 = arith.constant 0 : i32
      %dma_wait3A_419 = arith.constant 0 : i32
      %dma_wait3A_420 = tpu.memref_slice %arg2[%dma_wait3A_418, %dma_wait3A_419] : memref<10000x32xf32, #tpu.memory_space<hbm>> -> memref<10000x32xf32, #tpu.memory_space<hbm>>
      tpu.wait_indirect_dma semaphore(%arg47 : memref<!tpu.dma_semaphore, #tpu.memory_space<semaphore_mem>>) src(%dma_wait3A_420 : memref<10000x32xf32, #tpu.memory_space<hbm>>) dst(%arg21 : memref<80x32xf32, #tpu.memory_space<vmem>>)
      %add3A_421 = arith.constant 25 : i32
      %add3A_422 = arith.addi %add3A_414, %add3A_421 : i32
      %sub3A_423 = arith.constant 1 : i32
      %sub3A_424 = arith.subi %add3A_422, %sub3A_423 : i32
      %lt3A_425 = arith.constant 125 : i32
      %lt3A_426 = arith.cmpi slt, %sub3A_424, %lt3A_425 : i32
      %convert_element_type3A_427 = arith.extui %lt3A_426 : i1 to i32
      %cond3A_428 = arith.constant 0 : i32
      %cond3A_429 = arith.cmpi ne, %convert_element_type3A_427, %cond3A_428 : i32
      scf.if %cond3A_429 {
        %dma_start3A_658 = arith.constant 0 : i32
        %dma_start3A_659 = tpu.memref_slice %arg7[%sub3A_424, %dma_start3A_658] : memref<125x80xi32, #tpu.memory_space<vmem>> -> memref<1x80xi32, #tpu.memory_space<vmem>>
        %dma_start3A_660 = tpu.memref_squeeze %dma_start3A_659 : memref<1x80xi32, #tpu.memory_space<vmem>> -> memref<80xi32, #tpu.memory_space<vmem>>
        %dma_start3A_661 = arith.constant 0 : i32
        %dma_start3A_662 = arith.constant 0 : i32
        %dma_start3A_663 = tpu.memref_slice %arg2[%dma_start3A_661, %dma_start3A_662] : memref<10000x32xf32, #tpu.memory_space<hbm>> -> memref<10000x32xf32, #tpu.memory_space<hbm>>
        tpu.enqueue_indirect_dma source(%dma_start3A_663 : memref<10000x32xf32, #tpu.memory_space<hbm>>) target(%arg20 : memref<80x32xf32, #tpu.memory_space<vmem>>) offsets(%dma_start3A_660 : memref<80xi32, #tpu.memory_space<vmem>>) semaphore(%arg46 : memref<!tpu.dma_semaphore, #tpu.memory_space<semaphore_mem>>)
      } else {
      }
      "tpu.region"() ({
        %run_scoped3A = tpu.sem_alloc : memref<!tpu.dma_semaphore, #tpu.memory_space<semaphore_mem>>
        %dma_start3A_658 = arith.constant 0 : i32
        %dma_start3A_659 = tpu.memref_slice %arg8[%add3A_414, %dma_start3A_658] : memref<125x80xi32, #tpu.memory_space<vmem>> -> memref<1x80xi32, #tpu.memory_space<vmem>>
        %dma_start3A_660 = tpu.memref_squeeze %dma_start3A_659 : memref<1x80xi32, #tpu.memory_space<vmem>> -> memref<80xi32, #tpu.memory_space<vmem>>
        %dma_start3A_661 = arith.constant 0 : i32
        %dma_start3A_662 = arith.constant 0 : i32
        %dma_start3A_663 = tpu.memref_slice %arg34[%dma_start3A_661, %dma_start3A_662] : memref<10000x32xf32, #tpu.memory_space<vmem_shared>> -> memref<10000x32xf32, #tpu.memory_space<vmem_shared>>
        tpu.enqueue_indirect_dma source(%arg21 : memref<80x32xf32, #tpu.memory_space<vmem>>) target(%dma_start3A_663 : memref<10000x32xf32, #tpu.memory_space<vmem_shared>>) offsets(%dma_start3A_660 : memref<80xi32, #tpu.memory_space<vmem>>) semaphore(%run_scoped3A : memref<!tpu.dma_semaphore, #tpu.memory_space<semaphore_mem>>) {add = true}
        %dma_wait3A_664 = arith.constant 0 : i32
        %dma_wait3A_665 = tpu.memref_slice %arg8[%add3A_414, %dma_wait3A_664] : memref<125x80xi32, #tpu.memory_space<vmem>> -> memref<1x80xi32, #tpu.memory_space<vmem>>
        %dma_wait3A_666 = tpu.memref_squeeze %dma_wait3A_665 : memref<1x80xi32, #tpu.memory_space<vmem>> -> memref<80xi32, #tpu.memory_space<vmem>>
        %dma_wait3A_667 = arith.constant 0 : i32
        %dma_wait3A_668 = arith.constant 0 : i32
        %dma_wait3A_669 = tpu.memref_slice %arg34[%dma_wait3A_667, %dma_wait3A_668] : memref<10000x32xf32, #tpu.memory_space<vmem_shared>> -> memref<10000x32xf32, #tpu.memory_space<vmem_shared>>
        tpu.wait_indirect_dma semaphore(%run_scoped3A : memref<!tpu.dma_semaphore, #tpu.memory_space<semaphore_mem>>) src(%arg21 : memref<80x32xf32, #tpu.memory_space<vmem>>) dst(%dma_wait3A_669 : memref<10000x32xf32, #tpu.memory_space<vmem_shared>>)
        tpu.yield
      }) : () -> ()
      %mul3A_430 = arith.constant 25 : i32
      %mul3A_431 = arith.muli %scan3A_185, %mul3A_430 : i32
      %add3A_432 = arith.constant 13 : i32
      %add3A_433 = arith.addi %mul3A_431, %add3A_432 : i32
      %dma_wait3A_434 = arith.constant 0 : i32
      %dma_wait3A_435 = tpu.memref_slice %arg7[%add3A_433, %dma_wait3A_434] : memref<125x80xi32, #tpu.memory_space<vmem>> -> memref<1x80xi32, #tpu.memory_space<vmem>>
      %dma_wait3A_436 = tpu.memref_squeeze %dma_wait3A_435 : memref<1x80xi32, #tpu.memory_space<vmem>> -> memref<80xi32, #tpu.memory_space<vmem>>
      %dma_wait3A_437 = arith.constant 0 : i32
      %dma_wait3A_438 = arith.constant 0 : i32
      %dma_wait3A_439 = tpu.memref_slice %arg2[%dma_wait3A_437, %dma_wait3A_438] : memref<10000x32xf32, #tpu.memory_space<hbm>> -> memref<10000x32xf32, #tpu.memory_space<hbm>>
      tpu.wait_indirect_dma semaphore(%arg48 : memref<!tpu.dma_semaphore, #tpu.memory_space<semaphore_mem>>) src(%dma_wait3A_439 : memref<10000x32xf32, #tpu.memory_space<hbm>>) dst(%arg22 : memref<80x32xf32, #tpu.memory_space<vmem>>)
      %add3A_440 = arith.constant 25 : i32
      %add3A_441 = arith.addi %add3A_433, %add3A_440 : i32
      %sub3A_442 = arith.constant 1 : i32
      %sub3A_443 = arith.subi %add3A_441, %sub3A_442 : i32
      %lt3A_444 = arith.constant 125 : i32
      %lt3A_445 = arith.cmpi slt, %sub3A_443, %lt3A_444 : i32
      %convert_element_type3A_446 = arith.extui %lt3A_445 : i1 to i32
      %cond3A_447 = arith.constant 0 : i32
      %cond3A_448 = arith.cmpi ne, %convert_element_type3A_446, %cond3A_447 : i32
      scf.if %cond3A_448 {
        %dma_start3A_658 = arith.constant 0 : i32
        %dma_start3A_659 = tpu.memref_slice %arg7[%sub3A_443, %dma_start3A_658] : memref<125x80xi32, #tpu.memory_space<vmem>> -> memref<1x80xi32, #tpu.memory_space<vmem>>
        %dma_start3A_660 = tpu.memref_squeeze %dma_start3A_659 : memref<1x80xi32, #tpu.memory_space<vmem>> -> memref<80xi32, #tpu.memory_space<vmem>>
        %dma_start3A_661 = arith.constant 0 : i32
        %dma_start3A_662 = arith.constant 0 : i32
        %dma_start3A_663 = tpu.memref_slice %arg2[%dma_start3A_661, %dma_start3A_662] : memref<10000x32xf32, #tpu.memory_space<hbm>> -> memref<10000x32xf32, #tpu.memory_space<hbm>>
        tpu.enqueue_indirect_dma source(%dma_start3A_663 : memref<10000x32xf32, #tpu.memory_space<hbm>>) target(%arg21 : memref<80x32xf32, #tpu.memory_space<vmem>>) offsets(%dma_start3A_660 : memref<80xi32, #tpu.memory_space<vmem>>) semaphore(%arg47 : memref<!tpu.dma_semaphore, #tpu.memory_space<semaphore_mem>>)
      } else {
      }
      "tpu.region"() ({
        %run_scoped3A = tpu.sem_alloc : memref<!tpu.dma_semaphore, #tpu.memory_space<semaphore_mem>>
        %dma_start3A_658 = arith.constant 0 : i32
        %dma_start3A_659 = tpu.memref_slice %arg8[%add3A_433, %dma_start3A_658] : memref<125x80xi32, #tpu.memory_space<vmem>> -> memref<1x80xi32, #tpu.memory_space<vmem>>
        %dma_start3A_660 = tpu.memref_squeeze %dma_start3A_659 : memref<1x80xi32, #tpu.memory_space<vmem>> -> memref<80xi32, #tpu.memory_space<vmem>>
        %dma_start3A_661 = arith.constant 0 : i32
        %dma_start3A_662 = arith.constant 0 : i32
        %dma_start3A_663 = tpu.memref_slice %arg34[%dma_start3A_661, %dma_start3A_662] : memref<10000x32xf32, #tpu.memory_space<vmem_shared>> -> memref<10000x32xf32, #tpu.memory_space<vmem_shared>>
        tpu.enqueue_indirect_dma source(%arg22 : memref<80x32xf32, #tpu.memory_space<vmem>>) target(%dma_start3A_663 : memref<10000x32xf32, #tpu.memory_space<vmem_shared>>) offsets(%dma_start3A_660 : memref<80xi32, #tpu.memory_space<vmem>>) semaphore(%run_scoped3A : memref<!tpu.dma_semaphore, #tpu.memory_space<semaphore_mem>>) {add = true}
        %dma_wait3A_664 = arith.constant 0 : i32
        %dma_wait3A_665 = tpu.memref_slice %arg8[%add3A_433, %dma_wait3A_664] : memref<125x80xi32, #tpu.memory_space<vmem>> -> memref<1x80xi32, #tpu.memory_space<vmem>>
        %dma_wait3A_666 = tpu.memref_squeeze %dma_wait3A_665 : memref<1x80xi32, #tpu.memory_space<vmem>> -> memref<80xi32, #tpu.memory_space<vmem>>
        %dma_wait3A_667 = arith.constant 0 : i32
        %dma_wait3A_668 = arith.constant 0 : i32
        %dma_wait3A_669 = tpu.memref_slice %arg34[%dma_wait3A_667, %dma_wait3A_668] : memref<10000x32xf32, #tpu.memory_space<vmem_shared>> -> memref<10000x32xf32, #tpu.memory_space<vmem_shared>>
        tpu.wait_indirect_dma semaphore(%run_scoped3A : memref<!tpu.dma_semaphore, #tpu.memory_space<semaphore_mem>>) src(%arg22 : memref<80x32xf32, #tpu.memory_space<vmem>>) dst(%dma_wait3A_669 : memref<10000x32xf32, #tpu.memory_space<vmem_shared>>)
        tpu.yield
      }) : () -> ()
      %mul3A_449 = arith.constant 25 : i32
      %mul3A_450 = arith.muli %scan3A_185, %mul3A_449 : i32
      %add3A_451 = arith.constant 14 : i32
      %add3A_452 = arith.addi %mul3A_450, %add3A_451 : i32
      %dma_wait3A_453 = arith.constant 0 : i32
      %dma_wait3A_454 = tpu.memref_slice %arg7[%add3A_452, %dma_wait3A_453] : memref<125x80xi32, #tpu.memory_space<vmem>> -> memref<1x80xi32, #tpu.memory_space<vmem>>
      %dma_wait3A_455 = tpu.memref_squeeze %dma_wait3A_454 : memref<1x80xi32, #tpu.memory_space<vmem>> -> memref<80xi32, #tpu.memory_space<vmem>>
      %dma_wait3A_456 = arith.constant 0 : i32
      %dma_wait3A_457 = arith.constant 0 : i32
      %dma_wait3A_458 = tpu.memref_slice %arg2[%dma_wait3A_456, %dma_wait3A_457] : memref<10000x32xf32, #tpu.memory_space<hbm>> -> memref<10000x32xf32, #tpu.memory_space<hbm>>
      tpu.wait_indirect_dma semaphore(%arg49 : memref<!tpu.dma_semaphore, #tpu.memory_space<semaphore_mem>>) src(%dma_wait3A_458 : memref<10000x32xf32, #tpu.memory_space<hbm>>) dst(%arg23 : memref<80x32xf32, #tpu.memory_space<vmem>>)
      %add3A_459 = arith.constant 25 : i32
      %add3A_460 = arith.addi %add3A_452, %add3A_459 : i32
      %sub3A_461 = arith.constant 1 : i32
      %sub3A_462 = arith.subi %add3A_460, %sub3A_461 : i32
      %lt3A_463 = arith.constant 125 : i32
      %lt3A_464 = arith.cmpi slt, %sub3A_462, %lt3A_463 : i32
      %convert_element_type3A_465 = arith.extui %lt3A_464 : i1 to i32
      %cond3A_466 = arith.constant 0 : i32
      %cond3A_467 = arith.cmpi ne, %convert_element_type3A_465, %cond3A_466 : i32
      scf.if %cond3A_467 {
        %dma_start3A_658 = arith.constant 0 : i32
        %dma_start3A_659 = tpu.memref_slice %arg7[%sub3A_462, %dma_start3A_658] : memref<125x80xi32, #tpu.memory_space<vmem>> -> memref<1x80xi32, #tpu.memory_space<vmem>>
        %dma_start3A_660 = tpu.memref_squeeze %dma_start3A_659 : memref<1x80xi32, #tpu.memory_space<vmem>> -> memref<80xi32, #tpu.memory_space<vmem>>
        %dma_start3A_661 = arith.constant 0 : i32
        %dma_start3A_662 = arith.constant 0 : i32
        %dma_start3A_663 = tpu.memref_slice %arg2[%dma_start3A_661, %dma_start3A_662] : memref<10000x32xf32, #tpu.memory_space<hbm>> -> memref<10000x32xf32, #tpu.memory_space<hbm>>
        tpu.enqueue_indirect_dma source(%dma_start3A_663 : memref<10000x32xf32, #tpu.memory_space<hbm>>) target(%arg22 : memref<80x32xf32, #tpu.memory_space<vmem>>) offsets(%dma_start3A_660 : memref<80xi32, #tpu.memory_space<vmem>>) semaphore(%arg48 : memref<!tpu.dma_semaphore, #tpu.memory_space<semaphore_mem>>)
      } else {
      }
      "tpu.region"() ({
        %run_scoped3A = tpu.sem_alloc : memref<!tpu.dma_semaphore, #tpu.memory_space<semaphore_mem>>
        %dma_start3A_658 = arith.constant 0 : i32
        %dma_start3A_659 = tpu.memref_slice %arg8[%add3A_452, %dma_start3A_658] : memref<125x80xi32, #tpu.memory_space<vmem>> -> memref<1x80xi32, #tpu.memory_space<vmem>>
        %dma_start3A_660 = tpu.memref_squeeze %dma_start3A_659 : memref<1x80xi32, #tpu.memory_space<vmem>> -> memref<80xi32, #tpu.memory_space<vmem>>
        %dma_start3A_661 = arith.constant 0 : i32
        %dma_start3A_662 = arith.constant 0 : i32
        %dma_start3A_663 = tpu.memref_slice %arg34[%dma_start3A_661, %dma_start3A_662] : memref<10000x32xf32, #tpu.memory_space<vmem_shared>> -> memref<10000x32xf32, #tpu.memory_space<vmem_shared>>
        tpu.enqueue_indirect_dma source(%arg23 : memref<80x32xf32, #tpu.memory_space<vmem>>) target(%dma_start3A_663 : memref<10000x32xf32, #tpu.memory_space<vmem_shared>>) offsets(%dma_start3A_660 : memref<80xi32, #tpu.memory_space<vmem>>) semaphore(%run_scoped3A : memref<!tpu.dma_semaphore, #tpu.memory_space<semaphore_mem>>) {add = true}
        %dma_wait3A_664 = arith.constant 0 : i32
        %dma_wait3A_665 = tpu.memref_slice %arg8[%add3A_452, %dma_wait3A_664] : memref<125x80xi32, #tpu.memory_space<vmem>> -> memref<1x80xi32, #tpu.memory_space<vmem>>
        %dma_wait3A_666 = tpu.memref_squeeze %dma_wait3A_665 : memref<1x80xi32, #tpu.memory_space<vmem>> -> memref<80xi32, #tpu.memory_space<vmem>>
        %dma_wait3A_667 = arith.constant 0 : i32
        %dma_wait3A_668 = arith.constant 0 : i32
        %dma_wait3A_669 = tpu.memref_slice %arg34[%dma_wait3A_667, %dma_wait3A_668] : memref<10000x32xf32, #tpu.memory_space<vmem_shared>> -> memref<10000x32xf32, #tpu.memory_space<vmem_shared>>
        tpu.wait_indirect_dma semaphore(%run_scoped3A : memref<!tpu.dma_semaphore, #tpu.memory_space<semaphore_mem>>) src(%arg23 : memref<80x32xf32, #tpu.memory_space<vmem>>) dst(%dma_wait3A_669 : memref<10000x32xf32, #tpu.memory_space<vmem_shared>>)
        tpu.yield
      }) : () -> ()
      %mul3A_468 = arith.constant 25 : i32
      %mul3A_469 = arith.muli %scan3A_185, %mul3A_468 : i32
      %add3A_470 = arith.constant 15 : i32
      %add3A_471 = arith.addi %mul3A_469, %add3A_470 : i32
      %dma_wait3A_472 = arith.constant 0 : i32
      %dma_wait3A_473 = tpu.memref_slice %arg7[%add3A_471, %dma_wait3A_472] : memref<125x80xi32, #tpu.memory_space<vmem>> -> memref<1x80xi32, #tpu.memory_space<vmem>>
      %dma_wait3A_474 = tpu.memref_squeeze %dma_wait3A_473 : memref<1x80xi32, #tpu.memory_space<vmem>> -> memref<80xi32, #tpu.memory_space<vmem>>
      %dma_wait3A_475 = arith.constant 0 : i32
      %dma_wait3A_476 = arith.constant 0 : i32
      %dma_wait3A_477 = tpu.memref_slice %arg2[%dma_wait3A_475, %dma_wait3A_476] : memref<10000x32xf32, #tpu.memory_space<hbm>> -> memref<10000x32xf32, #tpu.memory_space<hbm>>
      tpu.wait_indirect_dma semaphore(%arg50 : memref<!tpu.dma_semaphore, #tpu.memory_space<semaphore_mem>>) src(%dma_wait3A_477 : memref<10000x32xf32, #tpu.memory_space<hbm>>) dst(%arg24 : memref<80x32xf32, #tpu.memory_space<vmem>>)
      %add3A_478 = arith.constant 25 : i32
      %add3A_479 = arith.addi %add3A_471, %add3A_478 : i32
      %sub3A_480 = arith.constant 1 : i32
      %sub3A_481 = arith.subi %add3A_479, %sub3A_480 : i32
      %lt3A_482 = arith.constant 125 : i32
      %lt3A_483 = arith.cmpi slt, %sub3A_481, %lt3A_482 : i32
      %convert_element_type3A_484 = arith.extui %lt3A_483 : i1 to i32
      %cond3A_485 = arith.constant 0 : i32
      %cond3A_486 = arith.cmpi ne, %convert_element_type3A_484, %cond3A_485 : i32
      scf.if %cond3A_486 {
        %dma_start3A_658 = arith.constant 0 : i32
        %dma_start3A_659 = tpu.memref_slice %arg7[%sub3A_481, %dma_start3A_658] : memref<125x80xi32, #tpu.memory_space<vmem>> -> memref<1x80xi32, #tpu.memory_space<vmem>>
        %dma_start3A_660 = tpu.memref_squeeze %dma_start3A_659 : memref<1x80xi32, #tpu.memory_space<vmem>> -> memref<80xi32, #tpu.memory_space<vmem>>
        %dma_start3A_661 = arith.constant 0 : i32
        %dma_start3A_662 = arith.constant 0 : i32
        %dma_start3A_663 = tpu.memref_slice %arg2[%dma_start3A_661, %dma_start3A_662] : memref<10000x32xf32, #tpu.memory_space<hbm>> -> memref<10000x32xf32, #tpu.memory_space<hbm>>
        tpu.enqueue_indirect_dma source(%dma_start3A_663 : memref<10000x32xf32, #tpu.memory_space<hbm>>) target(%arg23 : memref<80x32xf32, #tpu.memory_space<vmem>>) offsets(%dma_start3A_660 : memref<80xi32, #tpu.memory_space<vmem>>) semaphore(%arg49 : memref<!tpu.dma_semaphore, #tpu.memory_space<semaphore_mem>>)
      } else {
      }
      "tpu.region"() ({
        %run_scoped3A = tpu.sem_alloc : memref<!tpu.dma_semaphore, #tpu.memory_space<semaphore_mem>>
        %dma_start3A_658 = arith.constant 0 : i32
        %dma_start3A_659 = tpu.memref_slice %arg8[%add3A_471, %dma_start3A_658] : memref<125x80xi32, #tpu.memory_space<vmem>> -> memref<1x80xi32, #tpu.memory_space<vmem>>
        %dma_start3A_660 = tpu.memref_squeeze %dma_start3A_659 : memref<1x80xi32, #tpu.memory_space<vmem>> -> memref<80xi32, #tpu.memory_space<vmem>>
        %dma_start3A_661 = arith.constant 0 : i32
        %dma_start3A_662 = arith.constant 0 : i32
        %dma_start3A_663 = tpu.memref_slice %arg34[%dma_start3A_661, %dma_start3A_662] : memref<10000x32xf32, #tpu.memory_space<vmem_shared>> -> memref<10000x32xf32, #tpu.memory_space<vmem_shared>>
        tpu.enqueue_indirect_dma source(%arg24 : memref<80x32xf32, #tpu.memory_space<vmem>>) target(%dma_start3A_663 : memref<10000x32xf32, #tpu.memory_space<vmem_shared>>) offsets(%dma_start3A_660 : memref<80xi32, #tpu.memory_space<vmem>>) semaphore(%run_scoped3A : memref<!tpu.dma_semaphore, #tpu.memory_space<semaphore_mem>>) {add = true}
        %dma_wait3A_664 = arith.constant 0 : i32
        %dma_wait3A_665 = tpu.memref_slice %arg8[%add3A_471, %dma_wait3A_664] : memref<125x80xi32, #tpu.memory_space<vmem>> -> memref<1x80xi32, #tpu.memory_space<vmem>>
        %dma_wait3A_666 = tpu.memref_squeeze %dma_wait3A_665 : memref<1x80xi32, #tpu.memory_space<vmem>> -> memref<80xi32, #tpu.memory_space<vmem>>
        %dma_wait3A_667 = arith.constant 0 : i32
        %dma_wait3A_668 = arith.constant 0 : i32
        %dma_wait3A_669 = tpu.memref_slice %arg34[%dma_wait3A_667, %dma_wait3A_668] : memref<10000x32xf32, #tpu.memory_space<vmem_shared>> -> memref<10000x32xf32, #tpu.memory_space<vmem_shared>>
        tpu.wait_indirect_dma semaphore(%run_scoped3A : memref<!tpu.dma_semaphore, #tpu.memory_space<semaphore_mem>>) src(%arg24 : memref<80x32xf32, #tpu.memory_space<vmem>>) dst(%dma_wait3A_669 : memref<10000x32xf32, #tpu.memory_space<vmem_shared>>)
        tpu.yield
      }) : () -> ()
      %mul3A_487 = arith.constant 25 : i32
      %mul3A_488 = arith.muli %scan3A_185, %mul3A_487 : i32
      %add3A_489 = arith.constant 16 : i32
      %add3A_490 = arith.addi %mul3A_488, %add3A_489 : i32
      %dma_wait3A_491 = arith.constant 0 : i32
      %dma_wait3A_492 = tpu.memref_slice %arg7[%add3A_490, %dma_wait3A_491] : memref<125x80xi32, #tpu.memory_space<vmem>> -> memref<1x80xi32, #tpu.memory_space<vmem>>
      %dma_wait3A_493 = tpu.memref_squeeze %dma_wait3A_492 : memref<1x80xi32, #tpu.memory_space<vmem>> -> memref<80xi32, #tpu.memory_space<vmem>>
      %dma_wait3A_494 = arith.constant 0 : i32
      %dma_wait3A_495 = arith.constant 0 : i32
      %dma_wait3A_496 = tpu.memref_slice %arg2[%dma_wait3A_494, %dma_wait3A_495] : memref<10000x32xf32, #tpu.memory_space<hbm>> -> memref<10000x32xf32, #tpu.memory_space<hbm>>
      tpu.wait_indirect_dma semaphore(%arg51 : memref<!tpu.dma_semaphore, #tpu.memory_space<semaphore_mem>>) src(%dma_wait3A_496 : memref<10000x32xf32, #tpu.memory_space<hbm>>) dst(%arg25 : memref<80x32xf32, #tpu.memory_space<vmem>>)
      %add3A_497 = arith.constant 25 : i32
      %add3A_498 = arith.addi %add3A_490, %add3A_497 : i32
      %sub3A_499 = arith.constant 1 : i32
      %sub3A_500 = arith.subi %add3A_498, %sub3A_499 : i32
      %lt3A_501 = arith.constant 125 : i32
      %lt3A_502 = arith.cmpi slt, %sub3A_500, %lt3A_501 : i32
      %convert_element_type3A_503 = arith.extui %lt3A_502 : i1 to i32
      %cond3A_504 = arith.constant 0 : i32
      %cond3A_505 = arith.cmpi ne, %convert_element_type3A_503, %cond3A_504 : i32
      scf.if %cond3A_505 {
        %dma_start3A_658 = arith.constant 0 : i32
        %dma_start3A_659 = tpu.memref_slice %arg7[%sub3A_500, %dma_start3A_658] : memref<125x80xi32, #tpu.memory_space<vmem>> -> memref<1x80xi32, #tpu.memory_space<vmem>>
        %dma_start3A_660 = tpu.memref_squeeze %dma_start3A_659 : memref<1x80xi32, #tpu.memory_space<vmem>> -> memref<80xi32, #tpu.memory_space<vmem>>
        %dma_start3A_661 = arith.constant 0 : i32
        %dma_start3A_662 = arith.constant 0 : i32
        %dma_start3A_663 = tpu.memref_slice %arg2[%dma_start3A_661, %dma_start3A_662] : memref<10000x32xf32, #tpu.memory_space<hbm>> -> memref<10000x32xf32, #tpu.memory_space<hbm>>
        tpu.enqueue_indirect_dma source(%dma_start3A_663 : memref<10000x32xf32, #tpu.memory_space<hbm>>) target(%arg24 : memref<80x32xf32, #tpu.memory_space<vmem>>) offsets(%dma_start3A_660 : memref<80xi32, #tpu.memory_space<vmem>>) semaphore(%arg50 : memref<!tpu.dma_semaphore, #tpu.memory_space<semaphore_mem>>)
      } else {
      }
      "tpu.region"() ({
        %run_scoped3A = tpu.sem_alloc : memref<!tpu.dma_semaphore, #tpu.memory_space<semaphore_mem>>
        %dma_start3A_658 = arith.constant 0 : i32
        %dma_start3A_659 = tpu.memref_slice %arg8[%add3A_490, %dma_start3A_658] : memref<125x80xi32, #tpu.memory_space<vmem>> -> memref<1x80xi32, #tpu.memory_space<vmem>>
        %dma_start3A_660 = tpu.memref_squeeze %dma_start3A_659 : memref<1x80xi32, #tpu.memory_space<vmem>> -> memref<80xi32, #tpu.memory_space<vmem>>
        %dma_start3A_661 = arith.constant 0 : i32
        %dma_start3A_662 = arith.constant 0 : i32
        %dma_start3A_663 = tpu.memref_slice %arg34[%dma_start3A_661, %dma_start3A_662] : memref<10000x32xf32, #tpu.memory_space<vmem_shared>> -> memref<10000x32xf32, #tpu.memory_space<vmem_shared>>
        tpu.enqueue_indirect_dma source(%arg25 : memref<80x32xf32, #tpu.memory_space<vmem>>) target(%dma_start3A_663 : memref<10000x32xf32, #tpu.memory_space<vmem_shared>>) offsets(%dma_start3A_660 : memref<80xi32, #tpu.memory_space<vmem>>) semaphore(%run_scoped3A : memref<!tpu.dma_semaphore, #tpu.memory_space<semaphore_mem>>) {add = true}
        %dma_wait3A_664 = arith.constant 0 : i32
        %dma_wait3A_665 = tpu.memref_slice %arg8[%add3A_490, %dma_wait3A_664] : memref<125x80xi32, #tpu.memory_space<vmem>> -> memref<1x80xi32, #tpu.memory_space<vmem>>
        %dma_wait3A_666 = tpu.memref_squeeze %dma_wait3A_665 : memref<1x80xi32, #tpu.memory_space<vmem>> -> memref<80xi32, #tpu.memory_space<vmem>>
        %dma_wait3A_667 = arith.constant 0 : i32
        %dma_wait3A_668 = arith.constant 0 : i32
        %dma_wait3A_669 = tpu.memref_slice %arg34[%dma_wait3A_667, %dma_wait3A_668] : memref<10000x32xf32, #tpu.memory_space<vmem_shared>> -> memref<10000x32xf32, #tpu.memory_space<vmem_shared>>
        tpu.wait_indirect_dma semaphore(%run_scoped3A : memref<!tpu.dma_semaphore, #tpu.memory_space<semaphore_mem>>) src(%arg25 : memref<80x32xf32, #tpu.memory_space<vmem>>) dst(%dma_wait3A_669 : memref<10000x32xf32, #tpu.memory_space<vmem_shared>>)
        tpu.yield
      }) : () -> ()
      %mul3A_506 = arith.constant 25 : i32
      %mul3A_507 = arith.muli %scan3A_185, %mul3A_506 : i32
      %add3A_508 = arith.constant 17 : i32
      %add3A_509 = arith.addi %mul3A_507, %add3A_508 : i32
      %dma_wait3A_510 = arith.constant 0 : i32
      %dma_wait3A_511 = tpu.memref_slice %arg7[%add3A_509, %dma_wait3A_510] : memref<125x80xi32, #tpu.memory_space<vmem>> -> memref<1x80xi32, #tpu.memory_space<vmem>>
      %dma_wait3A_512 = tpu.memref_squeeze %dma_wait3A_511 : memref<1x80xi32, #tpu.memory_space<vmem>> -> memref<80xi32, #tpu.memory_space<vmem>>
      %dma_wait3A_513 = arith.constant 0 : i32
      %dma_wait3A_514 = arith.constant 0 : i32
      %dma_wait3A_515 = tpu.memref_slice %arg2[%dma_wait3A_513, %dma_wait3A_514] : memref<10000x32xf32, #tpu.memory_space<hbm>> -> memref<10000x32xf32, #tpu.memory_space<hbm>>
      tpu.wait_indirect_dma semaphore(%arg52 : memref<!tpu.dma_semaphore, #tpu.memory_space<semaphore_mem>>) src(%dma_wait3A_515 : memref<10000x32xf32, #tpu.memory_space<hbm>>) dst(%arg26 : memref<80x32xf32, #tpu.memory_space<vmem>>)
      %add3A_516 = arith.constant 25 : i32
      %add3A_517 = arith.addi %add3A_509, %add3A_516 : i32
      %sub3A_518 = arith.constant 1 : i32
      %sub3A_519 = arith.subi %add3A_517, %sub3A_518 : i32
      %lt3A_520 = arith.constant 125 : i32
      %lt3A_521 = arith.cmpi slt, %sub3A_519, %lt3A_520 : i32
      %convert_element_type3A_522 = arith.extui %lt3A_521 : i1 to i32
      %cond3A_523 = arith.constant 0 : i32
      %cond3A_524 = arith.cmpi ne, %convert_element_type3A_522, %cond3A_523 : i32
      scf.if %cond3A_524 {
        %dma_start3A_658 = arith.constant 0 : i32
        %dma_start3A_659 = tpu.memref_slice %arg7[%sub3A_519, %dma_start3A_658] : memref<125x80xi32, #tpu.memory_space<vmem>> -> memref<1x80xi32, #tpu.memory_space<vmem>>
        %dma_start3A_660 = tpu.memref_squeeze %dma_start3A_659 : memref<1x80xi32, #tpu.memory_space<vmem>> -> memref<80xi32, #tpu.memory_space<vmem>>
        %dma_start3A_661 = arith.constant 0 : i32
        %dma_start3A_662 = arith.constant 0 : i32
        %dma_start3A_663 = tpu.memref_slice %arg2[%dma_start3A_661, %dma_start3A_662] : memref<10000x32xf32, #tpu.memory_space<hbm>> -> memref<10000x32xf32, #tpu.memory_space<hbm>>
        tpu.enqueue_indirect_dma source(%dma_start3A_663 : memref<10000x32xf32, #tpu.memory_space<hbm>>) target(%arg25 : memref<80x32xf32, #tpu.memory_space<vmem>>) offsets(%dma_start3A_660 : memref<80xi32, #tpu.memory_space<vmem>>) semaphore(%arg51 : memref<!tpu.dma_semaphore, #tpu.memory_space<semaphore_mem>>)
      } else {
      }
      "tpu.region"() ({
        %run_scoped3A = tpu.sem_alloc : memref<!tpu.dma_semaphore, #tpu.memory_space<semaphore_mem>>
        %dma_start3A_658 = arith.constant 0 : i32
        %dma_start3A_659 = tpu.memref_slice %arg8[%add3A_509, %dma_start3A_658] : memref<125x80xi32, #tpu.memory_space<vmem>> -> memref<1x80xi32, #tpu.memory_space<vmem>>
        %dma_start3A_660 = tpu.memref_squeeze %dma_start3A_659 : memref<1x80xi32, #tpu.memory_space<vmem>> -> memref<80xi32, #tpu.memory_space<vmem>>
        %dma_start3A_661 = arith.constant 0 : i32
        %dma_start3A_662 = arith.constant 0 : i32
        %dma_start3A_663 = tpu.memref_slice %arg34[%dma_start3A_661, %dma_start3A_662] : memref<10000x32xf32, #tpu.memory_space<vmem_shared>> -> memref<10000x32xf32, #tpu.memory_space<vmem_shared>>
        tpu.enqueue_indirect_dma source(%arg26 : memref<80x32xf32, #tpu.memory_space<vmem>>) target(%dma_start3A_663 : memref<10000x32xf32, #tpu.memory_space<vmem_shared>>) offsets(%dma_start3A_660 : memref<80xi32, #tpu.memory_space<vmem>>) semaphore(%run_scoped3A : memref<!tpu.dma_semaphore, #tpu.memory_space<semaphore_mem>>) {add = true}
        %dma_wait3A_664 = arith.constant 0 : i32
        %dma_wait3A_665 = tpu.memref_slice %arg8[%add3A_509, %dma_wait3A_664] : memref<125x80xi32, #tpu.memory_space<vmem>> -> memref<1x80xi32, #tpu.memory_space<vmem>>
        %dma_wait3A_666 = tpu.memref_squeeze %dma_wait3A_665 : memref<1x80xi32, #tpu.memory_space<vmem>> -> memref<80xi32, #tpu.memory_space<vmem>>
        %dma_wait3A_667 = arith.constant 0 : i32
        %dma_wait3A_668 = arith.constant 0 : i32
        %dma_wait3A_669 = tpu.memref_slice %arg34[%dma_wait3A_667, %dma_wait3A_668] : memref<10000x32xf32, #tpu.memory_space<vmem_shared>> -> memref<10000x32xf32, #tpu.memory_space<vmem_shared>>
        tpu.wait_indirect_dma semaphore(%run_scoped3A : memref<!tpu.dma_semaphore, #tpu.memory_space<semaphore_mem>>) src(%arg26 : memref<80x32xf32, #tpu.memory_space<vmem>>) dst(%dma_wait3A_669 : memref<10000x32xf32, #tpu.memory_space<vmem_shared>>)
        tpu.yield
      }) : () -> ()
      %mul3A_525 = arith.constant 25 : i32
      %mul3A_526 = arith.muli %scan3A_185, %mul3A_525 : i32
      %add3A_527 = arith.constant 18 : i32
      %add3A_528 = arith.addi %mul3A_526, %add3A_527 : i32
      %dma_wait3A_529 = arith.constant 0 : i32
      %dma_wait3A_530 = tpu.memref_slice %arg7[%add3A_528, %dma_wait3A_529] : memref<125x80xi32, #tpu.memory_space<vmem>> -> memref<1x80xi32, #tpu.memory_space<vmem>>
      %dma_wait3A_531 = tpu.memref_squeeze %dma_wait3A_530 : memref<1x80xi32, #tpu.memory_space<vmem>> -> memref<80xi32, #tpu.memory_space<vmem>>
      %dma_wait3A_532 = arith.constant 0 : i32
      %dma_wait3A_533 = arith.constant 0 : i32
      %dma_wait3A_534 = tpu.memref_slice %arg2[%dma_wait3A_532, %dma_wait3A_533] : memref<10000x32xf32, #tpu.memory_space<hbm>> -> memref<10000x32xf32, #tpu.memory_space<hbm>>
      tpu.wait_indirect_dma semaphore(%arg53 : memref<!tpu.dma_semaphore, #tpu.memory_space<semaphore_mem>>) src(%dma_wait3A_534 : memref<10000x32xf32, #tpu.memory_space<hbm>>) dst(%arg27 : memref<80x32xf32, #tpu.memory_space<vmem>>)
      %add3A_535 = arith.constant 25 : i32
      %add3A_536 = arith.addi %add3A_528, %add3A_535 : i32
      %sub3A_537 = arith.constant 1 : i32
      %sub3A_538 = arith.subi %add3A_536, %sub3A_537 : i32
      %lt3A_539 = arith.constant 125 : i32
      %lt3A_540 = arith.cmpi slt, %sub3A_538, %lt3A_539 : i32
      %convert_element_type3A_541 = arith.extui %lt3A_540 : i1 to i32
      %cond3A_542 = arith.constant 0 : i32
      %cond3A_543 = arith.cmpi ne, %convert_element_type3A_541, %cond3A_542 : i32
      scf.if %cond3A_543 {
        %dma_start3A_658 = arith.constant 0 : i32
        %dma_start3A_659 = tpu.memref_slice %arg7[%sub3A_538, %dma_start3A_658] : memref<125x80xi32, #tpu.memory_space<vmem>> -> memref<1x80xi32, #tpu.memory_space<vmem>>
        %dma_start3A_660 = tpu.memref_squeeze %dma_start3A_659 : memref<1x80xi32, #tpu.memory_space<vmem>> -> memref<80xi32, #tpu.memory_space<vmem>>
        %dma_start3A_661 = arith.constant 0 : i32
        %dma_start3A_662 = arith.constant 0 : i32
        %dma_start3A_663 = tpu.memref_slice %arg2[%dma_start3A_661, %dma_start3A_662] : memref<10000x32xf32, #tpu.memory_space<hbm>> -> memref<10000x32xf32, #tpu.memory_space<hbm>>
        tpu.enqueue_indirect_dma source(%dma_start3A_663 : memref<10000x32xf32, #tpu.memory_space<hbm>>) target(%arg26 : memref<80x32xf32, #tpu.memory_space<vmem>>) offsets(%dma_start3A_660 : memref<80xi32, #tpu.memory_space<vmem>>) semaphore(%arg52 : memref<!tpu.dma_semaphore, #tpu.memory_space<semaphore_mem>>)
      } else {
      }
      "tpu.region"() ({
        %run_scoped3A = tpu.sem_alloc : memref<!tpu.dma_semaphore, #tpu.memory_space<semaphore_mem>>
        %dma_start3A_658 = arith.constant 0 : i32
        %dma_start3A_659 = tpu.memref_slice %arg8[%add3A_528, %dma_start3A_658] : memref<125x80xi32, #tpu.memory_space<vmem>> -> memref<1x80xi32, #tpu.memory_space<vmem>>
        %dma_start3A_660 = tpu.memref_squeeze %dma_start3A_659 : memref<1x80xi32, #tpu.memory_space<vmem>> -> memref<80xi32, #tpu.memory_space<vmem>>
        %dma_start3A_661 = arith.constant 0 : i32
        %dma_start3A_662 = arith.constant 0 : i32
        %dma_start3A_663 = tpu.memref_slice %arg34[%dma_start3A_661, %dma_start3A_662] : memref<10000x32xf32, #tpu.memory_space<vmem_shared>> -> memref<10000x32xf32, #tpu.memory_space<vmem_shared>>
        tpu.enqueue_indirect_dma source(%arg27 : memref<80x32xf32, #tpu.memory_space<vmem>>) target(%dma_start3A_663 : memref<10000x32xf32, #tpu.memory_space<vmem_shared>>) offsets(%dma_start3A_660 : memref<80xi32, #tpu.memory_space<vmem>>) semaphore(%run_scoped3A : memref<!tpu.dma_semaphore, #tpu.memory_space<semaphore_mem>>) {add = true}
        %dma_wait3A_664 = arith.constant 0 : i32
        %dma_wait3A_665 = tpu.memref_slice %arg8[%add3A_528, %dma_wait3A_664] : memref<125x80xi32, #tpu.memory_space<vmem>> -> memref<1x80xi32, #tpu.memory_space<vmem>>
        %dma_wait3A_666 = tpu.memref_squeeze %dma_wait3A_665 : memref<1x80xi32, #tpu.memory_space<vmem>> -> memref<80xi32, #tpu.memory_space<vmem>>
        %dma_wait3A_667 = arith.constant 0 : i32
        %dma_wait3A_668 = arith.constant 0 : i32
        %dma_wait3A_669 = tpu.memref_slice %arg34[%dma_wait3A_667, %dma_wait3A_668] : memref<10000x32xf32, #tpu.memory_space<vmem_shared>> -> memref<10000x32xf32, #tpu.memory_space<vmem_shared>>
        tpu.wait_indirect_dma semaphore(%run_scoped3A : memref<!tpu.dma_semaphore, #tpu.memory_space<semaphore_mem>>) src(%arg27 : memref<80x32xf32, #tpu.memory_space<vmem>>) dst(%dma_wait3A_669 : memref<10000x32xf32, #tpu.memory_space<vmem_shared>>)
        tpu.yield
      }) : () -> ()
      %mul3A_544 = arith.constant 25 : i32
      %mul3A_545 = arith.muli %scan3A_185, %mul3A_544 : i32
      %add3A_546 = arith.constant 19 : i32
      %add3A_547 = arith.addi %mul3A_545, %add3A_546 : i32
      %dma_wait3A_548 = arith.constant 0 : i32
      %dma_wait3A_549 = tpu.memref_slice %arg7[%add3A_547, %dma_wait3A_548] : memref<125x80xi32, #tpu.memory_space<vmem>> -> memref<1x80xi32, #tpu.memory_space<vmem>>
      %dma_wait3A_550 = tpu.memref_squeeze %dma_wait3A_549 : memref<1x80xi32, #tpu.memory_space<vmem>> -> memref<80xi32, #tpu.memory_space<vmem>>
      %dma_wait3A_551 = arith.constant 0 : i32
      %dma_wait3A_552 = arith.constant 0 : i32
      %dma_wait3A_553 = tpu.memref_slice %arg2[%dma_wait3A_551, %dma_wait3A_552] : memref<10000x32xf32, #tpu.memory_space<hbm>> -> memref<10000x32xf32, #tpu.memory_space<hbm>>
      tpu.wait_indirect_dma semaphore(%arg54 : memref<!tpu.dma_semaphore, #tpu.memory_space<semaphore_mem>>) src(%dma_wait3A_553 : memref<10000x32xf32, #tpu.memory_space<hbm>>) dst(%arg28 : memref<80x32xf32, #tpu.memory_space<vmem>>)
      %add3A_554 = arith.constant 25 : i32
      %add3A_555 = arith.addi %add3A_547, %add3A_554 : i32
      %sub3A_556 = arith.constant 1 : i32
      %sub3A_557 = arith.subi %add3A_555, %sub3A_556 : i32
      %lt3A_558 = arith.constant 125 : i32
      %lt3A_559 = arith.cmpi slt, %sub3A_557, %lt3A_558 : i32
      %convert_element_type3A_560 = arith.extui %lt3A_559 : i1 to i32
      %cond3A_561 = arith.constant 0 : i32
      %cond3A_562 = arith.cmpi ne, %convert_element_type3A_560, %cond3A_561 : i32
      scf.if %cond3A_562 {
        %dma_start3A_658 = arith.constant 0 : i32
        %dma_start3A_659 = tpu.memref_slice %arg7[%sub3A_557, %dma_start3A_658] : memref<125x80xi32, #tpu.memory_space<vmem>> -> memref<1x80xi32, #tpu.memory_space<vmem>>
        %dma_start3A_660 = tpu.memref_squeeze %dma_start3A_659 : memref<1x80xi32, #tpu.memory_space<vmem>> -> memref<80xi32, #tpu.memory_space<vmem>>
        %dma_start3A_661 = arith.constant 0 : i32
        %dma_start3A_662 = arith.constant 0 : i32
        %dma_start3A_663 = tpu.memref_slice %arg2[%dma_start3A_661, %dma_start3A_662] : memref<10000x32xf32, #tpu.memory_space<hbm>> -> memref<10000x32xf32, #tpu.memory_space<hbm>>
        tpu.enqueue_indirect_dma source(%dma_start3A_663 : memref<10000x32xf32, #tpu.memory_space<hbm>>) target(%arg27 : memref<80x32xf32, #tpu.memory_space<vmem>>) offsets(%dma_start3A_660 : memref<80xi32, #tpu.memory_space<vmem>>) semaphore(%arg53 : memref<!tpu.dma_semaphore, #tpu.memory_space<semaphore_mem>>)
      } else {
      }
      "tpu.region"() ({
        %run_scoped3A = tpu.sem_alloc : memref<!tpu.dma_semaphore, #tpu.memory_space<semaphore_mem>>
        %dma_start3A_658 = arith.constant 0 : i32
        %dma_start3A_659 = tpu.memref_slice %arg8[%add3A_547, %dma_start3A_658] : memref<125x80xi32, #tpu.memory_space<vmem>> -> memref<1x80xi32, #tpu.memory_space<vmem>>
        %dma_start3A_660 = tpu.memref_squeeze %dma_start3A_659 : memref<1x80xi32, #tpu.memory_space<vmem>> -> memref<80xi32, #tpu.memory_space<vmem>>
        %dma_start3A_661 = arith.constant 0 : i32
        %dma_start3A_662 = arith.constant 0 : i32
        %dma_start3A_663 = tpu.memref_slice %arg34[%dma_start3A_661, %dma_start3A_662] : memref<10000x32xf32, #tpu.memory_space<vmem_shared>> -> memref<10000x32xf32, #tpu.memory_space<vmem_shared>>
        tpu.enqueue_indirect_dma source(%arg28 : memref<80x32xf32, #tpu.memory_space<vmem>>) target(%dma_start3A_663 : memref<10000x32xf32, #tpu.memory_space<vmem_shared>>) offsets(%dma_start3A_660 : memref<80xi32, #tpu.memory_space<vmem>>) semaphore(%run_scoped3A : memref<!tpu.dma_semaphore, #tpu.memory_space<semaphore_mem>>) {add = true}
        %dma_wait3A_664 = arith.constant 0 : i32
        %dma_wait3A_665 = tpu.memref_slice %arg8[%add3A_547, %dma_wait3A_664] : memref<125x80xi32, #tpu.memory_space<vmem>> -> memref<1x80xi32, #tpu.memory_space<vmem>>
        %dma_wait3A_666 = tpu.memref_squeeze %dma_wait3A_665 : memref<1x80xi32, #tpu.memory_space<vmem>> -> memref<80xi32, #tpu.memory_space<vmem>>
        %dma_wait3A_667 = arith.constant 0 : i32
        %dma_wait3A_668 = arith.constant 0 : i32
        %dma_wait3A_669 = tpu.memref_slice %arg34[%dma_wait3A_667, %dma_wait3A_668] : memref<10000x32xf32, #tpu.memory_space<vmem_shared>> -> memref<10000x32xf32, #tpu.memory_space<vmem_shared>>
        tpu.wait_indirect_dma semaphore(%run_scoped3A : memref<!tpu.dma_semaphore, #tpu.memory_space<semaphore_mem>>) src(%arg28 : memref<80x32xf32, #tpu.memory_space<vmem>>) dst(%dma_wait3A_669 : memref<10000x32xf32, #tpu.memory_space<vmem_shared>>)
        tpu.yield
      }) : () -> ()
      %mul3A_563 = arith.constant 25 : i32
      %mul3A_564 = arith.muli %scan3A_185, %mul3A_563 : i32
      %add3A_565 = arith.constant 20 : i32
      %add3A_566 = arith.addi %mul3A_564, %add3A_565 : i32
      %dma_wait3A_567 = arith.constant 0 : i32
      %dma_wait3A_568 = tpu.memref_slice %arg7[%add3A_566, %dma_wait3A_567] : memref<125x80xi32, #tpu.memory_space<vmem>> -> memref<1x80xi32, #tpu.memory_space<vmem>>
      %dma_wait3A_569 = tpu.memref_squeeze %dma_wait3A_568 : memref<1x80xi32, #tpu.memory_space<vmem>> -> memref<80xi32, #tpu.memory_space<vmem>>
      %dma_wait3A_570 = arith.constant 0 : i32
      %dma_wait3A_571 = arith.constant 0 : i32
      %dma_wait3A_572 = tpu.memref_slice %arg2[%dma_wait3A_570, %dma_wait3A_571] : memref<10000x32xf32, #tpu.memory_space<hbm>> -> memref<10000x32xf32, #tpu.memory_space<hbm>>
      tpu.wait_indirect_dma semaphore(%arg55 : memref<!tpu.dma_semaphore, #tpu.memory_space<semaphore_mem>>) src(%dma_wait3A_572 : memref<10000x32xf32, #tpu.memory_space<hbm>>) dst(%arg29 : memref<80x32xf32, #tpu.memory_space<vmem>>)
      %add3A_573 = arith.constant 25 : i32
      %add3A_574 = arith.addi %add3A_566, %add3A_573 : i32
      %sub3A_575 = arith.constant 1 : i32
      %sub3A_576 = arith.subi %add3A_574, %sub3A_575 : i32
      %lt3A_577 = arith.constant 125 : i32
      %lt3A_578 = arith.cmpi slt, %sub3A_576, %lt3A_577 : i32
      %convert_element_type3A_579 = arith.extui %lt3A_578 : i1 to i32
      %cond3A_580 = arith.constant 0 : i32
      %cond3A_581 = arith.cmpi ne, %convert_element_type3A_579, %cond3A_580 : i32
      scf.if %cond3A_581 {
        %dma_start3A_658 = arith.constant 0 : i32
        %dma_start3A_659 = tpu.memref_slice %arg7[%sub3A_576, %dma_start3A_658] : memref<125x80xi32, #tpu.memory_space<vmem>> -> memref<1x80xi32, #tpu.memory_space<vmem>>
        %dma_start3A_660 = tpu.memref_squeeze %dma_start3A_659 : memref<1x80xi32, #tpu.memory_space<vmem>> -> memref<80xi32, #tpu.memory_space<vmem>>
        %dma_start3A_661 = arith.constant 0 : i32
        %dma_start3A_662 = arith.constant 0 : i32
        %dma_start3A_663 = tpu.memref_slice %arg2[%dma_start3A_661, %dma_start3A_662] : memref<10000x32xf32, #tpu.memory_space<hbm>> -> memref<10000x32xf32, #tpu.memory_space<hbm>>
        tpu.enqueue_indirect_dma source(%dma_start3A_663 : memref<10000x32xf32, #tpu.memory_space<hbm>>) target(%arg28 : memref<80x32xf32, #tpu.memory_space<vmem>>) offsets(%dma_start3A_660 : memref<80xi32, #tpu.memory_space<vmem>>) semaphore(%arg54 : memref<!tpu.dma_semaphore, #tpu.memory_space<semaphore_mem>>)
      } else {
      }
      "tpu.region"() ({
        %run_scoped3A = tpu.sem_alloc : memref<!tpu.dma_semaphore, #tpu.memory_space<semaphore_mem>>
        %dma_start3A_658 = arith.constant 0 : i32
        %dma_start3A_659 = tpu.memref_slice %arg8[%add3A_566, %dma_start3A_658] : memref<125x80xi32, #tpu.memory_space<vmem>> -> memref<1x80xi32, #tpu.memory_space<vmem>>
        %dma_start3A_660 = tpu.memref_squeeze %dma_start3A_659 : memref<1x80xi32, #tpu.memory_space<vmem>> -> memref<80xi32, #tpu.memory_space<vmem>>
        %dma_start3A_661 = arith.constant 0 : i32
        %dma_start3A_662 = arith.constant 0 : i32
        %dma_start3A_663 = tpu.memref_slice %arg34[%dma_start3A_661, %dma_start3A_662] : memref<10000x32xf32, #tpu.memory_space<vmem_shared>> -> memref<10000x32xf32, #tpu.memory_space<vmem_shared>>
        tpu.enqueue_indirect_dma source(%arg29 : memref<80x32xf32, #tpu.memory_space<vmem>>) target(%dma_start3A_663 : memref<10000x32xf32, #tpu.memory_space<vmem_shared>>) offsets(%dma_start3A_660 : memref<80xi32, #tpu.memory_space<vmem>>) semaphore(%run_scoped3A : memref<!tpu.dma_semaphore, #tpu.memory_space<semaphore_mem>>) {add = true}
        %dma_wait3A_664 = arith.constant 0 : i32
        %dma_wait3A_665 = tpu.memref_slice %arg8[%add3A_566, %dma_wait3A_664] : memref<125x80xi32, #tpu.memory_space<vmem>> -> memref<1x80xi32, #tpu.memory_space<vmem>>
        %dma_wait3A_666 = tpu.memref_squeeze %dma_wait3A_665 : memref<1x80xi32, #tpu.memory_space<vmem>> -> memref<80xi32, #tpu.memory_space<vmem>>
        %dma_wait3A_667 = arith.constant 0 : i32
        %dma_wait3A_668 = arith.constant 0 : i32
        %dma_wait3A_669 = tpu.memref_slice %arg34[%dma_wait3A_667, %dma_wait3A_668] : memref<10000x32xf32, #tpu.memory_space<vmem_shared>> -> memref<10000x32xf32, #tpu.memory_space<vmem_shared>>
        tpu.wait_indirect_dma semaphore(%run_scoped3A : memref<!tpu.dma_semaphore, #tpu.memory_space<semaphore_mem>>) src(%arg29 : memref<80x32xf32, #tpu.memory_space<vmem>>) dst(%dma_wait3A_669 : memref<10000x32xf32, #tpu.memory_space<vmem_shared>>)
        tpu.yield
      }) : () -> ()
      %mul3A_582 = arith.constant 25 : i32
      %mul3A_583 = arith.muli %scan3A_185, %mul3A_582 : i32
      %add3A_584 = arith.constant 21 : i32
      %add3A_585 = arith.addi %mul3A_583, %add3A_584 : i32
      %dma_wait3A_586 = arith.constant 0 : i32
      %dma_wait3A_587 = tpu.memref_slice %arg7[%add3A_585, %dma_wait3A_586] : memref<125x80xi32, #tpu.memory_space<vmem>> -> memref<1x80xi32, #tpu.memory_space<vmem>>
      %dma_wait3A_588 = tpu.memref_squeeze %dma_wait3A_587 : memref<1x80xi32, #tpu.memory_space<vmem>> -> memref<80xi32, #tpu.memory_space<vmem>>
      %dma_wait3A_589 = arith.constant 0 : i32
      %dma_wait3A_590 = arith.constant 0 : i32
      %dma_wait3A_591 = tpu.memref_slice %arg2[%dma_wait3A_589, %dma_wait3A_590] : memref<10000x32xf32, #tpu.memory_space<hbm>> -> memref<10000x32xf32, #tpu.memory_space<hbm>>
      tpu.wait_indirect_dma semaphore(%arg56 : memref<!tpu.dma_semaphore, #tpu.memory_space<semaphore_mem>>) src(%dma_wait3A_591 : memref<10000x32xf32, #tpu.memory_space<hbm>>) dst(%arg30 : memref<80x32xf32, #tpu.memory_space<vmem>>)
      %add3A_592 = arith.constant 25 : i32
      %add3A_593 = arith.addi %add3A_585, %add3A_592 : i32
      %sub3A_594 = arith.constant 1 : i32
      %sub3A_595 = arith.subi %add3A_593, %sub3A_594 : i32
      %lt3A_596 = arith.constant 125 : i32
      %lt3A_597 = arith.cmpi slt, %sub3A_595, %lt3A_596 : i32
      %convert_element_type3A_598 = arith.extui %lt3A_597 : i1 to i32
      %cond3A_599 = arith.constant 0 : i32
      %cond3A_600 = arith.cmpi ne, %convert_element_type3A_598, %cond3A_599 : i32
      scf.if %cond3A_600 {
        %dma_start3A_658 = arith.constant 0 : i32
        %dma_start3A_659 = tpu.memref_slice %arg7[%sub3A_595, %dma_start3A_658] : memref<125x80xi32, #tpu.memory_space<vmem>> -> memref<1x80xi32, #tpu.memory_space<vmem>>
        %dma_start3A_660 = tpu.memref_squeeze %dma_start3A_659 : memref<1x80xi32, #tpu.memory_space<vmem>> -> memref<80xi32, #tpu.memory_space<vmem>>
        %dma_start3A_661 = arith.constant 0 : i32
        %dma_start3A_662 = arith.constant 0 : i32
        %dma_start3A_663 = tpu.memref_slice %arg2[%dma_start3A_661, %dma_start3A_662] : memref<10000x32xf32, #tpu.memory_space<hbm>> -> memref<10000x32xf32, #tpu.memory_space<hbm>>
        tpu.enqueue_indirect_dma source(%dma_start3A_663 : memref<10000x32xf32, #tpu.memory_space<hbm>>) target(%arg29 : memref<80x32xf32, #tpu.memory_space<vmem>>) offsets(%dma_start3A_660 : memref<80xi32, #tpu.memory_space<vmem>>) semaphore(%arg55 : memref<!tpu.dma_semaphore, #tpu.memory_space<semaphore_mem>>)
      } else {
      }
      "tpu.region"() ({
        %run_scoped3A = tpu.sem_alloc : memref<!tpu.dma_semaphore, #tpu.memory_space<semaphore_mem>>
        %dma_start3A_658 = arith.constant 0 : i32
        %dma_start3A_659 = tpu.memref_slice %arg8[%add3A_585, %dma_start3A_658] : memref<125x80xi32, #tpu.memory_space<vmem>> -> memref<1x80xi32, #tpu.memory_space<vmem>>
        %dma_start3A_660 = tpu.memref_squeeze %dma_start3A_659 : memref<1x80xi32, #tpu.memory_space<vmem>> -> memref<80xi32, #tpu.memory_space<vmem>>
        %dma_start3A_661 = arith.constant 0 : i32
        %dma_start3A_662 = arith.constant 0 : i32
        %dma_start3A_663 = tpu.memref_slice %arg34[%dma_start3A_661, %dma_start3A_662] : memref<10000x32xf32, #tpu.memory_space<vmem_shared>> -> memref<10000x32xf32, #tpu.memory_space<vmem_shared>>
        tpu.enqueue_indirect_dma source(%arg30 : memref<80x32xf32, #tpu.memory_space<vmem>>) target(%dma_start3A_663 : memref<10000x32xf32, #tpu.memory_space<vmem_shared>>) offsets(%dma_start3A_660 : memref<80xi32, #tpu.memory_space<vmem>>) semaphore(%run_scoped3A : memref<!tpu.dma_semaphore, #tpu.memory_space<semaphore_mem>>) {add = true}
        %dma_wait3A_664 = arith.constant 0 : i32
        %dma_wait3A_665 = tpu.memref_slice %arg8[%add3A_585, %dma_wait3A_664] : memref<125x80xi32, #tpu.memory_space<vmem>> -> memref<1x80xi32, #tpu.memory_space<vmem>>
        %dma_wait3A_666 = tpu.memref_squeeze %dma_wait3A_665 : memref<1x80xi32, #tpu.memory_space<vmem>> -> memref<80xi32, #tpu.memory_space<vmem>>
        %dma_wait3A_667 = arith.constant 0 : i32
        %dma_wait3A_668 = arith.constant 0 : i32
        %dma_wait3A_669 = tpu.memref_slice %arg34[%dma_wait3A_667, %dma_wait3A_668] : memref<10000x32xf32, #tpu.memory_space<vmem_shared>> -> memref<10000x32xf32, #tpu.memory_space<vmem_shared>>
        tpu.wait_indirect_dma semaphore(%run_scoped3A : memref<!tpu.dma_semaphore, #tpu.memory_space<semaphore_mem>>) src(%arg30 : memref<80x32xf32, #tpu.memory_space<vmem>>) dst(%dma_wait3A_669 : memref<10000x32xf32, #tpu.memory_space<vmem_shared>>)
        tpu.yield
      }) : () -> ()
      %mul3A_601 = arith.constant 25 : i32
      %mul3A_602 = arith.muli %scan3A_185, %mul3A_601 : i32
      %add3A_603 = arith.constant 22 : i32
      %add3A_604 = arith.addi %mul3A_602, %add3A_603 : i32
      %dma_wait3A_605 = arith.constant 0 : i32
      %dma_wait3A_606 = tpu.memref_slice %arg7[%add3A_604, %dma_wait3A_605] : memref<125x80xi32, #tpu.memory_space<vmem>> -> memref<1x80xi32, #tpu.memory_space<vmem>>
      %dma_wait3A_607 = tpu.memref_squeeze %dma_wait3A_606 : memref<1x80xi32, #tpu.memory_space<vmem>> -> memref<80xi32, #tpu.memory_space<vmem>>
      %dma_wait3A_608 = arith.constant 0 : i32
      %dma_wait3A_609 = arith.constant 0 : i32
      %dma_wait3A_610 = tpu.memref_slice %arg2[%dma_wait3A_608, %dma_wait3A_609] : memref<10000x32xf32, #tpu.memory_space<hbm>> -> memref<10000x32xf32, #tpu.memory_space<hbm>>
      tpu.wait_indirect_dma semaphore(%arg57 : memref<!tpu.dma_semaphore, #tpu.memory_space<semaphore_mem>>) src(%dma_wait3A_610 : memref<10000x32xf32, #tpu.memory_space<hbm>>) dst(%arg31 : memref<80x32xf32, #tpu.memory_space<vmem>>)
      %add3A_611 = arith.constant 25 : i32
      %add3A_612 = arith.addi %add3A_604, %add3A_611 : i32
      %sub3A_613 = arith.constant 1 : i32
      %sub3A_614 = arith.subi %add3A_612, %sub3A_613 : i32
      %lt3A_615 = arith.constant 125 : i32
      %lt3A_616 = arith.cmpi slt, %sub3A_614, %lt3A_615 : i32
      %convert_element_type3A_617 = arith.extui %lt3A_616 : i1 to i32
      %cond3A_618 = arith.constant 0 : i32
      %cond3A_619 = arith.cmpi ne, %convert_element_type3A_617, %cond3A_618 : i32
      scf.if %cond3A_619 {
        %dma_start3A_658 = arith.constant 0 : i32
        %dma_start3A_659 = tpu.memref_slice %arg7[%sub3A_614, %dma_start3A_658] : memref<125x80xi32, #tpu.memory_space<vmem>> -> memref<1x80xi32, #tpu.memory_space<vmem>>
        %dma_start3A_660 = tpu.memref_squeeze %dma_start3A_659 : memref<1x80xi32, #tpu.memory_space<vmem>> -> memref<80xi32, #tpu.memory_space<vmem>>
        %dma_start3A_661 = arith.constant 0 : i32
        %dma_start3A_662 = arith.constant 0 : i32
        %dma_start3A_663 = tpu.memref_slice %arg2[%dma_start3A_661, %dma_start3A_662] : memref<10000x32xf32, #tpu.memory_space<hbm>> -> memref<10000x32xf32, #tpu.memory_space<hbm>>
        tpu.enqueue_indirect_dma source(%dma_start3A_663 : memref<10000x32xf32, #tpu.memory_space<hbm>>) target(%arg30 : memref<80x32xf32, #tpu.memory_space<vmem>>) offsets(%dma_start3A_660 : memref<80xi32, #tpu.memory_space<vmem>>) semaphore(%arg56 : memref<!tpu.dma_semaphore, #tpu.memory_space<semaphore_mem>>)
      } else {
      }
      "tpu.region"() ({
        %run_scoped3A = tpu.sem_alloc : memref<!tpu.dma_semaphore, #tpu.memory_space<semaphore_mem>>
        %dma_start3A_658 = arith.constant 0 : i32
        %dma_start3A_659 = tpu.memref_slice %arg8[%add3A_604, %dma_start3A_658] : memref<125x80xi32, #tpu.memory_space<vmem>> -> memref<1x80xi32, #tpu.memory_space<vmem>>
        %dma_start3A_660 = tpu.memref_squeeze %dma_start3A_659 : memref<1x80xi32, #tpu.memory_space<vmem>> -> memref<80xi32, #tpu.memory_space<vmem>>
        %dma_start3A_661 = arith.constant 0 : i32
        %dma_start3A_662 = arith.constant 0 : i32
        %dma_start3A_663 = tpu.memref_slice %arg34[%dma_start3A_661, %dma_start3A_662] : memref<10000x32xf32, #tpu.memory_space<vmem_shared>> -> memref<10000x32xf32, #tpu.memory_space<vmem_shared>>
        tpu.enqueue_indirect_dma source(%arg31 : memref<80x32xf32, #tpu.memory_space<vmem>>) target(%dma_start3A_663 : memref<10000x32xf32, #tpu.memory_space<vmem_shared>>) offsets(%dma_start3A_660 : memref<80xi32, #tpu.memory_space<vmem>>) semaphore(%run_scoped3A : memref<!tpu.dma_semaphore, #tpu.memory_space<semaphore_mem>>) {add = true}
        %dma_wait3A_664 = arith.constant 0 : i32
        %dma_wait3A_665 = tpu.memref_slice %arg8[%add3A_604, %dma_wait3A_664] : memref<125x80xi32, #tpu.memory_space<vmem>> -> memref<1x80xi32, #tpu.memory_space<vmem>>
        %dma_wait3A_666 = tpu.memref_squeeze %dma_wait3A_665 : memref<1x80xi32, #tpu.memory_space<vmem>> -> memref<80xi32, #tpu.memory_space<vmem>>
        %dma_wait3A_667 = arith.constant 0 : i32
        %dma_wait3A_668 = arith.constant 0 : i32
        %dma_wait3A_669 = tpu.memref_slice %arg34[%dma_wait3A_667, %dma_wait3A_668] : memref<10000x32xf32, #tpu.memory_space<vmem_shared>> -> memref<10000x32xf32, #tpu.memory_space<vmem_shared>>
        tpu.wait_indirect_dma semaphore(%run_scoped3A : memref<!tpu.dma_semaphore, #tpu.memory_space<semaphore_mem>>) src(%arg31 : memref<80x32xf32, #tpu.memory_space<vmem>>) dst(%dma_wait3A_669 : memref<10000x32xf32, #tpu.memory_space<vmem_shared>>)
        tpu.yield
      }) : () -> ()
      %mul3A_620 = arith.constant 25 : i32
      %mul3A_621 = arith.muli %scan3A_185, %mul3A_620 : i32
      %add3A_622 = arith.constant 23 : i32
      %add3A_623 = arith.addi %mul3A_621, %add3A_622 : i32
      %dma_wait3A_624 = arith.constant 0 : i32
      %dma_wait3A_625 = tpu.memref_slice %arg7[%add3A_623, %dma_wait3A_624] : memref<125x80xi32, #tpu.memory_space<vmem>> -> memref<1x80xi32, #tpu.memory_space<vmem>>
      %dma_wait3A_626 = tpu.memref_squeeze %dma_wait3A_625 : memref<1x80xi32, #tpu.memory_space<vmem>> -> memref<80xi32, #tpu.memory_space<vmem>>
      %dma_wait3A_627 = arith.constant 0 : i32
      %dma_wait3A_628 = arith.constant 0 : i32
      %dma_wait3A_629 = tpu.memref_slice %arg2[%dma_wait3A_627, %dma_wait3A_628] : memref<10000x32xf32, #tpu.memory_space<hbm>> -> memref<10000x32xf32, #tpu.memory_space<hbm>>
      tpu.wait_indirect_dma semaphore(%arg58 : memref<!tpu.dma_semaphore, #tpu.memory_space<semaphore_mem>>) src(%dma_wait3A_629 : memref<10000x32xf32, #tpu.memory_space<hbm>>) dst(%arg32 : memref<80x32xf32, #tpu.memory_space<vmem>>)
      %add3A_630 = arith.constant 25 : i32
      %add3A_631 = arith.addi %add3A_623, %add3A_630 : i32
      %sub3A_632 = arith.constant 1 : i32
      %sub3A_633 = arith.subi %add3A_631, %sub3A_632 : i32
      %lt3A_634 = arith.constant 125 : i32
      %lt3A_635 = arith.cmpi slt, %sub3A_633, %lt3A_634 : i32
      %convert_element_type3A_636 = arith.extui %lt3A_635 : i1 to i32
      %cond3A_637 = arith.constant 0 : i32
      %cond3A_638 = arith.cmpi ne, %convert_element_type3A_636, %cond3A_637 : i32
      scf.if %cond3A_638 {
        %dma_start3A_658 = arith.constant 0 : i32
        %dma_start3A_659 = tpu.memref_slice %arg7[%sub3A_633, %dma_start3A_658] : memref<125x80xi32, #tpu.memory_space<vmem>> -> memref<1x80xi32, #tpu.memory_space<vmem>>
        %dma_start3A_660 = tpu.memref_squeeze %dma_start3A_659 : memref<1x80xi32, #tpu.memory_space<vmem>> -> memref<80xi32, #tpu.memory_space<vmem>>
        %dma_start3A_661 = arith.constant 0 : i32
        %dma_start3A_662 = arith.constant 0 : i32
        %dma_start3A_663 = tpu.memref_slice %arg2[%dma_start3A_661, %dma_start3A_662] : memref<10000x32xf32, #tpu.memory_space<hbm>> -> memref<10000x32xf32, #tpu.memory_space<hbm>>
        tpu.enqueue_indirect_dma source(%dma_start3A_663 : memref<10000x32xf32, #tpu.memory_space<hbm>>) target(%arg31 : memref<80x32xf32, #tpu.memory_space<vmem>>) offsets(%dma_start3A_660 : memref<80xi32, #tpu.memory_space<vmem>>) semaphore(%arg57 : memref<!tpu.dma_semaphore, #tpu.memory_space<semaphore_mem>>)
      } else {
      }
      "tpu.region"() ({
        %run_scoped3A = tpu.sem_alloc : memref<!tpu.dma_semaphore, #tpu.memory_space<semaphore_mem>>
        %dma_start3A_658 = arith.constant 0 : i32
        %dma_start3A_659 = tpu.memref_slice %arg8[%add3A_623, %dma_start3A_658] : memref<125x80xi32, #tpu.memory_space<vmem>> -> memref<1x80xi32, #tpu.memory_space<vmem>>
        %dma_start3A_660 = tpu.memref_squeeze %dma_start3A_659 : memref<1x80xi32, #tpu.memory_space<vmem>> -> memref<80xi32, #tpu.memory_space<vmem>>
        %dma_start3A_661 = arith.constant 0 : i32
        %dma_start3A_662 = arith.constant 0 : i32
        %dma_start3A_663 = tpu.memref_slice %arg34[%dma_start3A_661, %dma_start3A_662] : memref<10000x32xf32, #tpu.memory_space<vmem_shared>> -> memref<10000x32xf32, #tpu.memory_space<vmem_shared>>
        tpu.enqueue_indirect_dma source(%arg32 : memref<80x32xf32, #tpu.memory_space<vmem>>) target(%dma_start3A_663 : memref<10000x32xf32, #tpu.memory_space<vmem_shared>>) offsets(%dma_start3A_660 : memref<80xi32, #tpu.memory_space<vmem>>) semaphore(%run_scoped3A : memref<!tpu.dma_semaphore, #tpu.memory_space<semaphore_mem>>) {add = true}
        %dma_wait3A_664 = arith.constant 0 : i32
        %dma_wait3A_665 = tpu.memref_slice %arg8[%add3A_623, %dma_wait3A_664] : memref<125x80xi32, #tpu.memory_space<vmem>> -> memref<1x80xi32, #tpu.memory_space<vmem>>
        %dma_wait3A_666 = tpu.memref_squeeze %dma_wait3A_665 : memref<1x80xi32, #tpu.memory_space<vmem>> -> memref<80xi32, #tpu.memory_space<vmem>>
        %dma_wait3A_667 = arith.constant 0 : i32
        %dma_wait3A_668 = arith.constant 0 : i32
        %dma_wait3A_669 = tpu.memref_slice %arg34[%dma_wait3A_667, %dma_wait3A_668] : memref<10000x32xf32, #tpu.memory_space<vmem_shared>> -> memref<10000x32xf32, #tpu.memory_space<vmem_shared>>
        tpu.wait_indirect_dma semaphore(%run_scoped3A : memref<!tpu.dma_semaphore, #tpu.memory_space<semaphore_mem>>) src(%arg32 : memref<80x32xf32, #tpu.memory_space<vmem>>) dst(%dma_wait3A_669 : memref<10000x32xf32, #tpu.memory_space<vmem_shared>>)
        tpu.yield
      }) : () -> ()
      %mul3A_639 = arith.constant 25 : i32
      %mul3A_640 = arith.muli %scan3A_185, %mul3A_639 : i32
      %add3A_641 = arith.constant 24 : i32
      %add3A_642 = arith.addi %mul3A_640, %add3A_641 : i32
      %dma_wait3A_643 = arith.constant 0 : i32
      %dma_wait3A_644 = tpu.memref_slice %arg7[%add3A_642, %dma_wait3A_643] : memref<125x80xi32, #tpu.memory_space<vmem>> -> memref<1x80xi32, #tpu.memory_space<vmem>>
      %dma_wait3A_645 = tpu.memref_squeeze %dma_wait3A_644 : memref<1x80xi32, #tpu.memory_space<vmem>> -> memref<80xi32, #tpu.memory_space<vmem>>
      %dma_wait3A_646 = arith.constant 0 : i32
      %dma_wait3A_647 = arith.constant 0 : i32
      %dma_wait3A_648 = tpu.memref_slice %arg2[%dma_wait3A_646, %dma_wait3A_647] : memref<10000x32xf32, #tpu.memory_space<hbm>> -> memref<10000x32xf32, #tpu.memory_space<hbm>>
      tpu.wait_indirect_dma semaphore(%arg59 : memref<!tpu.dma_semaphore, #tpu.memory_space<semaphore_mem>>) src(%dma_wait3A_648 : memref<10000x32xf32, #tpu.memory_space<hbm>>) dst(%arg33 : memref<80x32xf32, #tpu.memory_space<vmem>>)
      %add3A_649 = arith.constant 25 : i32
      %add3A_650 = arith.addi %add3A_642, %add3A_649 : i32
      %sub3A_651 = arith.constant 1 : i32
      %sub3A_652 = arith.subi %add3A_650, %sub3A_651 : i32
      %lt3A_653 = arith.constant 125 : i32
      %lt3A_654 = arith.cmpi slt, %sub3A_652, %lt3A_653 : i32
      %convert_element_type3A_655 = arith.extui %lt3A_654 : i1 to i32
      %cond3A_656 = arith.constant 0 : i32
      %cond3A_657 = arith.cmpi ne, %convert_element_type3A_655, %cond3A_656 : i32
      scf.if %cond3A_657 {
        %dma_start3A_658 = arith.constant 0 : i32
        %dma_start3A_659 = tpu.memref_slice %arg7[%sub3A_652, %dma_start3A_658] : memref<125x80xi32, #tpu.memory_space<vmem>> -> memref<1x80xi32, #tpu.memory_space<vmem>>
        %dma_start3A_660 = tpu.memref_squeeze %dma_start3A_659 : memref<1x80xi32, #tpu.memory_space<vmem>> -> memref<80xi32, #tpu.memory_space<vmem>>
        %dma_start3A_661 = arith.constant 0 : i32
        %dma_start3A_662 = arith.constant 0 : i32
        %dma_start3A_663 = tpu.memref_slice %arg2[%dma_start3A_661, %dma_start3A_662] : memref<10000x32xf32, #tpu.memory_space<hbm>> -> memref<10000x32xf32, #tpu.memory_space<hbm>>
        tpu.enqueue_indirect_dma source(%dma_start3A_663 : memref<10000x32xf32, #tpu.memory_space<hbm>>) target(%arg32 : memref<80x32xf32, #tpu.memory_space<vmem>>) offsets(%dma_start3A_660 : memref<80xi32, #tpu.memory_space<vmem>>) semaphore(%arg58 : memref<!tpu.dma_semaphore, #tpu.memory_space<semaphore_mem>>)
      } else {
      }
      "tpu.region"() ({
        %run_scoped3A = tpu.sem_alloc : memref<!tpu.dma_semaphore, #tpu.memory_space<semaphore_mem>>
        %dma_start3A_658 = arith.constant 0 : i32
        %dma_start3A_659 = tpu.memref_slice %arg8[%add3A_642, %dma_start3A_658] : memref<125x80xi32, #tpu.memory_space<vmem>> -> memref<1x80xi32, #tpu.memory_space<vmem>>
        %dma_start3A_660 = tpu.memref_squeeze %dma_start3A_659 : memref<1x80xi32, #tpu.memory_space<vmem>> -> memref<80xi32, #tpu.memory_space<vmem>>
        %dma_start3A_661 = arith.constant 0 : i32
        %dma_start3A_662 = arith.constant 0 : i32
        %dma_start3A_663 = tpu.memref_slice %arg34[%dma_start3A_661, %dma_start3A_662] : memref<10000x32xf32, #tpu.memory_space<vmem_shared>> -> memref<10000x32xf32, #tpu.memory_space<vmem_shared>>
        tpu.enqueue_indirect_dma source(%arg33 : memref<80x32xf32, #tpu.memory_space<vmem>>) target(%dma_start3A_663 : memref<10000x32xf32, #tpu.memory_space<vmem_shared>>) offsets(%dma_start3A_660 : memref<80xi32, #tpu.memory_space<vmem>>) semaphore(%run_scoped3A : memref<!tpu.dma_semaphore, #tpu.memory_space<semaphore_mem>>) {add = true}
        %dma_wait3A_664 = arith.constant 0 : i32
        %dma_wait3A_665 = tpu.memref_slice %arg8[%add3A_642, %dma_wait3A_664] : memref<125x80xi32, #tpu.memory_space<vmem>> -> memref<1x80xi32, #tpu.memory_space<vmem>>
        %dma_wait3A_666 = tpu.memref_squeeze %dma_wait3A_665 : memref<1x80xi32, #tpu.memory_space<vmem>> -> memref<80xi32, #tpu.memory_space<vmem>>
        %dma_wait3A_667 = arith.constant 0 : i32
        %dma_wait3A_668 = arith.constant 0 : i32
        %dma_wait3A_669 = tpu.memref_slice %arg34[%dma_wait3A_667, %dma_wait3A_668] : memref<10000x32xf32, #tpu.memory_space<vmem_shared>> -> memref<10000x32xf32, #tpu.memory_space<vmem_shared>>
        tpu.wait_indirect_dma semaphore(%run_scoped3A : memref<!tpu.dma_semaphore, #tpu.memory_space<semaphore_mem>>) src(%arg33 : memref<80x32xf32, #tpu.memory_space<vmem>>) dst(%dma_wait3A_669 : memref<10000x32xf32, #tpu.memory_space<vmem_shared>>)
        tpu.yield
      }) : () -> ()
    }
    %scan3A_179 = arith.constant 5 : i32
    %barrier3A_180 = arith.constant 0 : index
    tpu.barrier barrier_id(%barrier3A_180)
    %mul3A_181 = arith.constant 625 : i32
    %mul3A_182 = arith.muli %arg1, %mul3A_181 : i32
    %mul3A_183 = arith.constant 625 : i32
    %mul3A_184 = arith.muli %arg1, %mul3A_183 : i32
    "tpu.region"() ({
      %run_scoped3A = tpu.sem_alloc : memref<!tpu.dma_semaphore, #tpu.memory_space<semaphore_mem>>
      %dma_start3A_185 = arith.constant 0 : i32
      %dma_start3A_186 = tpu.memref_slice %arg6[%arg0, %mul3A_184, %dma_start3A_185] : memref<2x10000x32xf32, #tpu.memory_space<hbm>> -> memref<1x625x32xf32, #tpu.memory_space<hbm>>
      %dma_start3A_187 = tpu.memref_squeeze %dma_start3A_186 : memref<1x625x32xf32, #tpu.memory_space<hbm>> -> memref<625x32xf32, #tpu.memory_space<hbm>>
      %dma_start3A_188 = arith.constant 0 : i32
      %dma_start3A_189 = tpu.memref_slice %arg34[%mul3A_182, %dma_start3A_188] : memref<10000x32xf32, #tpu.memory_space<vmem_shared>> -> memref<625x32xf32, #tpu.memory_space<vmem_shared>>
      tpu.enqueue_dma source(%dma_start3A_189 : memref<625x32xf32, #tpu.memory_space<vmem_shared>>) target(%dma_start3A_187 : memref<625x32xf32, #tpu.memory_space<hbm>>) target_semaphore(%run_scoped3A : memref<!tpu.dma_semaphore, #tpu.memory_space<semaphore_mem>>)
      %dma_wait3A = arith.constant 0 : i32
      %dma_wait3A_190 = tpu.memref_slice %arg6[%arg0, %mul3A_184, %dma_wait3A] : memref<2x10000x32xf32, #tpu.memory_space<hbm>> -> memref<1x625x32xf32, #tpu.memory_space<hbm>>
      %dma_wait3A_191 = tpu.memref_squeeze %dma_wait3A_190 : memref<1x625x32xf32, #tpu.memory_space<hbm>> -> memref<625x32xf32, #tpu.memory_space<hbm>>
      %dma_wait3A_192 = arith.constant 0 : i32
      %dma_wait3A_193 = tpu.memref_slice %arg34[%mul3A_182, %dma_wait3A_192] : memref<10000x32xf32, #tpu.memory_space<vmem_shared>> -> memref<625x32xf32, #tpu.memory_space<vmem_shared>>
      tpu.wait_dma2 semaphore(%run_scoped3A : memref<!tpu.dma_semaphore, #tpu.memory_space<semaphore_mem>>) src(%dma_wait3A_193 : memref<625x32xf32, #tpu.memory_space<vmem_shared>>) dst(%dma_wait3A_191 : memref<625x32xf32, #tpu.memory_space<hbm>>)
      tpu.yield
    }) : () -> ()
    return
  }
}

module attributes {stable_mosaic.version = 14 : i64} {
  func.func @_tca_body(%arg0: memref<32x10000xf32, #tpu.memory_space<vmem>>, %arg1: memref<10000x128xf32, #tpu.memory_space<vmem>>, %arg2: memref<128x64xf32, #tpu.memory_space<vmem>>, %arg3: memref<10000x64xf32, #tpu.memory_space<vmem>>, %arg4: memref<10000x1xf32, #tpu.memory_space<vmem>>) attributes {dimension_semantics = [], scalar_prefetch = 0 : i64, scratch_operands = 0 : i64, tpu.core_type = #tpu.core_type<tc>} {
    %get3A = arith.constant 0 : index
    %get3A_0 = arith.constant 0 : index
    %get3A_1 = vector.load %arg0[%get3A, %get3A_0] : memref<32x10000xf32, #tpu.memory_space<vmem>>, vector<32x10000xf32>
    %broadcast_in_dim3A = arith.constant 1.000000e+00 : f32
    %broadcast_in_dim3A_2 = vector.broadcast %broadcast_in_dim3A : f32 to vector<32x1xf32>
    %dot_general3A = arith.constant dense<0.000000e+00> : vector<10000x1xf32>
    %dot_general3A_3 = tpu.matmul %get3A_1, %broadcast_in_dim3A_2, %dot_general3A {dimension_numbers = #tpu.dot_dimension_numbers<[0], [0], [1], [1], [0, 1, 1, 1], [], []>, transpose_lhs_hint = false} : vector<32x10000xf32>, vector<32x1xf32>, vector<10000x1xf32> -> vector<10000x1xf32>
    %add3A = arith.constant 1.000000e+00 : f32
    %add3A_4 = vector.broadcast %add3A : f32 to vector<10000x1xf32>
    %add3A_5 = arith.addf %dot_general3A_3, %add3A_4 : vector<10000x1xf32>
    %rsqrt3A = math.rsqrt %add3A_5 : vector<10000x1xf32>
    %get3A_6 = arith.constant 0 : index
    %get3A_7 = arith.constant 0 : index
    %get3A_8 = vector.load %arg1[%get3A_6, %get3A_7] : memref<10000x128xf32, #tpu.memory_space<vmem>>, vector<10000x128xf32>
    %get3A_9 = arith.constant 0 : index
    %get3A_10 = arith.constant 0 : index
    %get3A_11 = vector.load %arg2[%get3A_9, %get3A_10] : memref<128x64xf32, #tpu.memory_space<vmem>>, vector<128x64xf32>
    %dot_general3A_12 = arith.constant dense<0.000000e+00> : vector<10000x64xf32>
    %dot_general3A_13 = tpu.matmul %get3A_8, %get3A_11, %dot_general3A_12 {dimension_numbers = #tpu.dot_dimension_numbers<[1], [0], [0], [1], [0, 0, 1, 1], [], []>, transpose_lhs_hint = false} : vector<10000x128xf32>, vector<128x64xf32>, vector<10000x64xf32> -> vector<10000x64xf32>
    %mul3A = vector.broadcast %rsqrt3A : vector<10000x1xf32> to vector<10000x64xf32>
    %mul3A_14 = arith.mulf %dot_general3A_13, %mul3A : vector<10000x64xf32>
    %swap3A = arith.constant 0 : index
    %swap3A_15 = arith.constant 0 : index
    %swap3A_16 = vector.load %arg3[%swap3A, %swap3A_15] : memref<10000x64xf32, #tpu.memory_space<vmem>>, vector<10000x64xf32>
    tpu.vector_store %arg3[%swap3A, %swap3A_15], %mul3A_14 {strides = array<i32>} : memref<10000x64xf32, #tpu.memory_space<vmem>>, vector<10000x64xf32>,
    %swap3A_17 = arith.constant 0 : index
    %swap3A_18 = arith.constant 0 : index
    %swap3A_19 = vector.load %arg4[%swap3A_17, %swap3A_18] : memref<10000x1xf32, #tpu.memory_space<vmem>>, vector<10000x1xf32>
    tpu.vector_store %arg4[%swap3A_17, %swap3A_18], %rsqrt3A {strides = array<i32>} : memref<10000x1xf32, #tpu.memory_space<vmem>>, vector<10000x1xf32>,
    return
  }
}

module attributes {stable_mosaic.version = 14 : i64} {
  func.func @_tcb_body(%arg0: memref<2x10000x64xf32, #tpu.memory_space<vmem>>, %arg1: memref<10000x1xf32, #tpu.memory_space<vmem>>, %arg2: memref<1x64xf32, #tpu.memory_space<vmem>>, %arg3: memref<1x64xf32, #tpu.memory_space<vmem>>, %arg4: memref<1x64xf32, #tpu.memory_space<vmem>>, %arg5: memref<64x32xf32, #tpu.memory_space<vmem>>, %arg6: memref<10000x32xf32, #tpu.memory_space<vmem>>) attributes {dimension_semantics = [], scalar_prefetch = 0 : i64, scratch_operands = 0 : i64, tpu.core_type = #tpu.core_type<tc>} {
    %get3A = arith.constant 0 : index
    %get3A_0 = arith.constant 0 : index
    %get3A_1 = vector.load %arg1[%get3A, %get3A_0] : memref<10000x1xf32, #tpu.memory_space<vmem>>, vector<10000x1xf32>
    %get3A_2 = arith.constant 0 : index
    %get3A_3 = arith.constant 0 : index
    %get3A_4 = arith.constant 0 : index
    %get3A_5 = vector.load %arg0[%get3A_2, %get3A_3, %get3A_4] : memref<2x10000x64xf32, #tpu.memory_space<vmem>>, vector<1x10000x64xf32>
    %get3A_6 = vector.shape_cast %get3A_5 : vector<1x10000x64xf32> to vector<10000x64xf32>
    %get3A_7 = arith.constant 1 : index
    %get3A_8 = arith.constant 0 : index
    %get3A_9 = arith.constant 0 : index
    %get3A_10 = vector.load %arg0[%get3A_7, %get3A_8, %get3A_9] : memref<2x10000x64xf32, #tpu.memory_space<vmem>>, vector<1x10000x64xf32>
    %get3A_11 = vector.shape_cast %get3A_10 : vector<1x10000x64xf32> to vector<10000x64xf32>
    %add3A = arith.addf %get3A_6, %get3A_11 : vector<10000x64xf32>
    %mul3A = vector.broadcast %get3A_1 : vector<10000x1xf32> to vector<10000x64xf32>
    %mul3A_12 = arith.mulf %mul3A, %add3A : vector<10000x64xf32>
    %get3A_13 = arith.constant 0 : index
    %get3A_14 = arith.constant 0 : index
    %get3A_15 = vector.load %arg2[%get3A_13, %get3A_14] : memref<1x64xf32, #tpu.memory_space<vmem>>, vector<1x64xf32>
    %add3A_16 = vector.broadcast %get3A_15 : vector<1x64xf32> to vector<10000x64xf32>
    %add3A_17 = arith.addf %mul3A_12, %add3A_16 : vector<10000x64xf32>
    %get3A_18 = arith.constant 0 : index
    %get3A_19 = arith.constant 0 : index
    %get3A_20 = vector.load %arg3[%get3A_18, %get3A_19] : memref<1x64xf32, #tpu.memory_space<vmem>>, vector<1x64xf32>
    %get3A_21 = arith.constant 0 : index
    %get3A_22 = arith.constant 0 : index
    %get3A_23 = vector.load %arg4[%get3A_21, %get3A_22] : memref<1x64xf32, #tpu.memory_space<vmem>>, vector<1x64xf32>
    %reduce_sum3A = arith.constant dense<0.000000e+00> : vector<64xf32>
    %reduce_sum3A_24 = vector.multi_reduction <add>, %add3A_17, %reduce_sum3A [0] : vector<10000x64xf32> to vector<64xf32>
    %broadcast_in_dim3A = vector.shape_cast %reduce_sum3A_24 : vector<64xf32> to vector<1x64xf32>
    %div3A = arith.constant 1.000000e+04 : f32
    %div3A_25 = vector.broadcast %div3A : f32 to vector<1x64xf32>
    %div3A_26 = arith.divf %broadcast_in_dim3A, %div3A_25 : vector<1x64xf32>
    %sub3A = vector.broadcast %div3A_26 : vector<1x64xf32> to vector<10000x64xf32>
    %sub3A_27 = arith.subf %add3A_17, %sub3A : vector<10000x64xf32>
    %integer_pow3A = arith.mulf %sub3A_27, %sub3A_27 : vector<10000x64xf32>
    %reduce_sum3A_28 = arith.constant dense<0.000000e+00> : vector<64xf32>
    %reduce_sum3A_29 = vector.multi_reduction <add>, %integer_pow3A, %reduce_sum3A_28 [0] : vector<10000x64xf32> to vector<64xf32>
    %broadcast_in_dim3A_30 = vector.shape_cast %reduce_sum3A_29 : vector<64xf32> to vector<1x64xf32>
    %div3A_31 = arith.constant 1.000000e+04 : f32
    %div3A_32 = vector.broadcast %div3A_31 : f32 to vector<1x64xf32>
    %div3A_33 = arith.divf %broadcast_in_dim3A_30, %div3A_32 : vector<1x64xf32>
    %sub3A_34 = vector.broadcast %div3A_26 : vector<1x64xf32> to vector<10000x64xf32>
    %sub3A_35 = arith.subf %add3A_17, %sub3A_34 : vector<10000x64xf32>
    %add3A_36 = arith.constant 9.99999974E-6 : f32
    %add3A_37 = vector.broadcast %add3A_36 : f32 to vector<1x64xf32>
    %add3A_38 = arith.addf %div3A_33, %add3A_37 : vector<1x64xf32>
    %rsqrt3A = math.rsqrt %add3A_38 : vector<1x64xf32>
    %mul3A_39 = vector.broadcast %rsqrt3A : vector<1x64xf32> to vector<10000x64xf32>
    %mul3A_40 = arith.mulf %sub3A_35, %mul3A_39 : vector<10000x64xf32>
    %mul3A_41 = vector.broadcast %get3A_20 : vector<1x64xf32> to vector<10000x64xf32>
    %mul3A_42 = arith.mulf %mul3A_40, %mul3A_41 : vector<10000x64xf32>
    %add3A_43 = vector.broadcast %get3A_23 : vector<1x64xf32> to vector<10000x64xf32>
    %add3A_44 = arith.addf %mul3A_42, %add3A_43 : vector<10000x64xf32>
    %max3A = arith.constant 0.000000e+00 : f32
    %max3A_45 = vector.broadcast %max3A : f32 to vector<10000x64xf32>
    %max3A_46 = arith.maximumf %add3A_44, %max3A_45 : vector<10000x64xf32>
    %get3A_47 = arith.constant 0 : index
    %get3A_48 = arith.constant 0 : index
    %get3A_49 = vector.load %arg5[%get3A_47, %get3A_48] : memref<64x32xf32, #tpu.memory_space<vmem>>, vector<64x32xf32>
    %dot_general3A = arith.constant dense<0.000000e+00> : vector<10000x32xf32>
    %dot_general3A_50 = tpu.matmul %max3A_46, %get3A_49, %dot_general3A {dimension_numbers = #tpu.dot_dimension_numbers<[1], [0], [0], [1], [0, 0, 1, 1], [], []>, transpose_lhs_hint = false} : vector<10000x64xf32>, vector<64x32xf32>, vector<10000x32xf32> -> vector<10000x32xf32>
    %mul3A_51 = vector.broadcast %get3A_1 : vector<10000x1xf32> to vector<10000x32xf32>
    %mul3A_52 = arith.mulf %dot_general3A_50, %mul3A_51 : vector<10000x32xf32>
    %swap3A = arith.constant 0 : index
    %swap3A_53 = arith.constant 0 : index
    %swap3A_54 = vector.load %arg6[%swap3A, %swap3A_53] : memref<10000x32xf32, #tpu.memory_space<vmem>>, vector<10000x32xf32>
    tpu.vector_store %arg6[%swap3A, %swap3A_53], %mul3A_52 {strides = array<i32>} : memref<10000x32xf32, #tpu.memory_space<vmem>>, vector<10000x32xf32>,
    return
  }
}

module attributes {stable_mosaic.version = 14 : i64} {
  func.func @_tcc_body(%arg0: memref<2x10000x32xf32, #tpu.memory_space<vmem>>, %arg1: memref<10000x1xf32, #tpu.memory_space<vmem>>, %arg2: memref<1x32xf32, #tpu.memory_space<vmem>>, %arg3: memref<1x32xf32, #tpu.memory_space<vmem>>, %arg4: memref<1x32xf32, #tpu.memory_space<vmem>>, %arg5: memref<10000x1xi32, #tpu.memory_space<vmem>>, %arg6: memref<16x128xf32, #tpu.memory_space<vmem>>, %arg7: memref<32x128xf32, #tpu.memory_space<vmem>>, %arg8: memref<1x128xf32, #tpu.memory_space<vmem>>, %arg9: memref<32x128xf32, #tpu.memory_space<vmem>>, %arg10: memref<1x128xf32, #tpu.memory_space<vmem>>, %arg11: memref<128x32xf32, #tpu.memory_space<vmem>>, %arg12: memref<1x32xf32, #tpu.memory_space<vmem>>, %arg13: memref<32x32xf32, #tpu.memory_space<vmem>>, %arg14: memref<1x32xf32, #tpu.memory_space<vmem>>, %arg15: memref<32x128xf32, #tpu.memory_space<vmem>>, %arg16: memref<1x128xf32, #tpu.memory_space<vmem>>, %arg17: memref<128x64xf32, #tpu.memory_space<vmem>>, %arg18: memref<1x64xf32, #tpu.memory_space<vmem>>, %arg19: memref<64x2xf32, #tpu.memory_space<vmem>>, %arg20: memref<1x2xf32, #tpu.memory_space<vmem>>, %arg21: memref<16x2xf32, #tpu.memory_space<vmem>>, %arg22: memref<16x128xf32, #tpu.memory_space<vmem>>, %arg23: memref<16x128xf32, #tpu.memory_space<vmem>>, %arg24: memref<16x128xf32, #tpu.memory_space<vmem>>, %arg25: memref<16x128xf32, #tpu.memory_space<vmem>>) attributes {dimension_semantics = [], scalar_prefetch = 0 : i64, scratch_operands = 0 : i64, tpu.core_type = #tpu.core_type<tc>} {
    %get3A = arith.constant 0 : index
    %get3A_0 = arith.constant 0 : index
    %get3A_1 = vector.load %arg1[%get3A, %get3A_0] : memref<10000x1xf32, #tpu.memory_space<vmem>>, vector<10000x1xf32>
    %get3A_2 = arith.constant 0 : index
    %get3A_3 = arith.constant 0 : index
    %get3A_4 = arith.constant 0 : index
    %get3A_5 = vector.load %arg0[%get3A_2, %get3A_3, %get3A_4] : memref<2x10000x32xf32, #tpu.memory_space<vmem>>, vector<1x10000x32xf32>
    %get3A_6 = vector.shape_cast %get3A_5 : vector<1x10000x32xf32> to vector<10000x32xf32>
    %get3A_7 = arith.constant 1 : index
    %get3A_8 = arith.constant 0 : index
    %get3A_9 = arith.constant 0 : index
    %get3A_10 = vector.load %arg0[%get3A_7, %get3A_8, %get3A_9] : memref<2x10000x32xf32, #tpu.memory_space<vmem>>, vector<1x10000x32xf32>
    %get3A_11 = vector.shape_cast %get3A_10 : vector<1x10000x32xf32> to vector<10000x32xf32>
    %add3A = arith.addf %get3A_6, %get3A_11 : vector<10000x32xf32>
    %mul3A = vector.broadcast %get3A_1 : vector<10000x1xf32> to vector<10000x32xf32>
    %mul3A_12 = arith.mulf %mul3A, %add3A : vector<10000x32xf32>
    %get3A_13 = arith.constant 0 : index
    %get3A_14 = arith.constant 0 : index
    %get3A_15 = vector.load %arg2[%get3A_13, %get3A_14] : memref<1x32xf32, #tpu.memory_space<vmem>>, vector<1x32xf32>
    %add3A_16 = vector.broadcast %get3A_15 : vector<1x32xf32> to vector<10000x32xf32>
    %add3A_17 = arith.addf %mul3A_12, %add3A_16 : vector<10000x32xf32>
    %get3A_18 = arith.constant 0 : index
    %get3A_19 = arith.constant 0 : index
    %get3A_20 = vector.load %arg3[%get3A_18, %get3A_19] : memref<1x32xf32, #tpu.memory_space<vmem>>, vector<1x32xf32>
    %get3A_21 = arith.constant 0 : index
    %get3A_22 = arith.constant 0 : index
    %get3A_23 = vector.load %arg4[%get3A_21, %get3A_22] : memref<1x32xf32, #tpu.memory_space<vmem>>, vector<1x32xf32>
    %reduce_sum3A = arith.constant dense<0.000000e+00> : vector<32xf32>
    %reduce_sum3A_24 = vector.multi_reduction <add>, %add3A_17, %reduce_sum3A [0] : vector<10000x32xf32> to vector<32xf32>
    %broadcast_in_dim3A = vector.shape_cast %reduce_sum3A_24 : vector<32xf32> to vector<1x32xf32>
    %div3A = arith.constant 1.000000e+04 : f32
    %div3A_25 = vector.broadcast %div3A : f32 to vector<1x32xf32>
    %div3A_26 = arith.divf %broadcast_in_dim3A, %div3A_25 : vector<1x32xf32>
    %sub3A = vector.broadcast %div3A_26 : vector<1x32xf32> to vector<10000x32xf32>
    %sub3A_27 = arith.subf %add3A_17, %sub3A : vector<10000x32xf32>
    %integer_pow3A = arith.mulf %sub3A_27, %sub3A_27 : vector<10000x32xf32>
    %reduce_sum3A_28 = arith.constant dense<0.000000e+00> : vector<32xf32>
    %reduce_sum3A_29 = vector.multi_reduction <add>, %integer_pow3A, %reduce_sum3A_28 [0] : vector<10000x32xf32> to vector<32xf32>
    %broadcast_in_dim3A_30 = vector.shape_cast %reduce_sum3A_29 : vector<32xf32> to vector<1x32xf32>
    %div3A_31 = arith.constant 1.000000e+04 : f32
    %div3A_32 = vector.broadcast %div3A_31 : f32 to vector<1x32xf32>
    %div3A_33 = arith.divf %broadcast_in_dim3A_30, %div3A_32 : vector<1x32xf32>
    %sub3A_34 = vector.broadcast %div3A_26 : vector<1x32xf32> to vector<10000x32xf32>
    %sub3A_35 = arith.subf %add3A_17, %sub3A_34 : vector<10000x32xf32>
    %add3A_36 = arith.constant 9.99999974E-6 : f32
    %add3A_37 = vector.broadcast %add3A_36 : f32 to vector<1x32xf32>
    %add3A_38 = arith.addf %div3A_33, %add3A_37 : vector<1x32xf32>
    %rsqrt3A = math.rsqrt %add3A_38 : vector<1x32xf32>
    %mul3A_39 = vector.broadcast %rsqrt3A : vector<1x32xf32> to vector<10000x32xf32>
    %mul3A_40 = arith.mulf %sub3A_35, %mul3A_39 : vector<10000x32xf32>
    %mul3A_41 = vector.broadcast %get3A_20 : vector<1x32xf32> to vector<10000x32xf32>
    %mul3A_42 = arith.mulf %mul3A_40, %mul3A_41 : vector<10000x32xf32>
    %add3A_43 = vector.broadcast %get3A_23 : vector<1x32xf32> to vector<10000x32xf32>
    %add3A_44 = arith.addf %mul3A_42, %add3A_43 : vector<10000x32xf32>
    %max3A = arith.constant 0.000000e+00 : f32
    %max3A_45 = vector.broadcast %max3A : f32 to vector<10000x32xf32>
    %max3A_46 = arith.maximumf %add3A_44, %max3A_45 : vector<10000x32xf32>
    %iota3A = tpu.iota {dimensions = array<i32: 1>} : vector<1x16xi32>
    %get3A_47 = arith.constant 0 : index
    %get3A_48 = arith.constant 0 : index
    %get3A_49 = vector.load %arg5[%get3A_47, %get3A_48] : memref<10000x1xi32, #tpu.memory_space<vmem>>, vector<10000x1xi32>
    %eq3A = vector.broadcast %get3A_49 : vector<10000x1xi32> to vector<10000x16xi32>
    %eq3A_50 = vector.broadcast %iota3A : vector<1x16xi32> to vector<10000x16xi32>
    %eq3A_51 = arith.cmpi eq, %eq3A, %eq3A_50 : vector<10000x16xi32>
    %convert_element_type3A = arith.extui %eq3A_51 : vector<10000x16xi1> to vector<10000x16xi32>
    %convert_element_type3A_52 = arith.sitofp %convert_element_type3A : vector<10000x16xi32> to vector<10000x16xf32>
    %dot_general3A = arith.constant dense<0.000000e+00> : vector<16x32xf32>
    %dot_general3A_53 = tpu.matmul %convert_element_type3A_52, %max3A_46, %dot_general3A {dimension_numbers = #tpu.dot_dimension_numbers<[0], [0], [1], [1], [0, 1, 1, 1], [], []>, transpose_lhs_hint = false} : vector<10000x16xf32>, vector<10000x32xf32>, vector<16x32xf32> -> vector<16x32xf32>
    %broadcast_in_dim3A_54 = arith.constant 1.000000e+00 : f32
    %broadcast_in_dim3A_55 = vector.broadcast %broadcast_in_dim3A_54 : f32 to vector<10000x1xf32>
    %dot_general3A_56 = arith.constant dense<0.000000e+00> : vector<16x1xf32>
    %dot_general3A_57 = tpu.matmul %convert_element_type3A_52, %broadcast_in_dim3A_55, %dot_general3A_56 {dimension_numbers = #tpu.dot_dimension_numbers<[0], [0], [1], [1], [0, 1, 1, 1], [], []>, transpose_lhs_hint = false} : vector<10000x16xf32>, vector<10000x1xf32>, vector<16x1xf32> -> vector<16x1xf32>
    %max3A_58 = arith.constant 1.000000e+00 : f32
    %max3A_59 = vector.broadcast %max3A_58 : f32 to vector<16x1xf32>
    %max3A_60 = arith.maximumf %dot_general3A_57, %max3A_59 : vector<16x1xf32>
    %div3A_61 = vector.broadcast %max3A_60 : vector<16x1xf32> to vector<16x32xf32>
    %div3A_62 = arith.divf %dot_general3A_53, %div3A_61 : vector<16x32xf32>
    %get3A_63 = arith.constant 0 : index
    %get3A_64 = arith.constant 0 : index
    %get3A_65 = vector.load %arg7[%get3A_63, %get3A_64] : memref<32x128xf32, #tpu.memory_space<vmem>>, vector<32x128xf32>
    %dot_general3A_66 = arith.constant dense<0.000000e+00> : vector<16x128xf32>
    %dot_general3A_67 = tpu.matmul %div3A_62, %get3A_65, %dot_general3A_66 {dimension_numbers = #tpu.dot_dimension_numbers<[1], [0], [0], [1], [0, 0, 1, 1], [], []>, transpose_lhs_hint = false} : vector<16x32xf32>, vector<32x128xf32>, vector<16x128xf32> -> vector<16x128xf32>
    %get3A_68 = arith.constant 0 : index
    %get3A_69 = arith.constant 0 : index
    %get3A_70 = vector.load %arg8[%get3A_68, %get3A_69] : memref<1x128xf32, #tpu.memory_space<vmem>>, vector<1x128xf32>
    %add3A_71 = vector.broadcast %get3A_70 : vector<1x128xf32> to vector<16x128xf32>
    %add3A_72 = arith.addf %dot_general3A_67, %add3A_71 : vector<16x128xf32>
    %get3A_73 = arith.constant 0 : index
    %get3A_74 = arith.constant 0 : index
    %get3A_75 = vector.load %arg9[%get3A_73, %get3A_74] : memref<32x128xf32, #tpu.memory_space<vmem>>, vector<32x128xf32>
    %dot_general3A_76 = arith.constant dense<0.000000e+00> : vector<16x128xf32>
    %dot_general3A_77 = tpu.matmul %div3A_62, %get3A_75, %dot_general3A_76 {dimension_numbers = #tpu.dot_dimension_numbers<[1], [0], [0], [1], [0, 0, 1, 1], [], []>, transpose_lhs_hint = false} : vector<16x32xf32>, vector<32x128xf32>, vector<16x128xf32> -> vector<16x128xf32>
    %get3A_78 = arith.constant 0 : index
    %get3A_79 = arith.constant 0 : index
    %get3A_80 = vector.load %arg10[%get3A_78, %get3A_79] : memref<1x128xf32, #tpu.memory_space<vmem>>, vector<1x128xf32>
    %add3A_81 = vector.broadcast %get3A_80 : vector<1x128xf32> to vector<16x128xf32>
    %add3A_82 = arith.addf %dot_general3A_77, %add3A_81 : vector<16x128xf32>
    %mul3A_83 = arith.constant 5.000000e-01 : f32
    %mul3A_84 = vector.broadcast %mul3A_83 : f32 to vector<16x128xf32>
    %mul3A_85 = arith.mulf %mul3A_84, %add3A_82 : vector<16x128xf32>
    %exp3A = math.exp %mul3A_85 : vector<16x128xf32>
    %get3A_86 = arith.constant 0 : index
    %get3A_87 = arith.constant 0 : index
    %get3A_88 = vector.load %arg6[%get3A_86, %get3A_87] : memref<16x128xf32, #tpu.memory_space<vmem>>, vector<16x128xf32>
    %mul3A_89 = arith.mulf %get3A_88, %exp3A : vector<16x128xf32>
    %add3A_90 = arith.addf %add3A_72, %mul3A_89 : vector<16x128xf32>
    %get3A_91 = arith.constant 0 : index
    %get3A_92 = arith.constant 0 : index
    %get3A_93 = vector.load %arg11[%get3A_91, %get3A_92] : memref<128x32xf32, #tpu.memory_space<vmem>>, vector<128x32xf32>
    %dot_general3A_94 = arith.constant dense<0.000000e+00> : vector<16x32xf32>
    %dot_general3A_95 = tpu.matmul %add3A_90, %get3A_93, %dot_general3A_94 {dimension_numbers = #tpu.dot_dimension_numbers<[1], [0], [0], [1], [0, 0, 1, 1], [], []>, transpose_lhs_hint = false} : vector<16x128xf32>, vector<128x32xf32>, vector<16x32xf32> -> vector<16x32xf32>
    %get3A_96 = arith.constant 0 : index
    %get3A_97 = arith.constant 0 : index
    %get3A_98 = vector.load %arg12[%get3A_96, %get3A_97] : memref<1x32xf32, #tpu.memory_space<vmem>>, vector<1x32xf32>
    %add3A_99 = vector.broadcast %get3A_98 : vector<1x32xf32> to vector<16x32xf32>
    %add3A_100 = arith.addf %dot_general3A_95, %add3A_99 : vector<16x32xf32>
    %max3A_101 = arith.constant 0.000000e+00 : f32
    %max3A_102 = vector.broadcast %max3A_101 : f32 to vector<16x32xf32>
    %max3A_103 = arith.maximumf %add3A_100, %max3A_102 : vector<16x32xf32>
    %get3A_104 = arith.constant 0 : index
    %get3A_105 = arith.constant 0 : index
    %get3A_106 = vector.load %arg13[%get3A_104, %get3A_105] : memref<32x32xf32, #tpu.memory_space<vmem>>, vector<32x32xf32>
    %dot_general3A_107 = arith.constant dense<0.000000e+00> : vector<16x32xf32>
    %dot_general3A_108 = tpu.matmul %max3A_103, %get3A_106, %dot_general3A_107 {dimension_numbers = #tpu.dot_dimension_numbers<[1], [0], [0], [1], [0, 0, 1, 1], [], []>, transpose_lhs_hint = false} : vector<16x32xf32>, vector<32x32xf32>, vector<16x32xf32> -> vector<16x32xf32>
    %get3A_109 = arith.constant 0 : index
    %get3A_110 = arith.constant 0 : index
    %get3A_111 = vector.load %arg14[%get3A_109, %get3A_110] : memref<1x32xf32, #tpu.memory_space<vmem>>, vector<1x32xf32>
    %add3A_112 = vector.broadcast %get3A_111 : vector<1x32xf32> to vector<16x32xf32>
    %add3A_113 = arith.addf %dot_general3A_108, %add3A_112 : vector<16x32xf32>
    %max3A_114 = arith.constant 0.000000e+00 : f32
    %max3A_115 = vector.broadcast %max3A_114 : f32 to vector<16x32xf32>
    %max3A_116 = arith.maximumf %add3A_113, %max3A_115 : vector<16x32xf32>
    %get3A_117 = arith.constant 0 : index
    %get3A_118 = arith.constant 0 : index
    %get3A_119 = vector.load %arg15[%get3A_117, %get3A_118] : memref<32x128xf32, #tpu.memory_space<vmem>>, vector<32x128xf32>
    %dot_general3A_120 = arith.constant dense<0.000000e+00> : vector<16x128xf32>
    %dot_general3A_121 = tpu.matmul %max3A_116, %get3A_119, %dot_general3A_120 {dimension_numbers = #tpu.dot_dimension_numbers<[1], [0], [0], [1], [0, 0, 1, 1], [], []>, transpose_lhs_hint = false} : vector<16x32xf32>, vector<32x128xf32>, vector<16x128xf32> -> vector<16x128xf32>
    %get3A_122 = arith.constant 0 : index
    %get3A_123 = arith.constant 0 : index
    %get3A_124 = vector.load %arg16[%get3A_122, %get3A_123] : memref<1x128xf32, #tpu.memory_space<vmem>>, vector<1x128xf32>
    %add3A_125 = vector.broadcast %get3A_124 : vector<1x128xf32> to vector<16x128xf32>
    %add3A_126 = arith.addf %dot_general3A_121, %add3A_125 : vector<16x128xf32>
    %get3A_127 = arith.constant 0 : index
    %get3A_128 = arith.constant 0 : index
    %get3A_129 = vector.load %arg17[%get3A_127, %get3A_128] : memref<128x64xf32, #tpu.memory_space<vmem>>, vector<128x64xf32>
    %dot_general3A_130 = arith.constant dense<0.000000e+00> : vector<16x64xf32>
    %dot_general3A_131 = tpu.matmul %add3A_90, %get3A_129, %dot_general3A_130 {dimension_numbers = #tpu.dot_dimension_numbers<[1], [0], [0], [1], [0, 0, 1, 1], [], []>, transpose_lhs_hint = false} : vector<16x128xf32>, vector<128x64xf32>, vector<16x64xf32> -> vector<16x64xf32>
    %get3A_132 = arith.constant 0 : index
    %get3A_133 = arith.constant 0 : index
    %get3A_134 = vector.load %arg18[%get3A_132, %get3A_133] : memref<1x64xf32, #tpu.memory_space<vmem>>, vector<1x64xf32>
    %add3A_135 = vector.broadcast %get3A_134 : vector<1x64xf32> to vector<16x64xf32>
    %add3A_136 = arith.addf %dot_general3A_131, %add3A_135 : vector<16x64xf32>
    %max3A_137 = arith.constant 0.000000e+00 : f32
    %max3A_138 = vector.broadcast %max3A_137 : f32 to vector<16x64xf32>
    %max3A_139 = arith.maximumf %add3A_136, %max3A_138 : vector<16x64xf32>
    %get3A_140 = arith.constant 0 : index
    %get3A_141 = arith.constant 0 : index
    %get3A_142 = vector.load %arg19[%get3A_140, %get3A_141] : memref<64x2xf32, #tpu.memory_space<vmem>>, vector<64x2xf32>
    %dot_general3A_143 = arith.constant dense<0.000000e+00> : vector<16x2xf32>
    %dot_general3A_144 = tpu.matmul %max3A_139, %get3A_142, %dot_general3A_143 {dimension_numbers = #tpu.dot_dimension_numbers<[1], [0], [0], [1], [0, 0, 1, 1], [], []>, transpose_lhs_hint = false} : vector<16x64xf32>, vector<64x2xf32>, vector<16x2xf32> -> vector<16x2xf32>
    %get3A_145 = arith.constant 0 : index
    %get3A_146 = arith.constant 0 : index
    %get3A_147 = vector.load %arg20[%get3A_145, %get3A_146] : memref<1x2xf32, #tpu.memory_space<vmem>>, vector<1x2xf32>
    %add3A_148 = vector.broadcast %get3A_147 : vector<1x2xf32> to vector<16x2xf32>
    %add3A_149 = arith.addf %dot_general3A_144, %add3A_148 : vector<16x2xf32>
    %swap3A = arith.constant 0 : index
    %swap3A_150 = arith.constant 0 : index
    %swap3A_151 = vector.load %arg21[%swap3A, %swap3A_150] : memref<16x2xf32, #tpu.memory_space<vmem>>, vector<16x2xf32>
    tpu.vector_store %arg21[%swap3A, %swap3A_150], %add3A_149 {strides = array<i32>} : memref<16x2xf32, #tpu.memory_space<vmem>>, vector<16x2xf32>,
    %swap3A_152 = arith.constant 0 : index
    %swap3A_153 = arith.constant 0 : index
    %swap3A_154 = vector.load %arg22[%swap3A_152, %swap3A_153] : memref<16x128xf32, #tpu.memory_space<vmem>>, vector<16x128xf32>
    tpu.vector_store %arg22[%swap3A_152, %swap3A_153], %add3A_126 {strides = array<i32>} : memref<16x128xf32, #tpu.memory_space<vmem>>, vector<16x128xf32>,
    %swap3A_155 = arith.constant 0 : index
    %swap3A_156 = arith.constant 0 : index
    %swap3A_157 = vector.load %arg23[%swap3A_155, %swap3A_156] : memref<16x128xf32, #tpu.memory_space<vmem>>, vector<16x128xf32>
    tpu.vector_store %arg23[%swap3A_155, %swap3A_156], %add3A_72 {strides = array<i32>} : memref<16x128xf32, #tpu.memory_space<vmem>>, vector<16x128xf32>,
    %swap3A_158 = arith.constant 0 : index
    %swap3A_159 = arith.constant 0 : index
    %swap3A_160 = vector.load %arg24[%swap3A_158, %swap3A_159] : memref<16x128xf32, #tpu.memory_space<vmem>>, vector<16x128xf32>
    tpu.vector_store %arg24[%swap3A_158, %swap3A_159], %add3A_82 {strides = array<i32>} : memref<16x128xf32, #tpu.memory_space<vmem>>, vector<16x128xf32>,
    %swap3A_161 = arith.constant 0 : index
    %swap3A_162 = arith.constant 0 : index
    %swap3A_163 = vector.load %arg25[%swap3A_161, %swap3A_162] : memref<16x128xf32, #tpu.memory_space<vmem>>, vector<16x128xf32>
    tpu.vector_store %arg25[%swap3A_161, %swap3A_162], %add3A_90 {strides = array<i32>} : memref<16x128xf32, #tpu.memory_space<vmem>>, vector<16x128xf32>,
    return
  }
}

</mosaic_0001>

<sc_bundles>
// kernel: kernel.11.cloned.1.call-start
scs
__scs_entry_jumppad:
0x0: {  	(pc) =	sbr.rel $0x88, $3  }
0x1: {  	(tag) =	ssettag $0x0;
	lr =	simm.s32 $0x1  }
0x2: {  	[smem:$0x3F88] =	sst lr;
	_ =	strace $0xD0000000  }
0x3: {  	_ = 	snop  }
0x4: {  	_ = 	snop  }
0x5: {  	_ = 	snop  }
0x6: {  	_ = 	snop  }
0x7: {  	_ = 	snop  }
__scs_overlays_trampoline_lowered:
0x8: {  	[smem:$0x3F97] =	sst s0  }
0x9: {  	[smem:$0x3F98] =	sst s1  }
0xa: {  	[smem:$0x3F99] =	sst s2  }
0xb: {  	[smem:$0x3F9A] =	sst s3  }
0xc: {  	[smem:$0x3F9B] =	sst s4  }
0xd: {  	[smem:$0x3F9C] =	sst s5  }
0xe: {  	[smem:$0x3F9D] =	sst s6  }
0xf: {  	[smem:$0x3F9E] =	sst s7  }
0x10: {  	[smem:$0x3F9F] =	sst s8  }
0x11: {  	[smem:$0x3FA0] =	sst s9;
	s0 =	simm.s32 @!p0 $0x0  }
0x12: {  	s1 =	sld [smem:$0x3F86];
	s0 =	simm.s32 @p0 $0x1  }
0x13: {  	[smem:$0x3FA1] =	sst s0;
	s0 =	simm.s32 @!p1 $0x0  }
0x14: {  	s2 =	sld [smem:$0x3F85];
	s0 =	simm.s32 @p1 $0x1  }
0x15: {  	[smem:$0x3FA2] =	sst s0;
	s0 =	simm.s32 @!p2 $0x0  }
0x16: {  	s3 =	sld [smem:$0x3FDB];
	s0 =	simm.s32 @p2 $0x1  }
0x17: {  	s4 =	simm.s32 $0x1BF5;
	[smem:$0x3FA4] =	sst s0  }
0x18: {  	s0 =	sld [smem:$0x3F87];
	_ =	swait.ge [sflag:s4], $0x0  }
0x19: {  	s7 =	sld [smem:$0x3F88]  }
0x1a: {  	s8 =	sadd.s32 $0xFFFFE003, lr  }
0x1b: {  	s9 =	sadd.s32 $0xFFFFFEF7, lr;
	s5 =	simm.s32 $0xFFFFFFFF;
	p2 =	slt.u32 s8, $0xFFFFF086  }
0x1c: {  	p1 =	slt.u32 s9, $0xF7A;
	s5 =	simm.s32 @!p2 $0x0  }
0x1d: {  	s5 =	simm.s32 @p1 $0x1;
	p0 =	seq.s32 s7, s2  }
0x1e: {  	s7 =	smul.u32 @!p0 $0xF7A, s2;
	p2 =	seq.s32 @!p0 s5, $0x0  }
0x1f: {  	s9 =	smul.u32 $0xF7A, s1;
	s8 =	simm.s32 @!p0 $0x1BF5;
	p2 =	por !p2, p0  }
0x20: {  	[sflag:s8] =	ssyncset.s32 @!p0 $0xFFFFF086;
	s6 =	sadd.s32 @!p0 s3, s7;
	s7 =	simm.s32 @!p0 $0x108  }
0x21: {  	s3 =	sadd.s32 s3, s9;
	s6 =	sadd.s32 @!p0 $0x88, s6;
	s7 =	simm.s32 @p2 $0x1082  }
0x22: {  	[simem:s7], [sflag:s8] =	dma.local @!p0 [hbm:s6], $0xF7A  }
0x23: {  	s9 =	sor.u32 $0xD0000000, s2;
	s6 =	simm.s32 $0x108;
	_ =	swait.ge @!p0 [sflag:s8], $0x0  }
0x24: {  	s3 =	sadd.s32 $0x88, s3;
	s6 =	simm.s32 @!p1 $0x1082;
	[sflag:s4] =	ssyncset.s32 $0xFFFFF086  }
0x25: {  	[simem:s6], [sflag:s4] =	dma.local [hbm:s3], $0xF7A  }
0x26: {  	[smem:$0x3F88] =	sst s1;
	(tag) =	ssettag s2;
	_ =	strace s9  }
0x27: {  	s1 =	sld [smem:$0x3F98]  }
0x28: {  	s2 =	sld [smem:$0x3F99]  }
0x29: {  	s4 =	sld [smem:$0x3F9B]  }
0x2a: {  	p0 =	seq.s32 s5, $0x0;
	s5 =	sld [smem:$0x3F9C]  }
0x2b: {  	s6 =	sld [smem:$0x3F9D]  }
0x2c: {  	s7 =	sld [smem:$0x3F9E]  }
0x2d: {  	s3 =	simm.s32 $0x108;
	s8 =	sld [smem:$0x3F9F]  }
0x2e: {  	s3 =	simm.s32 @!p0 $0x1082;
	s9 =	sld [smem:$0x3FA0]  }
0x2f: {  	lr =	sadd.s32 s0, s3;
	s0 =	sld [smem:$0x3F97]  }
0x30: {  	s3 =	sld [smem:$0x3F9A]  }
0x31: {  	[smem:$0x3FA3] =	sst s10  }
0x32: {  	s10 =	sld [smem:$0x3FA1];
	_ =	sdelay $0x3  }
0x33: {  	p0 =	seq.s32 s10, $0x1;
	s10 =	sld [smem:$0x3FA3];
	_ =	sdelay $0x3  }
0x34: {  	[smem:$0x3FA3] =	sst s10  }
0x35: {  	s10 =	sld [smem:$0x3FA2];
	_ =	sdelay $0x3  }
0x36: {  	p1 =	seq.s32 s10, $0x1;
	s10 =	sld [smem:$0x3FA3];
	_ =	sdelay $0x3  }
0x37: {  	[smem:$0x3FA3] =	sst s10  }
0x38: {  	s10 =	sld [smem:$0x3FA4]  }
0x39: {  	_ = 	snop;
	(pc) =	sbr.ind lr, $3  }
0x3a: {  	_ = 	snop  }
0x3b: {  	_ = 	snop  }
0x3c: {  	p2 =	seq.s32 s10, $0x1;
	s10 =	sld [smem:$0x3FA3]  }
0x3d: {  	_ =	shalt  }
0x3e: {  	_ =	shalt  }
0x3f: {  	_ =	shalt  }
0x40: {  	_ =	shalt  }
0x41: {  	_ =	shalt  }
0x42: {  	_ =	shalt  }
0x43: {  	_ =	shalt  }
0x44: {  	_ =	shalt  }
0x45: {  	_ =	shalt  }
0x46: {  	_ =	shalt  }
0x47: {  	_ =	shalt  }
0x48: {  	_ =	shalt  }
0x49: {  	_ =	shalt  }
0x4a: {  	_ =	shalt  }
0x4b: {  	_ =	shalt  }
0x4c: {  	_ =	shalt  }
0x4d: {  	_ =	shalt  }
0x4e: {  	_ =	shalt  }
0x4f: {  	_ =	shalt  }
0x50: {  	_ =	shalt  }
0x51: {  	_ =	shalt  }
0x52: {  	_ =	shalt  }
0x53: {  	_ =	shalt  }
0x54: {  	_ =	shalt  }
0x55: {  	_ =	shalt  }
0x56: {  	_ =	shalt  }
0x57: {  	_ =	shalt  }
0x58: {  	_ =	shalt  }
0x59: {  	_ =	shalt  }
0x5a: {  	_ =	shalt  }
0x5b: {  	_ =	shalt  }
0x5c: {  	_ =	shalt  }
0x5d: {  	_ =	shalt  }
0x5e: {  	_ =	shalt  }
0x5f: {  	_ =	shalt  }
0x60: {  	_ =	shalt  }
0x61: {  	_ =	shalt  }
0x62: {  	_ =	shalt  }
0x63: {  	_ =	shalt  }
0x64: {  	_ =	shalt  }
0x65: {  	_ =	shalt  }
0x66: {  	_ =	shalt  }
0x67: {  	_ =	shalt  }
0x68: {  	_ =	shalt  }
0x69: {  	_ =	shalt  }
0x6a: {  	_ =	shalt  }
0x6b: {  	_ =	shalt  }
0x6c: {  	_ =	shalt  }
0x6d: {  	_ =	shalt  }
0x6e: {  	_ =	shalt  }
0x6f: {  	_ =	shalt  }
0x70: {  	_ =	shalt  }
0x71: {  	_ =	shalt  }
0x72: {  	_ =	shalt  }
0x73: {  	_ =	shalt  }
0x74: {  	_ =	shalt  }
0x75: {  	_ =	shalt  }
0x76: {  	_ =	shalt  }
0x77: {  	_ =	shalt  }
0x78: {  	_ =	shalt  }
0x79: {  	_ =	shalt  }
0x7a: {  	_ =	shalt  }
0x7b: {  	_ =	shalt  }
0x7c: {  	_ =	shalt  }
0x7d: {  	_ =	shalt  }
0x7e: {  	_ =	shalt  }
0x7f: {  	_ =	shalt  }
0x80: {  	_ =	shalt  }
0x81: {  	_ =	shalt  }
0x82: {  	_ =	shalt  }
0x83: {  	_ =	shalt  }
0x84: {  	_ =	shalt  }
0x85: {  	_ =	shalt  }
0x86: {  	_ =	shalt  }
0x87: {  	_ =	shalt  }
.Lfunc_end0:
.L_simem_size_0:
called_computation.1_lowered:
.L_overlay_start_0:
0x88: {  	s2 =	sld [smem:$0x3FD9]  }
0x89: {  	s3 =	sld [smem:$0x3FFE];
	_ =	sdelay $0x1  }
0x8a: {  	s1 =	srdreg.scid  }
0x8b: {  	s0 =	sand.u32 $0x1, s1  }
0x8c: {  	s16 =	sshll.u32 s0, $0xA;
	s2 =	sadd.s32 s3, s2  }
0x8d: {  	s2 =	sadd.s32 s2, s16  }
0x8e: {  	[smem:$0x3FAF] =	sst s2  }
0x8f: {  	_ = 	snop  }
0x90: {  	(tm) =	ssettm $0x1  }
0x91: {  	s17 =	sld [smem:$0x3FFB];
	_ =	sdelay $0x3  }
0x92: {  	_ =	strace s17  }
0x93: {  	s2 =	sld [smem:$0x3FFC];
	_ =	sdelay $0x3  }
0x94: {  	_ =	strace s2  }
0x95: {  	s2 =	sld [smem:$0x3FFD];
	_ =	sdelay $0x3  }
0x96: {  	_ =	strace s2  }
0x97: {  	_ =	strace $0x8FFFFFFF  }
0x98: {  	s18 =	sld [smem:$0x3FDB];
	_ =	sdelay $0x1  }
0x99: {  	s19 =	simm.s32 $_scs_section_size  }
0x9a: {  	s4 =	simm.s32 $_size__tile_overlayer_lowered;
	s5 =	simm.s32 $_tile_overlayer_lowered  }
0x9b: {  	s22 =	simm.s32 $0x1BFF;
	s21 =	sshll.u32 s5, $0x1;
	s2 =	sadd.s32 s19, s18  }
0x9c: {  	s6 =	simm.s32 $0x0;
	s20 =	sshll.u32 s4, $0x1;
	s4 =	sadd.s32 s21, s2  }
0x9d: {  	[timem:s6], [sflag:s22] =	dma.local [hbm:s4], s20  }
0x9e: {  	_ =	swait.ge [sflag:s22], s20  }
0x9f: {  	s3 =	ssub.s32 $0x0, s20;
	[sflag:s22] =	ssyncset.done $0x0  }
0xa0: {  	[sflag:s22] =	ssyncadd.s32 s3;
	_ =	sdelay $0x1  }
0xa1: {  	s23 =	simm.s32 $0x1B8B  }
0xa2: {  	_ =	swait.ge [sflag:s23], $0x1  }
0xa3: {  	[sflag:s23] =	ssyncset.done $0x0  }
0xa4: {  	s25 =	simm.s32 $0x1B8E;
	s24 =	sld [smem:$0x3FFE];
	[sflag:s23] =	ssyncadd.s32 $0xFFFFFFFF  }
0xa5: {  	s26 =	simm.s32 $execute0_lowered;
	[smem:$0x3FD2] =	sst s25  }
0xa6: {  	s4 =	sshll.u32 s26, $0x1;
	_ =	strace $0x80000049;
	[dreg:$0x1] =	wrdreg $0xFFFFFFFF  }
0xa7: {  	s28 =	simm.s32 $_size_execute0_lowered;
	s2 =	sadd.s32 s2, s4;
	[dreg:$0x0] =	wrdreg $0x0  }
0xa8: {  	s4 =	sshll.u32 s28, $0x1;
	[dreg:$0x2] =	wrdreg s2  }
0xa9: {  	[dreg:$0x3] =	wrdreg s4  }
0xaa: {  	[dreg:$0x4] =	wrdreg $0xC0  }
0xab: {  	_ =	task [dreg:s6], $0x5FFFF  }
0xac: {  	[dreg:$0x1] =	wrdreg $0xFFFFFFFF  }
0xad: {  	[dreg:$0x0] =	wrdreg $0x60  }
0xae: {  	[dreg:$0x2] =	wrdreg s24  }
0xaf: {  	[dreg:$0x3] =	wrdreg $0xB2200  }
0xb0: {  	[dreg:$0x4] =	wrdreg $0x9  }
0xb1: {  	_ =	task.clear_ibuf [dreg:s6], $0x5FFFF;
	_ =	strace $0x90000049  }
0xb2: {  	s29 =	simm.s32 $0x9;
	_ =	strace $0x8000004B  }
0xb3: {  	_ =	swait.ge [sflag:s29], $0x1  }
0xb4: {  	[sflag:s29] =	ssyncadd.s32 $0xFFFFFFFF  }
0xb5: {  	_ =	strace $0x9000004B  }
0xb6: {  	_ =	sfence  }
0xb7: {  	s30 =	sld [smem:$0x0];
	_ =	sdelay $0x2  }
0xb8: {  	s31 =	sshll.u32 s1, $0xD;
	s1 =	sshrl.u32 s1, $0x2  }
0xb9: {  	s3 =	sand.u32 $0x4000, s31;
	s1 =	sadd.s32 s1, s30  }
0xba: {  	s0 =	sor.u32 s3, s0;
	s1 =	sshll.u32 s1, $0x11  }
0xbb: {  	s0 =	sor.u32 s1, s0  }
0xbc: {  	s0 =	sadd.s32 $0x8F2B, s0  }
0xbd: {  	[sflag:s0] =	ssyncadd.remote.s32 $0x1  }
0xbe: {  	_ =	sfence.sel $0xFFFF  }
0xbf: {  	[dreg:$0x0] =	wrdreg $0xFFFFFFFF;
	(pc) =	sbr.abs _section_cstart, $3  }
0xc0: {  	[dreg:$0x1] =	wrdreg $0xFFFFFFFF  }
0xc1: {  	_ =	task.clear_ibuf [dreg:s6], $0x2FFFF;
	_ =	strace $0x9FFFFFFF  }
0xc2: {  	(tm) =	ssettm $0x7FFFFFFF  }
0xc3: {  	_ =	shalt  }
tec
execute0_lowered:
.L_overlay_start_1:
0x0: {  	(tag) =	ssettag $0x1  }
0x1: {  	s0 =	srdreg.scid;
	s6 =	rddreg [dreg:$0x0]  }
0x2: {  	s14 =	stileid.u32;
	s2 =	rddreg [dreg:$0x1];
	s3 =	simm.s32 $0x0  }
0x3: {  	s16 =	simm.s32 $0x6;
	s18 =	simm.s32 $0x50;
	s19 =	simm.s32 $0x4E20  }
0x4: {  	s20 =	simm.s32 $0x6220;
	s22 =	simm.s32 $0x7620;
	s28 =	simm.s32 $0x2  }
0x5: {  	s29 =	simm.s32 $0x3;
	s30 =	simm.s32 $0x4;
	s31 =	simm.s32 $0x5  }
0x6: {  	s17 =	simm.s32 $0x0;
	s0 =	sand.u32 $0x1, s0;
	s7 =	smul.u32 $0x9C40, s14  }
0x7: {  	s1 =	sshll.u32 s14, $0x1;
	[smem:$0x7FF] =	sst s3;
	s24 =	smul.u32 $0x27100, s14  }
0x8: {  	s4 =	sadd.s32 $0x17C00, s6;
	s1 =	sor.u32 s0, s1;
	s5 =	smul.u32 $0x9C400, s0  }
0x9: {  	_ =	strace $0x8000004A;
	s9 =	ssub.s32 $0x2, s0;
	p0 =	seq.s32 s0, $0x1  }
0xa: {  	s1 =	smul.u32 $0x4E2, s1;
	s23 =	sshrl.u32 s9, $0x1;
	s25 =	sshrl.u32 s7, $0x3  }
0xb: {  	s26 =	sshrl.u32 s24, $0x2;
	s24 =	simm.s32 $0x8A20;
	s8 =	sadd.s32 s7, s5  }
0xc: {  	s5 =	sadd.s32 $0x2B600, s6;
	s11 =	ssub.s32 s9, s23;
	s0 =	sadd.s32 s26, s2  }
0xd: {  	s26 =	simm.s32 $0x9E20;
	s1 =	sadd.s32 s1, s6;
	s8 =	sshrl.u32 s8, $0x3  }
0xe: {  	s11 =	smax.u32 s11, $0x1;
	s13 =	sshrl.u32 @p0 s0, $0x3;
	s0 =	sshll.u32 @!p0 s14, $0x6  }
0xf: {  	s10 =	sadd.s32 s8, s6;
	s6 =	sadd.s32 s7, s2;
	s7 =	sadd.s32 s4, s25  }
0x10: {  	s8 =	sadd.s32 $0x4000, s1;
	s9 =	sadd.s32 $0xDE00, s1;
	s1 =	sshll.u32 @p0 s14, $0x6  }
0x11: {  	s14 =	sor.u32 @!p0 $0x1C06, s0;
	s25 =	simm.s32 $0x1;
	s10 =	sadd.s32 $0x2CA00, s10  }
0x12: {  	s12 =	sor.u32 @p0 $0x1C06, s1;
	s15 =	sshrl.u32 @!p0 s6, $0x3;
	s1 =	simm.s32 $0x4DD0  }
.LBB2_1:
0x13: {  	[spmem:s13], [sflag:s12] =	dma.local @p0 [hbm:s5], $0x1388  }
0x14: {  	[spmem:s15], [sflag:s14] =	dma.local @!p0 [hbm:s7], $0x1388  }
0x15: {  	_ =	swait.ge [sflag:s16], $0x1388  }
0x16: {  	[sflag:s16] =	ssyncset.done $0x0  }
0x17: {  	[sflag:s16] =	ssyncadd.s32 $0xFFFFEC78  }
0x18: {  	[tilespmem:s3], [sflag:$0x6] =	stream.linear.gather [hbm4b:s8+s3], $0x2710, $0x38;
	[tilespmem:$0x14E60] =	vst v63  }
0x19: {  	_ =	swait.ge [sflag:s16], $0x2710  }
0x1a: {  	[sflag:s16] =	ssyncset.done $0x0  }
0x1b: {  	s0 =	simm.s32 $0x2710;
	[sflag:s16] =	ssyncadd.s32 $0xFFFFD8F0  }
0x1c: {  	[tilespmem:s0], [sflag:$0x6] =	stream.linear.gather [hbm4b:s9+s3], $0x2710, $0x38;
	[tilespmem:$0x14E60] =	vst v63  }
0x1d: {  	_ =	swait.ge [sflag:s16], $0x2710  }
0x1e: {  	[sflag:s16] =	ssyncset.done $0x0  }
0x1f: {  	[sflag:s16] =	ssyncadd.s32 $0xFFFFD8F0  }
0x20: {  	[bflag:$0x0] =	sbarrier.arrive $0xFFFF  }
0x21: {  	[tilespmem:s19], [sflag:$0x1] =	stream.indirect.gather [hbm4b:s4+s18], $0x40, s3, s18, $0xb8;
	[tilespmem:$0x14E60] =	vst v63  }
0x22: {  	_ = 	snop  }
0x23: {  	[tilespmem:s20], [sflag:$0x2] =	stream.indirect.gather [hbm4b:s4+s18], $0x40, s18, s18, $0xb8;
	[tilespmem:$0x14E60] =	vst v63  }
0x24: {  	s21 =	simm.s32 $0xA0  }
0x25: {  	[tilespmem:s22], [sflag:$0x3] =	stream.indirect.gather [hbm4b:s4+s18], $0x40, s21, s18, $0xb8;
	[tilespmem:$0x14E60] =	vst v63  }
0x26: {  	s23 =	simm.s32 $0xF0  }
0x27: {  	[tilespmem:s24], [sflag:$0x4] =	stream.indirect.gather [hbm4b:s4+s18], $0x40, s23, s18, $0xb8;
	[tilespmem:$0x14E60] =	vst v63  }
0x28: {  	_ =	swait.ge [sflag:s25], $0x1400  }
0x29: {  	[sflag:s25] =	ssyncset.done $0x0  }
0x2a: {  	s21 =	simm.s32 $0x140;
	[sflag:s25] =	ssyncadd.s32 $0xFFFFEC00  }
0x2b: {  	[tilespmem:s26], [sflag:$0x5] =	stream.indirect.gather [hbm4b:s4+s18], $0x40, s21, s18, $0xb8;
	[tilespmem:$0x14E60] =	vst v63  }
0x2c: {  	s23 =	simm.s32 $0x2710  }
0x2d: {  	[spmem:s2] =	stream.indirect.scatter.add.f32 [tilespmem:s19], [sflag:$0x6], $0x40, s23, s18, $0xb8;
	[tilespmem:$0x14E60] =	vst v63  }
0x2e: {  	_ =	swait.ge [sflag:s16], $0x1400  }
0x2f: {  	[sflag:s16] =	ssyncset.done $0x0  }
0x30: {  	[sflag:s16] =	ssyncadd.s32 $0xFFFFEC00  }
0x31: {  	_ =	swait.ge [sflag:s28], $0x1400  }
0x32: {  	[sflag:s28] =	ssyncset.done $0x0  }
0x33: {  	s21 =	simm.s32 $0x190;
	[sflag:s28] =	ssyncadd.s32 $0xFFFFEC00  }
0x34: {  	[tilespmem:s19], [sflag:$0x1] =	stream.indirect.gather [hbm4b:s4+s18], $0x40, s21, s18, $0xb8;
	[tilespmem:$0x14E60] =	vst v63  }
0x35: {  	s23 =	simm.s32 $0x2760  }
0x36: {  	[spmem:s2] =	stream.indirect.scatter.add.f32 [tilespmem:s20], [sflag:$0x6], $0x40, s23, s18, $0xb8;
	[tilespmem:$0x14E60] =	vst v63  }
0x37: {  	_ =	swait.ge [sflag:s16], $0x1400  }
0x38: {  	[sflag:s16] =	ssyncset.done $0x0  }
0x39: {  	[sflag:s16] =	ssyncadd.s32 $0xFFFFEC00  }
0x3a: {  	_ =	swait.ge [sflag:s29], $0x1400  }
0x3b: {  	[sflag:s29] =	ssyncset.done $0x0  }
0x3c: {  	s21 =	simm.s32 $0x1E0;
	[sflag:s29] =	ssyncadd.s32 $0xFFFFEC00  }
0x3d: {  	[tilespmem:s20], [sflag:$0x2] =	stream.indirect.gather [hbm4b:s4+s18], $0x40, s21, s18, $0xb8;
	[tilespmem:$0x14E60] =	vst v63  }
0x3e: {  	s23 =	simm.s32 $0x27B0  }
0x3f: {  	[spmem:s2] =	stream.indirect.scatter.add.f32 [tilespmem:s22], [sflag:$0x6], $0x40, s23, s18, $0xb8;
	[tilespmem:$0x14E60] =	vst v63  }
0x40: {  	_ =	swait.ge [sflag:s16], $0x1400  }
0x41: {  	[sflag:s16] =	ssyncset.done $0x0  }
0x42: {  	[sflag:s16] =	ssyncadd.s32 $0xFFFFEC00  }
0x43: {  	_ =	swait.ge [sflag:s30], $0x1400  }
0x44: {  	[sflag:s30] =	ssyncset.done $0x0  }
0x45: {  	s21 =	simm.s32 $0x230;
	[sflag:s30] =	ssyncadd.s32 $0xFFFFEC00  }
0x46: {  	[tilespmem:s22], [sflag:$0x3] =	stream.indirect.gather [hbm4b:s4+s18], $0x40, s21, s18, $0xb8;
	[tilespmem:$0x14E60] =	vst v63  }
0x47: {  	s23 =	simm.s32 $0x2800  }
0x48: {  	[spmem:s2] =	stream.indirect.scatter.add.f32 [tilespmem:s24], [sflag:$0x6], $0x40, s23, s18, $0xb8;
	[tilespmem:$0x14E60] =	vst v63  }
0x49: {  	_ =	swait.ge [sflag:s16], $0x1400  }
0x4a: {  	[sflag:s16] =	ssyncset.done $0x0  }
0x4b: {  	[sflag:s16] =	ssyncadd.s32 $0xFFFFEC00  }
0x4c: {  	_ =	swait.ge [sflag:s31], $0x1400  }
0x4d: {  	[sflag:s31] =	ssyncset.done $0x0  }
0x4e: {  	s21 =	simm.s32 $0x280;
	[sflag:s31] =	ssyncadd.s32 $0xFFFFEC00  }
0x4f: {  	[tilespmem:s24], [sflag:$0x4] =	stream.indirect.gather [hbm4b:s4+s18], $0x40, s21, s18, $0xb8;
	[tilespmem:$0x14E60] =	vst v63  }
0x50: {  	s23 =	simm.s32 $0x2850  }
0x51: {  	[spmem:s2] =	stream.indirect.scatter.add.f32 [tilespmem:s26], [sflag:$0x6], $0x40, s23, s18, $0xb8;
	[tilespmem:$0x14E60] =	vst v63  }
0x52: {  	_ =	swait.ge [sflag:s16], $0x1400  }
0x53: {  	s0 =	simm.s32 $0x640;
	[sflag:s16] =	ssyncset.done $0x0  }
.LBB2_2:
0x54: {  	p1 =	sne.s32 s0, $0x8FC0  }
0x55: {  	[sflag:s16] =	ssyncadd.s32 $0xFFFFEC00;
	s21 =	smov.u32 s0;
	s0 =	sadd.s32 $0x640, s0  }
0x56: {  	_ = 	snop  }
0x57: {  	_ =	swait.ge [sflag:s25], $0x1400  }
0x58: {  	s21 =	sshra.s32 s21, $0x2;
	[sflag:s25] =	ssyncset.done $0x0  }
0x59: {  	s23 =	sadd.s32 $0x140, s21;
	[sflag:s25] =	ssyncadd.s32 $0xFFFFEC00  }
0x5a: {  	[tilespmem:s26], [sflag:$0x5] =	stream.indirect.gather [hbm4b:s4+s18], $0x40, s23, s18, $0xb8;
	[tilespmem:$0x14E60] =	vst v63  }
0x5b: {  	s23 =	sadd.s32 $0x2710, s21  }
0x5c: {  	[spmem:s2] =	stream.indirect.scatter.add.f32 [tilespmem:s19], [sflag:$0x6], $0x40, s23, s18, $0xb8;
	[tilespmem:$0x14E60] =	vst v63  }
0x5d: {  	_ =	swait.ge [sflag:s16], $0x1400  }
0x5e: {  	[sflag:s16] =	ssyncset.done $0x0  }
0x5f: {  	[sflag:s16] =	ssyncadd.s32 $0xFFFFEC00  }
0x60: {  	_ =	swait.ge [sflag:s28], $0x1400  }
0x61: {  	[sflag:s28] =	ssyncset.done $0x0  }
0x62: {  	s23 =	sadd.s32 $0x190, s21;
	[sflag:s28] =	ssyncadd.s32 $0xFFFFEC00  }
0x63: {  	[tilespmem:s19], [sflag:$0x1] =	stream.indirect.gather [hbm4b:s4+s18], $0x40, s23, s18, $0xb8;
	[tilespmem:$0x14E60] =	vst v63  }
0x64: {  	s23 =	sadd.s32 $0x2760, s21  }
0x65: {  	[spmem:s2] =	stream.indirect.scatter.add.f32 [tilespmem:s20], [sflag:$0x6], $0x40, s23, s18, $0xb8;
	[tilespmem:$0x14E60] =	vst v63  }
0x66: {  	_ =	swait.ge [sflag:s16], $0x1400  }
0x67: {  	[sflag:s16] =	ssyncset.done $0x0  }
0x68: {  	[sflag:s16] =	ssyncadd.s32 $0xFFFFEC00  }
0x69: {  	_ =	swait.ge [sflag:s29], $0x1400  }
0x6a: {  	[sflag:s29] =	ssyncset.done $0x0  }
0x6b: {  	s23 =	sadd.s32 $0x1E0, s21;
	[sflag:s29] =	ssyncadd.s32 $0xFFFFEC00  }
0x6c: {  	[tilespmem:s20], [sflag:$0x2] =	stream.indirect.gather [hbm4b:s4+s18], $0x40, s23, s18, $0xb8;
	[tilespmem:$0x14E60] =	vst v63  }
0x6d: {  	s23 =	sadd.s32 $0x27B0, s21  }
0x6e: {  	[spmem:s2] =	stream.indirect.scatter.add.f32 [tilespmem:s22], [sflag:$0x6], $0x40, s23, s18, $0xb8;
	[tilespmem:$0x14E60] =	vst v63  }
0x6f: {  	_ =	swait.ge [sflag:s16], $0x1400  }
0x70: {  	[sflag:s16] =	ssyncset.done $0x0  }
0x71: {  	[sflag:s16] =	ssyncadd.s32 $0xFFFFEC00  }
0x72: {  	_ =	swait.ge [sflag:s30], $0x1400  }
0x73: {  	[sflag:s30] =	ssyncset.done $0x0  }
0x74: {  	s23 =	sadd.s32 $0x230, s21;
	[sflag:s30] =	ssyncadd.s32 $0xFFFFEC00  }
0x75: {  	[tilespmem:s22], [sflag:$0x3] =	stream.indirect.gather [hbm4b:s4+s18], $0x40, s23, s18, $0xb8;
	[tilespmem:$0x14E60] =	vst v63  }
0x76: {  	s23 =	sadd.s32 $0x2800, s21  }
0x77: {  	[spmem:s2] =	stream.indirect.scatter.add.f32 [tilespmem:s24], [sflag:$0x6], $0x40, s23, s18, $0xb8;
	[tilespmem:$0x14E60] =	vst v63  }
0x78: {  	_ =	swait.ge [sflag:s16], $0x1400  }
0x79: {  	[sflag:s16] =	ssyncset.done $0x0  }
0x7a: {  	[sflag:s16] =	ssyncadd.s32 $0xFFFFEC00  }
0x7b: {  	_ =	swait.ge [sflag:s31], $0x1400  }
0x7c: {  	[sflag:s31] =	ssyncset.done $0x0  }
0x7d: {  	s23 =	sadd.s32 $0x280, s21;
	[sflag:s31] =	ssyncadd.s32 $0xFFFFEC00  }
0x7e: {  	[tilespmem:s24], [sflag:$0x4] =	stream.indirect.gather [hbm4b:s4+s18], $0x40, s23, s18, $0xb8;
	[tilespmem:$0x14E60] =	vst v63  }
.Ltmp0:
0x7f: {  	_ = 	snop;
	(pc) =	sbr.rel @p1 .LBB2_2-.Ltmp0, $4  }
0x80: {  	s21 =	sadd.s32 $0x2850, s21  }
0x81: {  	[spmem:s2] =	stream.indirect.scatter.add.f32 [tilespmem:s26], [sflag:$0x6], $0x40, s21, s18, $0xb8;
	[tilespmem:$0x14E60] =	vst v63  }
0x82: {  	_ =	swait.ge [sflag:s16], $0x1400  }
0x83: {  	[sflag:s16] =	ssyncset.done $0x0  }
0x84: {  	[sflag:s16] =	ssyncadd.s32 $0xFFFFEC00  }
0x85: {  	_ =	swait.ge [sflag:s25], $0x1400  }
0x86: {  	[sflag:s25] =	ssyncset.done $0x0  }
0x87: {  	s0 =	simm.s32 $0x26C0;
	[sflag:s25] =	ssyncadd.s32 $0xFFFFEC00  }
0x88: {  	[tilespmem:s26], [sflag:$0x5] =	stream.indirect.gather [hbm4b:s4+s18], $0x40, s0, s18, $0xb8;
	[tilespmem:$0x14E60] =	vst v63  }
0x89: {  	s23 =	simm.s32 $0x4C90  }
0x8a: {  	[spmem:s2] =	stream.indirect.scatter.add.f32 [tilespmem:s19], [sflag:$0x6], $0x40, s23, s18, $0xb8;
	[tilespmem:$0x14E60] =	vst v63  }
0x8b: {  	_ =	swait.ge [sflag:s16], $0x1400  }
0x8c: {  	[sflag:s16] =	ssyncset.done $0x0  }
0x8d: {  	[sflag:s16] =	ssyncadd.s32 $0xFFFFEC00  }
0x8e: {  	_ =	swait.ge [sflag:s28], $0x1400  }
0x8f: {  	[sflag:s28] =	ssyncset.done $0x0  }
0x90: {  	s21 =	simm.s32 $0x4CE0;
	[sflag:s28] =	ssyncadd.s32 $0xFFFFEC00  }
0x91: {  	[spmem:s2] =	stream.indirect.scatter.add.f32 [tilespmem:s20], [sflag:$0x6], $0x40, s21, s18, $0xb8;
	[tilespmem:$0x14E60] =	vst v63  }
0x92: {  	_ =	swait.ge [sflag:s16], $0x1400  }
0x93: {  	[sflag:s16] =	ssyncset.done $0x0  }
0x94: {  	[sflag:s16] =	ssyncadd.s32 $0xFFFFEC00  }
0x95: {  	_ =	swait.ge [sflag:s29], $0x1400  }
0x96: {  	[sflag:s29] =	ssyncset.done $0x0  }
0x97: {  	s23 =	simm.s32 $0x4D30;
	[sflag:s29] =	ssyncadd.s32 $0xFFFFEC00  }
0x98: {  	[spmem:s2] =	stream.indirect.scatter.add.f32 [tilespmem:s22], [sflag:$0x6], $0x40, s23, s18, $0xb8;
	[tilespmem:$0x14E60] =	vst v63  }
0x99: {  	_ =	swait.ge [sflag:s16], $0x1400  }
0x9a: {  	[sflag:s16] =	ssyncset.done $0x0  }
0x9b: {  	[sflag:s16] =	ssyncadd.s32 $0xFFFFEC00  }
0x9c: {  	_ =	swait.ge [sflag:s30], $0x1400  }
0x9d: {  	[sflag:s30] =	ssyncset.done $0x0  }
0x9e: {  	s21 =	simm.s32 $0x4D80;
	[sflag:s30] =	ssyncadd.s32 $0xFFFFEC00  }
0x9f: {  	[spmem:s2] =	stream.indirect.scatter.add.f32 [tilespmem:s24], [sflag:$0x6], $0x40, s21, s18, $0xb8;
	[tilespmem:$0x14E60] =	vst v63  }
0xa0: {  	_ =	swait.ge [sflag:s16], $0x1400  }
0xa1: {  	[sflag:s16] =	ssyncset.done $0x0  }
0xa2: {  	[sflag:s16] =	ssyncadd.s32 $0xFFFFEC00  }
0xa3: {  	_ =	swait.ge [sflag:s31], $0x1400  }
0xa4: {  	[sflag:s31] =	ssyncset.done $0x0  }
0xa5: {  	[sflag:s31] =	ssyncadd.s32 $0xFFFFEC00  }
0xa6: {  	[spmem:s2] =	stream.indirect.scatter.add.f32 [tilespmem:s26], [sflag:$0x6], $0x40, s1, s18, $0xb8;
	[tilespmem:$0x14E60] =	vst v63  }
0xa7: {  	s23 =	stileid.u32;
	_ =	swait.ge [sflag:s16], $0x1400  }
0xa8: {  	s17 =	sadd.s32 $0x1, s17;
	s0 =	sshll.u32 s23, $0x6;
	[sflag:s16] =	ssyncset.done $0x0  }
0xa9: {  	p1 =	sne.s32 s17, s11;
	s0 =	sor.u32 $0x1C06, s0;
	[sflag:s16] =	ssyncadd.s32 $0xFFFFEC00  }
.Ltmp1:
0xaa: {  	s21 =	sshrl.u32 s6, $0x3;
	[bflag:$0x0] =	sbarrier.arrive $0xFFFF;
	(pc) =	sbr.rel @p1 .LBB2_1-.Ltmp1, $4  }
0xab: {  	[hbm:s10], [sflag:s0] =	dma.local [spmem:s21], $0x1388  }
0xac: {  	_ =	swait.ge [sflag:s16], $0x1388  }
0xad: {  	[sflag:s16] =	ssyncset.done $0x0  }
0xae: {  	[sflag:s16] =	ssyncadd.s32 $0xFFFFEC78  }
0xaf: {  	_ =	sfence.sel $0x180000  }
0xb0: {  	[bflag:$0x0] =	sbarrier.arrive $0xFFFF  }
0xb1: {  	_ =	strace $0x9000004A  }
0xb2: {  	s0 =	stileid.u32;
	[bflag:$0x2] =	sbarrier.arrive $0xFFFF  }
0xb3: {  	p0 =	sne.s32 s0, $0x0;
	s0 =	rddreg [dreg:$0x2]  }
0xb4: {  	s0 =	sadd.s32 @!p0 $0x100000, s0  }
0xb5: {  	[sflag:s0] =	ssyncadd.tile.s32 @!p0 $0x1;
	_ =	shalt  }
.Lfunc_end2:
_tile_overlayer_lowered:
.L_overlay_start_2:
0xb6: {  	(tag) =	ssettag $0x2  }
0xb7: {  	s0 =	rddreg [dreg:$0x0];
	s2 =	stileid.u32  }
0xb8: {  	s1 =	rddreg [dreg:$0x1];
	p0 =	sne.s32 s2, $0x0  }
0xb9: {  	s3 =	rddreg [dreg:$0x2];
	[bflag:$0x3] =	sbarrier.arrive $0xFFFF;
	s2 =	simm.s32 @!p0 $0x1C06  }
0xba: {  	[timem:s3], [sflag:s2] =	dma.local @!p0 [hbm:s0], s1  }
0xbb: {  	s0 =	simm.s32 @!p0 $0x6  }
0xbc: {  	_ =	swait.ge @!p0 [sflag:s0], s1  }
0xbd: {  	s1 =	ssub.s32 @!p0 $0x0, s1;
	[sflag:s0] =	ssyncset.done @!p0 $0x0  }
0xbe: {  	[sflag:s0] =	ssyncadd.s32 @!p0 s1  }
0xbf: {  	[bflag:$0x3] =	sbarrier.arrive $0xFFFF  }
0xc0: {  	_ =	shalt  }

// kernel: kernel.14.cloned.1.call-start
scs
__scs_entry_jumppad:
0x0: {  	(pc) =	sbr.rel $0x88, $3  }
0x1: {  	(tag) =	ssettag $0x0;
	lr =	simm.s32 $0x1  }
0x2: {  	[smem:$0x3F88] =	sst lr;
	_ =	strace $0xD0000000  }
0x3: {  	_ = 	snop  }
0x4: {  	_ = 	snop  }
0x5: {  	_ = 	snop  }
0x6: {  	_ = 	snop  }
0x7: {  	_ = 	snop  }
__scs_overlays_trampoline_lowered:
0x8: {  	[smem:$0x3F97] =	sst s0  }
0x9: {  	[smem:$0x3F98] =	sst s1  }
0xa: {  	[smem:$0x3F99] =	sst s2  }
0xb: {  	[smem:$0x3F9A] =	sst s3  }
0xc: {  	[smem:$0x3F9B] =	sst s4  }
0xd: {  	[smem:$0x3F9C] =	sst s5  }
0xe: {  	[smem:$0x3F9D] =	sst s6  }
0xf: {  	[smem:$0x3F9E] =	sst s7  }
0x10: {  	[smem:$0x3F9F] =	sst s8  }
0x11: {  	[smem:$0x3FA0] =	sst s9;
	s0 =	simm.s32 @!p0 $0x0  }
0x12: {  	s1 =	sld [smem:$0x3F86];
	s0 =	simm.s32 @p0 $0x1  }
0x13: {  	[smem:$0x3FA1] =	sst s0;
	s0 =	simm.s32 @!p1 $0x0  }
0x14: {  	s2 =	sld [smem:$0x3F85];
	s0 =	simm.s32 @p1 $0x1  }
0x15: {  	[smem:$0x3FA2] =	sst s0;
	s0 =	simm.s32 @!p2 $0x0  }
0x16: {  	s3 =	sld [smem:$0x3FDB];
	s0 =	simm.s32 @p2 $0x1  }
0x17: {  	s4 =	simm.s32 $0x1BF5;
	[smem:$0x3FA4] =	sst s0  }
0x18: {  	s0 =	sld [smem:$0x3F87];
	_ =	swait.ge [sflag:s4], $0x0  }
0x19: {  	s7 =	sld [smem:$0x3F88]  }
0x1a: {  	s8 =	sadd.s32 $0xFFFFE003, lr  }
0x1b: {  	s9 =	sadd.s32 $0xFFFFFEF7, lr;
	s5 =	simm.s32 $0xFFFFFFFF;
	p2 =	slt.u32 s8, $0xFFFFF086  }
0x1c: {  	p1 =	slt.u32 s9, $0xF7A;
	s5 =	simm.s32 @!p2 $0x0  }
0x1d: {  	s5 =	simm.s32 @p1 $0x1;
	p0 =	seq.s32 s7, s2  }
0x1e: {  	s7 =	smul.u32 @!p0 $0xF7A, s2;
	p2 =	seq.s32 @!p0 s5, $0x0  }
0x1f: {  	s9 =	smul.u32 $0xF7A, s1;
	s8 =	simm.s32 @!p0 $0x1BF5;
	p2 =	por !p2, p0  }
0x20: {  	[sflag:s8] =	ssyncset.s32 @!p0 $0xFFFFF086;
	s6 =	sadd.s32 @!p0 s3, s7;
	s7 =	simm.s32 @!p0 $0x108  }
0x21: {  	s3 =	sadd.s32 s3, s9;
	s6 =	sadd.s32 @!p0 $0x88, s6;
	s7 =	simm.s32 @p2 $0x1082  }
0x22: {  	[simem:s7], [sflag:s8] =	dma.local @!p0 [hbm:s6], $0xF7A  }
0x23: {  	s9 =	sor.u32 $0xD0000000, s2;
	s6 =	simm.s32 $0x108;
	_ =	swait.ge @!p0 [sflag:s8], $0x0  }
0x24: {  	s3 =	sadd.s32 $0x88, s3;
	s6 =	simm.s32 @!p1 $0x1082;
	[sflag:s4] =	ssyncset.s32 $0xFFFFF086  }
0x25: {  	[simem:s6], [sflag:s4] =	dma.local [hbm:s3], $0xF7A  }
0x26: {  	[smem:$0x3F88] =	sst s1;
	(tag) =	ssettag s2;
	_ =	strace s9  }
0x27: {  	s1 =	sld [smem:$0x3F98]  }
0x28: {  	s2 =	sld [smem:$0x3F99]  }
0x29: {  	s4 =	sld [smem:$0x3F9B]  }
0x2a: {  	p0 =	seq.s32 s5, $0x0;
	s5 =	sld [smem:$0x3F9C]  }
0x2b: {  	s6 =	sld [smem:$0x3F9D]  }
0x2c: {  	s7 =	sld [smem:$0x3F9E]  }
0x2d: {  	s3 =	simm.s32 $0x108;
	s8 =	sld [smem:$0x3F9F]  }
0x2e: {  	s3 =	simm.s32 @!p0 $0x1082;
	s9 =	sld [smem:$0x3FA0]  }
0x2f: {  	lr =	sadd.s32 s0, s3;
	s0 =	sld [smem:$0x3F97]  }
0x30: {  	s3 =	sld [smem:$0x3F9A]  }
0x31: {  	[smem:$0x3FA3] =	sst s10  }
0x32: {  	s10 =	sld [smem:$0x3FA1];
	_ =	sdelay $0x3  }
0x33: {  	p0 =	seq.s32 s10, $0x1;
	s10 =	sld [smem:$0x3FA3];
	_ =	sdelay $0x3  }
0x34: {  	[smem:$0x3FA3] =	sst s10  }
0x35: {  	s10 =	sld [smem:$0x3FA2];
	_ =	sdelay $0x3  }
0x36: {  	p1 =	seq.s32 s10, $0x1;
	s10 =	sld [smem:$0x3FA3];
	_ =	sdelay $0x3  }
0x37: {  	[smem:$0x3FA3] =	sst s10  }
0x38: {  	s10 =	sld [smem:$0x3FA4]  }
0x39: {  	_ = 	snop;
	(pc) =	sbr.ind lr, $3  }
0x3a: {  	_ = 	snop  }
0x3b: {  	_ = 	snop  }
0x3c: {  	p2 =	seq.s32 s10, $0x1;
	s10 =	sld [smem:$0x3FA3]  }
0x3d: {  	_ =	shalt  }
0x3e: {  	_ =	shalt  }
0x3f: {  	_ =	shalt  }
0x40: {  	_ =	shalt  }
0x41: {  	_ =	shalt  }
0x42: {  	_ =	shalt  }
0x43: {  	_ =	shalt  }
0x44: {  	_ =	shalt  }
0x45: {  	_ =	shalt  }
0x46: {  	_ =	shalt  }
0x47: {  	_ =	shalt  }
0x48: {  	_ =	shalt  }
0x49: {  	_ =	shalt  }
0x4a: {  	_ =	shalt  }
0x4b: {  	_ =	shalt  }
0x4c: {  	_ =	shalt  }
0x4d: {  	_ =	shalt  }
0x4e: {  	_ =	shalt  }
0x4f: {  	_ =	shalt  }
0x50: {  	_ =	shalt  }
0x51: {  	_ =	shalt  }
0x52: {  	_ =	shalt  }
0x53: {  	_ =	shalt  }
0x54: {  	_ =	shalt  }
0x55: {  	_ =	shalt  }
0x56: {  	_ =	shalt  }
0x57: {  	_ =	shalt  }
0x58: {  	_ =	shalt  }
0x59: {  	_ =	shalt  }
0x5a: {  	_ =	shalt  }
0x5b: {  	_ =	shalt  }
0x5c: {  	_ =	shalt  }
0x5d: {  	_ =	shalt  }
0x5e: {  	_ =	shalt  }
0x5f: {  	_ =	shalt  }
0x60: {  	_ =	shalt  }
0x61: {  	_ =	shalt  }
0x62: {  	_ =	shalt  }
0x63: {  	_ =	shalt  }
0x64: {  	_ =	shalt  }
0x65: {  	_ =	shalt  }
0x66: {  	_ =	shalt  }
0x67: {  	_ =	shalt  }
0x68: {  	_ =	shalt  }
0x69: {  	_ =	shalt  }
0x6a: {  	_ =	shalt  }
0x6b: {  	_ =	shalt  }
0x6c: {  	_ =	shalt  }
0x6d: {  	_ =	shalt  }
0x6e: {  	_ =	shalt  }
0x6f: {  	_ =	shalt  }
0x70: {  	_ =	shalt  }
0x71: {  	_ =	shalt  }
0x72: {  	_ =	shalt  }
0x73: {  	_ =	shalt  }
0x74: {  	_ =	shalt  }
0x75: {  	_ =	shalt  }
0x76: {  	_ =	shalt  }
0x77: {  	_ =	shalt  }
0x78: {  	_ =	shalt  }
0x79: {  	_ =	shalt  }
0x7a: {  	_ =	shalt  }
0x7b: {  	_ =	shalt  }
0x7c: {  	_ =	shalt  }
0x7d: {  	_ =	shalt  }
0x7e: {  	_ =	shalt  }
0x7f: {  	_ =	shalt  }
0x80: {  	_ =	shalt  }
0x81: {  	_ =	shalt  }
0x82: {  	_ =	shalt  }
0x83: {  	_ =	shalt  }
0x84: {  	_ =	shalt  }
0x85: {  	_ =	shalt  }
0x86: {  	_ =	shalt  }
0x87: {  	_ =	shalt  }
.Lfunc_end0:
.L_simem_size_0:
called_computation.2_lowered:
.L_overlay_start_0:
0x88: {  	s2 =	sld [smem:$0x3FD9]  }
0x89: {  	s3 =	sld [smem:$0x3FFE];
	_ =	sdelay $0x1  }
0x8a: {  	s1 =	srdreg.scid  }
0x8b: {  	s0 =	sand.u32 $0x1, s1  }
0x8c: {  	s16 =	sshll.u32 s0, $0xA;
	s2 =	sadd.s32 s3, s2  }
0x8d: {  	s2 =	sadd.s32 s2, s16  }
0x8e: {  	[smem:$0x3FAF] =	sst s2  }
0x8f: {  	_ = 	snop  }
0x90: {  	(tm) =	ssettm $0x1  }
0x91: {  	s17 =	sld [smem:$0x3FFB];
	_ =	sdelay $0x3  }
0x92: {  	_ =	strace s17  }
0x93: {  	s2 =	sld [smem:$0x3FFC];
	_ =	sdelay $0x3  }
0x94: {  	_ =	strace s2  }
0x95: {  	s2 =	sld [smem:$0x3FFD];
	_ =	sdelay $0x3  }
0x96: {  	_ =	strace s2  }
0x97: {  	_ =	strace $0x8FFFFFFF  }
0x98: {  	s18 =	sld [smem:$0x3FDB];
	_ =	sdelay $0x1  }
0x99: {  	s19 =	simm.s32 $_scs_section_size  }
0x9a: {  	s4 =	simm.s32 $_size__tile_overlayer_lowered;
	s5 =	simm.s32 $_tile_overlayer_lowered  }
0x9b: {  	s22 =	simm.s32 $0x1BFF;
	s21 =	sshll.u32 s5, $0x1;
	s2 =	sadd.s32 s19, s18  }
0x9c: {  	s6 =	simm.s32 $0x0;
	s20 =	sshll.u32 s4, $0x1;
	s4 =	sadd.s32 s21, s2  }
0x9d: {  	[timem:s6], [sflag:s22] =	dma.local [hbm:s4], s20  }
0x9e: {  	_ =	swait.ge [sflag:s22], s20  }
0x9f: {  	s3 =	ssub.s32 $0x0, s20;
	[sflag:s22] =	ssyncset.done $0x0  }
0xa0: {  	[sflag:s22] =	ssyncadd.s32 s3;
	_ =	sdelay $0x1  }
0xa1: {  	s23 =	simm.s32 $0x1B8B  }
0xa2: {  	_ =	swait.ge [sflag:s23], $0x1  }
0xa3: {  	[sflag:s23] =	ssyncset.done $0x0  }
0xa4: {  	s25 =	simm.s32 $0x1B8E;
	s24 =	sld [smem:$0x3FFE];
	[sflag:s23] =	ssyncadd.s32 $0xFFFFFFFF  }
0xa5: {  	s26 =	simm.s32 $execute0_lowered;
	[smem:$0x3FD2] =	sst s25  }
0xa6: {  	s4 =	sshll.u32 s26, $0x1;
	_ =	strace $0x8000004C;
	[dreg:$0x1] =	wrdreg $0xFFFFFFFF  }
0xa7: {  	s28 =	simm.s32 $_size_execute0_lowered;
	s2 =	sadd.s32 s2, s4;
	[dreg:$0x0] =	wrdreg $0x0  }
0xa8: {  	s4 =	sshll.u32 s28, $0x1;
	[dreg:$0x2] =	wrdreg s2  }
0xa9: {  	[dreg:$0x3] =	wrdreg s4  }
0xaa: {  	[dreg:$0x4] =	wrdreg $0xC0  }
0xab: {  	_ =	task [dreg:s6], $0x5FFFF  }
0xac: {  	[dreg:$0x1] =	wrdreg $0xFFFFFFFF  }
0xad: {  	[dreg:$0x0] =	wrdreg $0x60  }
0xae: {  	[dreg:$0x2] =	wrdreg s24  }
0xaf: {  	[dreg:$0x3] =	wrdreg $0x148200  }
0xb0: {  	[dreg:$0x4] =	wrdreg $0x9  }
0xb1: {  	_ =	task.clear_ibuf [dreg:s6], $0x5FFFF;
	_ =	strace $0x9000004C  }
0xb2: {  	s29 =	simm.s32 $0x9;
	_ =	strace $0x8000004E  }
0xb3: {  	_ =	swait.ge [sflag:s29], $0x1  }
0xb4: {  	[sflag:s29] =	ssyncadd.s32 $0xFFFFFFFF  }
0xb5: {  	_ =	strace $0x9000004E  }
0xb6: {  	_ =	sfence  }
0xb7: {  	s30 =	sld [smem:$0x0];
	_ =	sdelay $0x2  }
0xb8: {  	s31 =	sshll.u32 s1, $0xD;
	s1 =	sshrl.u32 s1, $0x2  }
0xb9: {  	s3 =	sand.u32 $0x4000, s31;
	s1 =	sadd.s32 s1, s30  }
0xba: {  	s0 =	sor.u32 s3, s0;
	s1 =	sshll.u32 s1, $0x11  }
0xbb: {  	s0 =	sor.u32 s1, s0  }
0xbc: {  	s0 =	sadd.s32 $0x8F2B, s0  }
0xbd: {  	[sflag:s0] =	ssyncadd.remote.s32 $0x1  }
0xbe: {  	_ =	sfence.sel $0xFFFF  }
0xbf: {  	[dreg:$0x0] =	wrdreg $0xFFFFFFFF;
	(pc) =	sbr.abs _section_cstart, $3  }
0xc0: {  	[dreg:$0x1] =	wrdreg $0xFFFFFFFF  }
0xc1: {  	_ =	task.clear_ibuf [dreg:s6], $0x2FFFF;
	_ =	strace $0x9FFFFFFF  }
0xc2: {  	(tm) =	ssettm $0x7FFFFFFF  }
0xc3: {  	_ =	shalt  }
tec
execute0_lowered:
.L_overlay_start_1:
0x0: {  	(tag) =	ssettag $0x1  }
0x1: {  	s0 =	srdreg.scid;
	s3 =	rddreg [dreg:$0x0]  }
0x2: {  	s9 =	stileid.u32;
	s2 =	rddreg [dreg:$0x1];
	s4 =	simm.s32 $0x0  }
0x3: {  	s16 =	simm.s32 $0x1A;
	s10 =	simm.s32 $0x6220;
	s14 =	simm.s32 $0x7620  }
0x4: {  	s11 =	simm.s32 $0x8A20;
	s12 =	simm.s32 $0x9E20;
	s13 =	simm.s32 $0xB220  }
0x5: {  	s15 =	simm.s32 $0xC620;
	s17 =	simm.s32 $0xDA20;
	s18 =	simm.s32 $0xEE20  }
0x6: {  	s19 =	simm.s32 $0x4;
	s28 =	simm.s32 $0x6;
	s29 =	simm.s32 $0xA  }
0x7: {  	s30 =	simm.s32 $0xC;
	s31 =	simm.s32 $0xE;
	s0 =	sand.u32 $0x1, s0  }
0x8: {  	s1 =	sshll.u32 s9, $0x1;
	s5 =	smul.u32 $0x4E20, s9;
	[smem:$0x7FF] =	sst s4  }
0x9: {  	s4 =	sadd.s32 $0x17C00, s3;
	s7 =	sadd.s32 $0x21A00, s3;
	s8 =	smul.u32 $0x13880, s9  }
0xa: {  	s1 =	sor.u32 s0, s1;
	s6 =	smul.u32 $0x4E200, s0;
	_ =	strace $0x8000004D  }
0xb: {  	[dreg:$0x1e] =	wrdreg s7;
	s20 =	ssub.s32 $0x2, s0;
	p0 =	seq.s32 s0, $0x1  }
0xc: {  	s1 =	smul.u32 $0x4E2, s1;
	s21 =	sshrl.u32 s20, $0x1;
	s22 =	sshrl.u32 s5, $0x3  }
0xd: {  	s23 =	sshrl.u32 s8, $0x2;
	s8 =	simm.s32 $0x50;
	s6 =	sadd.s32 s5, s6  }
0xe: {  	s5 =	sadd.s32 s5, s2;
	s0 =	sadd.s32 s4, s22;
	s22 =	simm.s32 $0x13E20  }
0xf: {  	s1 =	sadd.s32 s1, s3;
	s6 =	sshrl.u32 s6, $0x3;
	[smem:$0x7F5] =	sst s0  }
0x10: {  	s0 =	sadd.s32 s23, s2;
	[dreg:$0x1f] =	wrdreg s5;
	s23 =	simm.s32 $0x11620  }
0x11: {  	s3 =	sadd.s32 s6, s3;
	s6 =	ssub.s32 s20, s21;
	s24 =	sadd.s32 $0x4000, s1  }
0x12: {  	s1 =	sadd.s32 $0xDE00, s1;
	s0 =	sshrl.u32 @p0 s0, $0x3;
	[smem:$0x7F6] =	sst s24  }
0x13: {  	s20 =	simm.s32 $0x10220;
	s21 =	simm.s32 $0x1;
	[smem:$0x7F7] =	sst s1  }
0x14: {  	s25 =	sadd.s32 $0x22400, s3;
	s26 =	smax.u32 s6, $0x1;
	[smem:$0x7FB] =	sst s0  }
0x15: {  	s1 =	sshll.u32 @p0 s9, $0x6;
	s0 =	sshll.u32 @!p0 s9, $0x6;
	[smem:$0x7F8] =	sst s25  }
0x16: {  	s9 =	simm.s32 $0x4E20;
	[smem:$0x7F9] =	sst s26;
	s1 =	sor.u32 @p0 $0x1C1A, s1  }
0x17: {  	s24 =	simm.s32 $0x12A20;
	s0 =	sor.u32 @!p0 $0x1C1A, s0;
	[smem:$0x7FA] =	sst s1  }
0x18: {  	s25 =	simm.s32 $0x2;
	[smem:$0x7FC] =	sst s0;
	s0 =	sshrl.u32 @!p0 s5, $0x3  }
0x19: {  	s26 =	simm.s32 $0x8;
	s1 =	simm.s32 $0x0;
	[smem:$0x7FD] =	sst s0  }
.LBB2_1:
0x1a: {  	[smem:$0x7F4] =	sst s1  }
0x1b: {  	s1 =	sld [smem:$0x7FA]  }
0x1c: {  	s3 =	sld [smem:$0x7FB];
	_ =	sdelay $0x1  }
0x1d: {  	s0 =	rddreg [dreg:$0x1e]  }
0x1e: {  	[spmem:s3], [sflag:s1] =	dma.local @p0 [hbm:s0], $0x9C4  }
0x1f: {  	s0 =	sld [smem:$0x7F5]  }
0x20: {  	s1 =	sld [smem:$0x7FC]  }
0x21: {  	s3 =	sld [smem:$0x7FD];
	_ =	sdelay $0x2  }
0x22: {  	[spmem:s3], [sflag:s1] =	dma.local @!p0 [hbm:s0], $0x9C4  }
0x23: {  	_ =	swait.ge [sflag:s16], $0x9C4  }
0x24: {  	s5 =	sld [smem:$0x7F6]  }
0x25: {  	[sflag:s16] =	ssyncset.done $0x0  }
0x26: {  	s0 =	simm.s32 $0x0;
	[sflag:s16] =	ssyncadd.s32 $0xFFFFF63C  }
0x27: {  	[tilespmem:s0], [sflag:$0x1A] =	stream.linear.gather [hbm4b:s5+s0], $0x2710, $0x38;
	[tilespmem:$0x19640] =	vst v63  }
0x28: {  	_ =	swait.ge [sflag:s16], $0x2710  }
0x29: {  	s6 =	sld [smem:$0x7F7]  }
0x2a: {  	[sflag:s16] =	ssyncset.done $0x0  }
0x2b: {  	s7 =	simm.s32 $0x2710;
	[sflag:s16] =	ssyncadd.s32 $0xFFFFD8F0  }
0x2c: {  	[tilespmem:s7], [sflag:$0x1A] =	stream.linear.gather [hbm4b:s6+s0], $0x2710, $0x38;
	[tilespmem:$0x19640] =	vst v63  }
0x2d: {  	_ =	swait.ge [sflag:s16], $0x2710  }
0x2e: {  	[sflag:s16] =	ssyncset.done $0x0  }
0x2f: {  	[sflag:s16] =	ssyncadd.s32 $0xFFFFD8F0  }
0x30: {  	[bflag:$0x0] =	sbarrier.arrive $0xFFFF  }
0x31: {  	[tilespmem:s9], [sflag:$0x1] =	stream.indirect.gather [hbm4b:s4+s8], $0x20, s0, s8, $0xb8;
	[tilespmem:$0x19640] =	vst v63  }
0x32: {  	s1 =	simm.s32 $0x5820  }
0x33: {  	[tilespmem:s1], [sflag:$0x2] =	stream.indirect.gather [hbm4b:s4+s8], $0x20, s8, s8, $0xb8;
	[tilespmem:$0x19640] =	vst v63  }
0x34: {  	s3 =	simm.s32 $0xA0  }
0x35: {  	[tilespmem:s10], [sflag:$0x3] =	stream.indirect.gather [hbm4b:s4+s8], $0x20, s3, s8, $0xb8;
	[tilespmem:$0x19640] =	vst v63  }
0x36: {  	s5 =	simm.s32 $0xF0;
	s6 =	simm.s32 $0x6C20  }
0x37: {  	[tilespmem:s6], [sflag:$0x4] =	stream.indirect.gather [hbm4b:s4+s8], $0x20, s5, s8, $0xb8;
	[tilespmem:$0x19640] =	vst v63  }
0x38: {  	s7 =	simm.s32 $0x140  }
0x39: {  	[tilespmem:s14], [sflag:$0x5] =	stream.indirect.gather [hbm4b:s4+s8], $0x20, s7, s8, $0xb8;
	[tilespmem:$0x19640] =	vst v63  }
0x3a: {  	s1 =	simm.s32 $0x190;
	s3 =	simm.s32 $0x8020  }
0x3b: {  	[tilespmem:s3], [sflag:$0x6] =	stream.indirect.gather [hbm4b:s4+s8], $0x20, s1, s8, $0xb8;
	[tilespmem:$0x19640] =	vst v63  }
0x3c: {  	s5 =	simm.s32 $0x1E0  }
0x3d: {  	[tilespmem:s11], [sflag:$0x7] =	stream.indirect.gather [hbm4b:s4+s8], $0x20, s5, s8, $0xb8;
	[tilespmem:$0x19640] =	vst v63  }
0x3e: {  	s6 =	simm.s32 $0x230;
	s7 =	simm.s32 $0x9420  }
0x3f: {  	[tilespmem:s7], [sflag:$0x8] =	stream.indirect.gather [hbm4b:s4+s8], $0x20, s6, s8, $0xb8;
	[tilespmem:$0x19640] =	vst v63  }
0x40: {  	s3 =	simm.s32 $0x280  }
0x41: {  	[tilespmem:s12], [sflag:$0x9] =	stream.indirect.gather [hbm4b:s4+s8], $0x20, s3, s8, $0xb8;
	[tilespmem:$0x19640] =	vst v63  }
0x42: {  	s5 =	simm.s32 $0x2D0;
	s6 =	simm.s32 $0xA820  }
0x43: {  	[tilespmem:s6], [sflag:$0xA] =	stream.indirect.gather [hbm4b:s4+s8], $0x20, s5, s8, $0xb8;
	[tilespmem:$0x19640] =	vst v63  }
0x44: {  	s7 =	simm.s32 $0x320  }
0x45: {  	[tilespmem:s13], [sflag:$0xB] =	stream.indirect.gather [hbm4b:s4+s8], $0x20, s7, s8, $0xb8;
	[tilespmem:$0x19640] =	vst v63  }
0x46: {  	s1 =	simm.s32 $0x370;
	s3 =	simm.s32 $0xBC20  }
0x47: {  	[tilespmem:s3], [sflag:$0xC] =	stream.indirect.gather [hbm4b:s4+s8], $0x20, s1, s8, $0xb8;
	[tilespmem:$0x19640] =	vst v63  }
0x48: {  	s5 =	simm.s32 $0x3C0  }
0x49: {  	[tilespmem:s15], [sflag:$0xD] =	stream.indirect.gather [hbm4b:s4+s8], $0x20, s5, s8, $0xb8;
	[tilespmem:$0x19640] =	vst v63  }
0x4a: {  	s6 =	simm.s32 $0x410;
	s7 =	simm.s32 $0xD020  }
0x4b: {  	[tilespmem:s7], [sflag:$0xE] =	stream.indirect.gather [hbm4b:s4+s8], $0x20, s6, s8, $0xb8;
	[tilespmem:$0x19640] =	vst v63  }
0x4c: {  	s3 =	simm.s32 $0x460  }
0x4d: {  	[tilespmem:s17], [sflag:$0xF] =	stream.indirect.gather [hbm4b:s4+s8], $0x20, s3, s8, $0xb8;
	[tilespmem:$0x19640] =	vst v63  }
0x4e: {  	s5 =	simm.s32 $0x4B0;
	s6 =	simm.s32 $0xE420  }
0x4f: {  	[tilespmem:s6], [sflag:$0x10] =	stream.indirect.gather [hbm4b:s4+s8], $0x20, s5, s8, $0xb8;
	[tilespmem:$0x19640] =	vst v63  }
0x50: {  	s7 =	simm.s32 $0x500  }
0x51: {  	[tilespmem:s18], [sflag:$0x11] =	stream.indirect.gather [hbm4b:s4+s8], $0x20, s7, s8, $0xb8;
	[tilespmem:$0x19640] =	vst v63  }
0x52: {  	s1 =	simm.s32 $0x550;
	s3 =	simm.s32 $0xF820  }
0x53: {  	[tilespmem:s3], [sflag:$0x12] =	stream.indirect.gather [hbm4b:s4+s8], $0x20, s1, s8, $0xb8;
	[tilespmem:$0x19640] =	vst v63  }
0x54: {  	s5 =	simm.s32 $0x5A0  }
0x55: {  	[tilespmem:s20], [sflag:$0x13] =	stream.indirect.gather [hbm4b:s4+s8], $0x20, s5, s8, $0xb8;
	[tilespmem:$0x19640] =	vst v63  }
0x56: {  	s6 =	simm.s32 $0x5F0;
	s7 =	simm.s32 $0x10C20  }
0x57: {  	[tilespmem:s7], [sflag:$0x14] =	stream.indirect.gather [hbm4b:s4+s8], $0x20, s6, s8, $0xb8;
	[tilespmem:$0x19640] =	vst v63  }
0x58: {  	s3 =	simm.s32 $0x640  }
0x59: {  	[tilespmem:s23], [sflag:$0x15] =	stream.indirect.gather [hbm4b:s4+s8], $0x20, s3, s8, $0xb8;
	[tilespmem:$0x19640] =	vst v63  }
0x5a: {  	s5 =	simm.s32 $0x690;
	s6 =	simm.s32 $0x12020  }
0x5b: {  	[tilespmem:s6], [sflag:$0x16] =	stream.indirect.gather [hbm4b:s4+s8], $0x20, s5, s8, $0xb8;
	[tilespmem:$0x19640] =	vst v63  }
0x5c: {  	s7 =	simm.s32 $0x6E0  }
0x5d: {  	[tilespmem:s24], [sflag:$0x17] =	stream.indirect.gather [hbm4b:s4+s8], $0x20, s7, s8, $0xb8;
	[tilespmem:$0x19640] =	vst v63  }
0x5e: {  	s1 =	simm.s32 $0x730;
	s3 =	simm.s32 $0x13420  }
0x5f: {  	[tilespmem:s3], [sflag:$0x18] =	stream.indirect.gather [hbm4b:s4+s8], $0x20, s1, s8, $0xb8;
	[tilespmem:$0x19640] =	vst v63  }
0x60: {  	_ =	swait.ge [sflag:s21], $0xA00  }
0x61: {  	[sflag:s21] =	ssyncset.done $0x0  }
0x62: {  	s5 =	simm.s32 $0x780;
	[sflag:s21] =	ssyncadd.s32 $0xFFFFF600  }
0x63: {  	[tilespmem:s22], [sflag:$0x19] =	stream.indirect.gather [hbm4b:s4+s8], $0x20, s5, s8, $0xb8;
	[tilespmem:$0x19640] =	vst v63  }
0x64: {  	s6 =	simm.s32 $0x2710  }
0x65: {  	[spmem:s2] =	stream.indirect.scatter.add.f32 [tilespmem:s9], [sflag:$0x1A], $0x20, s6, s8, $0xb8;
	[tilespmem:$0x19640] =	vst v63  }
0x66: {  	_ =	swait.ge [sflag:s16], $0xA00  }
0x67: {  	[sflag:s16] =	ssyncset.done $0x0  }
0x68: {  	[sflag:s16] =	ssyncadd.s32 $0xFFFFF600  }
0x69: {  	p1 =	por $0x0, $0x0;
	_ =	swait.ge [sflag:s25], $0xA00  }
0x6a: {  	s0 =	simm.s32 @p1 $0x2760;
	s1 =	simm.s32 @p1 $0x5820;
	[sflag:s25] =	ssyncset.done $0x0  }
0x6b: {  	s3 =	simm.s32 @p1 $0x1A;
	s6 =	simm.s32 @p1 $0x50;
	[sflag:s25] =	ssyncadd.s32 $0xFFFFF600  }
0x6c: {  	[spmem:s2] =	stream.indirect.scatter.add.f32 @p1 [tilespmem:s1], [sflag:$0x1A], $0x20, s0, s6, $0xb8;
	[tilespmem:$0x19640] =	vst v63  }
0x6d: {  	_ =	swait.ge @p1 [sflag:s3], $0xA00  }
0x6e: {  	[sflag:s3] =	ssyncset.done @p1 $0x0  }
0x6f: {  	s1 =	simm.s32 @p1 $0x3;
	[sflag:s3] =	ssyncadd.s32 @p1 $0xFFFFF600  }
0x70: {  	_ =	swait.ge @p1 [sflag:s1], $0xA00  }
0x71: {  	s7 =	simm.s32 @!p1 $0x4E20;
	[sflag:s1] =	ssyncset.done @p1 $0x0  }
0x72: {  	s5 =	simm.s32 @!p1 $0x7D0;
	s0 =	simm.s32 @!p1 $0x50;
	[sflag:s1] =	ssyncadd.s32 @p1 $0xFFFFF600  }
0x73: {  	[tilespmem:s7], [sflag:$0x1] =	stream.indirect.gather @!p1 [hbm4b:s4+s0], $0x20, s5, s0, $0xb8;
	[tilespmem:$0x19640] =	vst v63  }
0x74: {  	s1 =	simm.s32 @!p1 $0x1A;
	s5 =	simm.s32 @!p1 $0x2760;
	s7 =	simm.s32 @!p1 $0x5820  }
0x75: {  	[spmem:s2] =	stream.indirect.scatter.add.f32 @!p1 [tilespmem:s7], [sflag:$0x1A], $0x20, s5, s0, $0xb8;
	[tilespmem:$0x19640] =	vst v63  }
0x76: {  	_ =	swait.ge @!p1 [sflag:s1], $0xA00  }
0x77: {  	[sflag:s1] =	ssyncset.done @!p1 $0x0  }
0x78: {  	s5 =	simm.s32 @!p1 $0x3;
	[sflag:s1] =	ssyncadd.s32 @!p1 $0xFFFFF600  }
0x79: {  	_ =	swait.ge @!p1 [sflag:s5], $0xA00  }
0x7a: {  	[sflag:s5] =	ssyncset.done @!p1 $0x0  }
0x7b: {  	[sflag:s5] =	ssyncadd.s32 @!p1 $0xFFFFF600;
	s5 =	simm.s32 @!p1 $0x820  }
0x7c: {  	[tilespmem:s7], [sflag:$0x2] =	stream.indirect.gather @!p1 [hbm4b:s4+s0], $0x20, s5, s0, $0xb8;
	[tilespmem:$0x19640] =	vst v63  }
0x7d: {  	s7 =	simm.s32 $0x27B0  }
0x7e: {  	[spmem:s2] =	stream.indirect.scatter.add.f32 [tilespmem:s10], [sflag:$0x1A], $0x20, s7, s8, $0xb8;
	[tilespmem:$0x19640] =	vst v63  }
0x7f: {  	_ =	swait.ge [sflag:s16], $0xA00  }
0x80: {  	[sflag:s16] =	ssyncset.done $0x0  }
0x81: {  	[sflag:s16] =	ssyncadd.s32 $0xFFFFF600  }
0x82: {  	_ =	swait.ge [sflag:s19], $0xA00  }
0x83: {  	[sflag:s19] =	ssyncset.done $0x0  }
0x84: {  	s5 =	simm.s32 @p1 $0x2800;
	s7 =	simm.s32 @p1 $0x6C20;
	[sflag:s19] =	ssyncadd.s32 $0xFFFFF600  }
0x85: {  	[spmem:s2] =	stream.indirect.scatter.add.f32 @p1 [tilespmem:s7], [sflag:$0x1A], $0x20, s5, s6, $0xb8;
	[tilespmem:$0x19640] =	vst v63  }
0x86: {  	_ =	swait.ge @p1 [sflag:s3], $0xA00  }
0x87: {  	[sflag:s3] =	ssyncset.done @p1 $0x0  }
0x88: {  	s5 =	simm.s32 @p1 $0x5;
	[sflag:s3] =	ssyncadd.s32 @p1 $0xFFFFF600  }
0x89: {  	_ =	swait.ge @p1 [sflag:s5], $0xA00  }
0x8a: {  	[sflag:s5] =	ssyncset.done @p1 $0x0  }
0x8b: {  	s7 =	simm.s32 @!p1 $0x870;
	[sflag:s5] =	ssyncadd.s32 @p1 $0xFFFFF600;
	s5 =	simm.s32 @!p1 $0x6220  }
0x8c: {  	[tilespmem:s5], [sflag:$0x3] =	stream.indirect.gather @!p1 [hbm4b:s4+s0], $0x20, s7, s0, $0xb8;
	[tilespmem:$0x19640] =	vst v63  }
0x8d: {  	s5 =	simm.s32 @!p1 $0x2800;
	s7 =	simm.s32 @!p1 $0x6C20  }
0x8e: {  	[spmem:s2] =	stream.indirect.scatter.add.f32 @!p1 [tilespmem:s7], [sflag:$0x1A], $0x20, s5, s0, $0xb8;
	[tilespmem:$0x19640] =	vst v63  }
0x8f: {  	_ =	swait.ge @!p1 [sflag:s1], $0xA00  }
0x90: {  	[sflag:s1] =	ssyncset.done @!p1 $0x0  }
0x91: {  	s5 =	simm.s32 @!p1 $0x5;
	[sflag:s1] =	ssyncadd.s32 @!p1 $0xFFFFF600  }
0x92: {  	_ =	swait.ge @!p1 [sflag:s5], $0xA00  }
0x93: {  	[sflag:s5] =	ssyncset.done @!p1 $0x0  }
0x94: {  	[sflag:s5] =	ssyncadd.s32 @!p1 $0xFFFFF600;
	s5 =	simm.s32 @!p1 $0x8C0  }
0x95: {  	[tilespmem:s7], [sflag:$0x4] =	stream.indirect.gather @!p1 [hbm4b:s4+s0], $0x20, s5, s0, $0xb8;
	[tilespmem:$0x19640] =	vst v63  }
0x96: {  	s19 =	simm.s32 $0x2850  }
0x97: {  	[spmem:s2] =	stream.indirect.scatter.add.f32 [tilespmem:s14], [sflag:$0x1A], $0x20, s19, s8, $0xb8;
	[tilespmem:$0x19640] =	vst v63  }
0x98: {  	_ =	swait.ge [sflag:s16], $0xA00  }
0x99: {  	[sflag:s16] =	ssyncset.done $0x0  }
0x9a: {  	[sflag:s16] =	ssyncadd.s32 $0xFFFFF600  }
0x9b: {  	_ =	swait.ge [sflag:s28], $0xA00  }
0x9c: {  	[sflag:s28] =	ssyncset.done $0x0  }
0x9d: {  	s5 =	simm.s32 @p1 $0x28A0;
	s7 =	simm.s32 @p1 $0x8020;
	[sflag:s28] =	ssyncadd.s32 $0xFFFFF600  }
0x9e: {  	[spmem:s2] =	stream.indirect.scatter.add.f32 @p1 [tilespmem:s7], [sflag:$0x1A], $0x20, s5, s6, $0xb8;
	[tilespmem:$0x19640] =	vst v63  }
0x9f: {  	_ =	swait.ge @p1 [sflag:s3], $0xA00  }
0xa0: {  	[sflag:s3] =	ssyncset.done @p1 $0x0  }
0xa1: {  	s5 =	simm.s32 @p1 $0x7;
	[sflag:s3] =	ssyncadd.s32 @p1 $0xFFFFF600  }
0xa2: {  	_ =	swait.ge @p1 [sflag:s5], $0xA00  }
0xa3: {  	[sflag:s5] =	ssyncset.done @p1 $0x0  }
0xa4: {  	s7 =	simm.s32 @!p1 $0x910;
	[sflag:s5] =	ssyncadd.s32 @p1 $0xFFFFF600;
	s5 =	simm.s32 @!p1 $0x7620  }
0xa5: {  	[tilespmem:s5], [sflag:$0x5] =	stream.indirect.gather @!p1 [hbm4b:s4+s0], $0x20, s7, s0, $0xb8;
	[tilespmem:$0x19640] =	vst v63  }
0xa6: {  	s5 =	simm.s32 @!p1 $0x28A0;
	s7 =	simm.s32 @!p1 $0x8020  }
0xa7: {  	[spmem:s2] =	stream.indirect.scatter.add.f32 @!p1 [tilespmem:s7], [sflag:$0x1A], $0x20, s5, s0, $0xb8;
	[tilespmem:$0x19640] =	vst v63  }
0xa8: {  	_ =	swait.ge @!p1 [sflag:s1], $0xA00  }
0xa9: {  	[sflag:s1] =	ssyncset.done @!p1 $0x0  }
0xaa: {  	s5 =	simm.s32 @!p1 $0x7;
	[sflag:s1] =	ssyncadd.s32 @!p1 $0xFFFFF600  }
0xab: {  	_ =	swait.ge @!p1 [sflag:s5], $0xA00  }
0xac: {  	[sflag:s5] =	ssyncset.done @!p1 $0x0  }
0xad: {  	[sflag:s5] =	ssyncadd.s32 @!p1 $0xFFFFF600;
	s5 =	simm.s32 @!p1 $0x960  }
0xae: {  	[tilespmem:s7], [sflag:$0x6] =	stream.indirect.gather @!p1 [hbm4b:s4+s0], $0x20, s5, s0, $0xb8;
	[tilespmem:$0x19640] =	vst v63  }
0xaf: {  	s7 =	simm.s32 $0x28F0  }
0xb0: {  	[spmem:s2] =	stream.indirect.scatter.add.f32 [tilespmem:s11], [sflag:$0x1A], $0x20, s7, s8, $0xb8;
	[tilespmem:$0x19640] =	vst v63  }
0xb1: {  	_ =	swait.ge [sflag:s16], $0xA00  }
0xb2: {  	[sflag:s16] =	ssyncset.done $0x0  }
0xb3: {  	[sflag:s16] =	ssyncadd.s32 $0xFFFFF600  }
0xb4: {  	_ =	swait.ge [sflag:s26], $0xA00  }
0xb5: {  	[sflag:s26] =	ssyncset.done $0x0  }
0xb6: {  	s5 =	simm.s32 @p1 $0x2940;
	s7 =	simm.s32 @p1 $0x9420;
	[sflag:s26] =	ssyncadd.s32 $0xFFFFF600  }
0xb7: {  	[spmem:s2] =	stream.indirect.scatter.add.f32 @p1 [tilespmem:s7], [sflag:$0x1A], $0x20, s5, s6, $0xb8;
	[tilespmem:$0x19640] =	vst v63  }
0xb8: {  	_ =	swait.ge @p1 [sflag:s3], $0xA00  }
0xb9: {  	[sflag:s3] =	ssyncset.done @p1 $0x0  }
0xba: {  	s5 =	simm.s32 @p1 $0x9;
	[sflag:s3] =	ssyncadd.s32 @p1 $0xFFFFF600  }
0xbb: {  	_ =	swait.ge @p1 [sflag:s5], $0xA00  }
0xbc: {  	[sflag:s5] =	ssyncset.done @p1 $0x0  }
0xbd: {  	s7 =	simm.s32 @!p1 $0x9B0;
	[sflag:s5] =	ssyncadd.s32 @p1 $0xFFFFF600;
	s5 =	simm.s32 @!p1 $0x8A20  }
0xbe: {  	[tilespmem:s5], [sflag:$0x7] =	stream.indirect.gather @!p1 [hbm4b:s4+s0], $0x20, s7, s0, $0xb8;
	[tilespmem:$0x19640] =	vst v63  }
0xbf: {  	s5 =	simm.s32 @!p1 $0x2940;
	s7 =	simm.s32 @!p1 $0x9420  }
0xc0: {  	[spmem:s2] =	stream.indirect.scatter.add.f32 @!p1 [tilespmem:s7], [sflag:$0x1A], $0x20, s5, s0, $0xb8;
	[tilespmem:$0x19640] =	vst v63  }
0xc1: {  	_ =	swait.ge @!p1 [sflag:s1], $0xA00  }
0xc2: {  	[sflag:s1] =	ssyncset.done @!p1 $0x0  }
0xc3: {  	s5 =	simm.s32 @!p1 $0x9;
	[sflag:s1] =	ssyncadd.s32 @!p1 $0xFFFFF600  }
0xc4: {  	_ =	swait.ge @!p1 [sflag:s5], $0xA00  }
0xc5: {  	[sflag:s5] =	ssyncset.done @!p1 $0x0  }
0xc6: {  	[sflag:s5] =	ssyncadd.s32 @!p1 $0xFFFFF600;
	s5 =	simm.s32 @!p1 $0xA00  }
0xc7: {  	[tilespmem:s7], [sflag:$0x8] =	stream.indirect.gather @!p1 [hbm4b:s4+s0], $0x20, s5, s0, $0xb8;
	[tilespmem:$0x19640] =	vst v63  }
0xc8: {  	s10 =	simm.s32 $0x2990  }
0xc9: {  	[spmem:s2] =	stream.indirect.scatter.add.f32 [tilespmem:s12], [sflag:$0x1A], $0x20, s10, s8, $0xb8;
	[tilespmem:$0x19640] =	vst v63  }
0xca: {  	_ =	swait.ge [sflag:s16], $0xA00  }
0xcb: {  	[sflag:s16] =	ssyncset.done $0x0  }
0xcc: {  	[sflag:s16] =	ssyncadd.s32 $0xFFFFF600  }
0xcd: {  	_ =	swait.ge [sflag:s29], $0xA00  }
0xce: {  	[sflag:s29] =	ssyncset.done $0x0  }
0xcf: {  	s5 =	simm.s32 @p1 $0x29E0;
	s7 =	simm.s32 @p1 $0xA820;
	[sflag:s29] =	ssyncadd.s32 $0xFFFFF600  }
0xd0: {  	[spmem:s2] =	stream.indirect.scatter.add.f32 @p1 [tilespmem:s7], [sflag:$0x1A], $0x20, s5, s6, $0xb8;
	[tilespmem:$0x19640] =	vst v63  }
0xd1: {  	_ =	swait.ge @p1 [sflag:s3], $0xA00  }
0xd2: {  	[sflag:s3] =	ssyncset.done @p1 $0x0  }
0xd3: {  	s5 =	simm.s32 @p1 $0xB;
	[sflag:s3] =	ssyncadd.s32 @p1 $0xFFFFF600  }
0xd4: {  	_ =	swait.ge @p1 [sflag:s5], $0xA00  }
0xd5: {  	[sflag:s5] =	ssyncset.done @p1 $0x0  }
0xd6: {  	s7 =	simm.s32 @!p1 $0xA50;
	[sflag:s5] =	ssyncadd.s32 @p1 $0xFFFFF600;
	s5 =	simm.s32 @!p1 $0x9E20  }
0xd7: {  	[tilespmem:s5], [sflag:$0x9] =	stream.indirect.gather @!p1 [hbm4b:s4+s0], $0x20, s7, s0, $0xb8;
	[tilespmem:$0x19640] =	vst v63  }
0xd8: {  	s5 =	simm.s32 @!p1 $0x29E0;
	s7 =	simm.s32 @!p1 $0xA820  }
0xd9: {  	[spmem:s2] =	stream.indirect.scatter.add.f32 @!p1 [tilespmem:s7], [sflag:$0x1A], $0x20, s5, s0, $0xb8;
	[tilespmem:$0x19640] =	vst v63  }
0xda: {  	_ =	swait.ge @!p1 [sflag:s1], $0xA00  }
0xdb: {  	[sflag:s1] =	ssyncset.done @!p1 $0x0  }
0xdc: {  	s5 =	simm.s32 @!p1 $0xB;
	[sflag:s1] =	ssyncadd.s32 @!p1 $0xFFFFF600  }
0xdd: {  	_ =	swait.ge @!p1 [sflag:s5], $0xA00  }
0xde: {  	[sflag:s5] =	ssyncset.done @!p1 $0x0  }
0xdf: {  	[sflag:s5] =	ssyncadd.s32 @!p1 $0xFFFFF600;
	s5 =	simm.s32 @!p1 $0xAA0  }
0xe0: {  	[tilespmem:s7], [sflag:$0xA] =	stream.indirect.gather @!p1 [hbm4b:s4+s0], $0x20, s5, s0, $0xb8;
	[tilespmem:$0x19640] =	vst v63  }
0xe1: {  	s11 =	simm.s32 $0x2A30  }
0xe2: {  	[spmem:s2] =	stream.indirect.scatter.add.f32 [tilespmem:s13], [sflag:$0x1A], $0x20, s11, s8, $0xb8;
	[tilespmem:$0x19640] =	vst v63  }
0xe3: {  	_ =	swait.ge [sflag:s16], $0xA00  }
0xe4: {  	[sflag:s16] =	ssyncset.done $0x0  }
0xe5: {  	[sflag:s16] =	ssyncadd.s32 $0xFFFFF600  }
0xe6: {  	_ =	swait.ge [sflag:s30], $0xA00  }
0xe7: {  	[sflag:s30] =	ssyncset.done $0x0  }
0xe8: {  	s5 =	simm.s32 @p1 $0x2A80;
	s7 =	simm.s32 @p1 $0xBC20;
	[sflag:s30] =	ssyncadd.s32 $0xFFFFF600  }
0xe9: {  	[spmem:s2] =	stream.indirect.scatter.add.f32 @p1 [tilespmem:s7], [sflag:$0x1A], $0x20, s5, s6, $0xb8;
	[tilespmem:$0x19640] =	vst v63  }
0xea: {  	_ =	swait.ge @p1 [sflag:s3], $0xA00  }
0xeb: {  	[sflag:s3] =	ssyncset.done @p1 $0x0  }
0xec: {  	s5 =	simm.s32 @p1 $0xD;
	[sflag:s3] =	ssyncadd.s32 @p1 $0xFFFFF600  }
0xed: {  	_ =	swait.ge @p1 [sflag:s5], $0xA00  }
0xee: {  	[sflag:s5] =	ssyncset.done @p1 $0x0  }
0xef: {  	s7 =	simm.s32 @!p1 $0xAF0;
	[sflag:s5] =	ssyncadd.s32 @p1 $0xFFFFF600;
	s5 =	simm.s32 @!p1 $0xB220  }
0xf0: {  	[tilespmem:s5], [sflag:$0xB] =	stream.indirect.gather @!p1 [hbm4b:s4+s0], $0x20, s7, s0, $0xb8;
	[tilespmem:$0x19640] =	vst v63  }
0xf1: {  	s5 =	simm.s32 @!p1 $0x2A80;
	s7 =	simm.s32 @!p1 $0xBC20  }
0xf2: {  	[spmem:s2] =	stream.indirect.scatter.add.f32 @!p1 [tilespmem:s7], [sflag:$0x1A], $0x20, s5, s0, $0xb8;
	[tilespmem:$0x19640] =	vst v63  }
0xf3: {  	_ =	swait.ge @!p1 [sflag:s1], $0xA00  }
0xf4: {  	[sflag:s1] =	ssyncset.done @!p1 $0x0  }
0xf5: {  	s5 =	simm.s32 @!p1 $0xD;
	[sflag:s1] =	ssyncadd.s32 @!p1 $0xFFFFF600  }
0xf6: {  	_ =	swait.ge @!p1 [sflag:s5], $0xA00  }
0xf7: {  	[sflag:s5] =	ssyncset.done @!p1 $0x0  }
0xf8: {  	[sflag:s5] =	ssyncadd.s32 @!p1 $0xFFFFF600;
	s5 =	simm.s32 @!p1 $0xB40  }
0xf9: {  	[tilespmem:s7], [sflag:$0xC] =	stream.indirect.gather @!p1 [hbm4b:s4+s0], $0x20, s5, s0, $0xb8;
	[tilespmem:$0x19640] =	vst v63  }
0xfa: {  	s12 =	simm.s32 $0x2AD0  }
0xfb: {  	[spmem:s2] =	stream.indirect.scatter.add.f32 [tilespmem:s15], [sflag:$0x1A], $0x20, s12, s8, $0xb8;
	[tilespmem:$0x19640] =	vst v63  }
0xfc: {  	_ =	swait.ge [sflag:s16], $0xA00  }
0xfd: {  	[sflag:s16] =	ssyncset.done $0x0  }
0xfe: {  	[sflag:s16] =	ssyncadd.s32 $0xFFFFF600  }
0xff: {  	_ =	swait.ge [sflag:s31], $0xA00  }
0x100: {  	[sflag:s31] =	ssyncset.done $0x0  }
0x101: {  	s5 =	simm.s32 @p1 $0x2B20;
	s7 =	simm.s32 @p1 $0xD020;
	[sflag:s31] =	ssyncadd.s32 $0xFFFFF600  }
0x102: {  	[spmem:s2] =	stream.indirect.scatter.add.f32 @p1 [tilespmem:s7], [sflag:$0x1A], $0x20, s5, s6, $0xb8;
	[tilespmem:$0x19640] =	vst v63  }
0x103: {  	_ =	swait.ge @p1 [sflag:s3], $0xA00  }
0x104: {  	[sflag:s3] =	ssyncset.done @p1 $0x0  }
0x105: {  	s5 =	simm.s32 @p1 $0xF;
	[sflag:s3] =	ssyncadd.s32 @p1 $0xFFFFF600  }
0x106: {  	_ =	swait.ge @p1 [sflag:s5], $0xA00  }
0x107: {  	[sflag:s5] =	ssyncset.done @p1 $0x0  }
0x108: {  	s7 =	simm.s32 @!p1 $0xB90;
	[sflag:s5] =	ssyncadd.s32 @p1 $0xFFFFF600;
	s5 =	simm.s32 @!p1 $0xC620  }
0x109: {  	[tilespmem:s5], [sflag:$0xD] =	stream.indirect.gather @!p1 [hbm4b:s4+s0], $0x20, s7, s0, $0xb8;
	[tilespmem:$0x19640] =	vst v63  }
0x10a: {  	s5 =	simm.s32 @!p1 $0x2B20;
	s7 =	simm.s32 @!p1 $0xD020  }
0x10b: {  	[spmem:s2] =	stream.indirect.scatter.add.f32 @!p1 [tilespmem:s7], [sflag:$0x1A], $0x20, s5, s0, $0xb8;
	[tilespmem:$0x19640] =	vst v63  }
0x10c: {  	_ =	swait.ge @!p1 [sflag:s1], $0xA00  }
0x10d: {  	[sflag:s1] =	ssyncset.done @!p1 $0x0  }
0x10e: {  	s5 =	simm.s32 @!p1 $0xF;
	[sflag:s1] =	ssyncadd.s32 @!p1 $0xFFFFF600  }
0x10f: {  	_ =	swait.ge @!p1 [sflag:s5], $0xA00  }
0x110: {  	[sflag:s5] =	ssyncset.done @!p1 $0x0  }
0x111: {  	[sflag:s5] =	ssyncadd.s32 @!p1 $0xFFFFF600;
	s5 =	simm.s32 @!p1 $0xBE0  }
0x112: {  	[tilespmem:s7], [sflag:$0xE] =	stream.indirect.gather @!p1 [hbm4b:s4+s0], $0x20, s5, s0, $0xb8;
	[tilespmem:$0x19640] =	vst v63  }
0x113: {  	s13 =	simm.s32 $0x2B70  }
0x114: {  	[spmem:s2] =	stream.indirect.scatter.add.f32 [tilespmem:s17], [sflag:$0x1A], $0x20, s13, s8, $0xb8;
	[tilespmem:$0x19640] =	vst v63  }
0x115: {  	_ =	swait.ge [sflag:s16], $0xA00  }
0x116: {  	[sflag:s16] =	ssyncset.done $0x0  }
0x117: {  	s14 =	simm.s32 $0x10;
	[sflag:s16] =	ssyncadd.s32 $0xFFFFF600  }
0x118: {  	_ =	swait.ge [sflag:s14], $0xA00  }
0x119: {  	[sflag:s14] =	ssyncset.done $0x0  }
0x11a: {  	s5 =	simm.s32 @p1 $0x2BC0;
	s7 =	simm.s32 @p1 $0xE420;
	[sflag:s14] =	ssyncadd.s32 $0xFFFFF600  }
0x11b: {  	[spmem:s2] =	stream.indirect.scatter.add.f32 @p1 [tilespmem:s7], [sflag:$0x1A], $0x20, s5, s6, $0xb8;
	[tilespmem:$0x19640] =	vst v63  }
0x11c: {  	_ =	swait.ge @p1 [sflag:s3], $0xA00  }
0x11d: {  	[sflag:s3] =	ssyncset.done @p1 $0x0  }
0x11e: {  	s5 =	simm.s32 @p1 $0x11;
	[sflag:s3] =	ssyncadd.s32 @p1 $0xFFFFF600  }
0x11f: {  	_ =	swait.ge @p1 [sflag:s5], $0xA00  }
0x120: {  	[sflag:s5] =	ssyncset.done @p1 $0x0  }
0x121: {  	s7 =	simm.s32 @!p1 $0xC30;
	[sflag:s5] =	ssyncadd.s32 @p1 $0xFFFFF600;
	s5 =	simm.s32 @!p1 $0xDA20  }
0x122: {  	[tilespmem:s5], [sflag:$0xF] =	stream.indirect.gather @!p1 [hbm4b:s4+s0], $0x20, s7, s0, $0xb8;
	[tilespmem:$0x19640] =	vst v63  }
0x123: {  	s5 =	simm.s32 @!p1 $0x2BC0;
	s7 =	simm.s32 @!p1 $0xE420  }
0x124: {  	[spmem:s2] =	stream.indirect.scatter.add.f32 @!p1 [tilespmem:s7], [sflag:$0x1A], $0x20, s5, s0, $0xb8;
	[tilespmem:$0x19640] =	vst v63  }
0x125: {  	_ =	swait.ge @!p1 [sflag:s1], $0xA00  }
0x126: {  	[sflag:s1] =	ssyncset.done @!p1 $0x0  }
0x127: {  	s5 =	simm.s32 @!p1 $0x11;
	[sflag:s1] =	ssyncadd.s32 @!p1 $0xFFFFF600  }
0x128: {  	_ =	swait.ge @!p1 [sflag:s5], $0xA00  }
0x129: {  	[sflag:s5] =	ssyncset.done @!p1 $0x0  }
0x12a: {  	[sflag:s5] =	ssyncadd.s32 @!p1 $0xFFFFF600;
	s5 =	simm.s32 @!p1 $0xC80  }
0x12b: {  	[tilespmem:s7], [sflag:$0x10] =	stream.indirect.gather @!p1 [hbm4b:s4+s0], $0x20, s5, s0, $0xb8;
	[tilespmem:$0x19640] =	vst v63  }
0x12c: {  	s15 =	simm.s32 $0x2C10  }
0x12d: {  	[spmem:s2] =	stream.indirect.scatter.add.f32 [tilespmem:s18], [sflag:$0x1A], $0x20, s15, s8, $0xb8;
	[tilespmem:$0x19640] =	vst v63  }
0x12e: {  	_ =	swait.ge [sflag:s16], $0xA00  }
0x12f: {  	[sflag:s16] =	ssyncset.done $0x0  }
0x130: {  	s17 =	simm.s32 $0x12;
	[sflag:s16] =	ssyncadd.s32 $0xFFFFF600  }
0x131: {  	_ =	swait.ge [sflag:s17], $0xA00  }
0x132: {  	[sflag:s17] =	ssyncset.done $0x0  }
0x133: {  	s5 =	simm.s32 @p1 $0x2C60;
	s7 =	simm.s32 @p1 $0xF820;
	[sflag:s17] =	ssyncadd.s32 $0xFFFFF600  }
0x134: {  	[spmem:s2] =	stream.indirect.scatter.add.f32 @p1 [tilespmem:s7], [sflag:$0x1A], $0x20, s5, s6, $0xb8;
	[tilespmem:$0x19640] =	vst v63  }
0x135: {  	_ =	swait.ge @p1 [sflag:s3], $0xA00  }
0x136: {  	[sflag:s3] =	ssyncset.done @p1 $0x0  }
0x137: {  	s5 =	simm.s32 @p1 $0x13;
	[sflag:s3] =	ssyncadd.s32 @p1 $0xFFFFF600  }
0x138: {  	_ =	swait.ge @p1 [sflag:s5], $0xA00  }
0x139: {  	[sflag:s5] =	ssyncset.done @p1 $0x0  }
0x13a: {  	s7 =	simm.s32 @!p1 $0xCD0;
	[sflag:s5] =	ssyncadd.s32 @p1 $0xFFFFF600;
	s5 =	simm.s32 @!p1 $0xEE20  }
0x13b: {  	[tilespmem:s5], [sflag:$0x11] =	stream.indirect.gather @!p1 [hbm4b:s4+s0], $0x20, s7, s0, $0xb8;
	[tilespmem:$0x19640] =	vst v63  }
0x13c: {  	s5 =	simm.s32 @!p1 $0x2C60;
	s7 =	simm.s32 @!p1 $0xF820  }
0x13d: {  	[spmem:s2] =	stream.indirect.scatter.add.f32 @!p1 [tilespmem:s7], [sflag:$0x1A], $0x20, s5, s0, $0xb8;
	[tilespmem:$0x19640] =	vst v63  }
0x13e: {  	_ =	swait.ge @!p1 [sflag:s1], $0xA00  }
0x13f: {  	[sflag:s1] =	ssyncset.done @!p1 $0x0  }
0x140: {  	s5 =	simm.s32 @!p1 $0x13;
	[sflag:s1] =	ssyncadd.s32 @!p1 $0xFFFFF600  }
0x141: {  	_ =	swait.ge @!p1 [sflag:s5], $0xA00  }
0x142: {  	[sflag:s5] =	ssyncset.done @!p1 $0x0  }
0x143: {  	[sflag:s5] =	ssyncadd.s32 @!p1 $0xFFFFF600;
	s5 =	simm.s32 @!p1 $0xD20  }
0x144: {  	[tilespmem:s7], [sflag:$0x12] =	stream.indirect.gather @!p1 [hbm4b:s4+s0], $0x20, s5, s0, $0xb8;
	[tilespmem:$0x19640] =	vst v63  }
0x145: {  	s18 =	simm.s32 $0x2CB0  }
0x146: {  	[spmem:s2] =	stream.indirect.scatter.add.f32 [tilespmem:s20], [sflag:$0x1A], $0x20, s18, s8, $0xb8;
	[tilespmem:$0x19640] =	vst v63  }
0x147: {  	_ =	swait.ge [sflag:s16], $0xA00  }
0x148: {  	[sflag:s16] =	ssyncset.done $0x0  }
0x149: {  	s19 =	simm.s32 $0x14;
	[sflag:s16] =	ssyncadd.s32 $0xFFFFF600  }
0x14a: {  	_ =	swait.ge [sflag:s19], $0xA00  }
0x14b: {  	[sflag:s19] =	ssyncset.done $0x0  }
0x14c: {  	s5 =	simm.s32 @p1 $0x2D00;
	s7 =	simm.s32 @p1 $0x10C20;
	[sflag:s19] =	ssyncadd.s32 $0xFFFFF600  }
0x14d: {  	[spmem:s2] =	stream.indirect.scatter.add.f32 @p1 [tilespmem:s7], [sflag:$0x1A], $0x20, s5, s6, $0xb8;
	[tilespmem:$0x19640] =	vst v63  }
0x14e: {  	_ =	swait.ge @p1 [sflag:s3], $0xA00  }
0x14f: {  	[sflag:s3] =	ssyncset.done @p1 $0x0  }
0x150: {  	s5 =	simm.s32 @p1 $0x15;
	[sflag:s3] =	ssyncadd.s32 @p1 $0xFFFFF600  }
0x151: {  	_ =	swait.ge @p1 [sflag:s5], $0xA00  }
0x152: {  	[sflag:s5] =	ssyncset.done @p1 $0x0  }
0x153: {  	s7 =	simm.s32 @!p1 $0xD70;
	[sflag:s5] =	ssyncadd.s32 @p1 $0xFFFFF600;
	s5 =	simm.s32 @!p1 $0x10220  }
0x154: {  	[tilespmem:s5], [sflag:$0x13] =	stream.indirect.gather @!p1 [hbm4b:s4+s0], $0x20, s7, s0, $0xb8;
	[tilespmem:$0x19640] =	vst v63  }
0x155: {  	s5 =	simm.s32 @!p1 $0x2D00;
	s7 =	simm.s32 @!p1 $0x10C20  }
0x156: {  	[spmem:s2] =	stream.indirect.scatter.add.f32 @!p1 [tilespmem:s7], [sflag:$0x1A], $0x20, s5, s0, $0xb8;
	[tilespmem:$0x19640] =	vst v63  }
0x157: {  	_ =	swait.ge @!p1 [sflag:s1], $0xA00  }
0x158: {  	[sflag:s1] =	ssyncset.done @!p1 $0x0  }
0x159: {  	s5 =	simm.s32 @!p1 $0x15;
	[sflag:s1] =	ssyncadd.s32 @!p1 $0xFFFFF600  }
0x15a: {  	_ =	swait.ge @!p1 [sflag:s5], $0xA00  }
0x15b: {  	[sflag:s5] =	ssyncset.done @!p1 $0x0  }
0x15c: {  	[sflag:s5] =	ssyncadd.s32 @!p1 $0xFFFFF600;
	s5 =	simm.s32 @!p1 $0xDC0  }
0x15d: {  	[tilespmem:s7], [sflag:$0x14] =	stream.indirect.gather @!p1 [hbm4b:s4+s0], $0x20, s5, s0, $0xb8;
	[tilespmem:$0x19640] =	vst v63  }
0x15e: {  	s20 =	simm.s32 $0x2D50  }
0x15f: {  	[spmem:s2] =	stream.indirect.scatter.add.f32 [tilespmem:s23], [sflag:$0x1A], $0x20, s20, s8, $0xb8;
	[tilespmem:$0x19640] =	vst v63  }
0x160: {  	_ =	swait.ge [sflag:s16], $0xA00  }
0x161: {  	[sflag:s16] =	ssyncset.done $0x0  }
0x162: {  	s26 =	simm.s32 $0x16;
	[sflag:s16] =	ssyncadd.s32 $0xFFFFF600  }
0x163: {  	_ =	swait.ge [sflag:s26], $0xA00  }
0x164: {  	[sflag:s26] =	ssyncset.done $0x0  }
0x165: {  	s5 =	simm.s32 @p1 $0x2DA0;
	s7 =	simm.s32 @p1 $0x12020;
	[sflag:s26] =	ssyncadd.s32 $0xFFFFF600  }
0x166: {  	[spmem:s2] =	stream.indirect.scatter.add.f32 @p1 [tilespmem:s7], [sflag:$0x1A], $0x20, s5, s6, $0xb8;
	[tilespmem:$0x19640] =	vst v63  }
0x167: {  	_ =	swait.ge @p1 [sflag:s3], $0xA00  }
0x168: {  	[sflag:s3] =	ssyncset.done @p1 $0x0  }
0x169: {  	s5 =	simm.s32 @p1 $0x17;
	[sflag:s3] =	ssyncadd.s32 @p1 $0xFFFFF600  }
0x16a: {  	_ =	swait.ge @p1 [sflag:s5], $0xA00  }
0x16b: {  	[sflag:s5] =	ssyncset.done @p1 $0x0  }
0x16c: {  	s7 =	simm.s32 @!p1 $0xE10;
	[sflag:s5] =	ssyncadd.s32 @p1 $0xFFFFF600;
	s5 =	simm.s32 @!p1 $0x11620  }
0x16d: {  	[tilespmem:s5], [sflag:$0x15] =	stream.indirect.gather @!p1 [hbm4b:s4+s0], $0x20, s7, s0, $0xb8;
	[tilespmem:$0x19640] =	vst v63  }
0x16e: {  	s5 =	simm.s32 @!p1 $0x2DA0;
	s7 =	simm.s32 @!p1 $0x12020  }
0x16f: {  	[spmem:s2] =	stream.indirect.scatter.add.f32 @!p1 [tilespmem:s7], [sflag:$0x1A], $0x20, s5, s0, $0xb8;
	[tilespmem:$0x19640] =	vst v63  }
0x170: {  	_ =	swait.ge @!p1 [sflag:s1], $0xA00  }
0x171: {  	[sflag:s1] =	ssyncset.done @!p1 $0x0  }
0x172: {  	s5 =	simm.s32 @!p1 $0x17;
	[sflag:s1] =	ssyncadd.s32 @!p1 $0xFFFFF600  }
0x173: {  	_ =	swait.ge @!p1 [sflag:s5], $0xA00  }
0x174: {  	[sflag:s5] =	ssyncset.done @!p1 $0x0  }
0x175: {  	[sflag:s5] =	ssyncadd.s32 @!p1 $0xFFFFF600;
	s5 =	simm.s32 @!p1 $0xE60  }
0x176: {  	[tilespmem:s7], [sflag:$0x16] =	stream.indirect.gather @!p1 [hbm4b:s4+s0], $0x20, s5, s0, $0xb8;
	[tilespmem:$0x19640] =	vst v63  }
0x177: {  	s28 =	simm.s32 $0x2DF0  }
0x178: {  	[spmem:s2] =	stream.indirect.scatter.add.f32 [tilespmem:s24], [sflag:$0x1A], $0x20, s28, s8, $0xb8;
	[tilespmem:$0x19640] =	vst v63  }
0x179: {  	_ =	swait.ge [sflag:s16], $0xA00  }
0x17a: {  	[sflag:s16] =	ssyncset.done $0x0  }
0x17b: {  	s30 =	simm.s32 $0x18;
	[sflag:s16] =	ssyncadd.s32 $0xFFFFF600  }
0x17c: {  	_ =	swait.ge [sflag:s30], $0xA00  }
0x17d: {  	[sflag:s30] =	ssyncset.done $0x0  }
0x17e: {  	s5 =	simm.s32 @p1 $0x2E40;
	s7 =	simm.s32 @p1 $0x13420;
	[sflag:s30] =	ssyncadd.s32 $0xFFFFF600  }
0x17f: {  	[spmem:s2] =	stream.indirect.scatter.add.f32 @p1 [tilespmem:s7], [sflag:$0x1A], $0x20, s5, s6, $0xb8;
	[tilespmem:$0x19640] =	vst v63  }
0x180: {  	_ =	swait.ge @p1 [sflag:s3], $0xA00  }
0x181: {  	[sflag:s3] =	ssyncset.done @p1 $0x0  }
0x182: {  	s5 =	simm.s32 @p1 $0x19;
	[sflag:s3] =	ssyncadd.s32 @p1 $0xFFFFF600  }
0x183: {  	_ =	swait.ge @p1 [sflag:s5], $0xA00  }
0x184: {  	[sflag:s5] =	ssyncset.done @p1 $0x0  }
0x185: {  	s3 =	simm.s32 @!p1 $0xEB0;
	[sflag:s5] =	ssyncadd.s32 @p1 $0xFFFFF600;
	s5 =	simm.s32 @!p1 $0x12A20  }
0x186: {  	[tilespmem:s5], [sflag:$0x17] =	stream.indirect.gather @!p1 [hbm4b:s4+s0], $0x20, s3, s0, $0xb8;
	[tilespmem:$0x19640] =	vst v63  }
0x187: {  	s3 =	simm.s32 @!p1 $0x2E40;
	s5 =	simm.s32 @!p1 $0x13420  }
0x188: {  	[spmem:s2] =	stream.indirect.scatter.add.f32 @!p1 [tilespmem:s5], [sflag:$0x1A], $0x20, s3, s0, $0xb8;
	[tilespmem:$0x19640] =	vst v63  }
0x189: {  	_ =	swait.ge @!p1 [sflag:s1], $0xA00  }
0x18a: {  	[sflag:s1] =	ssyncset.done @!p1 $0x0  }
0x18b: {  	[sflag:s1] =	ssyncadd.s32 @!p1 $0xFFFFF600;
	s1 =	simm.s32 @!p1 $0x19  }
0x18c: {  	_ =	swait.ge @!p1 [sflag:s1], $0xA00  }
0x18d: {  	[sflag:s1] =	ssyncset.done @!p1 $0x0  }
0x18e: {  	[sflag:s1] =	ssyncadd.s32 @!p1 $0xFFFFF600;
	s1 =	simm.s32 @!p1 $0xF00  }
0x18f: {  	[tilespmem:s5], [sflag:$0x18] =	stream.indirect.gather @!p1 [hbm4b:s4+s0], $0x20, s1, s0, $0xb8;
	[tilespmem:$0x19640] =	vst v63  }
0x190: {  	s31 =	simm.s32 $0x2E90  }
0x191: {  	[spmem:s2] =	stream.indirect.scatter.add.f32 [tilespmem:s22], [sflag:$0x1A], $0x20, s31, s8, $0xb8;
	[tilespmem:$0x19640] =	vst v63  }
0x192: {  	s29 =	simm.s32 $0x1F40;
	_ =	swait.ge [sflag:s16], $0xA00  }
.LBB2_2:
0x193: {  	[sflag:s16] =	ssyncset.done $0x0  }
0x194: {  	[sflag:s16] =	ssyncadd.s32 $0xFFFFF600  }
0x195: {  	s0 =	smov.u32 s29;
	_ =	swait.ge [sflag:s21], $0xA00  }
0x196: {  	s19 =	sshra.s32 s0, $0x2;
	[sflag:s21] =	ssyncset.done $0x0  }
0x197: {  	s1 =	sadd.s32 $0x780, s19;
	[sflag:s21] =	ssyncadd.s32 $0xFFFFF600  }
0x198: {  	[tilespmem:s22], [sflag:$0x19] =	stream.indirect.gather [hbm4b:s4+s8], $0x20, s1, s8, $0xb8;
	[tilespmem:$0x19640] =	vst v63  }
0x199: {  	s18 =	sadd.s32 $0x2710, s19  }
0x19a: {  	[spmem:s2] =	stream.indirect.scatter.add.f32 [tilespmem:s9], [sflag:$0x1A], $0x20, s18, s8, $0xb8;
	[tilespmem:$0x19640] =	vst v63  }
0x19b: {  	_ =	swait.ge [sflag:s16], $0xA00  }
0x19c: {  	[sflag:s16] =	ssyncset.done $0x0  }
0x19d: {  	p2 =	seq.s32 s0, $0x7D00;
	[sflag:s16] =	ssyncadd.s32 $0xFFFFF600  }
0x19e: {  	s14 =	sshra.s32 @p2 s0, $0x2;
	_ =	swait.ge [sflag:s25], $0xA00  }
0x19f: {  	s26 =	simm.s32 @p2 $0x50;
	s3 =	simm.s32 @p2 $0x5820;
	[sflag:s25] =	ssyncset.done $0x0  }
0x1a0: {  	s31 =	simm.s32 @p2 $0x1A;
	s1 =	sadd.s32 @p2 $0x2760, s14;
	[sflag:s25] =	ssyncadd.s32 $0xFFFFF600  }
0x1a1: {  	[spmem:s2] =	stream.indirect.scatter.add.f32 @p2 [tilespmem:s3], [sflag:$0x1A], $0x20, s1, s26, $0xb8;
	[tilespmem:$0x19640] =	vst v63  }
0x1a2: {  	_ =	swait.ge @p2 [sflag:s31], $0xA00  }
0x1a3: {  	[sflag:s31] =	ssyncset.done @p2 $0x0  }
0x1a4: {  	s7 =	simm.s32 @p2 $0x3;
	[sflag:s31] =	ssyncadd.s32 @p2 $0xFFFFF600  }
0x1a5: {  	s0 =	sshra.s32 @!p2 s0, $0x2;
	_ =	swait.ge @p2 [sflag:s7], $0xA00  }
0x1a6: {  	s5 =	sadd.s32 @!p2 $0x7D0, s0;
	[sflag:s7] =	ssyncset.done @p2 $0x0  }
0x1a7: {  	s22 =	simm.s32 @!p2 $0x50;
	s8 =	simm.s32 @!p2 $0x4E20;
	[sflag:s7] =	ssyncadd.s32 @p2 $0xFFFFF600  }
0x1a8: {  	[tilespmem:s8], [sflag:$0x1] =	stream.indirect.gather @!p2 [hbm4b:s4+s22], $0x20, s5, s22, $0xb8;
	[tilespmem:$0x19640] =	vst v63  }
0x1a9: {  	s30 =	simm.s32 @!p2 $0x5820;
	s6 =	sadd.s32 @!p2 $0x2760, s0;
	s21 =	simm.s32 @!p2 $0x1A  }
0x1aa: {  	[spmem:s2] =	stream.indirect.scatter.add.f32 @!p2 [tilespmem:s30], [sflag:$0x1A], $0x20, s6, s22, $0xb8;
	[tilespmem:$0x19640] =	vst v63  }
0x1ab: {  	_ =	swait.ge @!p2 [sflag:s21], $0xA00  }
0x1ac: {  	s17 =	simm.s32 $0x50;
	s20 =	simm.s32 @!p2 $0x3;
	[sflag:s21] =	ssyncset.done @!p2 $0x0  }
0x1ad: {  	s15 =	sadd.s32 @!p2 $0x8C0, s0;
	s13 =	sadd.s32 @p2 $0x28A0, s14;
	[sflag:s21] =	ssyncadd.s32 @!p2 $0xFFFFF600  }
0x1ae: {  	s28 =	sadd.s32 @!p2 $0xAA0, s0;
	s25 =	sadd.s32 @!p2 $0x820, s0;
	_ =	swait.ge @!p2 [sflag:s20], $0xA00  }
0x1af: {  	[dreg:$0x1d] =	wrdreg s28;
	s28 =	sadd.s32 @p2 $0x2A80, s14;
	[sflag:s20] =	ssyncset.done @!p2 $0x0  }
0x1b0: {  	[dreg:$0x1c] =	wrdreg s28;
	[sflag:s20] =	ssyncadd.s32 @!p2 $0xFFFFF600;
	s20 =	sadd.s32 @!p2 $0xAF0, s0  }
0x1b1: {  	[tilespmem:s30], [sflag:$0x2] =	stream.indirect.gather @!p2 [hbm4b:s4+s22], $0x20, s25, s22, $0xb8;
	[tilespmem:$0x19640] =	vst v63  }
0x1b2: {  	s11 =	sadd.s32 @!p2 $0x910, s0;
	[dreg:$0x1b] =	wrdreg s20;
	s20 =	sadd.s32 @!p2 $0xB40, s0  }
0x1b3: {  	s12 =	sadd.s32 @!p2 $0x28A0, s0;
	[dreg:$0x1a] =	wrdreg s20;
	s20 =	sadd.s32 @p2 $0x2B20, s14  }
0x1b4: {  	s28 =	sadd.s32 $0x27B0, s19;
	[dreg:$0x19] =	wrdreg s20;
	s20 =	simm.s32 $0x6220  }
0x1b5: {  	[spmem:s2] =	stream.indirect.scatter.add.f32 [tilespmem:s20], [sflag:$0x1A], $0x20, s28, s17, $0xb8;
	[tilespmem:$0x19640] =	vst v63  }
0x1b6: {  	s10 =	sadd.s32 @!p2 $0x960, s0;
	s18 =	sadd.s32 @p2 $0x2800, s14;
	s20 =	sadd.s32 @!p2 $0xB90, s0  }
0x1b7: {  	_ =	swait.ge [sflag:s16], $0xA00;
	[dreg:$0x18] =	wrdreg s20;
	s20 =	sadd.s32 @!p2 $0x2B20, s0  }
0x1b8: {  	s9 =	sadd.s32 @p2 $0x2940, s14;
	[dreg:$0x17] =	wrdreg s20;
	s20 =	sadd.s32 @!p2 $0xBE0, s0  }
0x1b9: {  	s3 =	sadd.s32 @!p2 $0x870, s0;
	[dreg:$0x16] =	wrdreg s20;
	s20 =	sadd.s32 @p2 $0x2BC0, s14  }
0x1ba: {  	s25 =	simm.s32 $0x4;
	[dreg:$0x15] =	wrdreg s20;
	s20 =	sadd.s32 @!p2 $0xC30, s0  }
0x1bb: {  	[sflag:s16] =	ssyncset.done $0x0;
	[dreg:$0x14] =	wrdreg s20;
	s20 =	sadd.s32 @!p2 $0x2BC0, s0  }
0x1bc: {  	[sflag:s16] =	ssyncadd.s32 $0xFFFFF600;
	[dreg:$0x13] =	wrdreg s20;
	s20 =	sadd.s32 @!p2 $0xC80, s0  }
0x1bd: {  	_ =	swait.ge [sflag:s25], $0xA00;
	[dreg:$0x12] =	wrdreg s20;
	s20 =	sadd.s32 @p2 $0x2C60, s14  }
0x1be: {  	s28 =	simm.s32 @p2 $0x6C20;
	[dreg:$0x11] =	wrdreg s20;
	s20 =	sadd.s32 @!p2 $0xCD0, s0  }
0x1bf: {  	[sflag:s25] =	ssyncset.done $0x0;
	[dreg:$0xf] =	wrdreg s20;
	s20 =	sadd.s32 @!p2 $0x2C60, s0  }
0x1c0: {  	[sflag:s25] =	ssyncadd.s32 $0xFFFFF600;
	s25 =	sadd.s32 @!p2 $0xD20, s0;
	[dreg:$0x10] =	wrdreg s20  }
0x1c1: {  	[spmem:s2] =	stream.indirect.scatter.add.f32 @p2 [tilespmem:s28], [sflag:$0x1A], $0x20, s18, s26, $0xb8;
	[tilespmem:$0x19640] =	vst v63  }
0x1c2: {  	s6 =	sadd.s32 @p2 $0x29E0, s14;
	[dreg:$0xe] =	wrdreg s25;
	s18 =	sadd.s32 @p2 $0x2D00, s14  }
0x1c3: {  	s25 =	sadd.s32 @!p2 $0x2D00, s0;
	_ =	swait.ge @p2 [sflag:s31], $0xA00;
	[dreg:$0xd] =	wrdreg s18  }
0x1c4: {  	s28 =	simm.s32 @!p2 $0x6220;
	s18 =	sadd.s32 @!p2 $0xD70, s0;
	[dreg:$0xc] =	wrdreg s25  }
0x1c5: {  	s25 =	sadd.s32 @!p2 $0xDC0, s0;
	[dreg:$0xb] =	wrdreg s18;
	[sflag:s31] =	ssyncset.done @p2 $0x0  }
0x1c6: {  	s18 =	simm.s32 @p2 $0x5;
	[dreg:$0xa] =	wrdreg s25;
	s25 =	sadd.s32 @p2 $0x2DA0, s14  }
0x1c7: {  	[sflag:s31] =	ssyncadd.s32 @p2 $0xFFFFF600;
	[dreg:$0x9] =	wrdreg s25;
	s25 =	sadd.s32 @!p2 $0xE10, s0  }
0x1c8: {  	s14 =	sadd.s32 @p2 $0x2E40, s14;
	_ =	swait.ge @p2 [sflag:s18], $0xA00;
	[dreg:$0x8] =	wrdreg s25  }
0x1c9: {  	s25 =	sadd.s32 @!p2 $0x2DA0, s0;
	[dreg:$0x5] =	wrdreg s14;
	[sflag:s18] =	ssyncset.done @p2 $0x0  }
0x1ca: {  	[dreg:$0x7] =	wrdreg s25;
	s25 =	sadd.s32 @!p2 $0xE60, s0;
	[sflag:s18] =	ssyncadd.s32 @p2 $0xFFFFF600  }
0x1cb: {  	[tilespmem:s28], [sflag:$0x3] =	stream.indirect.gather @!p2 [hbm4b:s4+s22], $0x20, s3, s22, $0xb8;
	[tilespmem:$0x19640] =	vst v63  }
0x1cc: {  	s23 =	sadd.s32 @!p2 $0xA50, s0;
	[dreg:$0x6] =	wrdreg s25;
	s3 =	sadd.s32 @!p2 $0xEB0, s0  }
0x1cd: {  	s24 =	sadd.s32 @!p2 $0x29E0, s0;
	[dreg:$0x4] =	wrdreg s3;
	s3 =	sadd.s32 @!p2 $0x2E40, s0  }
0x1ce: {  	s1 =	sadd.s32 @!p2 $0x2800, s0;
	s18 =	simm.s32 @!p2 $0x6C20;
	[dreg:$0x3] =	wrdreg s3  }
0x1cf: {  	[spmem:s2] =	stream.indirect.scatter.add.f32 @!p2 [tilespmem:s18], [sflag:$0x1A], $0x20, s1, s22, $0xb8;
	[tilespmem:$0x19640] =	vst v63  }
0x1d0: {  	s7 =	sadd.s32 @!p2 $0x9B0, s0;
	s8 =	sadd.s32 @!p2 $0x2940, s0;
	_ =	swait.ge @!p2 [sflag:s21], $0xA00  }
0x1d1: {  	s5 =	sadd.s32 @!p2 $0xA00, s0;
	s30 =	sadd.s32 @!p2 $0x2A80, s0;
	[sflag:s21] =	ssyncset.done @!p2 $0x0  }
0x1d2: {  	s3 =	sadd.s32 @!p2 $0xF00, s0;
	s0 =	simm.s32 @!p2 $0x5;
	[sflag:s21] =	ssyncadd.s32 @!p2 $0xFFFFF600  }
0x1d3: {  	_ =	swait.ge @!p2 [sflag:s0], $0xA00  }
0x1d4: {  	[sflag:s0] =	ssyncset.done @!p2 $0x0  }
0x1d5: {  	[sflag:s0] =	ssyncadd.s32 @!p2 $0xFFFFF600  }
0x1d6: {  	[tilespmem:s18], [sflag:$0x4] =	stream.indirect.gather @!p2 [hbm4b:s4+s22], $0x20, s15, s22, $0xb8;
	[tilespmem:$0x19640] =	vst v63  }
0x1d7: {  	s14 =	simm.s32 $0x7620;
	s1 =	sadd.s32 $0x2850, s19  }
0x1d8: {  	[spmem:s2] =	stream.indirect.scatter.add.f32 [tilespmem:s14], [sflag:$0x1A], $0x20, s1, s17, $0xb8;
	[tilespmem:$0x19640] =	vst v63  }
0x1d9: {  	_ =	swait.ge [sflag:s16], $0xA00  }
0x1da: {  	[sflag:s16] =	ssyncset.done $0x0  }
0x1db: {  	s28 =	simm.s32 $0x6;
	[sflag:s16] =	ssyncadd.s32 $0xFFFFF600  }
0x1dc: {  	_ =	swait.ge [sflag:s28], $0xA00  }
0x1dd: {  	[sflag:s28] =	ssyncset.done $0x0  }
0x1de: {  	s0 =	simm.s32 @p2 $0x8020;
	[sflag:s28] =	ssyncadd.s32 $0xFFFFF600  }
0x1df: {  	[spmem:s2] =	stream.indirect.scatter.add.f32 @p2 [tilespmem:s0], [sflag:$0x1A], $0x20, s13, s26, $0xb8;
	[tilespmem:$0x19640] =	vst v63  }
0x1e0: {  	_ =	swait.ge @p2 [sflag:s31], $0xA00  }
0x1e1: {  	[sflag:s31] =	ssyncset.done @p2 $0x0  }
0x1e2: {  	s0 =	simm.s32 @p2 $0x7;
	[sflag:s31] =	ssyncadd.s32 @p2 $0xFFFFF600  }
0x1e3: {  	_ =	swait.ge @p2 [sflag:s0], $0xA00  }
0x1e4: {  	[sflag:s0] =	ssyncset.done @p2 $0x0  }
0x1e5: {  	s1 =	simm.s32 @!p2 $0x7620;
	[sflag:s0] =	ssyncadd.s32 @p2 $0xFFFFF600  }
0x1e6: {  	[tilespmem:s1], [sflag:$0x5] =	stream.indirect.gather @!p2 [hbm4b:s4+s22], $0x20, s11, s22, $0xb8;
	[tilespmem:$0x19640] =	vst v63  }
0x1e7: {  	s0 =	simm.s32 @!p2 $0x8020  }
0x1e8: {  	[spmem:s2] =	stream.indirect.scatter.add.f32 @!p2 [tilespmem:s0], [sflag:$0x1A], $0x20, s12, s22, $0xb8;
	[tilespmem:$0x19640] =	vst v63  }
0x1e9: {  	_ =	swait.ge @!p2 [sflag:s21], $0xA00  }
0x1ea: {  	[sflag:s21] =	ssyncset.done @!p2 $0x0  }
0x1eb: {  	s1 =	simm.s32 @!p2 $0x7;
	[sflag:s21] =	ssyncadd.s32 @!p2 $0xFFFFF600  }
0x1ec: {  	_ =	swait.ge @!p2 [sflag:s1], $0xA00  }
0x1ed: {  	[sflag:s1] =	ssyncset.done @!p2 $0x0  }
0x1ee: {  	[sflag:s1] =	ssyncadd.s32 @!p2 $0xFFFFF600  }
0x1ef: {  	[tilespmem:s0], [sflag:$0x6] =	stream.indirect.gather @!p2 [hbm4b:s4+s22], $0x20, s10, s22, $0xb8;
	[tilespmem:$0x19640] =	vst v63  }
0x1f0: {  	s20 =	sadd.s32 $0x28F0, s19;
	s11 =	simm.s32 $0x8A20  }
0x1f1: {  	[spmem:s2] =	stream.indirect.scatter.add.f32 [tilespmem:s11], [sflag:$0x1A], $0x20, s20, s17, $0xb8;
	[tilespmem:$0x19640] =	vst v63  }
0x1f2: {  	_ =	swait.ge [sflag:s16], $0xA00  }
0x1f3: {  	[sflag:s16] =	ssyncset.done $0x0  }
0x1f4: {  	s25 =	simm.s32 $0x8;
	[sflag:s16] =	ssyncadd.s32 $0xFFFFF600  }
0x1f5: {  	_ =	swait.ge [sflag:s25], $0xA00  }
0x1f6: {  	[sflag:s25] =	ssyncset.done $0x0  }
0x1f7: {  	s0 =	simm.s32 @p2 $0x9420;
	[sflag:s25] =	ssyncadd.s32 $0xFFFFF600  }
0x1f8: {  	[spmem:s2] =	stream.indirect.scatter.add.f32 @p2 [tilespmem:s0], [sflag:$0x1A], $0x20, s9, s26, $0xb8;
	[tilespmem:$0x19640] =	vst v63  }
0x1f9: {  	_ =	swait.ge @p2 [sflag:s31], $0xA00  }
0x1fa: {  	[sflag:s31] =	ssyncset.done @p2 $0x0  }
0x1fb: {  	s0 =	simm.s32 @p2 $0x9;
	[sflag:s31] =	ssyncadd.s32 @p2 $0xFFFFF600  }
0x1fc: {  	_ =	swait.ge @p2 [sflag:s0], $0xA00  }
0x1fd: {  	[sflag:s0] =	ssyncset.done @p2 $0x0  }
0x1fe: {  	s1 =	simm.s32 @!p2 $0x8A20;
	[sflag:s0] =	ssyncadd.s32 @p2 $0xFFFFF600  }
0x1ff: {  	[tilespmem:s1], [sflag:$0x7] =	stream.indirect.gather @!p2 [hbm4b:s4+s22], $0x20, s7, s22, $0xb8;
	[tilespmem:$0x19640] =	vst v63  }
0x200: {  	s0 =	simm.s32 @!p2 $0x9420  }
0x201: {  	[spmem:s2] =	stream.indirect.scatter.add.f32 @!p2 [tilespmem:s0], [sflag:$0x1A], $0x20, s8, s22, $0xb8;
	[tilespmem:$0x19640] =	vst v63  }
0x202: {  	_ =	swait.ge @!p2 [sflag:s21], $0xA00  }
0x203: {  	[sflag:s21] =	ssyncset.done @!p2 $0x0  }
0x204: {  	s1 =	simm.s32 @!p2 $0x9;
	[sflag:s21] =	ssyncadd.s32 @!p2 $0xFFFFF600  }
0x205: {  	_ =	swait.ge @!p2 [sflag:s1], $0xA00  }
0x206: {  	[sflag:s1] =	ssyncset.done @!p2 $0x0  }
0x207: {  	[sflag:s1] =	ssyncadd.s32 @!p2 $0xFFFFF600  }
0x208: {  	[tilespmem:s0], [sflag:$0x8] =	stream.indirect.gather @!p2 [hbm4b:s4+s22], $0x20, s5, s22, $0xb8;
	[tilespmem:$0x19640] =	vst v63  }
0x209: {  	s12 =	simm.s32 $0x9E20;
	s10 =	sadd.s32 $0x2990, s19;
	s8 =	simm.s32 $0x50  }
0x20a: {  	[spmem:s2] =	stream.indirect.scatter.add.f32 [tilespmem:s12], [sflag:$0x1A], $0x20, s10, s8, $0xb8;
	[tilespmem:$0x19640] =	vst v63  }
0x20b: {  	_ =	swait.ge [sflag:s16], $0xA00  }
0x20c: {  	[sflag:s16] =	ssyncset.done $0x0  }
0x20d: {  	s20 =	simm.s32 $0xA;
	[sflag:s16] =	ssyncadd.s32 $0xFFFFF600  }
0x20e: {  	_ =	swait.ge [sflag:s20], $0xA00  }
0x20f: {  	[sflag:s20] =	ssyncset.done $0x0  }
0x210: {  	s0 =	simm.s32 @p2 $0xA820;
	[sflag:s20] =	ssyncadd.s32 $0xFFFFF600  }
0x211: {  	[spmem:s2] =	stream.indirect.scatter.add.f32 @p2 [tilespmem:s0], [sflag:$0x1A], $0x20, s6, s26, $0xb8;
	[tilespmem:$0x19640] =	vst v63  }
0x212: {  	_ =	swait.ge @p2 [sflag:s31], $0xA00  }
0x213: {  	[sflag:s31] =	ssyncset.done @p2 $0x0  }
0x214: {  	s0 =	simm.s32 @p2 $0xB;
	[sflag:s31] =	ssyncadd.s32 @p2 $0xFFFFF600  }
0x215: {  	_ =	swait.ge @p2 [sflag:s0], $0xA00  }
0x216: {  	[sflag:s0] =	ssyncset.done @p2 $0x0  }
0x217: {  	s1 =	simm.s32 @!p2 $0x9E20;
	[sflag:s0] =	ssyncadd.s32 @p2 $0xFFFFF600  }
0x218: {  	[tilespmem:s1], [sflag:$0x9] =	stream.indirect.gather @!p2 [hbm4b:s4+s22], $0x20, s23, s22, $0xb8;
	[tilespmem:$0x19640] =	vst v63  }
0x219: {  	s0 =	simm.s32 @!p2 $0xA820  }
0x21a: {  	[spmem:s2] =	stream.indirect.scatter.add.f32 @!p2 [tilespmem:s0], [sflag:$0x1A], $0x20, s24, s22, $0xb8;
	[tilespmem:$0x19640] =	vst v63  }
0x21b: {  	_ =	swait.ge @!p2 [sflag:s21], $0xA00  }
0x21c: {  	[sflag:s21] =	ssyncset.done @!p2 $0x0  }
0x21d: {  	s1 =	simm.s32 @!p2 $0xB;
	[sflag:s21] =	ssyncadd.s32 @!p2 $0xFFFFF600  }
0x21e: {  	_ =	swait.ge @!p2 [sflag:s1], $0xA00  }
0x21f: {  	[sflag:s1] =	ssyncset.done @!p2 $0x0  }
0x220: {  	s5 =	rddreg [dreg:$0x1d];
	[sflag:s1] =	ssyncadd.s32 @!p2 $0xFFFFF600  }
0x221: {  	[tilespmem:s0], [sflag:$0xA] =	stream.indirect.gather @!p2 [hbm4b:s4+s22], $0x20, s5, s22, $0xb8;
	[tilespmem:$0x19640] =	vst v63  }
0x222: {  	s13 =	simm.s32 $0xB220;
	s25 =	sadd.s32 $0x2A30, s19  }
0x223: {  	[spmem:s2] =	stream.indirect.scatter.add.f32 [tilespmem:s13], [sflag:$0x1A], $0x20, s25, s8, $0xb8;
	[tilespmem:$0x19640] =	vst v63  }
0x224: {  	_ =	swait.ge [sflag:s16], $0xA00  }
0x225: {  	[sflag:s16] =	ssyncset.done $0x0  }
0x226: {  	s6 =	simm.s32 $0xC;
	[sflag:s16] =	ssyncadd.s32 $0xFFFFF600  }
0x227: {  	_ =	swait.ge [sflag:s6], $0xA00  }
0x228: {  	[sflag:s6] =	ssyncset.done $0x0  }
0x229: {  	s0 =	simm.s32 @p2 $0xBC20;
	s1 =	rddreg [dreg:$0x1c];
	[sflag:s6] =	ssyncadd.s32 $0xFFFFF600  }
0x22a: {  	[spmem:s2] =	stream.indirect.scatter.add.f32 @p2 [tilespmem:s0], [sflag:$0x1A], $0x20, s1, s26, $0xb8;
	[tilespmem:$0x19640] =	vst v63  }
0x22b: {  	_ =	swait.ge @p2 [sflag:s31], $0xA00  }
0x22c: {  	[sflag:s31] =	ssyncset.done @p2 $0x0  }
0x22d: {  	s0 =	simm.s32 @p2 $0xD;
	[sflag:s31] =	ssyncadd.s32 @p2 $0xFFFFF600  }
0x22e: {  	_ =	swait.ge @p2 [sflag:s0], $0xA00  }
0x22f: {  	[sflag:s0] =	ssyncset.done @p2 $0x0  }
0x230: {  	s1 =	simm.s32 @!p2 $0xB220;
	s5 =	rddreg [dreg:$0x1b];
	[sflag:s0] =	ssyncadd.s32 @p2 $0xFFFFF600  }
0x231: {  	[tilespmem:s1], [sflag:$0xB] =	stream.indirect.gather @!p2 [hbm4b:s4+s22], $0x20, s5, s22, $0xb8;
	[tilespmem:$0x19640] =	vst v63  }
0x232: {  	s0 =	simm.s32 @!p2 $0xBC20  }
0x233: {  	[spmem:s2] =	stream.indirect.scatter.add.f32 @!p2 [tilespmem:s0], [sflag:$0x1A], $0x20, s30, s22, $0xb8;
	[tilespmem:$0x19640] =	vst v63  }
0x234: {  	_ =	swait.ge @!p2 [sflag:s21], $0xA00  }
0x235: {  	[sflag:s21] =	ssyncset.done @!p2 $0x0  }
0x236: {  	s1 =	simm.s32 @!p2 $0xD;
	[sflag:s21] =	ssyncadd.s32 @!p2 $0xFFFFF600  }
0x237: {  	_ =	swait.ge @!p2 [sflag:s1], $0xA00  }
0x238: {  	[sflag:s1] =	ssyncset.done @!p2 $0x0  }
0x239: {  	s5 =	rddreg [dreg:$0x1a];
	[sflag:s1] =	ssyncadd.s32 @!p2 $0xFFFFF600  }
0x23a: {  	[tilespmem:s0], [sflag:$0xC] =	stream.indirect.gather @!p2 [hbm4b:s4+s22], $0x20, s5, s22, $0xb8;
	[tilespmem:$0x19640] =	vst v63  }
0x23b: {  	s15 =	simm.s32 $0xC620;
	s7 =	sadd.s32 $0x2AD0, s19  }
0x23c: {  	[spmem:s2] =	stream.indirect.scatter.add.f32 [tilespmem:s15], [sflag:$0x1A], $0x20, s7, s8, $0xb8;
	[tilespmem:$0x19640] =	vst v63  }
0x23d: {  	_ =	swait.ge [sflag:s16], $0xA00  }
0x23e: {  	[sflag:s16] =	ssyncset.done $0x0  }
0x23f: {  	s10 =	simm.s32 $0xE;
	[sflag:s16] =	ssyncadd.s32 $0xFFFFF600  }
0x240: {  	_ =	swait.ge [sflag:s10], $0xA00  }
0x241: {  	[sflag:s10] =	ssyncset.done $0x0  }
0x242: {  	s0 =	simm.s32 @p2 $0xD020;
	s1 =	rddreg [dreg:$0x19];
	[sflag:s10] =	ssyncadd.s32 $0xFFFFF600  }
0x243: {  	[spmem:s2] =	stream.indirect.scatter.add.f32 @p2 [tilespmem:s0], [sflag:$0x1A], $0x20, s1, s26, $0xb8;
	[tilespmem:$0x19640] =	vst v63  }
0x244: {  	_ =	swait.ge @p2 [sflag:s31], $0xA00  }
0x245: {  	[sflag:s31] =	ssyncset.done @p2 $0x0  }
0x246: {  	s0 =	simm.s32 @p2 $0xF;
	[sflag:s31] =	ssyncadd.s32 @p2 $0xFFFFF600  }
0x247: {  	_ =	swait.ge @p2 [sflag:s0], $0xA00  }
0x248: {  	[sflag:s0] =	ssyncset.done @p2 $0x0  }
0x249: {  	s1 =	simm.s32 @!p2 $0xC620;
	s5 =	rddreg [dreg:$0x18];
	[sflag:s0] =	ssyncadd.s32 @p2 $0xFFFFF600  }
0x24a: {  	[tilespmem:s1], [sflag:$0xD] =	stream.indirect.gather @!p2 [hbm4b:s4+s22], $0x20, s5, s22, $0xb8;
	[tilespmem:$0x19640] =	vst v63  }
0x24b: {  	s0 =	simm.s32 @!p2 $0xD020;
	s1 =	rddreg [dreg:$0x17]  }
0x24c: {  	[spmem:s2] =	stream.indirect.scatter.add.f32 @!p2 [tilespmem:s0], [sflag:$0x1A], $0x20, s1, s22, $0xb8;
	[tilespmem:$0x19640] =	vst v63  }
0x24d: {  	_ =	swait.ge @!p2 [sflag:s21], $0xA00  }
0x24e: {  	[sflag:s21] =	ssyncset.done @!p2 $0x0  }
0x24f: {  	s1 =	simm.s32 @!p2 $0xF;
	[sflag:s21] =	ssyncadd.s32 @!p2 $0xFFFFF600  }
0x250: {  	_ =	swait.ge @!p2 [sflag:s1], $0xA00  }
0x251: {  	[sflag:s1] =	ssyncset.done @!p2 $0x0  }
0x252: {  	s5 =	rddreg [dreg:$0x16];
	[sflag:s1] =	ssyncadd.s32 @!p2 $0xFFFFF600  }
0x253: {  	[tilespmem:s0], [sflag:$0xE] =	stream.indirect.gather @!p2 [hbm4b:s4+s22], $0x20, s5, s22, $0xb8;
	[tilespmem:$0x19640] =	vst v63  }
0x254: {  	s17 =	simm.s32 $0xDA20;
	s30 =	sadd.s32 $0x2B70, s19  }
0x255: {  	[spmem:s2] =	stream.indirect.scatter.add.f32 [tilespmem:s17], [sflag:$0x1A], $0x20, s30, s8, $0xb8;
	[tilespmem:$0x19640] =	vst v63  }
0x256: {  	_ =	swait.ge [sflag:s16], $0xA00  }
0x257: {  	[sflag:s16] =	ssyncset.done $0x0  }
0x258: {  	s6 =	simm.s32 $0x10;
	[sflag:s16] =	ssyncadd.s32 $0xFFFFF600  }
0x259: {  	_ =	swait.ge [sflag:s6], $0xA00  }
0x25a: {  	[sflag:s6] =	ssyncset.done $0x0  }
0x25b: {  	s0 =	simm.s32 @p2 $0xE420;
	s1 =	rddreg [dreg:$0x15];
	[sflag:s6] =	ssyncadd.s32 $0xFFFFF600  }
0x25c: {  	[spmem:s2] =	stream.indirect.scatter.add.f32 @p2 [tilespmem:s0], [sflag:$0x1A], $0x20, s1, s26, $0xb8;
	[tilespmem:$0x19640] =	vst v63  }
0x25d: {  	_ =	swait.ge @p2 [sflag:s31], $0xA00  }
0x25e: {  	[sflag:s31] =	ssyncset.done @p2 $0x0  }
0x25f: {  	s0 =	simm.s32 @p2 $0x11;
	[sflag:s31] =	ssyncadd.s32 @p2 $0xFFFFF600  }
0x260: {  	_ =	swait.ge @p2 [sflag:s0], $0xA00  }
0x261: {  	[sflag:s0] =	ssyncset.done @p2 $0x0  }
0x262: {  	s1 =	simm.s32 @!p2 $0xDA20;
	s5 =	rddreg [dreg:$0x14];
	[sflag:s0] =	ssyncadd.s32 @p2 $0xFFFFF600  }
0x263: {  	[tilespmem:s1], [sflag:$0xF] =	stream.indirect.gather @!p2 [hbm4b:s4+s22], $0x20, s5, s22, $0xb8;
	[tilespmem:$0x19640] =	vst v63  }
0x264: {  	s0 =	simm.s32 @!p2 $0xE420;
	s1 =	rddreg [dreg:$0x13]  }
0x265: {  	[spmem:s2] =	stream.indirect.scatter.add.f32 @!p2 [tilespmem:s0], [sflag:$0x1A], $0x20, s1, s22, $0xb8;
	[tilespmem:$0x19640] =	vst v63  }
0x266: {  	_ =	swait.ge @!p2 [sflag:s21], $0xA00  }
0x267: {  	[sflag:s21] =	ssyncset.done @!p2 $0x0  }
0x268: {  	s1 =	simm.s32 @!p2 $0x11;
	[sflag:s21] =	ssyncadd.s32 @!p2 $0xFFFFF600  }
0x269: {  	_ =	swait.ge @!p2 [sflag:s1], $0xA00  }
0x26a: {  	[sflag:s1] =	ssyncset.done @!p2 $0x0  }
0x26b: {  	s5 =	rddreg [dreg:$0x12];
	[sflag:s1] =	ssyncadd.s32 @!p2 $0xFFFFF600  }
0x26c: {  	[tilespmem:s0], [sflag:$0x10] =	stream.indirect.gather @!p2 [hbm4b:s4+s22], $0x20, s5, s22, $0xb8;
	[tilespmem:$0x19640] =	vst v63  }
0x26d: {  	s18 =	simm.s32 $0xEE20;
	s7 =	sadd.s32 $0x2C10, s19  }
0x26e: {  	[spmem:s2] =	stream.indirect.scatter.add.f32 [tilespmem:s18], [sflag:$0x1A], $0x20, s7, s8, $0xb8;
	[tilespmem:$0x19640] =	vst v63  }
0x26f: {  	_ =	swait.ge [sflag:s16], $0xA00  }
0x270: {  	[sflag:s16] =	ssyncset.done $0x0  }
0x271: {  	s10 =	simm.s32 $0x12;
	[sflag:s16] =	ssyncadd.s32 $0xFFFFF600  }
0x272: {  	_ =	swait.ge [sflag:s10], $0xA00  }
0x273: {  	[sflag:s10] =	ssyncset.done $0x0  }
0x274: {  	s0 =	simm.s32 @p2 $0xF820;
	s1 =	rddreg [dreg:$0x11];
	[sflag:s10] =	ssyncadd.s32 $0xFFFFF600  }
0x275: {  	[spmem:s2] =	stream.indirect.scatter.add.f32 @p2 [tilespmem:s0], [sflag:$0x1A], $0x20, s1, s26, $0xb8;
	[tilespmem:$0x19640] =	vst v63  }
0x276: {  	_ =	swait.ge @p2 [sflag:s31], $0xA00  }
0x277: {  	[sflag:s31] =	ssyncset.done @p2 $0x0  }
0x278: {  	s0 =	simm.s32 @p2 $0x13;
	[sflag:s31] =	ssyncadd.s32 @p2 $0xFFFFF600  }
0x279: {  	_ =	swait.ge @p2 [sflag:s0], $0xA00  }
0x27a: {  	[sflag:s0] =	ssyncset.done @p2 $0x0  }
0x27b: {  	s1 =	simm.s32 @!p2 $0xEE20;
	s5 =	rddreg [dreg:$0xf];
	[sflag:s0] =	ssyncadd.s32 @p2 $0xFFFFF600  }
0x27c: {  	[tilespmem:s1], [sflag:$0x11] =	stream.indirect.gather @!p2 [hbm4b:s4+s22], $0x20, s5, s22, $0xb8;
	[tilespmem:$0x19640] =	vst v63  }
0x27d: {  	s0 =	simm.s32 @!p2 $0xF820;
	s1 =	rddreg [dreg:$0x10]  }
0x27e: {  	[spmem:s2] =	stream.indirect.scatter.add.f32 @!p2 [tilespmem:s0], [sflag:$0x1A], $0x20, s1, s22, $0xb8;
	[tilespmem:$0x19640] =	vst v63  }
0x27f: {  	_ =	swait.ge @!p2 [sflag:s21], $0xA00  }
0x280: {  	[sflag:s21] =	ssyncset.done @!p2 $0x0  }
0x281: {  	s1 =	simm.s32 @!p2 $0x13;
	[sflag:s21] =	ssyncadd.s32 @!p2 $0xFFFFF600  }
0x282: {  	_ =	swait.ge @!p2 [sflag:s1], $0xA00  }
0x283: {  	[sflag:s1] =	ssyncset.done @!p2 $0x0  }
0x284: {  	s5 =	rddreg [dreg:$0xe];
	[sflag:s1] =	ssyncadd.s32 @!p2 $0xFFFFF600  }
0x285: {  	[tilespmem:s0], [sflag:$0x12] =	stream.indirect.gather @!p2 [hbm4b:s4+s22], $0x20, s5, s22, $0xb8;
	[tilespmem:$0x19640] =	vst v63  }
0x286: {  	s20 =	simm.s32 $0x10220;
	s30 =	sadd.s32 $0x2CB0, s19  }
0x287: {  	[spmem:s2] =	stream.indirect.scatter.add.f32 [tilespmem:s20], [sflag:$0x1A], $0x20, s30, s8, $0xb8;
	[tilespmem:$0x19640] =	vst v63  }
0x288: {  	_ =	swait.ge [sflag:s16], $0xA00  }
0x289: {  	[sflag:s16] =	ssyncset.done $0x0  }
0x28a: {  	s5 =	simm.s32 $0x14;
	[sflag:s16] =	ssyncadd.s32 $0xFFFFF600  }
0x28b: {  	_ =	swait.ge [sflag:s5], $0xA00  }
0x28c: {  	[sflag:s5] =	ssyncset.done $0x0  }
0x28d: {  	s0 =	simm.s32 @p2 $0x10C20;
	s1 =	rddreg [dreg:$0xd];
	[sflag:s5] =	ssyncadd.s32 $0xFFFFF600  }
0x28e: {  	[spmem:s2] =	stream.indirect.scatter.add.f32 @p2 [tilespmem:s0], [sflag:$0x1A], $0x20, s1, s26, $0xb8;
	[tilespmem:$0x19640] =	vst v63  }
0x28f: {  	_ =	swait.ge @p2 [sflag:s31], $0xA00  }
0x290: {  	[sflag:s31] =	ssyncset.done @p2 $0x0  }
0x291: {  	s0 =	simm.s32 @p2 $0x15;
	[sflag:s31] =	ssyncadd.s32 @p2 $0xFFFFF600  }
0x292: {  	_ =	swait.ge @p2 [sflag:s0], $0xA00  }
0x293: {  	[sflag:s0] =	ssyncset.done @p2 $0x0  }
0x294: {  	s1 =	simm.s32 @!p2 $0x10220;
	s5 =	rddreg [dreg:$0xb];
	[sflag:s0] =	ssyncadd.s32 @p2 $0xFFFFF600  }
0x295: {  	[tilespmem:s1], [sflag:$0x13] =	stream.indirect.gather @!p2 [hbm4b:s4+s22], $0x20, s5, s22, $0xb8;
	[tilespmem:$0x19640] =	vst v63  }
0x296: {  	s0 =	simm.s32 @!p2 $0x10C20;
	s1 =	rddreg [dreg:$0xc]  }
0x297: {  	[spmem:s2] =	stream.indirect.scatter.add.f32 @!p2 [tilespmem:s0], [sflag:$0x1A], $0x20, s1, s22, $0xb8;
	[tilespmem:$0x19640] =	vst v63  }
0x298: {  	_ =	swait.ge @!p2 [sflag:s21], $0xA00  }
0x299: {  	[sflag:s21] =	ssyncset.done @!p2 $0x0  }
0x29a: {  	s1 =	simm.s32 @!p2 $0x15;
	[sflag:s21] =	ssyncadd.s32 @!p2 $0xFFFFF600  }
0x29b: {  	_ =	swait.ge @!p2 [sflag:s1], $0xA00  }
0x29c: {  	[sflag:s1] =	ssyncset.done @!p2 $0x0  }
0x29d: {  	s5 =	rddreg [dreg:$0xa];
	[sflag:s1] =	ssyncadd.s32 @!p2 $0xFFFFF600  }
0x29e: {  	[tilespmem:s0], [sflag:$0x14] =	stream.indirect.gather @!p2 [hbm4b:s4+s22], $0x20, s5, s22, $0xb8;
	[tilespmem:$0x19640] =	vst v63  }
0x29f: {  	s23 =	simm.s32 $0x11620;
	s6 =	sadd.s32 $0x2D50, s19  }
0x2a0: {  	[spmem:s2] =	stream.indirect.scatter.add.f32 [tilespmem:s23], [sflag:$0x1A], $0x20, s6, s8, $0xb8;
	[tilespmem:$0x19640] =	vst v63  }
0x2a1: {  	_ =	swait.ge [sflag:s16], $0xA00  }
0x2a2: {  	[sflag:s16] =	ssyncset.done $0x0  }
0x2a3: {  	s7 =	simm.s32 $0x16;
	[sflag:s16] =	ssyncadd.s32 $0xFFFFF600  }
0x2a4: {  	_ =	swait.ge [sflag:s7], $0xA00  }
0x2a5: {  	[sflag:s7] =	ssyncset.done $0x0  }
0x2a6: {  	s0 =	simm.s32 @p2 $0x12020;
	s1 =	rddreg [dreg:$0x9];
	[sflag:s7] =	ssyncadd.s32 $0xFFFFF600  }
0x2a7: {  	[spmem:s2] =	stream.indirect.scatter.add.f32 @p2 [tilespmem:s0], [sflag:$0x1A], $0x20, s1, s26, $0xb8;
	[tilespmem:$0x19640] =	vst v63  }
0x2a8: {  	_ =	swait.ge @p2 [sflag:s31], $0xA00  }
0x2a9: {  	[sflag:s31] =	ssyncset.done @p2 $0x0  }
0x2aa: {  	s0 =	simm.s32 @p2 $0x17;
	[sflag:s31] =	ssyncadd.s32 @p2 $0xFFFFF600  }
0x2ab: {  	_ =	swait.ge @p2 [sflag:s0], $0xA00  }
0x2ac: {  	[sflag:s0] =	ssyncset.done @p2 $0x0  }
0x2ad: {  	s1 =	simm.s32 @!p2 $0x11620;
	s5 =	rddreg [dreg:$0x8];
	[sflag:s0] =	ssyncadd.s32 @p2 $0xFFFFF600  }
0x2ae: {  	[tilespmem:s1], [sflag:$0x15] =	stream.indirect.gather @!p2 [hbm4b:s4+s22], $0x20, s5, s22, $0xb8;
	[tilespmem:$0x19640] =	vst v63  }
0x2af: {  	s0 =	simm.s32 @!p2 $0x12020;
	s1 =	rddreg [dreg:$0x7]  }
0x2b0: {  	[spmem:s2] =	stream.indirect.scatter.add.f32 @!p2 [tilespmem:s0], [sflag:$0x1A], $0x20, s1, s22, $0xb8;
	[tilespmem:$0x19640] =	vst v63  }
0x2b1: {  	_ =	swait.ge @!p2 [sflag:s21], $0xA00  }
0x2b2: {  	[sflag:s21] =	ssyncset.done @!p2 $0x0  }
0x2b3: {  	s1 =	simm.s32 @!p2 $0x17;
	[sflag:s21] =	ssyncadd.s32 @!p2 $0xFFFFF600  }
0x2b4: {  	_ =	swait.ge @!p2 [sflag:s1], $0xA00  }
0x2b5: {  	[sflag:s1] =	ssyncset.done @!p2 $0x0  }
0x2b6: {  	s5 =	rddreg [dreg:$0x6];
	[sflag:s1] =	ssyncadd.s32 @!p2 $0xFFFFF600  }
0x2b7: {  	[tilespmem:s0], [sflag:$0x16] =	stream.indirect.gather @!p2 [hbm4b:s4+s22], $0x20, s5, s22, $0xb8;
	[tilespmem:$0x19640] =	vst v63  }
0x2b8: {  	s24 =	simm.s32 $0x12A20;
	s10 =	sadd.s32 $0x2DF0, s19  }
0x2b9: {  	[spmem:s2] =	stream.indirect.scatter.add.f32 [tilespmem:s24], [sflag:$0x1A], $0x20, s10, s8, $0xb8;
	[tilespmem:$0x19640] =	vst v63  }
0x2ba: {  	_ =	swait.ge [sflag:s16], $0xA00  }
0x2bb: {  	[sflag:s16] =	ssyncset.done $0x0  }
0x2bc: {  	s30 =	simm.s32 $0x18;
	[sflag:s16] =	ssyncadd.s32 $0xFFFFF600  }
0x2bd: {  	_ =	swait.ge [sflag:s30], $0xA00  }
0x2be: {  	[sflag:s30] =	ssyncset.done $0x0  }
0x2bf: {  	s0 =	simm.s32 @p2 $0x13420;
	s1 =	rddreg [dreg:$0x5];
	[sflag:s30] =	ssyncadd.s32 $0xFFFFF600  }
0x2c0: {  	[spmem:s2] =	stream.indirect.scatter.add.f32 @p2 [tilespmem:s0], [sflag:$0x1A], $0x20, s1, s26, $0xb8;
	[tilespmem:$0x19640] =	vst v63  }
0x2c1: {  	_ =	swait.ge @p2 [sflag:s31], $0xA00  }
0x2c2: {  	[sflag:s31] =	ssyncset.done @p2 $0x0  }
0x2c3: {  	s0 =	simm.s32 @p2 $0x19;
	[sflag:s31] =	ssyncadd.s32 @p2 $0xFFFFF600  }
0x2c4: {  	_ =	swait.ge @p2 [sflag:s0], $0xA00  }
0x2c5: {  	[sflag:s0] =	ssyncset.done @p2 $0x0  }
0x2c6: {  	s1 =	simm.s32 @!p2 $0x12A20;
	s5 =	rddreg [dreg:$0x4];
	[sflag:s0] =	ssyncadd.s32 @p2 $0xFFFFF600  }
0x2c7: {  	[tilespmem:s1], [sflag:$0x17] =	stream.indirect.gather @!p2 [hbm4b:s4+s22], $0x20, s5, s22, $0xb8;
	[tilespmem:$0x19640] =	vst v63  }
0x2c8: {  	s0 =	simm.s32 @!p2 $0x13420;
	s1 =	rddreg [dreg:$0x3]  }
0x2c9: {  	[spmem:s2] =	stream.indirect.scatter.add.f32 @!p2 [tilespmem:s0], [sflag:$0x1A], $0x20, s1, s22, $0xb8;
	[tilespmem:$0x19640] =	vst v63  }
0x2ca: {  	_ =	swait.ge @!p2 [sflag:s21], $0xA00  }
0x2cb: {  	[sflag:s21] =	ssyncset.done @!p2 $0x0  }
0x2cc: {  	s1 =	simm.s32 @!p2 $0x19;
	[sflag:s21] =	ssyncadd.s32 @!p2 $0xFFFFF600  }
0x2cd: {  	s29 =	sadd.s32 $0x1F40, s29;
	_ =	swait.ge @!p2 [sflag:s1], $0xA00  }
0x2ce: {  	p1 =	sne.s32 s29, $0x9C40;
	[sflag:s1] =	ssyncset.done @!p2 $0x0  }
.Ltmp0:
0x2cf: {  	[sflag:s1] =	ssyncadd.s32 @!p2 $0xFFFFF600;
	(pc) =	sbr.rel @p1 .LBB2_2-.Ltmp0, $4  }
0x2d0: {  	[tilespmem:s0], [sflag:$0x18] =	stream.indirect.gather @!p2 [hbm4b:s4+s22], $0x20, s3, s22, $0xb8;
	[tilespmem:$0x19640] =	vst v63  }
0x2d1: {  	s9 =	simm.s32 $0x4E20;
	s31 =	sadd.s32 $0x2E90, s19;
	s22 =	simm.s32 $0x13E20  }
0x2d2: {  	[spmem:s2] =	stream.indirect.scatter.add.f32 [tilespmem:s22], [sflag:$0x1A], $0x20, s31, s8, $0xb8;
	[tilespmem:$0x19640] =	vst v63  }
0x2d3: {  	s25 =	simm.s32 $0x2;
	s21 =	simm.s32 $0x1;
	_ =	swait.ge [sflag:s16], $0xA00  }
0x2d4: {  	[sflag:s16] =	ssyncset.done $0x0  }
0x2d5: {  	[sflag:s16] =	ssyncadd.s32 $0xFFFFF600  }
0x2d6: {  	[bflag:$0x0] =	sbarrier.arrive $0xFFFF  }
0x2d7: {  	s0 =	stileid.u32;
	s3 =	sld [smem:$0x7F8]  }
0x2d8: {  	s0 =	sshll.u32 s0, $0x6;
	s1 =	rddreg [dreg:$0x1f]  }
0x2d9: {  	s0 =	sor.u32 $0x1C1A, s0;
	s1 =	sshrl.u32 s1, $0x3  }
0x2da: {  	[hbm:s3], [sflag:s0] =	dma.local [spmem:s1], $0x9C4  }
0x2db: {  	_ =	swait.ge [sflag:s16], $0x9C4  }
0x2dc: {  	s19 =	sld [smem:$0x7F4]  }
0x2dd: {  	s26 =	sld [smem:$0x7F9];
	_ =	sdelay $0x1  }
0x2de: {  	s1 =	sadd.s32 $0x1, s19  }
0x2df: {  	p1 =	sne.s32 s1, s26  }
.Ltmp1:
0x2e0: {  	_ = 	snop;
	(pc) =	sbr.rel @p1 .LBB2_1-.Ltmp1, $4  }
0x2e1: {  	_ = 	snop  }
0x2e2: {  	s10 =	simm.s32 $0x6220;
	s29 =	simm.s32 $0xA  }
0x2e3: {  	s30 =	simm.s32 $0xC;
	s31 =	simm.s32 $0xE;
	[sflag:s16] =	ssyncset.done $0x0  }
0x2e4: {  	[sflag:s16] =	ssyncadd.s32 $0xFFFFF63C;
	s19 =	simm.s32 $0x4;
	s26 =	simm.s32 $0x8  }
0x2e5: {  	_ =	sfence.sel $0x180000  }
0x2e6: {  	[bflag:$0x0] =	sbarrier.arrive $0xFFFF  }
0x2e7: {  	_ =	strace $0x9000004D  }
0x2e8: {  	s0 =	stileid.u32;
	[bflag:$0x2] =	sbarrier.arrive $0xFFFF  }
0x2e9: {  	p0 =	sne.s32 s0, $0x0;
	s0 =	rddreg [dreg:$0x2]  }
0x2ea: {  	s0 =	sadd.s32 @!p0 $0x100000, s0  }
0x2eb: {  	[sflag:s0] =	ssyncadd.tile.s32 @!p0 $0x1;
	_ =	shalt  }
.Lfunc_end2:
_tile_overlayer_lowered:
.L_overlay_start_2:
0x2ec: {  	(tag) =	ssettag $0x2  }
0x2ed: {  	s0 =	rddreg [dreg:$0x0];
	s2 =	stileid.u32  }
0x2ee: {  	s1 =	rddreg [dreg:$0x1];
	p0 =	sne.s32 s2, $0x0  }
0x2ef: {  	s3 =	rddreg [dreg:$0x2];
	[bflag:$0x3] =	sbarrier.arrive $0xFFFF;
	s2 =	simm.s32 @!p0 $0x1C1A  }
0x2f0: {  	[timem:s3], [sflag:s2] =	dma.local @!p0 [hbm:s0], s1  }
0x2f1: {  	s0 =	simm.s32 @!p0 $0x1A  }
0x2f2: {  	_ =	swait.ge @!p0 [sflag:s0], s1  }
0x2f3: {  	s1 =	ssub.s32 @!p0 $0x0, s1;
	[sflag:s0] =	ssyncset.done @!p0 $0x0  }
0x2f4: {  	[sflag:s0] =	ssyncadd.s32 @!p0 s1  }
0x2f5: {  	[bflag:$0x3] =	sbarrier.arrive $0xFFFF  }
0x2f6: {  	_ =	shalt  }

// kernel: kernel.8.cloned.1.call-start
scs
__scs_entry_jumppad:
0x0: {  	(pc) =	sbr.rel $0x88, $3  }
0x1: {  	(tag) =	ssettag $0x0;
	lr =	simm.s32 $0x1  }
0x2: {  	[smem:$0x3F88] =	sst lr;
	_ =	strace $0xD0000000  }
0x3: {  	_ = 	snop  }
0x4: {  	_ = 	snop  }
0x5: {  	_ = 	snop  }
0x6: {  	_ = 	snop  }
0x7: {  	_ = 	snop  }
__scs_overlays_trampoline_lowered:
0x8: {  	[smem:$0x3F97] =	sst s0  }
0x9: {  	[smem:$0x3F98] =	sst s1  }
0xa: {  	[smem:$0x3F99] =	sst s2  }
0xb: {  	[smem:$0x3F9A] =	sst s3  }
0xc: {  	[smem:$0x3F9B] =	sst s4  }
0xd: {  	[smem:$0x3F9C] =	sst s5  }
0xe: {  	[smem:$0x3F9D] =	sst s6  }
0xf: {  	[smem:$0x3F9E] =	sst s7  }
0x10: {  	[smem:$0x3F9F] =	sst s8  }
0x11: {  	[smem:$0x3FA0] =	sst s9;
	s0 =	simm.s32 @!p0 $0x0  }
0x12: {  	s1 =	sld [smem:$0x3F86];
	s0 =	simm.s32 @p0 $0x1  }
0x13: {  	[smem:$0x3FA1] =	sst s0;
	s0 =	simm.s32 @!p1 $0x0  }
0x14: {  	s2 =	sld [smem:$0x3F85];
	s0 =	simm.s32 @p1 $0x1  }
0x15: {  	[smem:$0x3FA2] =	sst s0;
	s0 =	simm.s32 @!p2 $0x0  }
0x16: {  	s3 =	sld [smem:$0x3FDB];
	s0 =	simm.s32 @p2 $0x1  }
0x17: {  	s4 =	simm.s32 $0x1BF5;
	[smem:$0x3FA4] =	sst s0  }
0x18: {  	s0 =	sld [smem:$0x3F87];
	_ =	swait.ge [sflag:s4], $0x0  }
0x19: {  	s7 =	sld [smem:$0x3F88]  }
0x1a: {  	s8 =	sadd.s32 $0xFFFFE003, lr  }
0x1b: {  	s9 =	sadd.s32 $0xFFFFFEF7, lr;
	s5 =	simm.s32 $0xFFFFFFFF;
	p2 =	slt.u32 s8, $0xFFFFF086  }
0x1c: {  	p1 =	slt.u32 s9, $0xF7A;
	s5 =	simm.s32 @!p2 $0x0  }
0x1d: {  	s5 =	simm.s32 @p1 $0x1;
	p0 =	seq.s32 s7, s2  }
0x1e: {  	s7 =	smul.u32 @!p0 $0xF7A, s2;
	p2 =	seq.s32 @!p0 s5, $0x0  }
0x1f: {  	s9 =	smul.u32 $0xF7A, s1;
	s8 =	simm.s32 @!p0 $0x1BF5;
	p2 =	por !p2, p0  }
0x20: {  	[sflag:s8] =	ssyncset.s32 @!p0 $0xFFFFF086;
	s6 =	sadd.s32 @!p0 s3, s7;
	s7 =	simm.s32 @!p0 $0x108  }
0x21: {  	s3 =	sadd.s32 s3, s9;
	s6 =	sadd.s32 @!p0 $0x88, s6;
	s7 =	simm.s32 @p2 $0x1082  }
0x22: {  	[simem:s7], [sflag:s8] =	dma.local @!p0 [hbm:s6], $0xF7A  }
0x23: {  	s9 =	sor.u32 $0xD0000000, s2;
	s6 =	simm.s32 $0x108;
	_ =	swait.ge @!p0 [sflag:s8], $0x0  }
0x24: {  	s3 =	sadd.s32 $0x88, s3;
	s6 =	simm.s32 @!p1 $0x1082;
	[sflag:s4] =	ssyncset.s32 $0xFFFFF086  }
0x25: {  	[simem:s6], [sflag:s4] =	dma.local [hbm:s3], $0xF7A  }
0x26: {  	[smem:$0x3F88] =	sst s1;
	(tag) =	ssettag s2;
	_ =	strace s9  }
0x27: {  	s1 =	sld [smem:$0x3F98]  }
0x28: {  	s2 =	sld [smem:$0x3F99]  }
0x29: {  	s4 =	sld [smem:$0x3F9B]  }
0x2a: {  	p0 =	seq.s32 s5, $0x0;
	s5 =	sld [smem:$0x3F9C]  }
0x2b: {  	s6 =	sld [smem:$0x3F9D]  }
0x2c: {  	s7 =	sld [smem:$0x3F9E]  }
0x2d: {  	s3 =	simm.s32 $0x108;
	s8 =	sld [smem:$0x3F9F]  }
0x2e: {  	s3 =	simm.s32 @!p0 $0x1082;
	s9 =	sld [smem:$0x3FA0]  }
0x2f: {  	lr =	sadd.s32 s0, s3;
	s0 =	sld [smem:$0x3F97]  }
0x30: {  	s3 =	sld [smem:$0x3F9A]  }
0x31: {  	[smem:$0x3FA3] =	sst s10  }
0x32: {  	s10 =	sld [smem:$0x3FA1];
	_ =	sdelay $0x3  }
0x33: {  	p0 =	seq.s32 s10, $0x1;
	s10 =	sld [smem:$0x3FA3];
	_ =	sdelay $0x3  }
0x34: {  	[smem:$0x3FA3] =	sst s10  }
0x35: {  	s10 =	sld [smem:$0x3FA2];
	_ =	sdelay $0x3  }
0x36: {  	p1 =	seq.s32 s10, $0x1;
	s10 =	sld [smem:$0x3FA3];
	_ =	sdelay $0x3  }
0x37: {  	[smem:$0x3FA3] =	sst s10  }
0x38: {  	s10 =	sld [smem:$0x3FA4]  }
0x39: {  	_ = 	snop;
	(pc) =	sbr.ind lr, $3  }
0x3a: {  	_ = 	snop  }
0x3b: {  	_ = 	snop  }
0x3c: {  	p2 =	seq.s32 s10, $0x1;
	s10 =	sld [smem:$0x3FA3]  }
0x3d: {  	_ =	shalt  }
0x3e: {  	_ =	shalt  }
0x3f: {  	_ =	shalt  }
0x40: {  	_ =	shalt  }
0x41: {  	_ =	shalt  }
0x42: {  	_ =	shalt  }
0x43: {  	_ =	shalt  }
0x44: {  	_ =	shalt  }
0x45: {  	_ =	shalt  }
0x46: {  	_ =	shalt  }
0x47: {  	_ =	shalt  }
0x48: {  	_ =	shalt  }
0x49: {  	_ =	shalt  }
0x4a: {  	_ =	shalt  }
0x4b: {  	_ =	shalt  }
0x4c: {  	_ =	shalt  }
0x4d: {  	_ =	shalt  }
0x4e: {  	_ =	shalt  }
0x4f: {  	_ =	shalt  }
0x50: {  	_ =	shalt  }
0x51: {  	_ =	shalt  }
0x52: {  	_ =	shalt  }
0x53: {  	_ =	shalt  }
0x54: {  	_ =	shalt  }
0x55: {  	_ =	shalt  }
0x56: {  	_ =	shalt  }
0x57: {  	_ =	shalt  }
0x58: {  	_ =	shalt  }
0x59: {  	_ =	shalt  }
0x5a: {  	_ =	shalt  }
0x5b: {  	_ =	shalt  }
0x5c: {  	_ =	shalt  }
0x5d: {  	_ =	shalt  }
0x5e: {  	_ =	shalt  }
0x5f: {  	_ =	shalt  }
0x60: {  	_ =	shalt  }
0x61: {  	_ =	shalt  }
0x62: {  	_ =	shalt  }
0x63: {  	_ =	shalt  }
0x64: {  	_ =	shalt  }
0x65: {  	_ =	shalt  }
0x66: {  	_ =	shalt  }
0x67: {  	_ =	shalt  }
0x68: {  	_ =	shalt  }
0x69: {  	_ =	shalt  }
0x6a: {  	_ =	shalt  }
0x6b: {  	_ =	shalt  }
0x6c: {  	_ =	shalt  }
0x6d: {  	_ =	shalt  }
0x6e: {  	_ =	shalt  }
0x6f: {  	_ =	shalt  }
0x70: {  	_ =	shalt  }
0x71: {  	_ =	shalt  }
0x72: {  	_ =	shalt  }
0x73: {  	_ =	shalt  }
0x74: {  	_ =	shalt  }
0x75: {  	_ =	shalt  }
0x76: {  	_ =	shalt  }
0x77: {  	_ =	shalt  }
0x78: {  	_ =	shalt  }
0x79: {  	_ =	shalt  }
0x7a: {  	_ =	shalt  }
0x7b: {  	_ =	shalt  }
0x7c: {  	_ =	shalt  }
0x7d: {  	_ =	shalt  }
0x7e: {  	_ =	shalt  }
0x7f: {  	_ =	shalt  }
0x80: {  	_ =	shalt  }
0x81: {  	_ =	shalt  }
0x82: {  	_ =	shalt  }
0x83: {  	_ =	shalt  }
0x84: {  	_ =	shalt  }
0x85: {  	_ =	shalt  }
0x86: {  	_ =	shalt  }
0x87: {  	_ =	shalt  }
.Lfunc_end0:
.L_simem_size_0:
called_computation_lowered:
.L_overlay_start_0:
0x88: {  	s2 =	sld [smem:$0x3FD9]  }
0x89: {  	s3 =	sld [smem:$0x3FFE];
	_ =	sdelay $0x1  }
0x8a: {  	s1 =	srdreg.scid  }
0x8b: {  	s0 =	sand.u32 $0x1, s1  }
0x8c: {  	s16 =	sshll.u32 s0, $0xA;
	s2 =	sadd.s32 s3, s2  }
0x8d: {  	s2 =	sadd.s32 s2, s16  }
0x8e: {  	[smem:$0x3FAF] =	sst s2  }
0x8f: {  	_ = 	snop  }
0x90: {  	(tm) =	ssettm $0x1  }
0x91: {  	s17 =	sld [smem:$0x3FFB];
	_ =	sdelay $0x3  }
0x92: {  	_ =	strace s17  }
0x93: {  	s2 =	sld [smem:$0x3FFC];
	_ =	sdelay $0x3  }
0x94: {  	_ =	strace s2  }
0x95: {  	s2 =	sld [smem:$0x3FFD];
	_ =	sdelay $0x3  }
0x96: {  	_ =	strace s2  }
0x97: {  	_ =	strace $0x8FFFFFFF  }
0x98: {  	s18 =	sld [smem:$0x3FDB];
	_ =	sdelay $0x1  }
0x99: {  	s19 =	simm.s32 $_scs_section_size  }
0x9a: {  	s4 =	simm.s32 $_size__tile_overlayer_lowered;
	s5 =	simm.s32 $_tile_overlayer_lowered  }
0x9b: {  	s22 =	simm.s32 $0x1BFF;
	s21 =	sshll.u32 s5, $0x1;
	s2 =	sadd.s32 s19, s18  }
0x9c: {  	s6 =	simm.s32 $0x0;
	s20 =	sshll.u32 s4, $0x1;
	s4 =	sadd.s32 s21, s2  }
0x9d: {  	[timem:s6], [sflag:s22] =	dma.local [hbm:s4], s20  }
0x9e: {  	_ =	swait.ge [sflag:s22], s20  }
0x9f: {  	s3 =	ssub.s32 $0x0, s20;
	[sflag:s22] =	ssyncset.done $0x0  }
0xa0: {  	[sflag:s22] =	ssyncadd.s32 s3;
	_ =	sdelay $0x1  }
0xa1: {  	s23 =	simm.s32 $0x1B8B  }
0xa2: {  	_ =	swait.ge [sflag:s23], $0x1  }
0xa3: {  	[sflag:s23] =	ssyncset.done $0x0  }
0xa4: {  	s25 =	simm.s32 $0x1B8E;
	s24 =	sld [smem:$0x3FFE];
	[sflag:s23] =	ssyncadd.s32 $0xFFFFFFFF  }
0xa5: {  	s26 =	simm.s32 $execute0_lowered;
	[smem:$0x3FD2] =	sst s25  }
0xa6: {  	s4 =	sshll.u32 s26, $0x1;
	_ =	strace $0x80000046;
	[dreg:$0x1] =	wrdreg $0xFFFFFFFF  }
0xa7: {  	s28 =	simm.s32 $_size_execute0_lowered;
	s2 =	sadd.s32 s2, s4;
	[dreg:$0x0] =	wrdreg $0x0  }
0xa8: {  	s4 =	sshll.u32 s28, $0x1;
	[dreg:$0x2] =	wrdreg s2  }
0xa9: {  	[dreg:$0x3] =	wrdreg s4  }
0xaa: {  	[dreg:$0x4] =	wrdreg $0xC0  }
0xab: {  	_ =	task [dreg:s6], $0x5FFFF  }
0xac: {  	[dreg:$0x1] =	wrdreg $0xFFFFFFFF  }
0xad: {  	[dreg:$0x0] =	wrdreg $0x60  }
0xae: {  	[dreg:$0x2] =	wrdreg s24  }
0xaf: {  	[dreg:$0x3] =	wrdreg $0x9  }
0xb0: {  	_ =	task.clear_ibuf [dreg:s6], $0x4FFFF;
	_ =	strace $0x90000046  }
0xb1: {  	s29 =	simm.s32 $0x9;
	_ =	strace $0x80000048  }
0xb2: {  	_ =	swait.ge [sflag:s29], $0x1  }
0xb3: {  	[sflag:s29] =	ssyncadd.s32 $0xFFFFFFFF  }
0xb4: {  	_ =	strace $0x90000048  }
0xb5: {  	_ =	sfence  }
0xb6: {  	s30 =	sld [smem:$0x0];
	_ =	sdelay $0x2  }
0xb7: {  	s31 =	sshll.u32 s1, $0xD;
	s1 =	sshrl.u32 s1, $0x2  }
0xb8: {  	s3 =	sand.u32 $0x4000, s31;
	s1 =	sadd.s32 s1, s30  }
0xb9: {  	s0 =	sor.u32 s3, s0;
	s1 =	sshll.u32 s1, $0x11  }
0xba: {  	s0 =	sor.u32 s1, s0  }
0xbb: {  	s0 =	sadd.s32 $0x8F2B, s0  }
0xbc: {  	[sflag:s0] =	ssyncadd.remote.s32 $0x1  }
0xbd: {  	_ =	sfence.sel $0xFFFF  }
0xbe: {  	[dreg:$0x0] =	wrdreg $0xFFFFFFFF;
	(pc) =	sbr.abs _section_cstart, $3  }
0xbf: {  	[dreg:$0x1] =	wrdreg $0xFFFFFFFF  }
0xc0: {  	_ =	task.clear_ibuf [dreg:s6], $0x2FFFF;
	_ =	strace $0x9FFFFFFF  }
0xc1: {  	(tm) =	ssettm $0x7FFFFFFF  }
tec
execute0_lowered:
.L_overlay_start_1:
0x0: {  	(tag) =	ssettag $0x1  }
0x1: {  	s1 =	srdreg.scid  }
0x2: {  	s0 =	stileid.u32;
	s4 =	rddreg [dreg:$0x0];
	s2 =	simm.s32 $0x0  }
0x3: {  	s8 =	simm.s32 $0x1;
	s3 =	sand.u32 $0x1, s1;
	s5 =	sshll.u32 s0, $0x1  }
0x4: {  	s9 =	simm.s32 $0x0;
	s1 =	rddreg [dreg:$0x1];
	s5 =	sor.u32 s3, s5  }
0x5: {  	[smem:$0x7FF] =	sst s2;
	s6 =	ssub.s32 $0x2, s3;
	s5 =	smul.u32 $0x4E2, s5  }
0x6: {  	_ =	strace $0x80000047;
	s3 =	sadd.s32 $0x17C00, s4;
	s7 =	sshrl.u32 s6, $0x1  }
0x7: {  	s6 =	ssub.s32 s6, s7;
	s7 =	simm.s32 $0x2710;
	s5 =	sadd.s32 s5, s4  }
0x8: {  	v0 =	vimm.f32 $1.000000000e+00;
	s6 =	smax.u32 s6, $0x1;
	s4 =	sadd.s32 $0xDE00, s5;
	s5 =	sadd.s32 $0x18200, s5  }
.LBB2_1:
0x9: {  	[tilespmem:s7], [sflag:$0x1] =	stream.linear.gather [hbm4b:s3+s2], $0x2710, $0x38;
	[tilespmem:$0x4E20] =	vst v63  }
0xa: {  	_ =	swait.ge [sflag:s8], $0x2710  }
0xb: {  	[sflag:s8] =	ssyncset.done $0x0  }
0xc: {  	[sflag:s8] =	ssyncadd.s32 $0xFFFFD8F0  }
0xd: {  	[tilespmem:s2], [sflag:$0x1] =	stream.linear.gather [hbm4b:s4+s2], $0x2710, $0x38;
	[tilespmem:$0x4E20] =	vst v63  }
0xe: {  	_ =	swait.ge [sflag:s8], $0x2710  }
0xf: {  	[sflag:s8] =	ssyncset.done $0x0  }
0x10: {  	s10 =	simm.s32 $0x0;
	[sflag:s8] =	ssyncadd.s32 $0xFFFFD8F0  }
.LBB2_2:
0x11: {  	s11 =	sshra.s32 s10, $0x2  }
0x12: {  	v1 =	vld [tilespmem:s11+$0x0];
	_ =	sdelay $0x7  }
0x13: {  	[tilespmem:v1+s7+$0x0] =	vst.idx.add.f32.msk $0xffff, v0  }
0x14: {  	v1 =	vld [tilespmem:s11+$0x10];
	_ =	sdelay $0x7  }
0x15: {  	[tilespmem:v1+s7+$0x0] =	vst.idx.add.f32.msk $0xffff, v0  }
0x16: {  	v1 =	vld [tilespmem:s11+$0x20];
	_ =	sdelay $0x7  }
0x17: {  	[tilespmem:v1+s7+$0x0] =	vst.idx.add.f32.msk $0xffff, v0  }
0x18: {  	v1 =	vld [tilespmem:s11+$0x30];
	_ =	sdelay $0x7  }
0x19: {  	[tilespmem:v1+s7+$0x0] =	vst.idx.add.f32.msk $0xffff, v0  }
0x1a: {  	v1 =	vld [tilespmem:s11+$0x40];
	_ =	sdelay $0x2  }
0x1b: {  	p0 =	sne.s32 s10, $0x9B00  }
.Ltmp0:
0x1c: {  	_ = 	snop;
	(pc) =	sbr.rel @p0 .LBB2_2-.Ltmp0, $2  }
0x1d: {  	_ =	sdelay $0x2  }
0x1e: {  	s10 =	sadd.s32 $0x140, s10;
	[tilespmem:v1+s7+$0x0] =	vst.idx.add.f32.msk $0xffff, v0  }
0x1f: {  	s9 =	sadd.s32 $0x1, s9  }
0x20: {  	p0 =	sne.s32 s9, s6  }
.Ltmp1:
0x21: {  	_ = 	snop;
	(pc) =	sbr.rel @p0 .LBB2_1-.Ltmp1, $4  }
0x22: {  	[hbm4b:s5+s2] =	stream.linear.scatter [tilespmem:s7], [sflag:$0x1], $0x2710, $0x38;
	[tilespmem:$0x4E20] =	vst v63  }
0x23: {  	_ =	swait.ge [sflag:s8], $0x2710  }
0x24: {  	[sflag:s8] =	ssyncset.done $0x0  }
0x25: {  	[sflag:s8] =	ssyncadd.s32 $0xFFFFD8F0  }
0x26: {  	_ =	sfence.sel $0x180000  }
0x27: {  	[bflag:$0x0] =	sbarrier.arrive $0xFFFF  }
0x28: {  	p0 =	sne.s32 s0, $0x0;
	_ =	strace $0x90000047  }
0x29: {  	s0 =	sadd.s32 @!p0 $0x100000, s1;
	[bflag:$0x2] =	sbarrier.arrive $0xFFFF  }
0x2a: {  	[sflag:s0] =	ssyncadd.tile.s32 @!p0 $0x1;
	_ =	shalt  }
.Lfunc_end2:
_tile_overlayer_lowered:
.L_overlay_start_2:
0x2b: {  	(tag) =	ssettag $0x2  }
0x2c: {  	s0 =	rddreg [dreg:$0x0];
	s2 =	stileid.u32  }
0x2d: {  	s1 =	rddreg [dreg:$0x1];
	p0 =	sne.s32 s2, $0x0  }
0x2e: {  	s3 =	rddreg [dreg:$0x2];
	[bflag:$0x3] =	sbarrier.arrive $0xFFFF;
	s2 =	simm.s32 @!p0 $0x1C01  }
0x2f: {  	[timem:s3], [sflag:s2] =	dma.local @!p0 [hbm:s0], s1  }
0x30: {  	s0 =	simm.s32 @!p0 $0x1  }
0x31: {  	_ =	swait.ge @!p0 [sflag:s0], s1  }
0x32: {  	s1 =	ssub.s32 @!p0 $0x0, s1;
	[sflag:s0] =	ssyncset.done @!p0 $0x0  }
0x33: {  	[sflag:s0] =	ssyncadd.s32 @!p0 s1  }
0x34: {  	[bflag:$0x3] =	sbarrier.arrive $0xFFFF  }
0x35: {  	_ =	shalt  }

</sc_bundles>
